<compile_context>
chip_gen: v7x
topology: tpu7x:2x2x1
jax: 0.10.2.dev20260603
libtpu: 0.0.44.dev20260713+nightly
codegen_flags: <defaults>
</compile_context>

<pallas_src>
import functools
import jax
import jax.numpy as jnp
from jax import lax
from jax.experimental import pallas as pl
from jax.experimental.pallas import tpu as pltpu
from jax.experimental.pallas import tpu_sc as plsc

_N = 10000
_E = 320000
_D = 128
_DE = 16
_H = 128

_NC = 2
_NS = 16
_NW = _NC * _NS

_CH = 128
_NCH = _E // _CH
_ZITER = -(-_NCH // _NW)
_ZO = _ZITER + (_ZITER % 2)
_EPAD = _ZO * _NW * _CH

_mesh = plsc.VectorSubcoreMesh(core_axis_name="c", subcore_axis_name="s")


def _silu(x):
  return x * (1.0 / (1.0 + jnp.exp(-x)))


def _shuffle_idx(v):
  vp = jnp.pad(v, (0, _EPAD - _E))
  return vp.reshape(_ZO, _NW, _CH).transpose(1, 0, 2)[:, :_ZITER]


def _pq_body(h_ref, w_ref, out_ref):
  out_ref[0] = jnp.dot(h_ref[...], w_ref[0], preferred_element_type=jnp.float32)


def _compute_pq(h, w_stacked):
  tn = 2000
  return pl.pallas_call(
      _pq_body,
      grid=(2, _N // tn),
      in_specs=[
          pl.BlockSpec((tn, _D), lambda a, i: (i, 0)),
          pl.BlockSpec((1, _D, _H), lambda a, i: (a, 0, 0)),
      ],
      out_specs=pl.BlockSpec((1, tn, _H), lambda a, i: (a, i, 0)),
      out_shape=jax.ShapeDtypeStruct((2, _N, _H), jnp.float32),
  )(h, w_stacked)


@functools.partial(
    pl.kernel,
    out_type=jax.ShapeDtypeStruct((_E, _H), jnp.float32),
    mesh=_mesh,
    scratch_types=[
        pltpu.VMEM((_ZITER, _CH), jnp.int32),
        pltpu.VMEM((_ZITER, _CH), jnp.int32),
        pltpu.VMEM((2 * _CH, _H), jnp.float32),
        pltpu.VMEM((2 * _CH, _H), jnp.float32),
        pltpu.SemaphoreType.DMA,
        pltpu.SemaphoreType.DMA,
        pltpu.SemaphoreType.DMA,
        pltpu.SemaphoreType.DMA,
    ],
)
def _sc_gather_s(t_hbm, rowp_hbm, colnp_hbm, s_hbm,
                 idxa, idxb, b1, b2, g0, g1, w0, w1):
  wid = lax.axis_index("s") * _NC + lax.axis_index("c")
  pltpu.sync_copy(rowp_hbm.at[wid], idxa)
  pltpu.sync_copy(colnp_hbm.at[wid], idxb)
  gsem = (g0, g1)
  wsem = (w0, w1)

  def issue(b, z):
    k = z * _NW + wid

    @pl.when((z < _ZITER) & (k < _NCH))
    def _():
      sl = pl.ds(b * _CH, _CH)

      @pl.when(z >= 2)
      def _():
        pltpu.make_async_copy(
            b1.at[sl], s_hbm.at[pl.ds(0, _CH)], wsem[b]).wait()

      pltpu.async_copy(t_hbm.at[idxa.at[z]], b1.at[sl], gsem[b])
      pltpu.async_copy(t_hbm.at[idxb.at[z]], b2.at[sl], gsem[b])

  def process(b, z):
    k = z * _NW + wid

    @pl.when((z >= 0) & (z < _ZITER) & (k < _NCH))
    def _():
      sl = pl.ds(b * _CH, _CH)
      pltpu.make_async_copy(t_hbm.at[idxa.at[z]], b1.at[sl], gsem[b]).wait()
      pltpu.make_async_copy(t_hbm.at[idxb.at[z]], b2.at[sl], gsem[b]).wait()

      @pl.loop(0, _CH)
      def _(r):
        rr = b * _CH + r
        for j in range(_H // 16):
          c = pl.ds(j * 16, 16)
          b1[rr, c] = b1[rr, c] + b2[rr, c]

      pltpu.async_copy(b1.at[sl], s_hbm.at[pl.ds(k * _CH, _CH)], wsem[b])

  @pl.loop(0, _ZO, step=2)
  def _(t):
    issue(0, t)
    process(1, t - 1)
    issue(1, t + 1)
    process(0, t)

  pltpu.make_async_copy(
      b1.at[pl.ds(0, _CH)], s_hbm.at[pl.ds(0, _CH)], wsem[0]).wait()
  pltpu.make_async_copy(
      b1.at[pl.ds(_CH, _CH)], s_hbm.at[pl.ds(0, _CH)], wsem[1]).wait()


@functools.partial(
    pl.kernel,
    out_type=jax.ShapeDtypeStruct((_E, 16), jnp.float32),
    mesh=_mesh,
    scratch_types=[
        pltpu.VMEM((_ZITER, _CH), jnp.int32),
        pltpu.VMEM((_ZITER, _CH), jnp.int32),
        pltpu.VMEM((2 * _CH, 16), jnp.float32),
        pltpu.VMEM((2 * _CH, 16), jnp.float32),
        pltpu.SemaphoreType.DMA,
        pltpu.SemaphoreType.DMA,
        pltpu.SemaphoreType.DMA,
        pltpu.SemaphoreType.DMA,
    ],
    compiler_params=pltpu.CompilerParams(use_tc_tiling_on_sc=False),
)
def _sc_gather_d(c16_hbm, rowp_hbm, colp_hbm, d_hbm,
                 idxa, idxb, b1, b2, g0, g1, w0, w1):
  wid = lax.axis_index("s") * _NC + lax.axis_index("c")
  pltpu.sync_copy(rowp_hbm.at[wid], idxa)
  pltpu.sync_copy(colp_hbm.at[wid], idxb)
  gsem = (g0, g1)
  wsem = (w0, w1)

  def issue(b, z):
    k = z * _NW + wid

    @pl.when((z < _ZITER) & (k < _NCH))
    def _():
      sl = pl.ds(b * _CH, _CH)

      @pl.when(z >= 2)
      def _():
        pltpu.make_async_copy(
            b1.at[sl], d_hbm.at[pl.ds(0, _CH)], wsem[b]).wait()

      pltpu.async_copy(c16_hbm.at[idxa.at[z]], b1.at[sl], gsem[b])
      pltpu.async_copy(c16_hbm.at[idxb.at[z]], b2.at[sl], gsem[b])

  def process(b, z):
    k = z * _NW + wid

    @pl.when((z >= 0) & (z < _ZITER) & (k < _NCH))
    def _():
      sl = pl.ds(b * _CH, _CH)
      pltpu.make_async_copy(c16_hbm.at[idxa.at[z]], b1.at[sl], gsem[b]).wait()
      pltpu.make_async_copy(c16_hbm.at[idxb.at[z]], b2.at[sl], gsem[b]).wait()

      @pl.loop(0, _CH)
      def _(r):
        rr = b * _CH + r
        c = pl.ds(0, 16)
        b1[rr, c] = b1[rr, c] - b2[rr, c]

      pltpu.async_copy(b1.at[sl], d_hbm.at[pl.ds(k * _CH, _CH)], wsem[b])

  @pl.loop(0, _ZO, step=2)
  def _(t):
    issue(0, t)
    process(1, t - 1)
    issue(1, t + 1)
    process(0, t)

  pltpu.make_async_copy(
      b1.at[pl.ds(0, _CH)], d_hbm.at[pl.ds(0, _CH)], wsem[0]).wait()
  pltpu.make_async_copy(
      b1.at[pl.ds(_CH, _CH)], d_hbm.at[pl.ds(0, _CH)], wsem[1]).wait()


def _edge_body(s_ref, d_ref, ea_ref,
               wea_ref, wr_ref, be1_ref, we2_ref, be2_ref,
               wc1_ref, bc1_ref, wc2_ref, bc2_ref,
               m_ref, t16_ref):
  d16 = d_ref[...]
  rad = jnp.sum(d16 * d16, axis=1, keepdims=True)
  pre = (s_ref[...] + rad * wr_ref[...] + be1_ref[...]
         + jnp.dot(ea_ref[...], wea_ref[...], preferred_element_type=jnp.float32))
  m1 = _silu(pre)
  m = _silu(jnp.dot(m1, we2_ref[...], preferred_element_type=jnp.float32)
            + be2_ref[...])
  m_ref[...] = m
  s = _silu(jnp.dot(m, wc1_ref[...], preferred_element_type=jnp.float32)
            + bc1_ref[...])
  cs = (jnp.dot(s, wc2_ref[...], preferred_element_type=jnp.float32)
        + bc2_ref[...])
  t16 = jnp.clip(d16 * cs, -100.0, 100.0)
  lane = lax.broadcasted_iota(jnp.int32, t16.shape, 1)
  t16_ref[...] = jnp.where(lane == 3, 1.0, t16)


def _edge_mlp(s, d16, ea, wea, wr, be1, we2, be2, wc1, bc1, wc2, bc2):
  te = 2000
  zero2 = lambda i: (0, 0)
  return pl.pallas_call(
      _edge_body,
      grid=(_E // te,),
      in_specs=[
          pl.BlockSpec((te, _H), lambda i: (i, 0)),
          pl.BlockSpec((te, 16), lambda i: (i, 0)),
          pl.BlockSpec((te, _DE), lambda i: (i, 0)),
          pl.BlockSpec((_DE, _H), zero2),
          pl.BlockSpec((1, _H), zero2),
          pl.BlockSpec((1, _H), zero2),
          pl.BlockSpec((_H, _H), zero2),
          pl.BlockSpec((1, _H), zero2),
          pl.BlockSpec((_H, _H), zero2),
          pl.BlockSpec((1, _H), zero2),
          pl.BlockSpec((_H, 1), zero2),
          pl.BlockSpec((1, 1), zero2),
      ],
      out_specs=[
          pl.BlockSpec((te, _H), lambda i: (i, 0)),
          pl.BlockSpec((te, 16), lambda i: (i, 0)),
      ],
      out_shape=[
          jax.ShapeDtypeStruct((_E, _H), jnp.float32),
          jax.ShapeDtypeStruct((_E, 16), jnp.float32),
      ],
      compiler_params=pltpu.CompilerParams(
          dimension_semantics=("arbitrary",)),
  )(s, d16, ea, wea, wr, be1, we2, be2, wc1, bc1, wc2, bc2)


@functools.partial(
    pl.kernel,
    out_type=jax.ShapeDtypeStruct((_NC, _N, _H), jnp.float32),
    mesh=_mesh,
    scratch_types=[
        pltpu.VMEM((_ZITER, _CH), jnp.int32),
        pltpu.VMEM((2 * _CH, _H), jnp.float32),
        pltpu.VMEM_SHARED((_N, _H), jnp.float32),
        pltpu.SemaphoreType.DMA,
        pltpu.SemaphoreType.DMA,
    ],
)
def _sc_scatter_m(m_hbm, rowp_hbm, out_hbm, idxa, buf, acc, l0, l1):
  cid = lax.axis_index("c")
  sid = lax.axis_index("s")
  wid = sid * _NC + cid
  lsem = (l0, l1)
  zch = 80
  nz = _N // zch
  buf[pl.ds(0, zch), :] = jnp.zeros((zch, _H), jnp.float32)
  for z in range(-(-nz // _NS)):
    kz = z * _NS + sid

    @pl.when(kz < nz)
    def _():
      pltpu.sync_copy(buf.at[pl.ds(0, zch)], acc.at[pl.ds(kz * zch, zch)])

  pltpu.sync_copy(rowp_hbm.at[wid], idxa)
  plsc.subcore_barrier()

  def issue(b, z):
    k = z * _NW + wid

    @pl.when((z < _ZITER) & (k < _NCH))
    def _():
      pltpu.async_copy(m_hbm.at[pl.ds(k * _CH, _CH)],
                       buf.at[pl.ds(b * _CH, _CH)], lsem[b])

  def process(b, z):
    k = z * _NW + wid

    @pl.when((z >= 0) & (z < _ZITER) & (k < _NCH))
    def _():
      sl = pl.ds(b * _CH, _CH)
      pltpu.make_async_copy(m_hbm.at[pl.ds(k * _CH, _CH)],
                            buf.at[sl], lsem[b]).wait()
      pltpu.sync_copy(buf.at[sl], acc.at[idxa.at[z]], add=True)

  @pl.loop(0, _ZO, step=2)
  def _(t):
    issue(0, t)
    process(1, t - 1)
    issue(1, t + 1)
    process(0, t)

  plsc.subcore_barrier()
  for z in range(-(-nz // _NS)):
    kz = z * _NS + sid

    @pl.when(kz < nz)
    def _():
      sl = pl.ds(kz * zch, zch)
      pltpu.sync_copy(acc.at[sl], out_hbm.at[cid, sl])


@functools.partial(
    pl.kernel,
    out_type=jax.ShapeDtypeStruct((_NC, _N, 16), jnp.float32),
    mesh=_mesh,
    scratch_types=[
        pltpu.VMEM((_ZITER, _CH), jnp.int32),
        pltpu.VMEM((2 * _CH, 16), jnp.float32),
        pltpu.VMEM_SHARED((_N, 16), jnp.float32),
        pltpu.SemaphoreType.DMA,
        pltpu.SemaphoreType.DMA,
    ],
    compiler_params=pltpu.CompilerParams(use_tc_tiling_on_sc=False),
)
def _sc_scatter_t(t16_hbm, rowp_hbm, out_hbm, idxa, buf, acc, l0, l1):
  cid = lax.axis_index("c")
  sid = lax.axis_index("s")
  wid = sid * _NC + cid
  lsem = (l0, l1)
  zch = 80
  nz = _N // zch
  buf[pl.ds(0, zch), :] = jnp.zeros((zch, 16), jnp.float32)
  for z in range(-(-nz // _NS)):
    kz = z * _NS + sid

    @pl.when(kz < nz)
    def _():
      pltpu.sync_copy(buf.at[pl.ds(0, zch)], acc.at[pl.ds(kz * zch, zch)])

  pltpu.sync_copy(rowp_hbm.at[wid], idxa)
  plsc.subcore_barrier()

  def issue(b, z):
    k = z * _NW + wid

    @pl.when((z < _ZITER) & (k < _NCH))
    def _():
      pltpu.async_copy(t16_hbm.at[pl.ds(k * _CH, _CH)],
                       buf.at[pl.ds(b * _CH, _CH)], lsem[b])

  def process(b, z):
    k = z * _NW + wid

    @pl.when((z >= 0) & (z < _ZITER) & (k < _NCH))
    def _():
      sl = pl.ds(b * _CH, _CH)
      pltpu.make_async_copy(t16_hbm.at[pl.ds(k * _CH, _CH)],
                            buf.at[sl], lsem[b]).wait()
      pltpu.sync_copy(buf.at[sl], acc.at[idxa.at[z]], add=True)

  @pl.loop(0, _ZO, step=2)
  def _(t):
    issue(0, t)
    process(1, t - 1)
    issue(1, t + 1)
    process(0, t)

  plsc.subcore_barrier()
  for z in range(-(-nz // _NS)):
    kz = z * _NS + sid

    @pl.when(kz < nz)
    def _():
      sl = pl.ds(kz * zch, zch)
      pltpu.sync_copy(acc.at[sl], out_hbm.at[cid, sl])


def _node_h_body(h_ref, agg_ref, wn1h_ref, wn1a_ref, bn1_ref, wn2_ref,
                 bn2_ref, hout_ref):
  agg = agg_ref[0] + agg_ref[1]
  t1 = _silu(jnp.dot(h_ref[...], wn1h_ref[...], preferred_element_type=jnp.float32)
             + jnp.dot(agg, wn1a_ref[...], preferred_element_type=jnp.float32)
             + bn1_ref[...])
  hout_ref[...] = (jnp.dot(t1, wn2_ref[...], preferred_element_type=jnp.float32)
                   + bn2_ref[...])


def _node_h_mlp(h, aggp, wn1h, wn1a, bn1, wn2, bn2):
  tn = 2000
  zero2 = lambda i: (0, 0)
  return pl.pallas_call(
      _node_h_body,
      grid=(_N // tn,),
      in_specs=[
          pl.BlockSpec((tn, _D), lambda i: (i, 0)),
          pl.BlockSpec((2, tn, _H), lambda i: (0, i, 0)),
          pl.BlockSpec((_D, _H), zero2),
          pl.BlockSpec((_H, _H), zero2),
          pl.BlockSpec((1, _H), zero2),
          pl.BlockSpec((_H, _H), zero2),
          pl.BlockSpec((1, _H), zero2),
      ],
      out_specs=pl.BlockSpec((tn, _H), lambda i: (i, 0)),
      out_shape=jax.ShapeDtypeStruct((_N, _H), jnp.float32),
  )(h, aggp, wn1h, wn1a, bn1, wn2, bn2)


def _node_c_body(segt_ref, coord_ref, cout_ref):
  seg = segt_ref[0] + segt_ref[1]
  cnt = jnp.maximum(seg[:, 3:4], 1.0)
  cout_ref[...] = coord_ref[...] + seg[:, 0:3] / cnt


def _node_c(segtp, coord):
  tn = 2000
  return pl.pallas_call(
      _node_c_body,
      grid=(_N // tn,),
      in_specs=[
          pl.BlockSpec((2, tn, 16), lambda i: (0, i, 0)),
          pl.BlockSpec((tn, 3), lambda i: (i, 0)),
      ],
      out_specs=pl.BlockSpec((tn, 3), lambda i: (i, 0)),
      out_shape=jax.ShapeDtypeStruct((_N, 3), jnp.float32),
  )(segtp, coord)


def kernel(h, edge_index, coord, edge_attr,
           We1, be1, We2, be2, Wn1, bn1, Wn2, bn2, Wc1, bc1, Wc2, bc2):
  row = edge_index[0]
  col = edge_index[1]

  w_stacked = jnp.stack([We1[:_D], We1[_D:2 * _D]], axis=0)
  wr = We1[2 * _D:2 * _D + 1]
  wea = We1[2 * _D + 1:]
  coord16 = jnp.pad(coord, ((0, 0), (0, 13)))
  rowp = _shuffle_idx(row)
  colp = _shuffle_idx(col)
  colnp = colp + _N

  d16 = _sc_gather_d(coord16, rowp, colp)
  pq = _compute_pq(h, w_stacked)
  table = pq.reshape(2 * _N, _H)

  s = _sc_gather_s(table, rowp, colnp)

  m, t16 = _edge_mlp(
      s, d16, edge_attr,
      wea, wr, be1.reshape(1, _H), We2, be2.reshape(1, _H),
      Wc1, bc1.reshape(1, _H), Wc2, bc2.reshape(1, 1))

  aggp = _sc_scatter_m(m, rowp)
  segtp = _sc_scatter_t(t16, rowp)

  h_out = _node_h_mlp(h, aggp, Wn1[:_D], Wn1[_D:], bn1.reshape(1, _H),
                      Wn2, bn2.reshape(1, _H))
  coord_out = _node_c(segtp, coord)

  return (h_out, coord_out, m)

# --- scband reference (transcript-rebuilt; emitter-appended) ---
"""Pipeline reference for scband-e-gcl-og-3204045602851 (READ-ONLY COPY).

The authoritative reference and input builder live on the scoring server;
editing this copy changes nothing except your own understanding.
"""

import jax, jax.numpy as jnp
import numpy as np

N = 10000
E = 320000
D = 128
DE = 16
H = 128

def _glorot(key, shape, gain=1.0):
    bound = gain * jnp.sqrt(6.0 / (shape[0] + shape[1]))
    return jax.random.uniform(key, shape, jnp.float32, -bound, bound)

def setup_inputs(seed: int = 0):
    key = jax.random.key(seed)
    ks = jax.random.split(key, 16)
    h = jax.random.normal(ks[0], (N, D), jnp.float32)
    edge_index = jax.random.randint(ks[1], (2, E), 0, N, dtype=jnp.int32)
    coord = jax.random.normal(ks[2], (N, 3), jnp.float32)
    edge_attr = jax.random.normal(ks[3], (E, DE), jnp.float32)
    We1 = _glorot(ks[4], (2 * D + 1 + DE, H)); be1 = jnp.zeros((H,), jnp.float32)
    We2 = _glorot(ks[5], (H, H)); be2 = jnp.zeros((H,), jnp.float32)
    Wn1 = _glorot(ks[6], (D + H, H)); bn1 = jnp.zeros((H,), jnp.float32)
    Wn2 = _glorot(ks[7], (H, H)); bn2 = jnp.zeros((H,), jnp.float32)
    Wc1 = _glorot(ks[8], (H, H)); bc1 = jnp.zeros((H,), jnp.float32)
    Wc2 = _glorot(ks[9], (H, 1), gain=0.001); bc2 = jnp.zeros((1,), jnp.float32)
    return {"h": h, "edge_index": edge_index, "coord": coord, "edge_attr": edge_attr,
            "We1": We1, "be1": be1, "We2": We2, "be2": be2,
            "Wn1": Wn1, "bn1": bn1, "Wn2": Wn2, "bn2": bn2,
            "Wc1": Wc1, "bc1": bc1, "Wc2": Wc2, "bc2": bc2}

def reference(h, edge_index, coord, edge_attr, We1, be1, We2, be2, Wn1, bn1, Wn2, bn2, Wc1, bc1, Wc2, bc2):
    act = jax.nn.silu
    row = edge_index[0]
    col = edge_index[1]
    # edge_model: gather endpoint features + squared distance
    source = h[row]
    target = h[col]
    coord_i = coord[row]
    coord_j = coord[col]
    radial = jnp.sum((coord_i - coord_j) ** 2, axis=1, keepdims=True)
    out = jnp.concatenate([source, target, radial, edge_attr], axis=1)
    m = act(out @ We1 + be1)
    m = act(m @ We2 + be2)
    # node_model: scatter-add messages to source nodes (row), then MLP
    agg = jax.ops.segment_sum(m, row, num_segments=h.shape[0])
    agg_cat = jnp.concatenate([h, agg], axis=1)
    h_out = act(agg_cat @ Wn1 + bn1) @ Wn2 + bn2
    # coord_model: per-edge scalar from coord_mlp, clipped translation, segment mean
    coord_scale = act(m @ Wc1 + bc1) @ Wc2 + bc2
    trans = (coord_i - coord_j) * coord_scale
    trans = jnp.clip(trans, -100, 100)
    seg_sum = jax.ops.segment_sum(trans, row, num_segments=coord.shape[0])
    seg_cnt = jax.ops.segment_sum(jnp.ones_like(trans), row, num_segments=coord.shape[0])
    seg_cnt = jnp.maximum(seg_cnt, 1)
    coord_out = coord + seg_sum / seg_cnt
    return (h_out, coord_out, m)

if __name__ == "__main__":
    import jax
    _d = setup_inputs()
    print(jax.jit(kernel)(*tuple(_d.values())))

</pallas_src>

<mosaic_0001>
#map = affine_map<(d0, d1) -> (0, 0)>
#map1 = affine_map<(d0, d1) -> (0, 0, 0)>
module attributes {stable_mosaic.version = 14 : i64} {
  func.func @_sc_gather_d(%arg0: i32, %arg1: i32, %arg2: memref<10000x16xf32, #tpu.memory_space<hbm>>, %arg3: memref<32x79x128xi32, #tpu.memory_space<hbm>>, %arg4: memref<32x79x128xi32, #tpu.memory_space<hbm>>, %arg5: memref<320000x16xf32, #tpu.memory_space<hbm>>, %arg6: memref<79x128xi32, #tpu.memory_space<vmem>>, %arg7: memref<79x128xi32, #tpu.memory_space<vmem>>, %arg8: memref<256x16xf32, #tpu.memory_space<vmem>>, %arg9: memref<256x16xf32, #tpu.memory_space<vmem>>, %arg10: memref<!tpu.dma_semaphore, #tpu.memory_space<semaphore_mem>>, %arg11: memref<!tpu.dma_semaphore, #tpu.memory_space<semaphore_mem>>, %arg12: memref<!tpu.dma_semaphore, #tpu.memory_space<semaphore_mem>>, %arg13: memref<!tpu.dma_semaphore, #tpu.memory_space<semaphore_mem>>) attributes {dimension_semantics = [#tpu.dimension_semantics<core_parallel>, #tpu.dimension_semantics<subcore_parallel>], iteration_bounds = array<i64: 2, 16>, scalar_prefetch = 0 : i64, scratch_operands = 8 : i64, tpu.core_type = #tpu.core_type<sc_vector_subcore>, window_params = [{transform_indices = #map}, {transform_indices = #map1}, {transform_indices = #map1}, {transform_indices = #map}]} {
    %mul3A = arith.constant 2 : i32
    %mul3A_0 = arith.muli %arg1, %mul3A : i32
    %add3A = arith.addi %mul3A_0, %arg0 : i32
    "tpu.region"() ({
      %run_scoped3A = tpu.sem_alloc : memref<!tpu.dma_semaphore, #tpu.memory_space<semaphore_mem>>
      %dma_start3A = arith.constant 0 : i32
      %dma_start3A_28 = arith.constant 0 : i32
      %dma_start3A_29 = tpu.memref_slice %arg3[%add3A, %dma_start3A, %dma_start3A_28] : memref<32x79x128xi32, #tpu.memory_space<hbm>> -> memref<1x79x128xi32, #tpu.memory_space<hbm>>
      %dma_start3A_30 = tpu.memref_squeeze %dma_start3A_29 : memref<1x79x128xi32, #tpu.memory_space<hbm>> -> memref<79x128xi32, #tpu.memory_space<hbm>>
      %dma_start3A_31 = arith.constant 0 : i32
      %dma_start3A_32 = arith.constant 0 : i32
      %dma_start3A_33 = tpu.memref_slice %arg3[%add3A, %dma_start3A_31, %dma_start3A_32] : memref<32x79x128xi32, #tpu.memory_space<hbm>> -> memref<1x79x128xi32, #tpu.memory_space<hbm>>
      %dma_start3A_34 = tpu.memref_squeeze %dma_start3A_33 : memref<1x79x128xi32, #tpu.memory_space<hbm>> -> memref<79x128xi32, #tpu.memory_space<hbm>>
      tpu.enqueue_dma source(%dma_start3A_34 : memref<79x128xi32, #tpu.memory_space<hbm>>) target(%arg6 : memref<79x128xi32, #tpu.memory_space<vmem>>) target_semaphore(%run_scoped3A : memref<!tpu.dma_semaphore, #tpu.memory_space<semaphore_mem>>)
      %dma_wait3A_35 = arith.constant 0 : i32
      %dma_wait3A_36 = arith.constant 0 : i32
      %dma_wait3A_37 = tpu.memref_slice %arg3[%add3A, %dma_wait3A_35, %dma_wait3A_36] : memref<32x79x128xi32, #tpu.memory_space<hbm>> -> memref<1x79x128xi32, #tpu.memory_space<hbm>>
      %dma_wait3A_38 = tpu.memref_squeeze %dma_wait3A_37 : memref<1x79x128xi32, #tpu.memory_space<hbm>> -> memref<79x128xi32, #tpu.memory_space<hbm>>
      %dma_wait3A_39 = arith.constant 0 : i32
      %dma_wait3A_40 = arith.constant 0 : i32
      %dma_wait3A_41 = tpu.memref_slice %arg3[%add3A, %dma_wait3A_39, %dma_wait3A_40] : memref<32x79x128xi32, #tpu.memory_space<hbm>> -> memref<1x79x128xi32, #tpu.memory_space<hbm>>
      %dma_wait3A_42 = tpu.memref_squeeze %dma_wait3A_41 : memref<1x79x128xi32, #tpu.memory_space<hbm>> -> memref<79x128xi32, #tpu.memory_space<hbm>>
      tpu.wait_dma2 semaphore(%run_scoped3A : memref<!tpu.dma_semaphore, #tpu.memory_space<semaphore_mem>>) src(%dma_wait3A_42 : memref<79x128xi32, #tpu.memory_space<hbm>>) dst(%arg6 : memref<79x128xi32, #tpu.memory_space<vmem>>)
      tpu.yield
    }) : () -> ()
    "tpu.region"() ({
      %run_scoped3A = tpu.sem_alloc : memref<!tpu.dma_semaphore, #tpu.memory_space<semaphore_mem>>
      %dma_start3A = arith.constant 0 : i32
      %dma_start3A_28 = arith.constant 0 : i32
      %dma_start3A_29 = tpu.memref_slice %arg4[%add3A, %dma_start3A, %dma_start3A_28] : memref<32x79x128xi32, #tpu.memory_space<hbm>> -> memref<1x79x128xi32, #tpu.memory_space<hbm>>
      %dma_start3A_30 = tpu.memref_squeeze %dma_start3A_29 : memref<1x79x128xi32, #tpu.memory_space<hbm>> -> memref<79x128xi32, #tpu.memory_space<hbm>>
      %dma_start3A_31 = arith.constant 0 : i32
      %dma_start3A_32 = arith.constant 0 : i32
      %dma_start3A_33 = tpu.memref_slice %arg4[%add3A, %dma_start3A_31, %dma_start3A_32] : memref<32x79x128xi32, #tpu.memory_space<hbm>> -> memref<1x79x128xi32, #tpu.memory_space<hbm>>
      %dma_start3A_34 = tpu.memref_squeeze %dma_start3A_33 : memref<1x79x128xi32, #tpu.memory_space<hbm>> -> memref<79x128xi32, #tpu.memory_space<hbm>>
      tpu.enqueue_dma source(%dma_start3A_34 : memref<79x128xi32, #tpu.memory_space<hbm>>) target(%arg7 : memref<79x128xi32, #tpu.memory_space<vmem>>) target_semaphore(%run_scoped3A : memref<!tpu.dma_semaphore, #tpu.memory_space<semaphore_mem>>)
      %dma_wait3A_35 = arith.constant 0 : i32
      %dma_wait3A_36 = arith.constant 0 : i32
      %dma_wait3A_37 = tpu.memref_slice %arg4[%add3A, %dma_wait3A_35, %dma_wait3A_36] : memref<32x79x128xi32, #tpu.memory_space<hbm>> -> memref<1x79x128xi32, #tpu.memory_space<hbm>>
      %dma_wait3A_38 = tpu.memref_squeeze %dma_wait3A_37 : memref<1x79x128xi32, #tpu.memory_space<hbm>> -> memref<79x128xi32, #tpu.memory_space<hbm>>
      %dma_wait3A_39 = arith.constant 0 : i32
      %dma_wait3A_40 = arith.constant 0 : i32
      %dma_wait3A_41 = tpu.memref_slice %arg4[%add3A, %dma_wait3A_39, %dma_wait3A_40] : memref<32x79x128xi32, #tpu.memory_space<hbm>> -> memref<1x79x128xi32, #tpu.memory_space<hbm>>
      %dma_wait3A_42 = tpu.memref_squeeze %dma_wait3A_41 : memref<1x79x128xi32, #tpu.memory_space<hbm>> -> memref<79x128xi32, #tpu.memory_space<hbm>>
      tpu.wait_dma2 semaphore(%run_scoped3A : memref<!tpu.dma_semaphore, #tpu.memory_space<semaphore_mem>>) src(%dma_wait3A_42 : memref<79x128xi32, #tpu.memory_space<hbm>>) dst(%arg7 : memref<79x128xi32, #tpu.memory_space<vmem>>)
      tpu.yield
    }) : () -> ()
    %scan3A = arith.constant 0 : i32
    %scan3A_1 = arith.constant 40 : i32
    %scan3A_2 = arith.addi %scan3A, %scan3A_1 : i32
    %scan3A_3 = arith.constant 1 : i32
    scf.for %scan3A_28 = %scan3A to %scan3A_2 step %scan3A_3  : i32 {
      %mul3A_29 = arith.constant 2 : i32
      %mul3A_30 = arith.muli %scan3A_28, %mul3A_29 : i32
      %add3A_31 = arith.constant 0 : i32
      %add3A_32 = arith.addi %add3A_31, %mul3A_30 : i32
      %mul3A_33 = arith.constant 32 : i32
      %mul3A_34 = arith.muli %add3A_32, %mul3A_33 : i32
      %add3A_35 = arith.addi %mul3A_34, %add3A : i32
      %lt3A = arith.constant 79 : i32
      %lt3A_36 = arith.cmpi slt, %add3A_32, %lt3A : i32
      %lt3A_37 = arith.constant 2500 : i32
      %lt3A_38 = arith.cmpi slt, %add3A_35, %lt3A_37 : i32
      %and3A = arith.andi %lt3A_36, %lt3A_38 : i1
      %convert_element_type3A = arith.extui %and3A : i1 to i32
      %cond3A = arith.constant 0 : i32
      %cond3A_39 = arith.cmpi ne, %convert_element_type3A, %cond3A : i32
      scf.if %cond3A_39 {
        %ge3A_81 = arith.constant 2 : i32
        %ge3A_82 = arith.cmpi sge, %add3A_32, %ge3A_81 : i32
        %convert_element_type3A_83 = arith.extui %ge3A_82 : i1 to i32
        %cond3A_84 = arith.constant 0 : i32
        %cond3A_85 = arith.cmpi ne, %convert_element_type3A_83, %cond3A_84 : i32
        scf.if %cond3A_85 {
          %dma_wait3A_103 = arith.constant 0 : i32
          %dma_wait3A_104 = arith.constant 0 : i32
          %dma_wait3A_105 = tpu.memref_slice %arg8[%dma_wait3A_103, %dma_wait3A_104] : memref<256x16xf32, #tpu.memory_space<vmem>> -> memref<128x16xf32, #tpu.memory_space<vmem>>
          %dma_wait3A_106 = arith.constant 0 : i32
          %dma_wait3A_107 = arith.constant 0 : i32
          %dma_wait3A_108 = tpu.memref_slice %arg5[%dma_wait3A_106, %dma_wait3A_107] : memref<320000x16xf32, #tpu.memory_space<hbm>> -> memref<128x16xf32, #tpu.memory_space<hbm>>
          %dma_wait3A_109 = arith.constant 0 : i32
          %dma_wait3A_110 = arith.constant 0 : i32
          %dma_wait3A_111 = tpu.memref_slice %arg5[%dma_wait3A_109, %dma_wait3A_110] : memref<320000x16xf32, #tpu.memory_space<hbm>> -> memref<128x16xf32, #tpu.memory_space<hbm>>
          %dma_wait3A_112 = arith.constant 0 : i32
          %dma_wait3A_113 = arith.constant 0 : i32
          %dma_wait3A_114 = tpu.memref_slice %arg8[%dma_wait3A_112, %dma_wait3A_113] : memref<256x16xf32, #tpu.memory_space<vmem>> -> memref<128x16xf32, #tpu.memory_space<vmem>>
          tpu.wait_dma2 semaphore(%arg12 : memref<!tpu.dma_semaphore, #tpu.memory_space<semaphore_mem>>) src(%dma_wait3A_114 : memref<128x16xf32, #tpu.memory_space<vmem>>) dst(%dma_wait3A_111 : memref<128x16xf32, #tpu.memory_space<hbm>>)
        } else {
        }
        %dma_start3A = arith.constant 0 : i32
        %dma_start3A_86 = arith.constant 0 : i32
        %dma_start3A_87 = tpu.memref_slice %arg8[%dma_start3A, %dma_start3A_86] : memref<256x16xf32, #tpu.memory_space<vmem>> -> memref<128x16xf32, #tpu.memory_space<vmem>>
        %dma_start3A_88 = arith.constant 0 : i32
        %dma_start3A_89 = tpu.memref_slice %arg6[%add3A_32, %dma_start3A_88] : memref<79x128xi32, #tpu.memory_space<vmem>> -> memref<1x128xi32, #tpu.memory_space<vmem>>
        %dma_start3A_90 = tpu.memref_squeeze %dma_start3A_89 : memref<1x128xi32, #tpu.memory_space<vmem>> -> memref<128xi32, #tpu.memory_space<vmem>>
        %dma_start3A_91 = arith.constant 0 : i32
        %dma_start3A_92 = arith.constant 0 : i32
        %dma_start3A_93 = tpu.memref_slice %arg2[%dma_start3A_91, %dma_start3A_92] : memref<10000x16xf32, #tpu.memory_space<hbm>> -> memref<10000x16xf32, #tpu.memory_space<hbm>>
        tpu.enqueue_indirect_dma source(%dma_start3A_93 : memref<10000x16xf32, #tpu.memory_space<hbm>>) target(%dma_start3A_87 : memref<128x16xf32, #tpu.memory_space<vmem>>) offsets(%dma_start3A_90 : memref<128xi32, #tpu.memory_space<vmem>>) semaphore(%arg10 : memref<!tpu.dma_semaphore, #tpu.memory_space<semaphore_mem>>)
        %dma_start3A_94 = arith.constant 0 : i32
        %dma_start3A_95 = arith.constant 0 : i32
        %dma_start3A_96 = tpu.memref_slice %arg9[%dma_start3A_94, %dma_start3A_95] : memref<256x16xf32, #tpu.memory_space<vmem>> -> memref<128x16xf32, #tpu.memory_space<vmem>>
        %dma_start3A_97 = arith.constant 0 : i32
        %dma_start3A_98 = tpu.memref_slice %arg7[%add3A_32, %dma_start3A_97] : memref<79x128xi32, #tpu.memory_space<vmem>> -> memref<1x128xi32, #tpu.memory_space<vmem>>
        %dma_start3A_99 = tpu.memref_squeeze %dma_start3A_98 : memref<1x128xi32, #tpu.memory_space<vmem>> -> memref<128xi32, #tpu.memory_space<vmem>>
        %dma_start3A_100 = arith.constant 0 : i32
        %dma_start3A_101 = arith.constant 0 : i32
        %dma_start3A_102 = tpu.memref_slice %arg2[%dma_start3A_100, %dma_start3A_101] : memref<10000x16xf32, #tpu.memory_space<hbm>> -> memref<10000x16xf32, #tpu.memory_space<hbm>>
        tpu.enqueue_indirect_dma source(%dma_start3A_102 : memref<10000x16xf32, #tpu.memory_space<hbm>>) target(%dma_start3A_96 : memref<128x16xf32, #tpu.memory_space<vmem>>) offsets(%dma_start3A_99 : memref<128xi32, #tpu.memory_space<vmem>>) semaphore(%arg10 : memref<!tpu.dma_semaphore, #tpu.memory_space<semaphore_mem>>)
      } else {
      }
      %sub3A = arith.constant 1 : i32
      %sub3A_40 = arith.subi %add3A_32, %sub3A : i32
      %mul3A_41 = arith.constant 32 : i32
      %mul3A_42 = arith.muli %sub3A_40, %mul3A_41 : i32
      %add3A_43 = arith.addi %mul3A_42, %add3A : i32
      %ge3A = arith.constant 0 : i32
      %ge3A_44 = arith.cmpi sge, %sub3A_40, %ge3A : i32
      %lt3A_45 = arith.constant 79 : i32
      %lt3A_46 = arith.cmpi slt, %sub3A_40, %lt3A_45 : i32
      %and3A_47 = arith.andi %ge3A_44, %lt3A_46 : i1
      %lt3A_48 = arith.constant 2500 : i32
      %lt3A_49 = arith.cmpi slt, %add3A_43, %lt3A_48 : i32
      %and3A_50 = arith.andi %and3A_47, %lt3A_49 : i1
      %convert_element_type3A_51 = arith.extui %and3A_50 : i1 to i32
      %cond3A_52 = arith.constant 0 : i32
      %cond3A_53 = arith.cmpi ne, %convert_element_type3A_51, %cond3A_52 : i32
      scf.if %cond3A_53 {
        %dma_wait3A_81 = arith.constant 128 : i32
        %dma_wait3A_82 = arith.constant 0 : i32
        %dma_wait3A_83 = tpu.memref_slice %arg8[%dma_wait3A_81, %dma_wait3A_82] : memref<256x16xf32, #tpu.memory_space<vmem>> -> memref<128x16xf32, #tpu.memory_space<vmem>>
        %dma_wait3A_84 = arith.constant 0 : i32
        %dma_wait3A_85 = tpu.memref_slice %arg6[%sub3A_40, %dma_wait3A_84] : memref<79x128xi32, #tpu.memory_space<vmem>> -> memref<1x128xi32, #tpu.memory_space<vmem>>
        %dma_wait3A_86 = tpu.memref_squeeze %dma_wait3A_85 : memref<1x128xi32, #tpu.memory_space<vmem>> -> memref<128xi32, #tpu.memory_space<vmem>>
        %dma_wait3A_87 = arith.constant 0 : i32
        %dma_wait3A_88 = arith.constant 0 : i32
        %dma_wait3A_89 = tpu.memref_slice %arg2[%dma_wait3A_87, %dma_wait3A_88] : memref<10000x16xf32, #tpu.memory_space<hbm>> -> memref<10000x16xf32, #tpu.memory_space<hbm>>
        tpu.wait_indirect_dma semaphore(%arg11 : memref<!tpu.dma_semaphore, #tpu.memory_space<semaphore_mem>>) src(%dma_wait3A_89 : memref<10000x16xf32, #tpu.memory_space<hbm>>) dst(%dma_wait3A_83 : memref<128x16xf32, #tpu.memory_space<vmem>>)
        %dma_wait3A_90 = arith.constant 128 : i32
        %dma_wait3A_91 = arith.constant 0 : i32
        %dma_wait3A_92 = tpu.memref_slice %arg9[%dma_wait3A_90, %dma_wait3A_91] : memref<256x16xf32, #tpu.memory_space<vmem>> -> memref<128x16xf32, #tpu.memory_space<vmem>>
        %dma_wait3A_93 = arith.constant 0 : i32
        %dma_wait3A_94 = tpu.memref_slice %arg7[%sub3A_40, %dma_wait3A_93] : memref<79x128xi32, #tpu.memory_space<vmem>> -> memref<1x128xi32, #tpu.memory_space<vmem>>
        %dma_wait3A_95 = tpu.memref_squeeze %dma_wait3A_94 : memref<1x128xi32, #tpu.memory_space<vmem>> -> memref<128xi32, #tpu.memory_space<vmem>>
        %dma_wait3A_96 = arith.constant 0 : i32
        %dma_wait3A_97 = arith.constant 0 : i32
        %dma_wait3A_98 = tpu.memref_slice %arg2[%dma_wait3A_96, %dma_wait3A_97] : memref<10000x16xf32, #tpu.memory_space<hbm>> -> memref<10000x16xf32, #tpu.memory_space<hbm>>
        tpu.wait_indirect_dma semaphore(%arg11 : memref<!tpu.dma_semaphore, #tpu.memory_space<semaphore_mem>>) src(%dma_wait3A_98 : memref<10000x16xf32, #tpu.memory_space<hbm>>) dst(%dma_wait3A_92 : memref<128x16xf32, #tpu.memory_space<vmem>>)
        %scan3A_99 = arith.constant 0 : i32
        %scan3A_100 = arith.constant 128 : i32
        %scan3A_101 = arith.addi %scan3A_99, %scan3A_100 : i32
        %scan3A_102 = arith.constant 1 : i32
        scf.for %scan3A_115 = %scan3A_99 to %scan3A_101 step %scan3A_102  : i32 {
          %mul3A_116 = arith.constant 1 : i32
          %mul3A_117 = arith.muli %scan3A_115, %mul3A_116 : i32
          %add3A_118 = arith.constant 0 : i32
          %add3A_119 = arith.addi %add3A_118, %mul3A_117 : i32
          %add3A_120 = arith.constant 128 : i32
          %add3A_121 = arith.addi %add3A_120, %add3A_119 : i32
          %get3A = arith.index_cast %add3A_121 : i32 to index
          %get3A_122 = arith.constant 0 : index
          %get3A_123 = tpu.vector_load %arg8[%get3A, %get3A_122] {strides = array<i32>} : memref<256x16xf32, #tpu.memory_space<vmem>>, vector<1x16xf32>,
          %get3A_124 = vector.shape_cast %get3A_123 : vector<1x16xf32> to vector<16xf32>
          %get3A_125 = arith.index_cast %add3A_121 : i32 to index
          %get3A_126 = arith.constant 0 : index
          %get3A_127 = tpu.vector_load %arg9[%get3A_125, %get3A_126] {strides = array<i32>} : memref<256x16xf32, #tpu.memory_space<vmem>>, vector<1x16xf32>,
          %get3A_128 = vector.shape_cast %get3A_127 : vector<1x16xf32> to vector<16xf32>
          %sub3A_129 = arith.subf %get3A_124, %get3A_128 : vector<16xf32>
          %swap3A = arith.index_cast %add3A_121 : i32 to index
          %swap3A_130 = arith.constant 0 : index
          %swap3A_131 = tpu.vector_load %arg8[%swap3A, %swap3A_130] {strides = array<i32>} : memref<256x16xf32, #tpu.memory_space<vmem>>, vector<1x16xf32>,
          %swap3A_132 = vector.shape_cast %swap3A_131 : vector<1x16xf32> to vector<16xf32>
          %swap3A_133 = vector.shape_cast %sub3A_129 : vector<16xf32> to vector<1x16xf32>
          tpu.vector_store %arg8[%swap3A, %swap3A_130], %swap3A_133 {strides = array<i32>} : memref<256x16xf32, #tpu.memory_space<vmem>>, vector<1x16xf32>,
        }
        %scan3A_103 = arith.constant 128 : i32
        %mul3A_104 = arith.constant 128 : i32
        %mul3A_105 = arith.muli %add3A_43, %mul3A_104 : i32
        %dma_start3A = arith.constant 128 : i32
        %dma_start3A_106 = arith.constant 0 : i32
        %dma_start3A_107 = tpu.memref_slice %arg8[%dma_start3A, %dma_start3A_106] : memref<256x16xf32, #tpu.memory_space<vmem>> -> memref<128x16xf32, #tpu.memory_space<vmem>>
        %dma_start3A_108 = arith.constant 0 : i32
        %dma_start3A_109 = tpu.memref_slice %arg5[%mul3A_105, %dma_start3A_108] : memref<320000x16xf32, #tpu.memory_space<hbm>> -> memref<128x16xf32, #tpu.memory_space<hbm>>
        %dma_start3A_110 = arith.constant 0 : i32
        %dma_start3A_111 = tpu.memref_slice %arg5[%mul3A_105, %dma_start3A_110] : memref<320000x16xf32, #tpu.memory_space<hbm>> -> memref<128x16xf32, #tpu.memory_space<hbm>>
        %dma_start3A_112 = arith.constant 128 : i32
        %dma_start3A_113 = arith.constant 0 : i32
        %dma_start3A_114 = tpu.memref_slice %arg8[%dma_start3A_112, %dma_start3A_113] : memref<256x16xf32, #tpu.memory_space<vmem>> -> memref<128x16xf32, #tpu.memory_space<vmem>>
        tpu.enqueue_dma source(%dma_start3A_114 : memref<128x16xf32, #tpu.memory_space<vmem>>) target(%dma_start3A_111 : memref<128x16xf32, #tpu.memory_space<hbm>>) target_semaphore(%arg13 : memref<!tpu.dma_semaphore, #tpu.memory_space<semaphore_mem>>)
      } else {
      }
      %add3A_54 = arith.constant 1 : i32
      %add3A_55 = arith.addi %add3A_32, %add3A_54 : i32
      %mul3A_56 = arith.constant 32 : i32
      %mul3A_57 = arith.muli %add3A_55, %mul3A_56 : i32
      %add3A_58 = arith.addi %mul3A_57, %add3A : i32
      %lt3A_59 = arith.constant 79 : i32
      %lt3A_60 = arith.cmpi slt, %add3A_55, %lt3A_59 : i32
      %lt3A_61 = arith.constant 2500 : i32
      %lt3A_62 = arith.cmpi slt, %add3A_58, %lt3A_61 : i32
      %and3A_63 = arith.andi %lt3A_60, %lt3A_62 : i1
      %convert_element_type3A_64 = arith.extui %and3A_63 : i1 to i32
      %cond3A_65 = arith.constant 0 : i32
      %cond3A_66 = arith.cmpi ne, %convert_element_type3A_64, %cond3A_65 : i32
      scf.if %cond3A_66 {
        %ge3A_81 = arith.constant 2 : i32
        %ge3A_82 = arith.cmpi sge, %add3A_55, %ge3A_81 : i32
        %convert_element_type3A_83 = arith.extui %ge3A_82 : i1 to i32
        %cond3A_84 = arith.constant 0 : i32
        %cond3A_85 = arith.cmpi ne, %convert_element_type3A_83, %cond3A_84 : i32
        scf.if %cond3A_85 {
          %dma_wait3A_103 = arith.constant 128 : i32
          %dma_wait3A_104 = arith.constant 0 : i32
          %dma_wait3A_105 = tpu.memref_slice %arg8[%dma_wait3A_103, %dma_wait3A_104] : memref<256x16xf32, #tpu.memory_space<vmem>> -> memref<128x16xf32, #tpu.memory_space<vmem>>
          %dma_wait3A_106 = arith.constant 0 : i32
          %dma_wait3A_107 = arith.constant 0 : i32
          %dma_wait3A_108 = tpu.memref_slice %arg5[%dma_wait3A_106, %dma_wait3A_107] : memref<320000x16xf32, #tpu.memory_space<hbm>> -> memref<128x16xf32, #tpu.memory_space<hbm>>
          %dma_wait3A_109 = arith.constant 0 : i32
          %dma_wait3A_110 = arith.constant 0 : i32
          %dma_wait3A_111 = tpu.memref_slice %arg5[%dma_wait3A_109, %dma_wait3A_110] : memref<320000x16xf32, #tpu.memory_space<hbm>> -> memref<128x16xf32, #tpu.memory_space<hbm>>
          %dma_wait3A_112 = arith.constant 128 : i32
          %dma_wait3A_113 = arith.constant 0 : i32
          %dma_wait3A_114 = tpu.memref_slice %arg8[%dma_wait3A_112, %dma_wait3A_113] : memref<256x16xf32, #tpu.memory_space<vmem>> -> memref<128x16xf32, #tpu.memory_space<vmem>>
          tpu.wait_dma2 semaphore(%arg13 : memref<!tpu.dma_semaphore, #tpu.memory_space<semaphore_mem>>) src(%dma_wait3A_114 : memref<128x16xf32, #tpu.memory_space<vmem>>) dst(%dma_wait3A_111 : memref<128x16xf32, #tpu.memory_space<hbm>>)
        } else {
        }
        %dma_start3A = arith.constant 128 : i32
        %dma_start3A_86 = arith.constant 0 : i32
        %dma_start3A_87 = tpu.memref_slice %arg8[%dma_start3A, %dma_start3A_86] : memref<256x16xf32, #tpu.memory_space<vmem>> -> memref<128x16xf32, #tpu.memory_space<vmem>>
        %dma_start3A_88 = arith.constant 0 : i32
        %dma_start3A_89 = tpu.memref_slice %arg6[%add3A_55, %dma_start3A_88] : memref<79x128xi32, #tpu.memory_space<vmem>> -> memref<1x128xi32, #tpu.memory_space<vmem>>
        %dma_start3A_90 = tpu.memref_squeeze %dma_start3A_89 : memref<1x128xi32, #tpu.memory_space<vmem>> -> memref<128xi32, #tpu.memory_space<vmem>>
        %dma_start3A_91 = arith.constant 0 : i32
        %dma_start3A_92 = arith.constant 0 : i32
        %dma_start3A_93 = tpu.memref_slice %arg2[%dma_start3A_91, %dma_start3A_92] : memref<10000x16xf32, #tpu.memory_space<hbm>> -> memref<10000x16xf32, #tpu.memory_space<hbm>>
        tpu.enqueue_indirect_dma source(%dma_start3A_93 : memref<10000x16xf32, #tpu.memory_space<hbm>>) target(%dma_start3A_87 : memref<128x16xf32, #tpu.memory_space<vmem>>) offsets(%dma_start3A_90 : memref<128xi32, #tpu.memory_space<vmem>>) semaphore(%arg11 : memref<!tpu.dma_semaphore, #tpu.memory_space<semaphore_mem>>)
        %dma_start3A_94 = arith.constant 128 : i32
        %dma_start3A_95 = arith.constant 0 : i32
        %dma_start3A_96 = tpu.memref_slice %arg9[%dma_start3A_94, %dma_start3A_95] : memref<256x16xf32, #tpu.memory_space<vmem>> -> memref<128x16xf32, #tpu.memory_space<vmem>>
        %dma_start3A_97 = arith.constant 0 : i32
        %dma_start3A_98 = tpu.memref_slice %arg7[%add3A_55, %dma_start3A_97] : memref<79x128xi32, #tpu.memory_space<vmem>> -> memref<1x128xi32, #tpu.memory_space<vmem>>
        %dma_start3A_99 = tpu.memref_squeeze %dma_start3A_98 : memref<1x128xi32, #tpu.memory_space<vmem>> -> memref<128xi32, #tpu.memory_space<vmem>>
        %dma_start3A_100 = arith.constant 0 : i32
        %dma_start3A_101 = arith.constant 0 : i32
        %dma_start3A_102 = tpu.memref_slice %arg2[%dma_start3A_100, %dma_start3A_101] : memref<10000x16xf32, #tpu.memory_space<hbm>> -> memref<10000x16xf32, #tpu.memory_space<hbm>>
        tpu.enqueue_indirect_dma source(%dma_start3A_102 : memref<10000x16xf32, #tpu.memory_space<hbm>>) target(%dma_start3A_96 : memref<128x16xf32, #tpu.memory_space<vmem>>) offsets(%dma_start3A_99 : memref<128xi32, #tpu.memory_space<vmem>>) semaphore(%arg11 : memref<!tpu.dma_semaphore, #tpu.memory_space<semaphore_mem>>)
      } else {
      }
      %mul3A_67 = arith.constant 32 : i32
      %mul3A_68 = arith.muli %add3A_32, %mul3A_67 : i32
      %add3A_69 = arith.addi %mul3A_68, %add3A : i32
      %ge3A_70 = arith.constant 0 : i32
      %ge3A_71 = arith.cmpi sge, %add3A_32, %ge3A_70 : i32
      %lt3A_72 = arith.constant 79 : i32
      %lt3A_73 = arith.cmpi slt, %add3A_32, %lt3A_72 : i32
      %and3A_74 = arith.andi %ge3A_71, %lt3A_73 : i1
      %lt3A_75 = arith.constant 2500 : i32
      %lt3A_76 = arith.cmpi slt, %add3A_69, %lt3A_75 : i32
      %and3A_77 = arith.andi %and3A_74, %lt3A_76 : i1
      %convert_element_type3A_78 = arith.extui %and3A_77 : i1 to i32
      %cond3A_79 = arith.constant 0 : i32
      %cond3A_80 = arith.cmpi ne, %convert_element_type3A_78, %cond3A_79 : i32
      scf.if %cond3A_80 {
        %dma_wait3A_81 = arith.constant 0 : i32
        %dma_wait3A_82 = arith.constant 0 : i32
        %dma_wait3A_83 = tpu.memref_slice %arg8[%dma_wait3A_81, %dma_wait3A_82] : memref<256x16xf32, #tpu.memory_space<vmem>> -> memref<128x16xf32, #tpu.memory_space<vmem>>
        %dma_wait3A_84 = arith.constant 0 : i32
        %dma_wait3A_85 = tpu.memref_slice %arg6[%add3A_32, %dma_wait3A_84] : memref<79x128xi32, #tpu.memory_space<vmem>> -> memref<1x128xi32, #tpu.memory_space<vmem>>
        %dma_wait3A_86 = tpu.memref_squeeze %dma_wait3A_85 : memref<1x128xi32, #tpu.memory_space<vmem>> -> memref<128xi32, #tpu.memory_space<vmem>>
        %dma_wait3A_87 = arith.constant 0 : i32
        %dma_wait3A_88 = arith.constant 0 : i32
        %dma_wait3A_89 = tpu.memref_slice %arg2[%dma_wait3A_87, %dma_wait3A_88] : memref<10000x16xf32, #tpu.memory_space<hbm>> -> memref<10000x16xf32, #tpu.memory_space<hbm>>
        tpu.wait_indirect_dma semaphore(%arg10 : memref<!tpu.dma_semaphore, #tpu.memory_space<semaphore_mem>>) src(%dma_wait3A_89 : memref<10000x16xf32, #tpu.memory_space<hbm>>) dst(%dma_wait3A_83 : memref<128x16xf32, #tpu.memory_space<vmem>>)
        %dma_wait3A_90 = arith.constant 0 : i32
        %dma_wait3A_91 = arith.constant 0 : i32
        %dma_wait3A_92 = tpu.memref_slice %arg9[%dma_wait3A_90, %dma_wait3A_91] : memref<256x16xf32, #tpu.memory_space<vmem>> -> memref<128x16xf32, #tpu.memory_space<vmem>>
        %dma_wait3A_93 = arith.constant 0 : i32
        %dma_wait3A_94 = tpu.memref_slice %arg7[%add3A_32, %dma_wait3A_93] : memref<79x128xi32, #tpu.memory_space<vmem>> -> memref<1x128xi32, #tpu.memory_space<vmem>>
        %dma_wait3A_95 = tpu.memref_squeeze %dma_wait3A_94 : memref<1x128xi32, #tpu.memory_space<vmem>> -> memref<128xi32, #tpu.memory_space<vmem>>
        %dma_wait3A_96 = arith.constant 0 : i32
        %dma_wait3A_97 = arith.constant 0 : i32
        %dma_wait3A_98 = tpu.memref_slice %arg2[%dma_wait3A_96, %dma_wait3A_97] : memref<10000x16xf32, #tpu.memory_space<hbm>> -> memref<10000x16xf32, #tpu.memory_space<hbm>>
        tpu.wait_indirect_dma semaphore(%arg10 : memref<!tpu.dma_semaphore, #tpu.memory_space<semaphore_mem>>) src(%dma_wait3A_98 : memref<10000x16xf32, #tpu.memory_space<hbm>>) dst(%dma_wait3A_92 : memref<128x16xf32, #tpu.memory_space<vmem>>)
        %scan3A_99 = arith.constant 0 : i32
        %scan3A_100 = arith.constant 128 : i32
        %scan3A_101 = arith.addi %scan3A_99, %scan3A_100 : i32
        %scan3A_102 = arith.constant 1 : i32
        scf.for %scan3A_115 = %scan3A_99 to %scan3A_101 step %scan3A_102  : i32 {
          %mul3A_116 = arith.constant 1 : i32
          %mul3A_117 = arith.muli %scan3A_115, %mul3A_116 : i32
          %add3A_118 = arith.constant 0 : i32
          %add3A_119 = arith.addi %add3A_118, %mul3A_117 : i32
          %add3A_120 = arith.constant 0 : i32
          %add3A_121 = arith.addi %add3A_120, %add3A_119 : i32
          %get3A = arith.index_cast %add3A_121 : i32 to index
          %get3A_122 = arith.constant 0 : index
          %get3A_123 = tpu.vector_load %arg8[%get3A, %get3A_122] {strides = array<i32>} : memref<256x16xf32, #tpu.memory_space<vmem>>, vector<1x16xf32>,
          %get3A_124 = vector.shape_cast %get3A_123 : vector<1x16xf32> to vector<16xf32>
          %get3A_125 = arith.index_cast %add3A_121 : i32 to index
          %get3A_126 = arith.constant 0 : index
          %get3A_127 = tpu.vector_load %arg9[%get3A_125, %get3A_126] {strides = array<i32>} : memref<256x16xf32, #tpu.memory_space<vmem>>, vector<1x16xf32>,
          %get3A_128 = vector.shape_cast %get3A_127 : vector<1x16xf32> to vector<16xf32>
          %sub3A_129 = arith.subf %get3A_124, %get3A_128 : vector<16xf32>
          %swap3A = arith.index_cast %add3A_121 : i32 to index
          %swap3A_130 = arith.constant 0 : index
          %swap3A_131 = tpu.vector_load %arg8[%swap3A, %swap3A_130] {strides = array<i32>} : memref<256x16xf32, #tpu.memory_space<vmem>>, vector<1x16xf32>,
          %swap3A_132 = vector.shape_cast %swap3A_131 : vector<1x16xf32> to vector<16xf32>
          %swap3A_133 = vector.shape_cast %sub3A_129 : vector<16xf32> to vector<1x16xf32>
          tpu.vector_store %arg8[%swap3A, %swap3A_130], %swap3A_133 {strides = array<i32>} : memref<256x16xf32, #tpu.memory_space<vmem>>, vector<1x16xf32>,
        }
        %scan3A_103 = arith.constant 128 : i32
        %mul3A_104 = arith.constant 128 : i32
        %mul3A_105 = arith.muli %add3A_69, %mul3A_104 : i32
        %dma_start3A = arith.constant 0 : i32
        %dma_start3A_106 = arith.constant 0 : i32
        %dma_start3A_107 = tpu.memref_slice %arg8[%dma_start3A, %dma_start3A_106] : memref<256x16xf32, #tpu.memory_space<vmem>> -> memref<128x16xf32, #tpu.memory_space<vmem>>
        %dma_start3A_108 = arith.constant 0 : i32
        %dma_start3A_109 = tpu.memref_slice %arg5[%mul3A_105, %dma_start3A_108] : memref<320000x16xf32, #tpu.memory_space<hbm>> -> memref<128x16xf32, #tpu.memory_space<hbm>>
        %dma_start3A_110 = arith.constant 0 : i32
        %dma_start3A_111 = tpu.memref_slice %arg5[%mul3A_105, %dma_start3A_110] : memref<320000x16xf32, #tpu.memory_space<hbm>> -> memref<128x16xf32, #tpu.memory_space<hbm>>
        %dma_start3A_112 = arith.constant 0 : i32
        %dma_start3A_113 = arith.constant 0 : i32
        %dma_start3A_114 = tpu.memref_slice %arg8[%dma_start3A_112, %dma_start3A_113] : memref<256x16xf32, #tpu.memory_space<vmem>> -> memref<128x16xf32, #tpu.memory_space<vmem>>
        tpu.enqueue_dma source(%dma_start3A_114 : memref<128x16xf32, #tpu.memory_space<vmem>>) target(%dma_start3A_111 : memref<128x16xf32, #tpu.memory_space<hbm>>) target_semaphore(%arg12 : memref<!tpu.dma_semaphore, #tpu.memory_space<semaphore_mem>>)
      } else {
      }
    }
    %scan3A_4 = arith.constant 40 : i32
    %dma_wait3A = arith.constant 0 : i32
    %dma_wait3A_5 = arith.constant 0 : i32
    %dma_wait3A_6 = tpu.memref_slice %arg8[%dma_wait3A, %dma_wait3A_5] : memref<256x16xf32, #tpu.memory_space<vmem>> -> memref<128x16xf32, #tpu.memory_space<vmem>>
    %dma_wait3A_7 = arith.constant 0 : i32
    %dma_wait3A_8 = arith.constant 0 : i32
    %dma_wait3A_9 = tpu.memref_slice %arg5[%dma_wait3A_7, %dma_wait3A_8] : memref<320000x16xf32, #tpu.memory_space<hbm>> -> memref<128x16xf32, #tpu.memory_space<hbm>>
    %dma_wait3A_10 = arith.constant 0 : i32
    %dma_wait3A_11 = arith.constant 0 : i32
    %dma_wait3A_12 = tpu.memref_slice %arg5[%dma_wait3A_10, %dma_wait3A_11] : memref<320000x16xf32, #tpu.memory_space<hbm>> -> memref<128x16xf32, #tpu.memory_space<hbm>>
    %dma_wait3A_13 = arith.constant 0 : i32
    %dma_wait3A_14 = arith.constant 0 : i32
    %dma_wait3A_15 = tpu.memref_slice %arg8[%dma_wait3A_13, %dma_wait3A_14] : memref<256x16xf32, #tpu.memory_space<vmem>> -> memref<128x16xf32, #tpu.memory_space<vmem>>
    tpu.wait_dma2 semaphore(%arg12 : memref<!tpu.dma_semaphore, #tpu.memory_space<semaphore_mem>>) src(%dma_wait3A_15 : memref<128x16xf32, #tpu.memory_space<vmem>>) dst(%dma_wait3A_12 : memref<128x16xf32, #tpu.memory_space<hbm>>)
    %dma_wait3A_16 = arith.constant 128 : i32
    %dma_wait3A_17 = arith.constant 0 : i32
    %dma_wait3A_18 = tpu.memref_slice %arg8[%dma_wait3A_16, %dma_wait3A_17] : memref<256x16xf32, #tpu.memory_space<vmem>> -> memref<128x16xf32, #tpu.memory_space<vmem>>
    %dma_wait3A_19 = arith.constant 0 : i32
    %dma_wait3A_20 = arith.constant 0 : i32
    %dma_wait3A_21 = tpu.memref_slice %arg5[%dma_wait3A_19, %dma_wait3A_20] : memref<320000x16xf32, #tpu.memory_space<hbm>> -> memref<128x16xf32, #tpu.memory_space<hbm>>
    %dma_wait3A_22 = arith.constant 0 : i32
    %dma_wait3A_23 = arith.constant 0 : i32
    %dma_wait3A_24 = tpu.memref_slice %arg5[%dma_wait3A_22, %dma_wait3A_23] : memref<320000x16xf32, #tpu.memory_space<hbm>> -> memref<128x16xf32, #tpu.memory_space<hbm>>
    %dma_wait3A_25 = arith.constant 128 : i32
    %dma_wait3A_26 = arith.constant 0 : i32
    %dma_wait3A_27 = tpu.memref_slice %arg8[%dma_wait3A_25, %dma_wait3A_26] : memref<256x16xf32, #tpu.memory_space<vmem>> -> memref<128x16xf32, #tpu.memory_space<vmem>>
    tpu.wait_dma2 semaphore(%arg13 : memref<!tpu.dma_semaphore, #tpu.memory_space<semaphore_mem>>) src(%dma_wait3A_27 : memref<128x16xf32, #tpu.memory_space<vmem>>) dst(%dma_wait3A_24 : memref<128x16xf32, #tpu.memory_space<hbm>>)
    return
  }
}

#map = affine_map<(d0, d1) -> (0, 0)>
#map1 = affine_map<(d0, d1) -> (0, 0, 0)>
module attributes {stable_mosaic.version = 14 : i64} {
  func.func @_sc_scatter_m(%arg0: i32, %arg1: i32, %arg2: memref<320000x128xf32, #tpu.memory_space<hbm>>, %arg3: memref<32x79x128xi32, #tpu.memory_space<hbm>>, %arg4: memref<2x10000x128xf32, #tpu.memory_space<hbm>>, %arg5: memref<79x128xi32, #tpu.memory_space<vmem>>, %arg6: memref<256x128xf32, #tpu.memory_space<vmem>>, %arg7: memref<10000x128xf32, #tpu.memory_space<vmem_shared>>, %arg8: memref<!tpu.dma_semaphore, #tpu.memory_space<semaphore_mem>>, %arg9: memref<!tpu.dma_semaphore, #tpu.memory_space<semaphore_mem>>) attributes {dimension_semantics = [#tpu.dimension_semantics<core_parallel>, #tpu.dimension_semantics<subcore_parallel>], iteration_bounds = array<i64: 2, 16>, scalar_prefetch = 0 : i64, scratch_operands = 5 : i64, tpu.core_type = #tpu.core_type<sc_vector_subcore>, window_params = [{transform_indices = #map}, {transform_indices = #map1}, {transform_indices = #map1}]} {
    %mul3A = arith.constant 2 : i32
    %mul3A_0 = arith.muli %arg1, %mul3A : i32
    %add3A = arith.addi %mul3A_0, %arg0 : i32
    %broadcast_in_dim3A = arith.constant 0.000000e+00 : f32
    %broadcast_in_dim3A_1 = vector.broadcast %broadcast_in_dim3A : f32 to vector<80x128xf32>
    %swap3A = arith.constant 0 : index
    %swap3A_2 = arith.constant 0 : index
    %swap3A_3 = tpu.vector_load %arg6[%swap3A, %swap3A_2] {strides = array<i32>} : memref<256x128xf32, #tpu.memory_space<vmem>>, vector<80x128xf32>,
    %swap3A_4 = vector.shape_cast %swap3A_3 : vector<80x128xf32> to vector<80x128xf32>
    %swap3A_5 = vector.shape_cast %broadcast_in_dim3A_1 : vector<80x128xf32> to vector<80x128xf32>
    tpu.vector_store %arg6[%swap3A, %swap3A_2], %swap3A_5 {strides = array<i32>} : memref<256x128xf32, #tpu.memory_space<vmem>>, vector<80x128xf32>,
    %add3A_6 = arith.constant 0 : i32
    %add3A_7 = arith.addi %add3A_6, %arg1 : i32
    %lt3A = arith.constant 125 : i32
    %lt3A_8 = arith.cmpi slt, %add3A_7, %lt3A : i32
    %convert_element_type3A = arith.extui %lt3A_8 : i1 to i32
    %cond3A = arith.constant 0 : i32
    %cond3A_9 = arith.cmpi ne, %convert_element_type3A, %cond3A : i32
    scf.if %cond3A_9 {
      %mul3A_120 = arith.constant 80 : i32
      %mul3A_121 = arith.muli %add3A_7, %mul3A_120 : i32
      "tpu.region"() ({
        %run_scoped3A = tpu.sem_alloc : memref<!tpu.dma_semaphore, #tpu.memory_space<semaphore_mem>>
        %dma_start3A = arith.constant 0 : i32
        %dma_start3A_122 = arith.constant 0 : i32
        %dma_start3A_123 = tpu.memref_slice %arg6[%dma_start3A, %dma_start3A_122] : memref<256x128xf32, #tpu.memory_space<vmem>> -> memref<80x128xf32, #tpu.memory_space<vmem>>
        %dma_start3A_124 = arith.constant 0 : i32
        %dma_start3A_125 = tpu.memref_slice %arg7[%mul3A_121, %dma_start3A_124] : memref<10000x128xf32, #tpu.memory_space<vmem_shared>> -> memref<80x128xf32, #tpu.memory_space<vmem_shared>>
        %dma_start3A_126 = arith.constant 0 : i32
        %dma_start3A_127 = tpu.memref_slice %arg7[%mul3A_121, %dma_start3A_126] : memref<10000x128xf32, #tpu.memory_space<vmem_shared>> -> memref<80x128xf32, #tpu.memory_space<vmem_shared>>
        %dma_start3A_128 = arith.constant 0 : i32
        %dma_start3A_129 = arith.constant 0 : i32
        %dma_start3A_130 = tpu.memref_slice %arg6[%dma_start3A_128, %dma_start3A_129] : memref<256x128xf32, #tpu.memory_space<vmem>> -> memref<80x128xf32, #tpu.memory_space<vmem>>
        tpu.enqueue_dma source(%dma_start3A_130 : memref<80x128xf32, #tpu.memory_space<vmem>>) target(%dma_start3A_127 : memref<80x128xf32, #tpu.memory_space<vmem_shared>>) target_semaphore(%run_scoped3A : memref<!tpu.dma_semaphore, #tpu.memory_space<semaphore_mem>>)
        %dma_wait3A = arith.constant 0 : i32
        %dma_wait3A_131 = arith.constant 0 : i32
        %dma_wait3A_132 = tpu.memref_slice %arg6[%dma_wait3A, %dma_wait3A_131] : memref<256x128xf32, #tpu.memory_space<vmem>> -> memref<80x128xf32, #tpu.memory_space<vmem>>
        %dma_wait3A_133 = arith.constant 0 : i32
        %dma_wait3A_134 = tpu.memref_slice %arg7[%mul3A_121, %dma_wait3A_133] : memref<10000x128xf32, #tpu.memory_space<vmem_shared>> -> memref<80x128xf32, #tpu.memory_space<vmem_shared>>
        %dma_wait3A_135 = arith.constant 0 : i32
        %dma_wait3A_136 = tpu.memref_slice %arg7[%mul3A_121, %dma_wait3A_135] : memref<10000x128xf32, #tpu.memory_space<vmem_shared>> -> memref<80x128xf32, #tpu.memory_space<vmem_shared>>
        %dma_wait3A_137 = arith.constant 0 : i32
        %dma_wait3A_138 = arith.constant 0 : i32
        %dma_wait3A_139 = tpu.memref_slice %arg6[%dma_wait3A_137, %dma_wait3A_138] : memref<256x128xf32, #tpu.memory_space<vmem>> -> memref<80x128xf32, #tpu.memory_space<vmem>>
        tpu.wait_dma2 semaphore(%run_scoped3A : memref<!tpu.dma_semaphore, #tpu.memory_space<semaphore_mem>>) src(%dma_wait3A_139 : memref<80x128xf32, #tpu.memory_space<vmem>>) dst(%dma_wait3A_136 : memref<80x128xf32, #tpu.memory_space<vmem_shared>>)
        tpu.yield
      }) : () -> ()
    } else {
    }
    %add3A_10 = arith.constant 16 : i32
    %add3A_11 = arith.addi %add3A_10, %arg1 : i32
    %lt3A_12 = arith.constant 125 : i32
    %lt3A_13 = arith.cmpi slt, %add3A_11, %lt3A_12 : i32
    %convert_element_type3A_14 = arith.extui %lt3A_13 : i1 to i32
    %cond3A_15 = arith.constant 0 : i32
    %cond3A_16 = arith.cmpi ne, %convert_element_type3A_14, %cond3A_15 : i32
    scf.if %cond3A_16 {
      %mul3A_120 = arith.constant 80 : i32
      %mul3A_121 = arith.muli %add3A_11, %mul3A_120 : i32
      "tpu.region"() ({
        %run_scoped3A = tpu.sem_alloc : memref<!tpu.dma_semaphore, #tpu.memory_space<semaphore_mem>>
        %dma_start3A = arith.constant 0 : i32
        %dma_start3A_122 = arith.constant 0 : i32
        %dma_start3A_123 = tpu.memref_slice %arg6[%dma_start3A, %dma_start3A_122] : memref<256x128xf32, #tpu.memory_space<vmem>> -> memref<80x128xf32, #tpu.memory_space<vmem>>
        %dma_start3A_124 = arith.constant 0 : i32
        %dma_start3A_125 = tpu.memref_slice %arg7[%mul3A_121, %dma_start3A_124] : memref<10000x128xf32, #tpu.memory_space<vmem_shared>> -> memref<80x128xf32, #tpu.memory_space<vmem_shared>>
        %dma_start3A_126 = arith.constant 0 : i32
        %dma_start3A_127 = tpu.memref_slice %arg7[%mul3A_121, %dma_start3A_126] : memref<10000x128xf32, #tpu.memory_space<vmem_shared>> -> memref<80x128xf32, #tpu.memory_space<vmem_shared>>
        %dma_start3A_128 = arith.constant 0 : i32
        %dma_start3A_129 = arith.constant 0 : i32
        %dma_start3A_130 = tpu.memref_slice %arg6[%dma_start3A_128, %dma_start3A_129] : memref<256x128xf32, #tpu.memory_space<vmem>> -> memref<80x128xf32, #tpu.memory_space<vmem>>
        tpu.enqueue_dma source(%dma_start3A_130 : memref<80x128xf32, #tpu.memory_space<vmem>>) target(%dma_start3A_127 : memref<80x128xf32, #tpu.memory_space<vmem_shared>>) target_semaphore(%run_scoped3A : memref<!tpu.dma_semaphore, #tpu.memory_space<semaphore_mem>>)
        %dma_wait3A = arith.constant 0 : i32
        %dma_wait3A_131 = arith.constant 0 : i32
        %dma_wait3A_132 = tpu.memref_slice %arg6[%dma_wait3A, %dma_wait3A_131] : memref<256x128xf32, #tpu.memory_space<vmem>> -> memref<80x128xf32, #tpu.memory_space<vmem>>
        %dma_wait3A_133 = arith.constant 0 : i32
        %dma_wait3A_134 = tpu.memref_slice %arg7[%mul3A_121, %dma_wait3A_133] : memref<10000x128xf32, #tpu.memory_space<vmem_shared>> -> memref<80x128xf32, #tpu.memory_space<vmem_shared>>
        %dma_wait3A_135 = arith.constant 0 : i32
        %dma_wait3A_136 = tpu.memref_slice %arg7[%mul3A_121, %dma_wait3A_135] : memref<10000x128xf32, #tpu.memory_space<vmem_shared>> -> memref<80x128xf32, #tpu.memory_space<vmem_shared>>
        %dma_wait3A_137 = arith.constant 0 : i32
        %dma_wait3A_138 = arith.constant 0 : i32
        %dma_wait3A_139 = tpu.memref_slice %arg6[%dma_wait3A_137, %dma_wait3A_138] : memref<256x128xf32, #tpu.memory_space<vmem>> -> memref<80x128xf32, #tpu.memory_space<vmem>>
        tpu.wait_dma2 semaphore(%run_scoped3A : memref<!tpu.dma_semaphore, #tpu.memory_space<semaphore_mem>>) src(%dma_wait3A_139 : memref<80x128xf32, #tpu.memory_space<vmem>>) dst(%dma_wait3A_136 : memref<80x128xf32, #tpu.memory_space<vmem_shared>>)
        tpu.yield
      }) : () -> ()
    } else {
    }
    %add3A_17 = arith.constant 32 : i32
    %add3A_18 = arith.addi %add3A_17, %arg1 : i32
    %lt3A_19 = arith.constant 125 : i32
    %lt3A_20 = arith.cmpi slt, %add3A_18, %lt3A_19 : i32
    %convert_element_type3A_21 = arith.extui %lt3A_20 : i1 to i32
    %cond3A_22 = arith.constant 0 : i32
    %cond3A_23 = arith.cmpi ne, %convert_element_type3A_21, %cond3A_22 : i32
    scf.if %cond3A_23 {
      %mul3A_120 = arith.constant 80 : i32
      %mul3A_121 = arith.muli %add3A_18, %mul3A_120 : i32
      "tpu.region"() ({
        %run_scoped3A = tpu.sem_alloc : memref<!tpu.dma_semaphore, #tpu.memory_space<semaphore_mem>>
        %dma_start3A = arith.constant 0 : i32
        %dma_start3A_122 = arith.constant 0 : i32
        %dma_start3A_123 = tpu.memref_slice %arg6[%dma_start3A, %dma_start3A_122] : memref<256x128xf32, #tpu.memory_space<vmem>> -> memref<80x128xf32, #tpu.memory_space<vmem>>
        %dma_start3A_124 = arith.constant 0 : i32
        %dma_start3A_125 = tpu.memref_slice %arg7[%mul3A_121, %dma_start3A_124] : memref<10000x128xf32, #tpu.memory_space<vmem_shared>> -> memref<80x128xf32, #tpu.memory_space<vmem_shared>>
        %dma_start3A_126 = arith.constant 0 : i32
        %dma_start3A_127 = tpu.memref_slice %arg7[%mul3A_121, %dma_start3A_126] : memref<10000x128xf32, #tpu.memory_space<vmem_shared>> -> memref<80x128xf32, #tpu.memory_space<vmem_shared>>
        %dma_start3A_128 = arith.constant 0 : i32
        %dma_start3A_129 = arith.constant 0 : i32
        %dma_start3A_130 = tpu.memref_slice %arg6[%dma_start3A_128, %dma_start3A_129] : memref<256x128xf32, #tpu.memory_space<vmem>> -> memref<80x128xf32, #tpu.memory_space<vmem>>
        tpu.enqueue_dma source(%dma_start3A_130 : memref<80x128xf32, #tpu.memory_space<vmem>>) target(%dma_start3A_127 : memref<80x128xf32, #tpu.memory_space<vmem_shared>>) target_semaphore(%run_scoped3A : memref<!tpu.dma_semaphore, #tpu.memory_space<semaphore_mem>>)
        %dma_wait3A = arith.constant 0 : i32
        %dma_wait3A_131 = arith.constant 0 : i32
        %dma_wait3A_132 = tpu.memref_slice %arg6[%dma_wait3A, %dma_wait3A_131] : memref<256x128xf32, #tpu.memory_space<vmem>> -> memref<80x128xf32, #tpu.memory_space<vmem>>
        %dma_wait3A_133 = arith.constant 0 : i32
        %dma_wait3A_134 = tpu.memref_slice %arg7[%mul3A_121, %dma_wait3A_133] : memref<10000x128xf32, #tpu.memory_space<vmem_shared>> -> memref<80x128xf32, #tpu.memory_space<vmem_shared>>
        %dma_wait3A_135 = arith.constant 0 : i32
        %dma_wait3A_136 = tpu.memref_slice %arg7[%mul3A_121, %dma_wait3A_135] : memref<10000x128xf32, #tpu.memory_space<vmem_shared>> -> memref<80x128xf32, #tpu.memory_space<vmem_shared>>
        %dma_wait3A_137 = arith.constant 0 : i32
        %dma_wait3A_138 = arith.constant 0 : i32
        %dma_wait3A_139 = tpu.memref_slice %arg6[%dma_wait3A_137, %dma_wait3A_138] : memref<256x128xf32, #tpu.memory_space<vmem>> -> memref<80x128xf32, #tpu.memory_space<vmem>>
        tpu.wait_dma2 semaphore(%run_scoped3A : memref<!tpu.dma_semaphore, #tpu.memory_space<semaphore_mem>>) src(%dma_wait3A_139 : memref<80x128xf32, #tpu.memory_space<vmem>>) dst(%dma_wait3A_136 : memref<80x128xf32, #tpu.memory_space<vmem_shared>>)
        tpu.yield
      }) : () -> ()
    } else {
    }
    %add3A_24 = arith.constant 48 : i32
    %add3A_25 = arith.addi %add3A_24, %arg1 : i32
    %lt3A_26 = arith.constant 125 : i32
    %lt3A_27 = arith.cmpi slt, %add3A_25, %lt3A_26 : i32
    %convert_element_type3A_28 = arith.extui %lt3A_27 : i1 to i32
    %cond3A_29 = arith.constant 0 : i32
    %cond3A_30 = arith.cmpi ne, %convert_element_type3A_28, %cond3A_29 : i32
    scf.if %cond3A_30 {
      %mul3A_120 = arith.constant 80 : i32
      %mul3A_121 = arith.muli %add3A_25, %mul3A_120 : i32
      "tpu.region"() ({
        %run_scoped3A = tpu.sem_alloc : memref<!tpu.dma_semaphore, #tpu.memory_space<semaphore_mem>>
        %dma_start3A = arith.constant 0 : i32
        %dma_start3A_122 = arith.constant 0 : i32
        %dma_start3A_123 = tpu.memref_slice %arg6[%dma_start3A, %dma_start3A_122] : memref<256x128xf32, #tpu.memory_space<vmem>> -> memref<80x128xf32, #tpu.memory_space<vmem>>
        %dma_start3A_124 = arith.constant 0 : i32
        %dma_start3A_125 = tpu.memref_slice %arg7[%mul3A_121, %dma_start3A_124] : memref<10000x128xf32, #tpu.memory_space<vmem_shared>> -> memref<80x128xf32, #tpu.memory_space<vmem_shared>>
        %dma_start3A_126 = arith.constant 0 : i32
        %dma_start3A_127 = tpu.memref_slice %arg7[%mul3A_121, %dma_start3A_126] : memref<10000x128xf32, #tpu.memory_space<vmem_shared>> -> memref<80x128xf32, #tpu.memory_space<vmem_shared>>
        %dma_start3A_128 = arith.constant 0 : i32
        %dma_start3A_129 = arith.constant 0 : i32
        %dma_start3A_130 = tpu.memref_slice %arg6[%dma_start3A_128, %dma_start3A_129] : memref<256x128xf32, #tpu.memory_space<vmem>> -> memref<80x128xf32, #tpu.memory_space<vmem>>
        tpu.enqueue_dma source(%dma_start3A_130 : memref<80x128xf32, #tpu.memory_space<vmem>>) target(%dma_start3A_127 : memref<80x128xf32, #tpu.memory_space<vmem_shared>>) target_semaphore(%run_scoped3A : memref<!tpu.dma_semaphore, #tpu.memory_space<semaphore_mem>>)
        %dma_wait3A = arith.constant 0 : i32
        %dma_wait3A_131 = arith.constant 0 : i32
        %dma_wait3A_132 = tpu.memref_slice %arg6[%dma_wait3A, %dma_wait3A_131] : memref<256x128xf32, #tpu.memory_space<vmem>> -> memref<80x128xf32, #tpu.memory_space<vmem>>
        %dma_wait3A_133 = arith.constant 0 : i32
        %dma_wait3A_134 = tpu.memref_slice %arg7[%mul3A_121, %dma_wait3A_133] : memref<10000x128xf32, #tpu.memory_space<vmem_shared>> -> memref<80x128xf32, #tpu.memory_space<vmem_shared>>
        %dma_wait3A_135 = arith.constant 0 : i32
        %dma_wait3A_136 = tpu.memref_slice %arg7[%mul3A_121, %dma_wait3A_135] : memref<10000x128xf32, #tpu.memory_space<vmem_shared>> -> memref<80x128xf32, #tpu.memory_space<vmem_shared>>
        %dma_wait3A_137 = arith.constant 0 : i32
        %dma_wait3A_138 = arith.constant 0 : i32
        %dma_wait3A_139 = tpu.memref_slice %arg6[%dma_wait3A_137, %dma_wait3A_138] : memref<256x128xf32, #tpu.memory_space<vmem>> -> memref<80x128xf32, #tpu.memory_space<vmem>>
        tpu.wait_dma2 semaphore(%run_scoped3A : memref<!tpu.dma_semaphore, #tpu.memory_space<semaphore_mem>>) src(%dma_wait3A_139 : memref<80x128xf32, #tpu.memory_space<vmem>>) dst(%dma_wait3A_136 : memref<80x128xf32, #tpu.memory_space<vmem_shared>>)
        tpu.yield
      }) : () -> ()
    } else {
    }
    %add3A_31 = arith.constant 64 : i32
    %add3A_32 = arith.addi %add3A_31, %arg1 : i32
    %lt3A_33 = arith.constant 125 : i32
    %lt3A_34 = arith.cmpi slt, %add3A_32, %lt3A_33 : i32
    %convert_element_type3A_35 = arith.extui %lt3A_34 : i1 to i32
    %cond3A_36 = arith.constant 0 : i32
    %cond3A_37 = arith.cmpi ne, %convert_element_type3A_35, %cond3A_36 : i32
    scf.if %cond3A_37 {
      %mul3A_120 = arith.constant 80 : i32
      %mul3A_121 = arith.muli %add3A_32, %mul3A_120 : i32
      "tpu.region"() ({
        %run_scoped3A = tpu.sem_alloc : memref<!tpu.dma_semaphore, #tpu.memory_space<semaphore_mem>>
        %dma_start3A = arith.constant 0 : i32
        %dma_start3A_122 = arith.constant 0 : i32
        %dma_start3A_123 = tpu.memref_slice %arg6[%dma_start3A, %dma_start3A_122] : memref<256x128xf32, #tpu.memory_space<vmem>> -> memref<80x128xf32, #tpu.memory_space<vmem>>
        %dma_start3A_124 = arith.constant 0 : i32
        %dma_start3A_125 = tpu.memref_slice %arg7[%mul3A_121, %dma_start3A_124] : memref<10000x128xf32, #tpu.memory_space<vmem_shared>> -> memref<80x128xf32, #tpu.memory_space<vmem_shared>>
        %dma_start3A_126 = arith.constant 0 : i32
        %dma_start3A_127 = tpu.memref_slice %arg7[%mul3A_121, %dma_start3A_126] : memref<10000x128xf32, #tpu.memory_space<vmem_shared>> -> memref<80x128xf32, #tpu.memory_space<vmem_shared>>
        %dma_start3A_128 = arith.constant 0 : i32
        %dma_start3A_129 = arith.constant 0 : i32
        %dma_start3A_130 = tpu.memref_slice %arg6[%dma_start3A_128, %dma_start3A_129] : memref<256x128xf32, #tpu.memory_space<vmem>> -> memref<80x128xf32, #tpu.memory_space<vmem>>
        tpu.enqueue_dma source(%dma_start3A_130 : memref<80x128xf32, #tpu.memory_space<vmem>>) target(%dma_start3A_127 : memref<80x128xf32, #tpu.memory_space<vmem_shared>>) target_semaphore(%run_scoped3A : memref<!tpu.dma_semaphore, #tpu.memory_space<semaphore_mem>>)
        %dma_wait3A = arith.constant 0 : i32
        %dma_wait3A_131 = arith.constant 0 : i32
        %dma_wait3A_132 = tpu.memref_slice %arg6[%dma_wait3A, %dma_wait3A_131] : memref<256x128xf32, #tpu.memory_space<vmem>> -> memref<80x128xf32, #tpu.memory_space<vmem>>
        %dma_wait3A_133 = arith.constant 0 : i32
        %dma_wait3A_134 = tpu.memref_slice %arg7[%mul3A_121, %dma_wait3A_133] : memref<10000x128xf32, #tpu.memory_space<vmem_shared>> -> memref<80x128xf32, #tpu.memory_space<vmem_shared>>
        %dma_wait3A_135 = arith.constant 0 : i32
        %dma_wait3A_136 = tpu.memref_slice %arg7[%mul3A_121, %dma_wait3A_135] : memref<10000x128xf32, #tpu.memory_space<vmem_shared>> -> memref<80x128xf32, #tpu.memory_space<vmem_shared>>
        %dma_wait3A_137 = arith.constant 0 : i32
        %dma_wait3A_138 = arith.constant 0 : i32
        %dma_wait3A_139 = tpu.memref_slice %arg6[%dma_wait3A_137, %dma_wait3A_138] : memref<256x128xf32, #tpu.memory_space<vmem>> -> memref<80x128xf32, #tpu.memory_space<vmem>>
        tpu.wait_dma2 semaphore(%run_scoped3A : memref<!tpu.dma_semaphore, #tpu.memory_space<semaphore_mem>>) src(%dma_wait3A_139 : memref<80x128xf32, #tpu.memory_space<vmem>>) dst(%dma_wait3A_136 : memref<80x128xf32, #tpu.memory_space<vmem_shared>>)
        tpu.yield
      }) : () -> ()
    } else {
    }
    %add3A_38 = arith.constant 80 : i32
    %add3A_39 = arith.addi %add3A_38, %arg1 : i32
    %lt3A_40 = arith.constant 125 : i32
    %lt3A_41 = arith.cmpi slt, %add3A_39, %lt3A_40 : i32
    %convert_element_type3A_42 = arith.extui %lt3A_41 : i1 to i32
    %cond3A_43 = arith.constant 0 : i32
    %cond3A_44 = arith.cmpi ne, %convert_element_type3A_42, %cond3A_43 : i32
    scf.if %cond3A_44 {
      %mul3A_120 = arith.constant 80 : i32
      %mul3A_121 = arith.muli %add3A_39, %mul3A_120 : i32
      "tpu.region"() ({
        %run_scoped3A = tpu.sem_alloc : memref<!tpu.dma_semaphore, #tpu.memory_space<semaphore_mem>>
        %dma_start3A = arith.constant 0 : i32
        %dma_start3A_122 = arith.constant 0 : i32
        %dma_start3A_123 = tpu.memref_slice %arg6[%dma_start3A, %dma_start3A_122] : memref<256x128xf32, #tpu.memory_space<vmem>> -> memref<80x128xf32, #tpu.memory_space<vmem>>
        %dma_start3A_124 = arith.constant 0 : i32
        %dma_start3A_125 = tpu.memref_slice %arg7[%mul3A_121, %dma_start3A_124] : memref<10000x128xf32, #tpu.memory_space<vmem_shared>> -> memref<80x128xf32, #tpu.memory_space<vmem_shared>>
        %dma_start3A_126 = arith.constant 0 : i32
        %dma_start3A_127 = tpu.memref_slice %arg7[%mul3A_121, %dma_start3A_126] : memref<10000x128xf32, #tpu.memory_space<vmem_shared>> -> memref<80x128xf32, #tpu.memory_space<vmem_shared>>
        %dma_start3A_128 = arith.constant 0 : i32
        %dma_start3A_129 = arith.constant 0 : i32
        %dma_start3A_130 = tpu.memref_slice %arg6[%dma_start3A_128, %dma_start3A_129] : memref<256x128xf32, #tpu.memory_space<vmem>> -> memref<80x128xf32, #tpu.memory_space<vmem>>
        tpu.enqueue_dma source(%dma_start3A_130 : memref<80x128xf32, #tpu.memory_space<vmem>>) target(%dma_start3A_127 : memref<80x128xf32, #tpu.memory_space<vmem_shared>>) target_semaphore(%run_scoped3A : memref<!tpu.dma_semaphore, #tpu.memory_space<semaphore_mem>>)
        %dma_wait3A = arith.constant 0 : i32
        %dma_wait3A_131 = arith.constant 0 : i32
        %dma_wait3A_132 = tpu.memref_slice %arg6[%dma_wait3A, %dma_wait3A_131] : memref<256x128xf32, #tpu.memory_space<vmem>> -> memref<80x128xf32, #tpu.memory_space<vmem>>
        %dma_wait3A_133 = arith.constant 0 : i32
        %dma_wait3A_134 = tpu.memref_slice %arg7[%mul3A_121, %dma_wait3A_133] : memref<10000x128xf32, #tpu.memory_space<vmem_shared>> -> memref<80x128xf32, #tpu.memory_space<vmem_shared>>
        %dma_wait3A_135 = arith.constant 0 : i32
        %dma_wait3A_136 = tpu.memref_slice %arg7[%mul3A_121, %dma_wait3A_135] : memref<10000x128xf32, #tpu.memory_space<vmem_shared>> -> memref<80x128xf32, #tpu.memory_space<vmem_shared>>
        %dma_wait3A_137 = arith.constant 0 : i32
        %dma_wait3A_138 = arith.constant 0 : i32
        %dma_wait3A_139 = tpu.memref_slice %arg6[%dma_wait3A_137, %dma_wait3A_138] : memref<256x128xf32, #tpu.memory_space<vmem>> -> memref<80x128xf32, #tpu.memory_space<vmem>>
        tpu.wait_dma2 semaphore(%run_scoped3A : memref<!tpu.dma_semaphore, #tpu.memory_space<semaphore_mem>>) src(%dma_wait3A_139 : memref<80x128xf32, #tpu.memory_space<vmem>>) dst(%dma_wait3A_136 : memref<80x128xf32, #tpu.memory_space<vmem_shared>>)
        tpu.yield
      }) : () -> ()
    } else {
    }
    %add3A_45 = arith.constant 96 : i32
    %add3A_46 = arith.addi %add3A_45, %arg1 : i32
    %lt3A_47 = arith.constant 125 : i32
    %lt3A_48 = arith.cmpi slt, %add3A_46, %lt3A_47 : i32
    %convert_element_type3A_49 = arith.extui %lt3A_48 : i1 to i32
    %cond3A_50 = arith.constant 0 : i32
    %cond3A_51 = arith.cmpi ne, %convert_element_type3A_49, %cond3A_50 : i32
    scf.if %cond3A_51 {
      %mul3A_120 = arith.constant 80 : i32
      %mul3A_121 = arith.muli %add3A_46, %mul3A_120 : i32
      "tpu.region"() ({
        %run_scoped3A = tpu.sem_alloc : memref<!tpu.dma_semaphore, #tpu.memory_space<semaphore_mem>>
        %dma_start3A = arith.constant 0 : i32
        %dma_start3A_122 = arith.constant 0 : i32
        %dma_start3A_123 = tpu.memref_slice %arg6[%dma_start3A, %dma_start3A_122] : memref<256x128xf32, #tpu.memory_space<vmem>> -> memref<80x128xf32, #tpu.memory_space<vmem>>
        %dma_start3A_124 = arith.constant 0 : i32
        %dma_start3A_125 = tpu.memref_slice %arg7[%mul3A_121, %dma_start3A_124] : memref<10000x128xf32, #tpu.memory_space<vmem_shared>> -> memref<80x128xf32, #tpu.memory_space<vmem_shared>>
        %dma_start3A_126 = arith.constant 0 : i32
        %dma_start3A_127 = tpu.memref_slice %arg7[%mul3A_121, %dma_start3A_126] : memref<10000x128xf32, #tpu.memory_space<vmem_shared>> -> memref<80x128xf32, #tpu.memory_space<vmem_shared>>
        %dma_start3A_128 = arith.constant 0 : i32
        %dma_start3A_129 = arith.constant 0 : i32
        %dma_start3A_130 = tpu.memref_slice %arg6[%dma_start3A_128, %dma_start3A_129] : memref<256x128xf32, #tpu.memory_space<vmem>> -> memref<80x128xf32, #tpu.memory_space<vmem>>
        tpu.enqueue_dma source(%dma_start3A_130 : memref<80x128xf32, #tpu.memory_space<vmem>>) target(%dma_start3A_127 : memref<80x128xf32, #tpu.memory_space<vmem_shared>>) target_semaphore(%run_scoped3A : memref<!tpu.dma_semaphore, #tpu.memory_space<semaphore_mem>>)
        %dma_wait3A = arith.constant 0 : i32
        %dma_wait3A_131 = arith.constant 0 : i32
        %dma_wait3A_132 = tpu.memref_slice %arg6[%dma_wait3A, %dma_wait3A_131] : memref<256x128xf32, #tpu.memory_space<vmem>> -> memref<80x128xf32, #tpu.memory_space<vmem>>
        %dma_wait3A_133 = arith.constant 0 : i32
        %dma_wait3A_134 = tpu.memref_slice %arg7[%mul3A_121, %dma_wait3A_133] : memref<10000x128xf32, #tpu.memory_space<vmem_shared>> -> memref<80x128xf32, #tpu.memory_space<vmem_shared>>
        %dma_wait3A_135 = arith.constant 0 : i32
        %dma_wait3A_136 = tpu.memref_slice %arg7[%mul3A_121, %dma_wait3A_135] : memref<10000x128xf32, #tpu.memory_space<vmem_shared>> -> memref<80x128xf32, #tpu.memory_space<vmem_shared>>
        %dma_wait3A_137 = arith.constant 0 : i32
        %dma_wait3A_138 = arith.constant 0 : i32
        %dma_wait3A_139 = tpu.memref_slice %arg6[%dma_wait3A_137, %dma_wait3A_138] : memref<256x128xf32, #tpu.memory_space<vmem>> -> memref<80x128xf32, #tpu.memory_space<vmem>>
        tpu.wait_dma2 semaphore(%run_scoped3A : memref<!tpu.dma_semaphore, #tpu.memory_space<semaphore_mem>>) src(%dma_wait3A_139 : memref<80x128xf32, #tpu.memory_space<vmem>>) dst(%dma_wait3A_136 : memref<80x128xf32, #tpu.memory_space<vmem_shared>>)
        tpu.yield
      }) : () -> ()
    } else {
    }
    %add3A_52 = arith.constant 112 : i32
    %add3A_53 = arith.addi %add3A_52, %arg1 : i32
    %lt3A_54 = arith.constant 125 : i32
    %lt3A_55 = arith.cmpi slt, %add3A_53, %lt3A_54 : i32
    %convert_element_type3A_56 = arith.extui %lt3A_55 : i1 to i32
    %cond3A_57 = arith.constant 0 : i32
    %cond3A_58 = arith.cmpi ne, %convert_element_type3A_56, %cond3A_57 : i32
    scf.if %cond3A_58 {
      %mul3A_120 = arith.constant 80 : i32
      %mul3A_121 = arith.muli %add3A_53, %mul3A_120 : i32
      "tpu.region"() ({
        %run_scoped3A = tpu.sem_alloc : memref<!tpu.dma_semaphore, #tpu.memory_space<semaphore_mem>>
        %dma_start3A = arith.constant 0 : i32
        %dma_start3A_122 = arith.constant 0 : i32
        %dma_start3A_123 = tpu.memref_slice %arg6[%dma_start3A, %dma_start3A_122] : memref<256x128xf32, #tpu.memory_space<vmem>> -> memref<80x128xf32, #tpu.memory_space<vmem>>
        %dma_start3A_124 = arith.constant 0 : i32
        %dma_start3A_125 = tpu.memref_slice %arg7[%mul3A_121, %dma_start3A_124] : memref<10000x128xf32, #tpu.memory_space<vmem_shared>> -> memref<80x128xf32, #tpu.memory_space<vmem_shared>>
        %dma_start3A_126 = arith.constant 0 : i32
        %dma_start3A_127 = tpu.memref_slice %arg7[%mul3A_121, %dma_start3A_126] : memref<10000x128xf32, #tpu.memory_space<vmem_shared>> -> memref<80x128xf32, #tpu.memory_space<vmem_shared>>
        %dma_start3A_128 = arith.constant 0 : i32
        %dma_start3A_129 = arith.constant 0 : i32
        %dma_start3A_130 = tpu.memref_slice %arg6[%dma_start3A_128, %dma_start3A_129] : memref<256x128xf32, #tpu.memory_space<vmem>> -> memref<80x128xf32, #tpu.memory_space<vmem>>
        tpu.enqueue_dma source(%dma_start3A_130 : memref<80x128xf32, #tpu.memory_space<vmem>>) target(%dma_start3A_127 : memref<80x128xf32, #tpu.memory_space<vmem_shared>>) target_semaphore(%run_scoped3A : memref<!tpu.dma_semaphore, #tpu.memory_space<semaphore_mem>>)
        %dma_wait3A = arith.constant 0 : i32
        %dma_wait3A_131 = arith.constant 0 : i32
        %dma_wait3A_132 = tpu.memref_slice %arg6[%dma_wait3A, %dma_wait3A_131] : memref<256x128xf32, #tpu.memory_space<vmem>> -> memref<80x128xf32, #tpu.memory_space<vmem>>
        %dma_wait3A_133 = arith.constant 0 : i32
        %dma_wait3A_134 = tpu.memref_slice %arg7[%mul3A_121, %dma_wait3A_133] : memref<10000x128xf32, #tpu.memory_space<vmem_shared>> -> memref<80x128xf32, #tpu.memory_space<vmem_shared>>
        %dma_wait3A_135 = arith.constant 0 : i32
        %dma_wait3A_136 = tpu.memref_slice %arg7[%mul3A_121, %dma_wait3A_135] : memref<10000x128xf32, #tpu.memory_space<vmem_shared>> -> memref<80x128xf32, #tpu.memory_space<vmem_shared>>
        %dma_wait3A_137 = arith.constant 0 : i32
        %dma_wait3A_138 = arith.constant 0 : i32
        %dma_wait3A_139 = tpu.memref_slice %arg6[%dma_wait3A_137, %dma_wait3A_138] : memref<256x128xf32, #tpu.memory_space<vmem>> -> memref<80x128xf32, #tpu.memory_space<vmem>>
        tpu.wait_dma2 semaphore(%run_scoped3A : memref<!tpu.dma_semaphore, #tpu.memory_space<semaphore_mem>>) src(%dma_wait3A_139 : memref<80x128xf32, #tpu.memory_space<vmem>>) dst(%dma_wait3A_136 : memref<80x128xf32, #tpu.memory_space<vmem_shared>>)
        tpu.yield
      }) : () -> ()
    } else {
    }
    "tpu.region"() ({
      %run_scoped3A = tpu.sem_alloc : memref<!tpu.dma_semaphore, #tpu.memory_space<semaphore_mem>>
      %dma_start3A = arith.constant 0 : i32
      %dma_start3A_120 = arith.constant 0 : i32
      %dma_start3A_121 = tpu.memref_slice %arg3[%add3A, %dma_start3A, %dma_start3A_120] : memref<32x79x128xi32, #tpu.memory_space<hbm>> -> memref<1x79x128xi32, #tpu.memory_space<hbm>>
      %dma_start3A_122 = tpu.memref_squeeze %dma_start3A_121 : memref<1x79x128xi32, #tpu.memory_space<hbm>> -> memref<79x128xi32, #tpu.memory_space<hbm>>
      %dma_start3A_123 = arith.constant 0 : i32
      %dma_start3A_124 = arith.constant 0 : i32
      %dma_start3A_125 = tpu.memref_slice %arg3[%add3A, %dma_start3A_123, %dma_start3A_124] : memref<32x79x128xi32, #tpu.memory_space<hbm>> -> memref<1x79x128xi32, #tpu.memory_space<hbm>>
      %dma_start3A_126 = tpu.memref_squeeze %dma_start3A_125 : memref<1x79x128xi32, #tpu.memory_space<hbm>> -> memref<79x128xi32, #tpu.memory_space<hbm>>
      tpu.enqueue_dma source(%dma_start3A_126 : memref<79x128xi32, #tpu.memory_space<hbm>>) target(%arg5 : memref<79x128xi32, #tpu.memory_space<vmem>>) target_semaphore(%run_scoped3A : memref<!tpu.dma_semaphore, #tpu.memory_space<semaphore_mem>>)
      %dma_wait3A = arith.constant 0 : i32
      %dma_wait3A_127 = arith.constant 0 : i32
      %dma_wait3A_128 = tpu.memref_slice %arg3[%add3A, %dma_wait3A, %dma_wait3A_127] : memref<32x79x128xi32, #tpu.memory_space<hbm>> -> memref<1x79x128xi32, #tpu.memory_space<hbm>>
      %dma_wait3A_129 = tpu.memref_squeeze %dma_wait3A_128 : memref<1x79x128xi32, #tpu.memory_space<hbm>> -> memref<79x128xi32, #tpu.memory_space<hbm>>
      %dma_wait3A_130 = arith.constant 0 : i32
      %dma_wait3A_131 = arith.constant 0 : i32
      %dma_wait3A_132 = tpu.memref_slice %arg3[%add3A, %dma_wait3A_130, %dma_wait3A_131] : memref<32x79x128xi32, #tpu.memory_space<hbm>> -> memref<1x79x128xi32, #tpu.memory_space<hbm>>
      %dma_wait3A_133 = tpu.memref_squeeze %dma_wait3A_132 : memref<1x79x128xi32, #tpu.memory_space<hbm>> -> memref<79x128xi32, #tpu.memory_space<hbm>>
      tpu.wait_dma2 semaphore(%run_scoped3A : memref<!tpu.dma_semaphore, #tpu.memory_space<semaphore_mem>>) src(%dma_wait3A_133 : memref<79x128xi32, #tpu.memory_space<hbm>>) dst(%arg5 : memref<79x128xi32, #tpu.memory_space<vmem>>)
      tpu.yield
    }) : () -> ()
    %barrier3A = arith.constant 0 : index
    tpu.barrier barrier_id(%barrier3A)
    %scan3A = arith.constant 0 : i32
    %scan3A_59 = arith.constant 40 : i32
    %scan3A_60 = arith.addi %scan3A, %scan3A_59 : i32
    %scan3A_61 = arith.constant 1 : i32
    scf.for %scan3A_120 = %scan3A to %scan3A_60 step %scan3A_61  : i32 {
      %mul3A_121 = arith.constant 2 : i32
      %mul3A_122 = arith.muli %scan3A_120, %mul3A_121 : i32
      %add3A_123 = arith.constant 0 : i32
      %add3A_124 = arith.addi %add3A_123, %mul3A_122 : i32
      %mul3A_125 = arith.constant 32 : i32
      %mul3A_126 = arith.muli %add3A_124, %mul3A_125 : i32
      %add3A_127 = arith.addi %mul3A_126, %add3A : i32
      %lt3A_128 = arith.constant 79 : i32
      %lt3A_129 = arith.cmpi slt, %add3A_124, %lt3A_128 : i32
      %lt3A_130 = arith.constant 2500 : i32
      %lt3A_131 = arith.cmpi slt, %add3A_127, %lt3A_130 : i32
      %and3A = arith.andi %lt3A_129, %lt3A_131 : i1
      %convert_element_type3A_132 = arith.extui %and3A : i1 to i32
      %cond3A_133 = arith.constant 0 : i32
      %cond3A_134 = arith.cmpi ne, %convert_element_type3A_132, %cond3A_133 : i32
      scf.if %cond3A_134 {
        %mul3A_176 = arith.constant 128 : i32
        %mul3A_177 = arith.muli %add3A_127, %mul3A_176 : i32
        %dma_start3A = arith.constant 0 : i32
        %dma_start3A_178 = arith.constant 0 : i32
        %dma_start3A_179 = tpu.memref_slice %arg6[%dma_start3A, %dma_start3A_178] : memref<256x128xf32, #tpu.memory_space<vmem>> -> memref<128x128xf32, #tpu.memory_space<vmem>>
        %dma_start3A_180 = arith.constant 0 : i32
        %dma_start3A_181 = tpu.memref_slice %arg2[%mul3A_177, %dma_start3A_180] : memref<320000x128xf32, #tpu.memory_space<hbm>> -> memref<128x128xf32, #tpu.memory_space<hbm>>
        %dma_start3A_182 = arith.constant 0 : i32
        %dma_start3A_183 = arith.constant 0 : i32
        %dma_start3A_184 = tpu.memref_slice %arg6[%dma_start3A_182, %dma_start3A_183] : memref<256x128xf32, #tpu.memory_space<vmem>> -> memref<128x128xf32, #tpu.memory_space<vmem>>
        %dma_start3A_185 = arith.constant 0 : i32
        %dma_start3A_186 = tpu.memref_slice %arg2[%mul3A_177, %dma_start3A_185] : memref<320000x128xf32, #tpu.memory_space<hbm>> -> memref<128x128xf32, #tpu.memory_space<hbm>>
        tpu.enqueue_dma source(%dma_start3A_186 : memref<128x128xf32, #tpu.memory_space<hbm>>) target(%dma_start3A_184 : memref<128x128xf32, #tpu.memory_space<vmem>>) target_semaphore(%arg8 : memref<!tpu.dma_semaphore, #tpu.memory_space<semaphore_mem>>)
      } else {
      }
      %sub3A = arith.constant 1 : i32
      %sub3A_135 = arith.subi %add3A_124, %sub3A : i32
      %mul3A_136 = arith.constant 32 : i32
      %mul3A_137 = arith.muli %sub3A_135, %mul3A_136 : i32
      %add3A_138 = arith.addi %mul3A_137, %add3A : i32
      %ge3A = arith.constant 0 : i32
      %ge3A_139 = arith.cmpi sge, %sub3A_135, %ge3A : i32
      %lt3A_140 = arith.constant 79 : i32
      %lt3A_141 = arith.cmpi slt, %sub3A_135, %lt3A_140 : i32
      %and3A_142 = arith.andi %ge3A_139, %lt3A_141 : i1
      %lt3A_143 = arith.constant 2500 : i32
      %lt3A_144 = arith.cmpi slt, %add3A_138, %lt3A_143 : i32
      %and3A_145 = arith.andi %and3A_142, %lt3A_144 : i1
      %convert_element_type3A_146 = arith.extui %and3A_145 : i1 to i32
      %cond3A_147 = arith.constant 0 : i32
      %cond3A_148 = arith.cmpi ne, %convert_element_type3A_146, %cond3A_147 : i32
      scf.if %cond3A_148 {
        %mul3A_176 = arith.constant 128 : i32
        %mul3A_177 = arith.muli %add3A_138, %mul3A_176 : i32
        %dma_wait3A = arith.constant 128 : i32
        %dma_wait3A_178 = arith.constant 0 : i32
        %dma_wait3A_179 = tpu.memref_slice %arg6[%dma_wait3A, %dma_wait3A_178] : memref<256x128xf32, #tpu.memory_space<vmem>> -> memref<128x128xf32, #tpu.memory_space<vmem>>
        %dma_wait3A_180 = arith.constant 0 : i32
        %dma_wait3A_181 = tpu.memref_slice %arg2[%mul3A_177, %dma_wait3A_180] : memref<320000x128xf32, #tpu.memory_space<hbm>> -> memref<128x128xf32, #tpu.memory_space<hbm>>
        %dma_wait3A_182 = arith.constant 128 : i32
        %dma_wait3A_183 = arith.constant 0 : i32
        %dma_wait3A_184 = tpu.memref_slice %arg6[%dma_wait3A_182, %dma_wait3A_183] : memref<256x128xf32, #tpu.memory_space<vmem>> -> memref<128x128xf32, #tpu.memory_space<vmem>>
        %dma_wait3A_185 = arith.constant 0 : i32
        %dma_wait3A_186 = tpu.memref_slice %arg2[%mul3A_177, %dma_wait3A_185] : memref<320000x128xf32, #tpu.memory_space<hbm>> -> memref<128x128xf32, #tpu.memory_space<hbm>>
        tpu.wait_dma2 semaphore(%arg9 : memref<!tpu.dma_semaphore, #tpu.memory_space<semaphore_mem>>) src(%dma_wait3A_186 : memref<128x128xf32, #tpu.memory_space<hbm>>) dst(%dma_wait3A_184 : memref<128x128xf32, #tpu.memory_space<vmem>>)
        "tpu.region"() ({
          %run_scoped3A = tpu.sem_alloc : memref<!tpu.dma_semaphore, #tpu.memory_space<semaphore_mem>>
          %dma_start3A = arith.constant 128 : i32
          %dma_start3A_187 = arith.constant 0 : i32
          %dma_start3A_188 = tpu.memref_slice %arg6[%dma_start3A, %dma_start3A_187] : memref<256x128xf32, #tpu.memory_space<vmem>> -> memref<128x128xf32, #tpu.memory_space<vmem>>
          %dma_start3A_189 = arith.constant 0 : i32
          %dma_start3A_190 = tpu.memref_slice %arg5[%sub3A_135, %dma_start3A_189] : memref<79x128xi32, #tpu.memory_space<vmem>> -> memref<1x128xi32, #tpu.memory_space<vmem>>
          %dma_start3A_191 = tpu.memref_squeeze %dma_start3A_190 : memref<1x128xi32, #tpu.memory_space<vmem>> -> memref<128xi32, #tpu.memory_space<vmem>>
          %dma_start3A_192 = arith.constant 0 : i32
          %dma_start3A_193 = arith.constant 0 : i32
          %dma_start3A_194 = tpu.memref_slice %arg7[%dma_start3A_192, %dma_start3A_193] : memref<10000x128xf32, #tpu.memory_space<vmem_shared>> -> memref<10000x128xf32, #tpu.memory_space<vmem_shared>>
          tpu.enqueue_indirect_dma source(%dma_start3A_188 : memref<128x128xf32, #tpu.memory_space<vmem>>) target(%dma_start3A_194 : memref<10000x128xf32, #tpu.memory_space<vmem_shared>>) offsets(%dma_start3A_191 : memref<128xi32, #tpu.memory_space<vmem>>) semaphore(%run_scoped3A : memref<!tpu.dma_semaphore, #tpu.memory_space<semaphore_mem>>) {add = true}
          %dma_wait3A_195 = arith.constant 128 : i32
          %dma_wait3A_196 = arith.constant 0 : i32
          %dma_wait3A_197 = tpu.memref_slice %arg6[%dma_wait3A_195, %dma_wait3A_196] : memref<256x128xf32, #tpu.memory_space<vmem>> -> memref<128x128xf32, #tpu.memory_space<vmem>>
          %dma_wait3A_198 = arith.constant 0 : i32
          %dma_wait3A_199 = tpu.memref_slice %arg5[%sub3A_135, %dma_wait3A_198] : memref<79x128xi32, #tpu.memory_space<vmem>> -> memref<1x128xi32, #tpu.memory_space<vmem>>
          %dma_wait3A_200 = tpu.memref_squeeze %dma_wait3A_199 : memref<1x128xi32, #tpu.memory_space<vmem>> -> memref<128xi32, #tpu.memory_space<vmem>>
          %dma_wait3A_201 = arith.constant 0 : i32
          %dma_wait3A_202 = arith.constant 0 : i32
          %dma_wait3A_203 = tpu.memref_slice %arg7[%dma_wait3A_201, %dma_wait3A_202] : memref<10000x128xf32, #tpu.memory_space<vmem_shared>> -> memref<10000x128xf32, #tpu.memory_space<vmem_shared>>
          tpu.wait_indirect_dma semaphore(%run_scoped3A : memref<!tpu.dma_semaphore, #tpu.memory_space<semaphore_mem>>) src(%dma_wait3A_197 : memref<128x128xf32, #tpu.memory_space<vmem>>) dst(%dma_wait3A_203 : memref<10000x128xf32, #tpu.memory_space<vmem_shared>>)
          tpu.yield
        }) : () -> ()
      } else {
      }
      %add3A_149 = arith.constant 1 : i32
      %add3A_150 = arith.addi %add3A_124, %add3A_149 : i32
      %mul3A_151 = arith.constant 32 : i32
      %mul3A_152 = arith.muli %add3A_150, %mul3A_151 : i32
      %add3A_153 = arith.addi %mul3A_152, %add3A : i32
      %lt3A_154 = arith.constant 79 : i32
      %lt3A_155 = arith.cmpi slt, %add3A_150, %lt3A_154 : i32
      %lt3A_156 = arith.constant 2500 : i32
      %lt3A_157 = arith.cmpi slt, %add3A_153, %lt3A_156 : i32
      %and3A_158 = arith.andi %lt3A_155, %lt3A_157 : i1
      %convert_element_type3A_159 = arith.extui %and3A_158 : i1 to i32
      %cond3A_160 = arith.constant 0 : i32
      %cond3A_161 = arith.cmpi ne, %convert_element_type3A_159, %cond3A_160 : i32
      scf.if %cond3A_161 {
        %mul3A_176 = arith.constant 128 : i32
        %mul3A_177 = arith.muli %add3A_153, %mul3A_176 : i32
        %dma_start3A = arith.constant 128 : i32
        %dma_start3A_178 = arith.constant 0 : i32
        %dma_start3A_179 = tpu.memref_slice %arg6[%dma_start3A, %dma_start3A_178] : memref<256x128xf32, #tpu.memory_space<vmem>> -> memref<128x128xf32, #tpu.memory_space<vmem>>
        %dma_start3A_180 = arith.constant 0 : i32
        %dma_start3A_181 = tpu.memref_slice %arg2[%mul3A_177, %dma_start3A_180] : memref<320000x128xf32, #tpu.memory_space<hbm>> -> memref<128x128xf32, #tpu.memory_space<hbm>>
        %dma_start3A_182 = arith.constant 128 : i32
        %dma_start3A_183 = arith.constant 0 : i32
        %dma_start3A_184 = tpu.memref_slice %arg6[%dma_start3A_182, %dma_start3A_183] : memref<256x128xf32, #tpu.memory_space<vmem>> -> memref<128x128xf32, #tpu.memory_space<vmem>>
        %dma_start3A_185 = arith.constant 0 : i32
        %dma_start3A_186 = tpu.memref_slice %arg2[%mul3A_177, %dma_start3A_185] : memref<320000x128xf32, #tpu.memory_space<hbm>> -> memref<128x128xf32, #tpu.memory_space<hbm>>
        tpu.enqueue_dma source(%dma_start3A_186 : memref<128x128xf32, #tpu.memory_space<hbm>>) target(%dma_start3A_184 : memref<128x128xf32, #tpu.memory_space<vmem>>) target_semaphore(%arg9 : memref<!tpu.dma_semaphore, #tpu.memory_space<semaphore_mem>>)
      } else {
      }
      %mul3A_162 = arith.constant 32 : i32
      %mul3A_163 = arith.muli %add3A_124, %mul3A_162 : i32
      %add3A_164 = arith.addi %mul3A_163, %add3A : i32
      %ge3A_165 = arith.constant 0 : i32
      %ge3A_166 = arith.cmpi sge, %add3A_124, %ge3A_165 : i32
      %lt3A_167 = arith.constant 79 : i32
      %lt3A_168 = arith.cmpi slt, %add3A_124, %lt3A_167 : i32
      %and3A_169 = arith.andi %ge3A_166, %lt3A_168 : i1
      %lt3A_170 = arith.constant 2500 : i32
      %lt3A_171 = arith.cmpi slt, %add3A_164, %lt3A_170 : i32
      %and3A_172 = arith.andi %and3A_169, %lt3A_171 : i1
      %convert_element_type3A_173 = arith.extui %and3A_172 : i1 to i32
      %cond3A_174 = arith.constant 0 : i32
      %cond3A_175 = arith.cmpi ne, %convert_element_type3A_173, %cond3A_174 : i32
      scf.if %cond3A_175 {
        %mul3A_176 = arith.constant 128 : i32
        %mul3A_177 = arith.muli %add3A_164, %mul3A_176 : i32
        %dma_wait3A = arith.constant 0 : i32
        %dma_wait3A_178 = arith.constant 0 : i32
        %dma_wait3A_179 = tpu.memref_slice %arg6[%dma_wait3A, %dma_wait3A_178] : memref<256x128xf32, #tpu.memory_space<vmem>> -> memref<128x128xf32, #tpu.memory_space<vmem>>
        %dma_wait3A_180 = arith.constant 0 : i32
        %dma_wait3A_181 = tpu.memref_slice %arg2[%mul3A_177, %dma_wait3A_180] : memref<320000x128xf32, #tpu.memory_space<hbm>> -> memref<128x128xf32, #tpu.memory_space<hbm>>
        %dma_wait3A_182 = arith.constant 0 : i32
        %dma_wait3A_183 = arith.constant 0 : i32
        %dma_wait3A_184 = tpu.memref_slice %arg6[%dma_wait3A_182, %dma_wait3A_183] : memref<256x128xf32, #tpu.memory_space<vmem>> -> memref<128x128xf32, #tpu.memory_space<vmem>>
        %dma_wait3A_185 = arith.constant 0 : i32
        %dma_wait3A_186 = tpu.memref_slice %arg2[%mul3A_177, %dma_wait3A_185] : memref<320000x128xf32, #tpu.memory_space<hbm>> -> memref<128x128xf32, #tpu.memory_space<hbm>>
        tpu.wait_dma2 semaphore(%arg8 : memref<!tpu.dma_semaphore, #tpu.memory_space<semaphore_mem>>) src(%dma_wait3A_186 : memref<128x128xf32, #tpu.memory_space<hbm>>) dst(%dma_wait3A_184 : memref<128x128xf32, #tpu.memory_space<vmem>>)
        "tpu.region"() ({
          %run_scoped3A = tpu.sem_alloc : memref<!tpu.dma_semaphore, #tpu.memory_space<semaphore_mem>>
          %dma_start3A = arith.constant 0 : i32
          %dma_start3A_187 = arith.constant 0 : i32
          %dma_start3A_188 = tpu.memref_slice %arg6[%dma_start3A, %dma_start3A_187] : memref<256x128xf32, #tpu.memory_space<vmem>> -> memref<128x128xf32, #tpu.memory_space<vmem>>
          %dma_start3A_189 = arith.constant 0 : i32
          %dma_start3A_190 = tpu.memref_slice %arg5[%add3A_124, %dma_start3A_189] : memref<79x128xi32, #tpu.memory_space<vmem>> -> memref<1x128xi32, #tpu.memory_space<vmem>>
          %dma_start3A_191 = tpu.memref_squeeze %dma_start3A_190 : memref<1x128xi32, #tpu.memory_space<vmem>> -> memref<128xi32, #tpu.memory_space<vmem>>
          %dma_start3A_192 = arith.constant 0 : i32
          %dma_start3A_193 = arith.constant 0 : i32
          %dma_start3A_194 = tpu.memref_slice %arg7[%dma_start3A_192, %dma_start3A_193] : memref<10000x128xf32, #tpu.memory_space<vmem_shared>> -> memref<10000x128xf32, #tpu.memory_space<vmem_shared>>
          tpu.enqueue_indirect_dma source(%dma_start3A_188 : memref<128x128xf32, #tpu.memory_space<vmem>>) target(%dma_start3A_194 : memref<10000x128xf32, #tpu.memory_space<vmem_shared>>) offsets(%dma_start3A_191 : memref<128xi32, #tpu.memory_space<vmem>>) semaphore(%run_scoped3A : memref<!tpu.dma_semaphore, #tpu.memory_space<semaphore_mem>>) {add = true}
          %dma_wait3A_195 = arith.constant 0 : i32
          %dma_wait3A_196 = arith.constant 0 : i32
          %dma_wait3A_197 = tpu.memref_slice %arg6[%dma_wait3A_195, %dma_wait3A_196] : memref<256x128xf32, #tpu.memory_space<vmem>> -> memref<128x128xf32, #tpu.memory_space<vmem>>
          %dma_wait3A_198 = arith.constant 0 : i32
          %dma_wait3A_199 = tpu.memref_slice %arg5[%add3A_124, %dma_wait3A_198] : memref<79x128xi32, #tpu.memory_space<vmem>> -> memref<1x128xi32, #tpu.memory_space<vmem>>
          %dma_wait3A_200 = tpu.memref_squeeze %dma_wait3A_199 : memref<1x128xi32, #tpu.memory_space<vmem>> -> memref<128xi32, #tpu.memory_space<vmem>>
          %dma_wait3A_201 = arith.constant 0 : i32
          %dma_wait3A_202 = arith.constant 0 : i32
          %dma_wait3A_203 = tpu.memref_slice %arg7[%dma_wait3A_201, %dma_wait3A_202] : memref<10000x128xf32, #tpu.memory_space<vmem_shared>> -> memref<10000x128xf32, #tpu.memory_space<vmem_shared>>
          tpu.wait_indirect_dma semaphore(%run_scoped3A : memref<!tpu.dma_semaphore, #tpu.memory_space<semaphore_mem>>) src(%dma_wait3A_197 : memref<128x128xf32, #tpu.memory_space<vmem>>) dst(%dma_wait3A_203 : memref<10000x128xf32, #tpu.memory_space<vmem_shared>>)
          tpu.yield
        }) : () -> ()
      } else {
      }
    }
    %scan3A_62 = arith.constant 40 : i32
    %barrier3A_63 = arith.constant 0 : index
    tpu.barrier barrier_id(%barrier3A_63)
    %add3A_64 = arith.constant 0 : i32
    %add3A_65 = arith.addi %add3A_64, %arg1 : i32
    %lt3A_66 = arith.constant 125 : i32
    %lt3A_67 = arith.cmpi slt, %add3A_65, %lt3A_66 : i32
    %convert_element_type3A_68 = arith.extui %lt3A_67 : i1 to i32
    %cond3A_69 = arith.constant 0 : i32
    %cond3A_70 = arith.cmpi ne, %convert_element_type3A_68, %cond3A_69 : i32
    scf.if %cond3A_70 {
      %mul3A_120 = arith.constant 80 : i32
      %mul3A_121 = arith.muli %add3A_65, %mul3A_120 : i32
      "tpu.region"() ({
        %run_scoped3A = tpu.sem_alloc : memref<!tpu.dma_semaphore, #tpu.memory_space<semaphore_mem>>
        %dma_start3A = arith.constant 0 : i32
        %dma_start3A_122 = tpu.memref_slice %arg4[%arg0, %mul3A_121, %dma_start3A] : memref<2x10000x128xf32, #tpu.memory_space<hbm>> -> memref<1x80x128xf32, #tpu.memory_space<hbm>>
        %dma_start3A_123 = tpu.memref_squeeze %dma_start3A_122 : memref<1x80x128xf32, #tpu.memory_space<hbm>> -> memref<80x128xf32, #tpu.memory_space<hbm>>
        %dma_start3A_124 = arith.constant 0 : i32
        %dma_start3A_125 = tpu.memref_slice %arg7[%mul3A_121, %dma_start3A_124] : memref<10000x128xf32, #tpu.memory_space<vmem_shared>> -> memref<80x128xf32, #tpu.memory_space<vmem_shared>>
        tpu.enqueue_dma source(%dma_start3A_125 : memref<80x128xf32, #tpu.memory_space<vmem_shared>>) target(%dma_start3A_123 : memref<80x128xf32, #tpu.memory_space<hbm>>) target_semaphore(%run_scoped3A : memref<!tpu.dma_semaphore, #tpu.memory_space<semaphore_mem>>)
        %dma_wait3A = arith.constant 0 : i32
        %dma_wait3A_126 = tpu.memref_slice %arg4[%arg0, %mul3A_121, %dma_wait3A] : memref<2x10000x128xf32, #tpu.memory_space<hbm>> -> memref<1x80x128xf32, #tpu.memory_space<hbm>>
        %dma_wait3A_127 = tpu.memref_squeeze %dma_wait3A_126 : memref<1x80x128xf32, #tpu.memory_space<hbm>> -> memref<80x128xf32, #tpu.memory_space<hbm>>
        %dma_wait3A_128 = arith.constant 0 : i32
        %dma_wait3A_129 = tpu.memref_slice %arg7[%mul3A_121, %dma_wait3A_128] : memref<10000x128xf32, #tpu.memory_space<vmem_shared>> -> memref<80x128xf32, #tpu.memory_space<vmem_shared>>
        tpu.wait_dma2 semaphore(%run_scoped3A : memref<!tpu.dma_semaphore, #tpu.memory_space<semaphore_mem>>) src(%dma_wait3A_129 : memref<80x128xf32, #tpu.memory_space<vmem_shared>>) dst(%dma_wait3A_127 : memref<80x128xf32, #tpu.memory_space<hbm>>)
        tpu.yield
      }) : () -> ()
    } else {
    }
    %add3A_71 = arith.constant 16 : i32
    %add3A_72 = arith.addi %add3A_71, %arg1 : i32
    %lt3A_73 = arith.constant 125 : i32
    %lt3A_74 = arith.cmpi slt, %add3A_72, %lt3A_73 : i32
    %convert_element_type3A_75 = arith.extui %lt3A_74 : i1 to i32
    %cond3A_76 = arith.constant 0 : i32
    %cond3A_77 = arith.cmpi ne, %convert_element_type3A_75, %cond3A_76 : i32
    scf.if %cond3A_77 {
      %mul3A_120 = arith.constant 80 : i32
      %mul3A_121 = arith.muli %add3A_72, %mul3A_120 : i32
      "tpu.region"() ({
        %run_scoped3A = tpu.sem_alloc : memref<!tpu.dma_semaphore, #tpu.memory_space<semaphore_mem>>
        %dma_start3A = arith.constant 0 : i32
        %dma_start3A_122 = tpu.memref_slice %arg4[%arg0, %mul3A_121, %dma_start3A] : memref<2x10000x128xf32, #tpu.memory_space<hbm>> -> memref<1x80x128xf32, #tpu.memory_space<hbm>>
        %dma_start3A_123 = tpu.memref_squeeze %dma_start3A_122 : memref<1x80x128xf32, #tpu.memory_space<hbm>> -> memref<80x128xf32, #tpu.memory_space<hbm>>
        %dma_start3A_124 = arith.constant 0 : i32
        %dma_start3A_125 = tpu.memref_slice %arg7[%mul3A_121, %dma_start3A_124] : memref<10000x128xf32, #tpu.memory_space<vmem_shared>> -> memref<80x128xf32, #tpu.memory_space<vmem_shared>>
        tpu.enqueue_dma source(%dma_start3A_125 : memref<80x128xf32, #tpu.memory_space<vmem_shared>>) target(%dma_start3A_123 : memref<80x128xf32, #tpu.memory_space<hbm>>) target_semaphore(%run_scoped3A : memref<!tpu.dma_semaphore, #tpu.memory_space<semaphore_mem>>)
        %dma_wait3A = arith.constant 0 : i32
        %dma_wait3A_126 = tpu.memref_slice %arg4[%arg0, %mul3A_121, %dma_wait3A] : memref<2x10000x128xf32, #tpu.memory_space<hbm>> -> memref<1x80x128xf32, #tpu.memory_space<hbm>>
        %dma_wait3A_127 = tpu.memref_squeeze %dma_wait3A_126 : memref<1x80x128xf32, #tpu.memory_space<hbm>> -> memref<80x128xf32, #tpu.memory_space<hbm>>
        %dma_wait3A_128 = arith.constant 0 : i32
        %dma_wait3A_129 = tpu.memref_slice %arg7[%mul3A_121, %dma_wait3A_128] : memref<10000x128xf32, #tpu.memory_space<vmem_shared>> -> memref<80x128xf32, #tpu.memory_space<vmem_shared>>
        tpu.wait_dma2 semaphore(%run_scoped3A : memref<!tpu.dma_semaphore, #tpu.memory_space<semaphore_mem>>) src(%dma_wait3A_129 : memref<80x128xf32, #tpu.memory_space<vmem_shared>>) dst(%dma_wait3A_127 : memref<80x128xf32, #tpu.memory_space<hbm>>)
        tpu.yield
      }) : () -> ()
    } else {
    }
    %add3A_78 = arith.constant 32 : i32
    %add3A_79 = arith.addi %add3A_78, %arg1 : i32
    %lt3A_80 = arith.constant 125 : i32
    %lt3A_81 = arith.cmpi slt, %add3A_79, %lt3A_80 : i32
    %convert_element_type3A_82 = arith.extui %lt3A_81 : i1 to i32
    %cond3A_83 = arith.constant 0 : i32
    %cond3A_84 = arith.cmpi ne, %convert_element_type3A_82, %cond3A_83 : i32
    scf.if %cond3A_84 {
      %mul3A_120 = arith.constant 80 : i32
      %mul3A_121 = arith.muli %add3A_79, %mul3A_120 : i32
      "tpu.region"() ({
        %run_scoped3A = tpu.sem_alloc : memref<!tpu.dma_semaphore, #tpu.memory_space<semaphore_mem>>
        %dma_start3A = arith.constant 0 : i32
        %dma_start3A_122 = tpu.memref_slice %arg4[%arg0, %mul3A_121, %dma_start3A] : memref<2x10000x128xf32, #tpu.memory_space<hbm>> -> memref<1x80x128xf32, #tpu.memory_space<hbm>>
        %dma_start3A_123 = tpu.memref_squeeze %dma_start3A_122 : memref<1x80x128xf32, #tpu.memory_space<hbm>> -> memref<80x128xf32, #tpu.memory_space<hbm>>
        %dma_start3A_124 = arith.constant 0 : i32
        %dma_start3A_125 = tpu.memref_slice %arg7[%mul3A_121, %dma_start3A_124] : memref<10000x128xf32, #tpu.memory_space<vmem_shared>> -> memref<80x128xf32, #tpu.memory_space<vmem_shared>>
        tpu.enqueue_dma source(%dma_start3A_125 : memref<80x128xf32, #tpu.memory_space<vmem_shared>>) target(%dma_start3A_123 : memref<80x128xf32, #tpu.memory_space<hbm>>) target_semaphore(%run_scoped3A : memref<!tpu.dma_semaphore, #tpu.memory_space<semaphore_mem>>)
        %dma_wait3A = arith.constant 0 : i32
        %dma_wait3A_126 = tpu.memref_slice %arg4[%arg0, %mul3A_121, %dma_wait3A] : memref<2x10000x128xf32, #tpu.memory_space<hbm>> -> memref<1x80x128xf32, #tpu.memory_space<hbm>>
        %dma_wait3A_127 = tpu.memref_squeeze %dma_wait3A_126 : memref<1x80x128xf32, #tpu.memory_space<hbm>> -> memref<80x128xf32, #tpu.memory_space<hbm>>
        %dma_wait3A_128 = arith.constant 0 : i32
        %dma_wait3A_129 = tpu.memref_slice %arg7[%mul3A_121, %dma_wait3A_128] : memref<10000x128xf32, #tpu.memory_space<vmem_shared>> -> memref<80x128xf32, #tpu.memory_space<vmem_shared>>
        tpu.wait_dma2 semaphore(%run_scoped3A : memref<!tpu.dma_semaphore, #tpu.memory_space<semaphore_mem>>) src(%dma_wait3A_129 : memref<80x128xf32, #tpu.memory_space<vmem_shared>>) dst(%dma_wait3A_127 : memref<80x128xf32, #tpu.memory_space<hbm>>)
        tpu.yield
      }) : () -> ()
    } else {
    }
    %add3A_85 = arith.constant 48 : i32
    %add3A_86 = arith.addi %add3A_85, %arg1 : i32
    %lt3A_87 = arith.constant 125 : i32
    %lt3A_88 = arith.cmpi slt, %add3A_86, %lt3A_87 : i32
    %convert_element_type3A_89 = arith.extui %lt3A_88 : i1 to i32
    %cond3A_90 = arith.constant 0 : i32
    %cond3A_91 = arith.cmpi ne, %convert_element_type3A_89, %cond3A_90 : i32
    scf.if %cond3A_91 {
      %mul3A_120 = arith.constant 80 : i32
      %mul3A_121 = arith.muli %add3A_86, %mul3A_120 : i32
      "tpu.region"() ({
        %run_scoped3A = tpu.sem_alloc : memref<!tpu.dma_semaphore, #tpu.memory_space<semaphore_mem>>
        %dma_start3A = arith.constant 0 : i32
        %dma_start3A_122 = tpu.memref_slice %arg4[%arg0, %mul3A_121, %dma_start3A] : memref<2x10000x128xf32, #tpu.memory_space<hbm>> -> memref<1x80x128xf32, #tpu.memory_space<hbm>>
        %dma_start3A_123 = tpu.memref_squeeze %dma_start3A_122 : memref<1x80x128xf32, #tpu.memory_space<hbm>> -> memref<80x128xf32, #tpu.memory_space<hbm>>
        %dma_start3A_124 = arith.constant 0 : i32
        %dma_start3A_125 = tpu.memref_slice %arg7[%mul3A_121, %dma_start3A_124] : memref<10000x128xf32, #tpu.memory_space<vmem_shared>> -> memref<80x128xf32, #tpu.memory_space<vmem_shared>>
        tpu.enqueue_dma source(%dma_start3A_125 : memref<80x128xf32, #tpu.memory_space<vmem_shared>>) target(%dma_start3A_123 : memref<80x128xf32, #tpu.memory_space<hbm>>) target_semaphore(%run_scoped3A : memref<!tpu.dma_semaphore, #tpu.memory_space<semaphore_mem>>)
        %dma_wait3A = arith.constant 0 : i32
        %dma_wait3A_126 = tpu.memref_slice %arg4[%arg0, %mul3A_121, %dma_wait3A] : memref<2x10000x128xf32, #tpu.memory_space<hbm>> -> memref<1x80x128xf32, #tpu.memory_space<hbm>>
        %dma_wait3A_127 = tpu.memref_squeeze %dma_wait3A_126 : memref<1x80x128xf32, #tpu.memory_space<hbm>> -> memref<80x128xf32, #tpu.memory_space<hbm>>
        %dma_wait3A_128 = arith.constant 0 : i32
        %dma_wait3A_129 = tpu.memref_slice %arg7[%mul3A_121, %dma_wait3A_128] : memref<10000x128xf32, #tpu.memory_space<vmem_shared>> -> memref<80x128xf32, #tpu.memory_space<vmem_shared>>
        tpu.wait_dma2 semaphore(%run_scoped3A : memref<!tpu.dma_semaphore, #tpu.memory_space<semaphore_mem>>) src(%dma_wait3A_129 : memref<80x128xf32, #tpu.memory_space<vmem_shared>>) dst(%dma_wait3A_127 : memref<80x128xf32, #tpu.memory_space<hbm>>)
        tpu.yield
      }) : () -> ()
    } else {
    }
    %add3A_92 = arith.constant 64 : i32
    %add3A_93 = arith.addi %add3A_92, %arg1 : i32
    %lt3A_94 = arith.constant 125 : i32
    %lt3A_95 = arith.cmpi slt, %add3A_93, %lt3A_94 : i32
    %convert_element_type3A_96 = arith.extui %lt3A_95 : i1 to i32
    %cond3A_97 = arith.constant 0 : i32
    %cond3A_98 = arith.cmpi ne, %convert_element_type3A_96, %cond3A_97 : i32
    scf.if %cond3A_98 {
      %mul3A_120 = arith.constant 80 : i32
      %mul3A_121 = arith.muli %add3A_93, %mul3A_120 : i32
      "tpu.region"() ({
        %run_scoped3A = tpu.sem_alloc : memref<!tpu.dma_semaphore, #tpu.memory_space<semaphore_mem>>
        %dma_start3A = arith.constant 0 : i32
        %dma_start3A_122 = tpu.memref_slice %arg4[%arg0, %mul3A_121, %dma_start3A] : memref<2x10000x128xf32, #tpu.memory_space<hbm>> -> memref<1x80x128xf32, #tpu.memory_space<hbm>>
        %dma_start3A_123 = tpu.memref_squeeze %dma_start3A_122 : memref<1x80x128xf32, #tpu.memory_space<hbm>> -> memref<80x128xf32, #tpu.memory_space<hbm>>
        %dma_start3A_124 = arith.constant 0 : i32
        %dma_start3A_125 = tpu.memref_slice %arg7[%mul3A_121, %dma_start3A_124] : memref<10000x128xf32, #tpu.memory_space<vmem_shared>> -> memref<80x128xf32, #tpu.memory_space<vmem_shared>>
        tpu.enqueue_dma source(%dma_start3A_125 : memref<80x128xf32, #tpu.memory_space<vmem_shared>>) target(%dma_start3A_123 : memref<80x128xf32, #tpu.memory_space<hbm>>) target_semaphore(%run_scoped3A : memref<!tpu.dma_semaphore, #tpu.memory_space<semaphore_mem>>)
        %dma_wait3A = arith.constant 0 : i32
        %dma_wait3A_126 = tpu.memref_slice %arg4[%arg0, %mul3A_121, %dma_wait3A] : memref<2x10000x128xf32, #tpu.memory_space<hbm>> -> memref<1x80x128xf32, #tpu.memory_space<hbm>>
        %dma_wait3A_127 = tpu.memref_squeeze %dma_wait3A_126 : memref<1x80x128xf32, #tpu.memory_space<hbm>> -> memref<80x128xf32, #tpu.memory_space<hbm>>
        %dma_wait3A_128 = arith.constant 0 : i32
        %dma_wait3A_129 = tpu.memref_slice %arg7[%mul3A_121, %dma_wait3A_128] : memref<10000x128xf32, #tpu.memory_space<vmem_shared>> -> memref<80x128xf32, #tpu.memory_space<vmem_shared>>
        tpu.wait_dma2 semaphore(%run_scoped3A : memref<!tpu.dma_semaphore, #tpu.memory_space<semaphore_mem>>) src(%dma_wait3A_129 : memref<80x128xf32, #tpu.memory_space<vmem_shared>>) dst(%dma_wait3A_127 : memref<80x128xf32, #tpu.memory_space<hbm>>)
        tpu.yield
      }) : () -> ()
    } else {
    }
    %add3A_99 = arith.constant 80 : i32
    %add3A_100 = arith.addi %add3A_99, %arg1 : i32
    %lt3A_101 = arith.constant 125 : i32
    %lt3A_102 = arith.cmpi slt, %add3A_100, %lt3A_101 : i32
    %convert_element_type3A_103 = arith.extui %lt3A_102 : i1 to i32
    %cond3A_104 = arith.constant 0 : i32
    %cond3A_105 = arith.cmpi ne, %convert_element_type3A_103, %cond3A_104 : i32
    scf.if %cond3A_105 {
      %mul3A_120 = arith.constant 80 : i32
      %mul3A_121 = arith.muli %add3A_100, %mul3A_120 : i32
      "tpu.region"() ({
        %run_scoped3A = tpu.sem_alloc : memref<!tpu.dma_semaphore, #tpu.memory_space<semaphore_mem>>
        %dma_start3A = arith.constant 0 : i32
        %dma_start3A_122 = tpu.memref_slice %arg4[%arg0, %mul3A_121, %dma_start3A] : memref<2x10000x128xf32, #tpu.memory_space<hbm>> -> memref<1x80x128xf32, #tpu.memory_space<hbm>>
        %dma_start3A_123 = tpu.memref_squeeze %dma_start3A_122 : memref<1x80x128xf32, #tpu.memory_space<hbm>> -> memref<80x128xf32, #tpu.memory_space<hbm>>
        %dma_start3A_124 = arith.constant 0 : i32
        %dma_start3A_125 = tpu.memref_slice %arg7[%mul3A_121, %dma_start3A_124] : memref<10000x128xf32, #tpu.memory_space<vmem_shared>> -> memref<80x128xf32, #tpu.memory_space<vmem_shared>>
        tpu.enqueue_dma source(%dma_start3A_125 : memref<80x128xf32, #tpu.memory_space<vmem_shared>>) target(%dma_start3A_123 : memref<80x128xf32, #tpu.memory_space<hbm>>) target_semaphore(%run_scoped3A : memref<!tpu.dma_semaphore, #tpu.memory_space<semaphore_mem>>)
        %dma_wait3A = arith.constant 0 : i32
        %dma_wait3A_126 = tpu.memref_slice %arg4[%arg0, %mul3A_121, %dma_wait3A] : memref<2x10000x128xf32, #tpu.memory_space<hbm>> -> memref<1x80x128xf32, #tpu.memory_space<hbm>>
        %dma_wait3A_127 = tpu.memref_squeeze %dma_wait3A_126 : memref<1x80x128xf32, #tpu.memory_space<hbm>> -> memref<80x128xf32, #tpu.memory_space<hbm>>
        %dma_wait3A_128 = arith.constant 0 : i32
        %dma_wait3A_129 = tpu.memref_slice %arg7[%mul3A_121, %dma_wait3A_128] : memref<10000x128xf32, #tpu.memory_space<vmem_shared>> -> memref<80x128xf32, #tpu.memory_space<vmem_shared>>
        tpu.wait_dma2 semaphore(%run_scoped3A : memref<!tpu.dma_semaphore, #tpu.memory_space<semaphore_mem>>) src(%dma_wait3A_129 : memref<80x128xf32, #tpu.memory_space<vmem_shared>>) dst(%dma_wait3A_127 : memref<80x128xf32, #tpu.memory_space<hbm>>)
        tpu.yield
      }) : () -> ()
    } else {
    }
    %add3A_106 = arith.constant 96 : i32
    %add3A_107 = arith.addi %add3A_106, %arg1 : i32
    %lt3A_108 = arith.constant 125 : i32
    %lt3A_109 = arith.cmpi slt, %add3A_107, %lt3A_108 : i32
    %convert_element_type3A_110 = arith.extui %lt3A_109 : i1 to i32
    %cond3A_111 = arith.constant 0 : i32
    %cond3A_112 = arith.cmpi ne, %convert_element_type3A_110, %cond3A_111 : i32
    scf.if %cond3A_112 {
      %mul3A_120 = arith.constant 80 : i32
      %mul3A_121 = arith.muli %add3A_107, %mul3A_120 : i32
      "tpu.region"() ({
        %run_scoped3A = tpu.sem_alloc : memref<!tpu.dma_semaphore, #tpu.memory_space<semaphore_mem>>
        %dma_start3A = arith.constant 0 : i32
        %dma_start3A_122 = tpu.memref_slice %arg4[%arg0, %mul3A_121, %dma_start3A] : memref<2x10000x128xf32, #tpu.memory_space<hbm>> -> memref<1x80x128xf32, #tpu.memory_space<hbm>>
        %dma_start3A_123 = tpu.memref_squeeze %dma_start3A_122 : memref<1x80x128xf32, #tpu.memory_space<hbm>> -> memref<80x128xf32, #tpu.memory_space<hbm>>
        %dma_start3A_124 = arith.constant 0 : i32
        %dma_start3A_125 = tpu.memref_slice %arg7[%mul3A_121, %dma_start3A_124] : memref<10000x128xf32, #tpu.memory_space<vmem_shared>> -> memref<80x128xf32, #tpu.memory_space<vmem_shared>>
        tpu.enqueue_dma source(%dma_start3A_125 : memref<80x128xf32, #tpu.memory_space<vmem_shared>>) target(%dma_start3A_123 : memref<80x128xf32, #tpu.memory_space<hbm>>) target_semaphore(%run_scoped3A : memref<!tpu.dma_semaphore, #tpu.memory_space<semaphore_mem>>)
        %dma_wait3A = arith.constant 0 : i32
        %dma_wait3A_126 = tpu.memref_slice %arg4[%arg0, %mul3A_121, %dma_wait3A] : memref<2x10000x128xf32, #tpu.memory_space<hbm>> -> memref<1x80x128xf32, #tpu.memory_space<hbm>>
        %dma_wait3A_127 = tpu.memref_squeeze %dma_wait3A_126 : memref<1x80x128xf32, #tpu.memory_space<hbm>> -> memref<80x128xf32, #tpu.memory_space<hbm>>
        %dma_wait3A_128 = arith.constant 0 : i32
        %dma_wait3A_129 = tpu.memref_slice %arg7[%mul3A_121, %dma_wait3A_128] : memref<10000x128xf32, #tpu.memory_space<vmem_shared>> -> memref<80x128xf32, #tpu.memory_space<vmem_shared>>
        tpu.wait_dma2 semaphore(%run_scoped3A : memref<!tpu.dma_semaphore, #tpu.memory_space<semaphore_mem>>) src(%dma_wait3A_129 : memref<80x128xf32, #tpu.memory_space<vmem_shared>>) dst(%dma_wait3A_127 : memref<80x128xf32, #tpu.memory_space<hbm>>)
        tpu.yield
      }) : () -> ()
    } else {
    }
    %add3A_113 = arith.constant 112 : i32
    %add3A_114 = arith.addi %add3A_113, %arg1 : i32
    %lt3A_115 = arith.constant 125 : i32
    %lt3A_116 = arith.cmpi slt, %add3A_114, %lt3A_115 : i32
    %convert_element_type3A_117 = arith.extui %lt3A_116 : i1 to i32
    %cond3A_118 = arith.constant 0 : i32
    %cond3A_119 = arith.cmpi ne, %convert_element_type3A_117, %cond3A_118 : i32
    scf.if %cond3A_119 {
      %mul3A_120 = arith.constant 80 : i32
      %mul3A_121 = arith.muli %add3A_114, %mul3A_120 : i32
      "tpu.region"() ({
        %run_scoped3A = tpu.sem_alloc : memref<!tpu.dma_semaphore, #tpu.memory_space<semaphore_mem>>
        %dma_start3A = arith.constant 0 : i32
        %dma_start3A_122 = tpu.memref_slice %arg4[%arg0, %mul3A_121, %dma_start3A] : memref<2x10000x128xf32, #tpu.memory_space<hbm>> -> memref<1x80x128xf32, #tpu.memory_space<hbm>>
        %dma_start3A_123 = tpu.memref_squeeze %dma_start3A_122 : memref<1x80x128xf32, #tpu.memory_space<hbm>> -> memref<80x128xf32, #tpu.memory_space<hbm>>
        %dma_start3A_124 = arith.constant 0 : i32
        %dma_start3A_125 = tpu.memref_slice %arg7[%mul3A_121, %dma_start3A_124] : memref<10000x128xf32, #tpu.memory_space<vmem_shared>> -> memref<80x128xf32, #tpu.memory_space<vmem_shared>>
        tpu.enqueue_dma source(%dma_start3A_125 : memref<80x128xf32, #tpu.memory_space<vmem_shared>>) target(%dma_start3A_123 : memref<80x128xf32, #tpu.memory_space<hbm>>) target_semaphore(%run_scoped3A : memref<!tpu.dma_semaphore, #tpu.memory_space<semaphore_mem>>)
        %dma_wait3A = arith.constant 0 : i32
        %dma_wait3A_126 = tpu.memref_slice %arg4[%arg0, %mul3A_121, %dma_wait3A] : memref<2x10000x128xf32, #tpu.memory_space<hbm>> -> memref<1x80x128xf32, #tpu.memory_space<hbm>>
        %dma_wait3A_127 = tpu.memref_squeeze %dma_wait3A_126 : memref<1x80x128xf32, #tpu.memory_space<hbm>> -> memref<80x128xf32, #tpu.memory_space<hbm>>
        %dma_wait3A_128 = arith.constant 0 : i32
        %dma_wait3A_129 = tpu.memref_slice %arg7[%mul3A_121, %dma_wait3A_128] : memref<10000x128xf32, #tpu.memory_space<vmem_shared>> -> memref<80x128xf32, #tpu.memory_space<vmem_shared>>
        tpu.wait_dma2 semaphore(%run_scoped3A : memref<!tpu.dma_semaphore, #tpu.memory_space<semaphore_mem>>) src(%dma_wait3A_129 : memref<80x128xf32, #tpu.memory_space<vmem_shared>>) dst(%dma_wait3A_127 : memref<80x128xf32, #tpu.memory_space<hbm>>)
        tpu.yield
      }) : () -> ()
    } else {
    }
    return
  }
}

#map = affine_map<(d0, d1) -> (0, 0)>
#map1 = affine_map<(d0, d1) -> (0, 0, 0)>
module attributes {stable_mosaic.version = 14 : i64} {
  func.func @_sc_gather_s(%arg0: i32, %arg1: i32, %arg2: memref<20000x128xf32, #tpu.memory_space<hbm>>, %arg3: memref<32x79x128xi32, #tpu.memory_space<hbm>>, %arg4: memref<32x79x128xi32, #tpu.memory_space<hbm>>, %arg5: memref<320000x128xf32, #tpu.memory_space<hbm>>, %arg6: memref<79x128xi32, #tpu.memory_space<vmem>>, %arg7: memref<79x128xi32, #tpu.memory_space<vmem>>, %arg8: memref<256x128xf32, #tpu.memory_space<vmem>>, %arg9: memref<256x128xf32, #tpu.memory_space<vmem>>, %arg10: memref<!tpu.dma_semaphore, #tpu.memory_space<semaphore_mem>>, %arg11: memref<!tpu.dma_semaphore, #tpu.memory_space<semaphore_mem>>, %arg12: memref<!tpu.dma_semaphore, #tpu.memory_space<semaphore_mem>>, %arg13: memref<!tpu.dma_semaphore, #tpu.memory_space<semaphore_mem>>) attributes {dimension_semantics = [#tpu.dimension_semantics<core_parallel>, #tpu.dimension_semantics<subcore_parallel>], iteration_bounds = array<i64: 2, 16>, scalar_prefetch = 0 : i64, scratch_operands = 8 : i64, tpu.core_type = #tpu.core_type<sc_vector_subcore>, window_params = [{transform_indices = #map}, {transform_indices = #map1}, {transform_indices = #map1}, {transform_indices = #map}]} {
    %mul3A = arith.constant 2 : i32
    %mul3A_0 = arith.muli %arg1, %mul3A : i32
    %add3A = arith.addi %mul3A_0, %arg0 : i32
    "tpu.region"() ({
      %run_scoped3A = tpu.sem_alloc : memref<!tpu.dma_semaphore, #tpu.memory_space<semaphore_mem>>
      %dma_start3A = arith.constant 0 : i32
      %dma_start3A_28 = arith.constant 0 : i32
      %dma_start3A_29 = tpu.memref_slice %arg3[%add3A, %dma_start3A, %dma_start3A_28] : memref<32x79x128xi32, #tpu.memory_space<hbm>> -> memref<1x79x128xi32, #tpu.memory_space<hbm>>
      %dma_start3A_30 = tpu.memref_squeeze %dma_start3A_29 : memref<1x79x128xi32, #tpu.memory_space<hbm>> -> memref<79x128xi32, #tpu.memory_space<hbm>>
      %dma_start3A_31 = arith.constant 0 : i32
      %dma_start3A_32 = arith.constant 0 : i32
      %dma_start3A_33 = tpu.memref_slice %arg3[%add3A, %dma_start3A_31, %dma_start3A_32] : memref<32x79x128xi32, #tpu.memory_space<hbm>> -> memref<1x79x128xi32, #tpu.memory_space<hbm>>
      %dma_start3A_34 = tpu.memref_squeeze %dma_start3A_33 : memref<1x79x128xi32, #tpu.memory_space<hbm>> -> memref<79x128xi32, #tpu.memory_space<hbm>>
      tpu.enqueue_dma source(%dma_start3A_34 : memref<79x128xi32, #tpu.memory_space<hbm>>) target(%arg6 : memref<79x128xi32, #tpu.memory_space<vmem>>) target_semaphore(%run_scoped3A : memref<!tpu.dma_semaphore, #tpu.memory_space<semaphore_mem>>)
      %dma_wait3A_35 = arith.constant 0 : i32
      %dma_wait3A_36 = arith.constant 0 : i32
      %dma_wait3A_37 = tpu.memref_slice %arg3[%add3A, %dma_wait3A_35, %dma_wait3A_36] : memref<32x79x128xi32, #tpu.memory_space<hbm>> -> memref<1x79x128xi32, #tpu.memory_space<hbm>>
      %dma_wait3A_38 = tpu.memref_squeeze %dma_wait3A_37 : memref<1x79x128xi32, #tpu.memory_space<hbm>> -> memref<79x128xi32, #tpu.memory_space<hbm>>
      %dma_wait3A_39 = arith.constant 0 : i32
      %dma_wait3A_40 = arith.constant 0 : i32
      %dma_wait3A_41 = tpu.memref_slice %arg3[%add3A, %dma_wait3A_39, %dma_wait3A_40] : memref<32x79x128xi32, #tpu.memory_space<hbm>> -> memref<1x79x128xi32, #tpu.memory_space<hbm>>
      %dma_wait3A_42 = tpu.memref_squeeze %dma_wait3A_41 : memref<1x79x128xi32, #tpu.memory_space<hbm>> -> memref<79x128xi32, #tpu.memory_space<hbm>>
      tpu.wait_dma2 semaphore(%run_scoped3A : memref<!tpu.dma_semaphore, #tpu.memory_space<semaphore_mem>>) src(%dma_wait3A_42 : memref<79x128xi32, #tpu.memory_space<hbm>>) dst(%arg6 : memref<79x128xi32, #tpu.memory_space<vmem>>)
      tpu.yield
    }) : () -> ()
    "tpu.region"() ({
      %run_scoped3A = tpu.sem_alloc : memref<!tpu.dma_semaphore, #tpu.memory_space<semaphore_mem>>
      %dma_start3A = arith.constant 0 : i32
      %dma_start3A_28 = arith.constant 0 : i32
      %dma_start3A_29 = tpu.memref_slice %arg4[%add3A, %dma_start3A, %dma_start3A_28] : memref<32x79x128xi32, #tpu.memory_space<hbm>> -> memref<1x79x128xi32, #tpu.memory_space<hbm>>
      %dma_start3A_30 = tpu.memref_squeeze %dma_start3A_29 : memref<1x79x128xi32, #tpu.memory_space<hbm>> -> memref<79x128xi32, #tpu.memory_space<hbm>>
      %dma_start3A_31 = arith.constant 0 : i32
      %dma_start3A_32 = arith.constant 0 : i32
      %dma_start3A_33 = tpu.memref_slice %arg4[%add3A, %dma_start3A_31, %dma_start3A_32] : memref<32x79x128xi32, #tpu.memory_space<hbm>> -> memref<1x79x128xi32, #tpu.memory_space<hbm>>
      %dma_start3A_34 = tpu.memref_squeeze %dma_start3A_33 : memref<1x79x128xi32, #tpu.memory_space<hbm>> -> memref<79x128xi32, #tpu.memory_space<hbm>>
      tpu.enqueue_dma source(%dma_start3A_34 : memref<79x128xi32, #tpu.memory_space<hbm>>) target(%arg7 : memref<79x128xi32, #tpu.memory_space<vmem>>) target_semaphore(%run_scoped3A : memref<!tpu.dma_semaphore, #tpu.memory_space<semaphore_mem>>)
      %dma_wait3A_35 = arith.constant 0 : i32
      %dma_wait3A_36 = arith.constant 0 : i32
      %dma_wait3A_37 = tpu.memref_slice %arg4[%add3A, %dma_wait3A_35, %dma_wait3A_36] : memref<32x79x128xi32, #tpu.memory_space<hbm>> -> memref<1x79x128xi32, #tpu.memory_space<hbm>>
      %dma_wait3A_38 = tpu.memref_squeeze %dma_wait3A_37 : memref<1x79x128xi32, #tpu.memory_space<hbm>> -> memref<79x128xi32, #tpu.memory_space<hbm>>
      %dma_wait3A_39 = arith.constant 0 : i32
      %dma_wait3A_40 = arith.constant 0 : i32
      %dma_wait3A_41 = tpu.memref_slice %arg4[%add3A, %dma_wait3A_39, %dma_wait3A_40] : memref<32x79x128xi32, #tpu.memory_space<hbm>> -> memref<1x79x128xi32, #tpu.memory_space<hbm>>
      %dma_wait3A_42 = tpu.memref_squeeze %dma_wait3A_41 : memref<1x79x128xi32, #tpu.memory_space<hbm>> -> memref<79x128xi32, #tpu.memory_space<hbm>>
      tpu.wait_dma2 semaphore(%run_scoped3A : memref<!tpu.dma_semaphore, #tpu.memory_space<semaphore_mem>>) src(%dma_wait3A_42 : memref<79x128xi32, #tpu.memory_space<hbm>>) dst(%arg7 : memref<79x128xi32, #tpu.memory_space<vmem>>)
      tpu.yield
    }) : () -> ()
    %scan3A = arith.constant 0 : i32
    %scan3A_1 = arith.constant 40 : i32
    %scan3A_2 = arith.addi %scan3A, %scan3A_1 : i32
    %scan3A_3 = arith.constant 1 : i32
    scf.for %scan3A_28 = %scan3A to %scan3A_2 step %scan3A_3  : i32 {
      %mul3A_29 = arith.constant 2 : i32
      %mul3A_30 = arith.muli %scan3A_28, %mul3A_29 : i32
      %add3A_31 = arith.constant 0 : i32
      %add3A_32 = arith.addi %add3A_31, %mul3A_30 : i32
      %mul3A_33 = arith.constant 32 : i32
      %mul3A_34 = arith.muli %add3A_32, %mul3A_33 : i32
      %add3A_35 = arith.addi %mul3A_34, %add3A : i32
      %lt3A = arith.constant 79 : i32
      %lt3A_36 = arith.cmpi slt, %add3A_32, %lt3A : i32
      %lt3A_37 = arith.constant 2500 : i32
      %lt3A_38 = arith.cmpi slt, %add3A_35, %lt3A_37 : i32
      %and3A = arith.andi %lt3A_36, %lt3A_38 : i1
      %convert_element_type3A = arith.extui %and3A : i1 to i32
      %cond3A = arith.constant 0 : i32
      %cond3A_39 = arith.cmpi ne, %convert_element_type3A, %cond3A : i32
      scf.if %cond3A_39 {
        %ge3A_81 = arith.constant 2 : i32
        %ge3A_82 = arith.cmpi sge, %add3A_32, %ge3A_81 : i32
        %convert_element_type3A_83 = arith.extui %ge3A_82 : i1 to i32
        %cond3A_84 = arith.constant 0 : i32
        %cond3A_85 = arith.cmpi ne, %convert_element_type3A_83, %cond3A_84 : i32
        scf.if %cond3A_85 {
          %dma_wait3A_103 = arith.constant 0 : i32
          %dma_wait3A_104 = arith.constant 0 : i32
          %dma_wait3A_105 = tpu.memref_slice %arg8[%dma_wait3A_103, %dma_wait3A_104] : memref<256x128xf32, #tpu.memory_space<vmem>> -> memref<128x128xf32, #tpu.memory_space<vmem>>
          %dma_wait3A_106 = arith.constant 0 : i32
          %dma_wait3A_107 = arith.constant 0 : i32
          %dma_wait3A_108 = tpu.memref_slice %arg5[%dma_wait3A_106, %dma_wait3A_107] : memref<320000x128xf32, #tpu.memory_space<hbm>> -> memref<128x128xf32, #tpu.memory_space<hbm>>
          %dma_wait3A_109 = arith.constant 0 : i32
          %dma_wait3A_110 = arith.constant 0 : i32
          %dma_wait3A_111 = tpu.memref_slice %arg5[%dma_wait3A_109, %dma_wait3A_110] : memref<320000x128xf32, #tpu.memory_space<hbm>> -> memref<128x128xf32, #tpu.memory_space<hbm>>
          %dma_wait3A_112 = arith.constant 0 : i32
          %dma_wait3A_113 = arith.constant 0 : i32
          %dma_wait3A_114 = tpu.memref_slice %arg8[%dma_wait3A_112, %dma_wait3A_113] : memref<256x128xf32, #tpu.memory_space<vmem>> -> memref<128x128xf32, #tpu.memory_space<vmem>>
          tpu.wait_dma2 semaphore(%arg12 : memref<!tpu.dma_semaphore, #tpu.memory_space<semaphore_mem>>) src(%dma_wait3A_114 : memref<128x128xf32, #tpu.memory_space<vmem>>) dst(%dma_wait3A_111 : memref<128x128xf32, #tpu.memory_space<hbm>>)
        } else {
        }
        %dma_start3A = arith.constant 0 : i32
        %dma_start3A_86 = arith.constant 0 : i32
        %dma_start3A_87 = tpu.memref_slice %arg8[%dma_start3A, %dma_start3A_86] : memref<256x128xf32, #tpu.memory_space<vmem>> -> memref<128x128xf32, #tpu.memory_space<vmem>>
        %dma_start3A_88 = arith.constant 0 : i32
        %dma_start3A_89 = tpu.memref_slice %arg6[%add3A_32, %dma_start3A_88] : memref<79x128xi32, #tpu.memory_space<vmem>> -> memref<1x128xi32, #tpu.memory_space<vmem>>
        %dma_start3A_90 = tpu.memref_squeeze %dma_start3A_89 : memref<1x128xi32, #tpu.memory_space<vmem>> -> memref<128xi32, #tpu.memory_space<vmem>>
        %dma_start3A_91 = arith.constant 0 : i32
        %dma_start3A_92 = arith.constant 0 : i32
        %dma_start3A_93 = tpu.memref_slice %arg2[%dma_start3A_91, %dma_start3A_92] : memref<20000x128xf32, #tpu.memory_space<hbm>> -> memref<20000x128xf32, #tpu.memory_space<hbm>>
        tpu.enqueue_indirect_dma source(%dma_start3A_93 : memref<20000x128xf32, #tpu.memory_space<hbm>>) target(%dma_start3A_87 : memref<128x128xf32, #tpu.memory_space<vmem>>) offsets(%dma_start3A_90 : memref<128xi32, #tpu.memory_space<vmem>>) semaphore(%arg10 : memref<!tpu.dma_semaphore, #tpu.memory_space<semaphore_mem>>)
        %dma_start3A_94 = arith.constant 0 : i32
        %dma_start3A_95 = arith.constant 0 : i32
        %dma_start3A_96 = tpu.memref_slice %arg9[%dma_start3A_94, %dma_start3A_95] : memref<256x128xf32, #tpu.memory_space<vmem>> -> memref<128x128xf32, #tpu.memory_space<vmem>>
        %dma_start3A_97 = arith.constant 0 : i32
        %dma_start3A_98 = tpu.memref_slice %arg7[%add3A_32, %dma_start3A_97] : memref<79x128xi32, #tpu.memory_space<vmem>> -> memref<1x128xi32, #tpu.memory_space<vmem>>
        %dma_start3A_99 = tpu.memref_squeeze %dma_start3A_98 : memref<1x128xi32, #tpu.memory_space<vmem>> -> memref<128xi32, #tpu.memory_space<vmem>>
        %dma_start3A_100 = arith.constant 0 : i32
        %dma_start3A_101 = arith.constant 0 : i32
        %dma_start3A_102 = tpu.memref_slice %arg2[%dma_start3A_100, %dma_start3A_101] : memref<20000x128xf32, #tpu.memory_space<hbm>> -> memref<20000x128xf32, #tpu.memory_space<hbm>>
        tpu.enqueue_indirect_dma source(%dma_start3A_102 : memref<20000x128xf32, #tpu.memory_space<hbm>>) target(%dma_start3A_96 : memref<128x128xf32, #tpu.memory_space<vmem>>) offsets(%dma_start3A_99 : memref<128xi32, #tpu.memory_space<vmem>>) semaphore(%arg10 : memref<!tpu.dma_semaphore, #tpu.memory_space<semaphore_mem>>)
      } else {
      }
      %sub3A = arith.constant 1 : i32
      %sub3A_40 = arith.subi %add3A_32, %sub3A : i32
      %mul3A_41 = arith.constant 32 : i32
      %mul3A_42 = arith.muli %sub3A_40, %mul3A_41 : i32
      %add3A_43 = arith.addi %mul3A_42, %add3A : i32
      %ge3A = arith.constant 0 : i32
      %ge3A_44 = arith.cmpi sge, %sub3A_40, %ge3A : i32
      %lt3A_45 = arith.constant 79 : i32
      %lt3A_46 = arith.cmpi slt, %sub3A_40, %lt3A_45 : i32
      %and3A_47 = arith.andi %ge3A_44, %lt3A_46 : i1
      %lt3A_48 = arith.constant 2500 : i32
      %lt3A_49 = arith.cmpi slt, %add3A_43, %lt3A_48 : i32
      %and3A_50 = arith.andi %and3A_47, %lt3A_49 : i1
      %convert_element_type3A_51 = arith.extui %and3A_50 : i1 to i32
      %cond3A_52 = arith.constant 0 : i32
      %cond3A_53 = arith.cmpi ne, %convert_element_type3A_51, %cond3A_52 : i32
      scf.if %cond3A_53 {
        %dma_wait3A_81 = arith.constant 128 : i32
        %dma_wait3A_82 = arith.constant 0 : i32
        %dma_wait3A_83 = tpu.memref_slice %arg8[%dma_wait3A_81, %dma_wait3A_82] : memref<256x128xf32, #tpu.memory_space<vmem>> -> memref<128x128xf32, #tpu.memory_space<vmem>>
        %dma_wait3A_84 = arith.constant 0 : i32
        %dma_wait3A_85 = tpu.memref_slice %arg6[%sub3A_40, %dma_wait3A_84] : memref<79x128xi32, #tpu.memory_space<vmem>> -> memref<1x128xi32, #tpu.memory_space<vmem>>
        %dma_wait3A_86 = tpu.memref_squeeze %dma_wait3A_85 : memref<1x128xi32, #tpu.memory_space<vmem>> -> memref<128xi32, #tpu.memory_space<vmem>>
        %dma_wait3A_87 = arith.constant 0 : i32
        %dma_wait3A_88 = arith.constant 0 : i32
        %dma_wait3A_89 = tpu.memref_slice %arg2[%dma_wait3A_87, %dma_wait3A_88] : memref<20000x128xf32, #tpu.memory_space<hbm>> -> memref<20000x128xf32, #tpu.memory_space<hbm>>
        tpu.wait_indirect_dma semaphore(%arg11 : memref<!tpu.dma_semaphore, #tpu.memory_space<semaphore_mem>>) src(%dma_wait3A_89 : memref<20000x128xf32, #tpu.memory_space<hbm>>) dst(%dma_wait3A_83 : memref<128x128xf32, #tpu.memory_space<vmem>>)
        %dma_wait3A_90 = arith.constant 128 : i32
        %dma_wait3A_91 = arith.constant 0 : i32
        %dma_wait3A_92 = tpu.memref_slice %arg9[%dma_wait3A_90, %dma_wait3A_91] : memref<256x128xf32, #tpu.memory_space<vmem>> -> memref<128x128xf32, #tpu.memory_space<vmem>>
        %dma_wait3A_93 = arith.constant 0 : i32
        %dma_wait3A_94 = tpu.memref_slice %arg7[%sub3A_40, %dma_wait3A_93] : memref<79x128xi32, #tpu.memory_space<vmem>> -> memref<1x128xi32, #tpu.memory_space<vmem>>
        %dma_wait3A_95 = tpu.memref_squeeze %dma_wait3A_94 : memref<1x128xi32, #tpu.memory_space<vmem>> -> memref<128xi32, #tpu.memory_space<vmem>>
        %dma_wait3A_96 = arith.constant 0 : i32
        %dma_wait3A_97 = arith.constant 0 : i32
        %dma_wait3A_98 = tpu.memref_slice %arg2[%dma_wait3A_96, %dma_wait3A_97] : memref<20000x128xf32, #tpu.memory_space<hbm>> -> memref<20000x128xf32, #tpu.memory_space<hbm>>
        tpu.wait_indirect_dma semaphore(%arg11 : memref<!tpu.dma_semaphore, #tpu.memory_space<semaphore_mem>>) src(%dma_wait3A_98 : memref<20000x128xf32, #tpu.memory_space<hbm>>) dst(%dma_wait3A_92 : memref<128x128xf32, #tpu.memory_space<vmem>>)
        %scan3A_99 = arith.constant 0 : i32
        %scan3A_100 = arith.constant 128 : i32
        %scan3A_101 = arith.addi %scan3A_99, %scan3A_100 : i32
        %scan3A_102 = arith.constant 1 : i32
        scf.for %scan3A_115 = %scan3A_99 to %scan3A_101 step %scan3A_102  : i32 {
          %mul3A_116 = arith.constant 1 : i32
          %mul3A_117 = arith.muli %scan3A_115, %mul3A_116 : i32
          %add3A_118 = arith.constant 0 : i32
          %add3A_119 = arith.addi %add3A_118, %mul3A_117 : i32
          %add3A_120 = arith.constant 128 : i32
          %add3A_121 = arith.addi %add3A_120, %add3A_119 : i32
          %get3A = arith.index_cast %add3A_121 : i32 to index
          %get3A_122 = arith.constant 0 : index
          %get3A_123 = tpu.vector_load %arg8[%get3A, %get3A_122] {strides = array<i32>} : memref<256x128xf32, #tpu.memory_space<vmem>>, vector<1x16xf32>,
          %get3A_124 = vector.shape_cast %get3A_123 : vector<1x16xf32> to vector<16xf32>
          %get3A_125 = arith.index_cast %add3A_121 : i32 to index
          %get3A_126 = arith.constant 0 : index
          %get3A_127 = tpu.vector_load %arg9[%get3A_125, %get3A_126] {strides = array<i32>} : memref<256x128xf32, #tpu.memory_space<vmem>>, vector<1x16xf32>,
          %get3A_128 = vector.shape_cast %get3A_127 : vector<1x16xf32> to vector<16xf32>
          %add3A_129 = arith.addf %get3A_124, %get3A_128 : vector<16xf32>
          %swap3A = arith.index_cast %add3A_121 : i32 to index
          %swap3A_130 = arith.constant 0 : index
          %swap3A_131 = tpu.vector_load %arg8[%swap3A, %swap3A_130] {strides = array<i32>} : memref<256x128xf32, #tpu.memory_space<vmem>>, vector<1x16xf32>,
          %swap3A_132 = vector.shape_cast %swap3A_131 : vector<1x16xf32> to vector<16xf32>
          %swap3A_133 = vector.shape_cast %add3A_129 : vector<16xf32> to vector<1x16xf32>
          tpu.vector_store %arg8[%swap3A, %swap3A_130], %swap3A_133 {strides = array<i32>} : memref<256x128xf32, #tpu.memory_space<vmem>>, vector<1x16xf32>,
          %get3A_134 = arith.index_cast %add3A_121 : i32 to index
          %get3A_135 = arith.constant 16 : index
          %get3A_136 = tpu.vector_load %arg8[%get3A_134, %get3A_135] {strides = array<i32>} : memref<256x128xf32, #tpu.memory_space<vmem>>, vector<1x16xf32>,
          %get3A_137 = vector.shape_cast %get3A_136 : vector<1x16xf32> to vector<16xf32>
          %get3A_138 = arith.index_cast %add3A_121 : i32 to index
          %get3A_139 = arith.constant 16 : index
          %get3A_140 = tpu.vector_load %arg9[%get3A_138, %get3A_139] {strides = array<i32>} : memref<256x128xf32, #tpu.memory_space<vmem>>, vector<1x16xf32>,
          %get3A_141 = vector.shape_cast %get3A_140 : vector<1x16xf32> to vector<16xf32>
          %add3A_142 = arith.addf %get3A_137, %get3A_141 : vector<16xf32>
          %swap3A_143 = arith.index_cast %add3A_121 : i32 to index
          %swap3A_144 = arith.constant 16 : index
          %swap3A_145 = tpu.vector_load %arg8[%swap3A_143, %swap3A_144] {strides = array<i32>} : memref<256x128xf32, #tpu.memory_space<vmem>>, vector<1x16xf32>,
          %swap3A_146 = vector.shape_cast %swap3A_145 : vector<1x16xf32> to vector<16xf32>
          %swap3A_147 = vector.shape_cast %add3A_142 : vector<16xf32> to vector<1x16xf32>
          tpu.vector_store %arg8[%swap3A_143, %swap3A_144], %swap3A_147 {strides = array<i32>} : memref<256x128xf32, #tpu.memory_space<vmem>>, vector<1x16xf32>,
          %get3A_148 = arith.index_cast %add3A_121 : i32 to index
          %get3A_149 = arith.constant 32 : index
          %get3A_150 = tpu.vector_load %arg8[%get3A_148, %get3A_149] {strides = array<i32>} : memref<256x128xf32, #tpu.memory_space<vmem>>, vector<1x16xf32>,
          %get3A_151 = vector.shape_cast %get3A_150 : vector<1x16xf32> to vector<16xf32>
          %get3A_152 = arith.index_cast %add3A_121 : i32 to index
          %get3A_153 = arith.constant 32 : index
          %get3A_154 = tpu.vector_load %arg9[%get3A_152, %get3A_153] {strides = array<i32>} : memref<256x128xf32, #tpu.memory_space<vmem>>, vector<1x16xf32>,
          %get3A_155 = vector.shape_cast %get3A_154 : vector<1x16xf32> to vector<16xf32>
          %add3A_156 = arith.addf %get3A_151, %get3A_155 : vector<16xf32>
          %swap3A_157 = arith.index_cast %add3A_121 : i32 to index
          %swap3A_158 = arith.constant 32 : index
          %swap3A_159 = tpu.vector_load %arg8[%swap3A_157, %swap3A_158] {strides = array<i32>} : memref<256x128xf32, #tpu.memory_space<vmem>>, vector<1x16xf32>,
          %swap3A_160 = vector.shape_cast %swap3A_159 : vector<1x16xf32> to vector<16xf32>
          %swap3A_161 = vector.shape_cast %add3A_156 : vector<16xf32> to vector<1x16xf32>
          tpu.vector_store %arg8[%swap3A_157, %swap3A_158], %swap3A_161 {strides = array<i32>} : memref<256x128xf32, #tpu.memory_space<vmem>>, vector<1x16xf32>,
          %get3A_162 = arith.index_cast %add3A_121 : i32 to index
          %get3A_163 = arith.constant 48 : index
          %get3A_164 = tpu.vector_load %arg8[%get3A_162, %get3A_163] {strides = array<i32>} : memref<256x128xf32, #tpu.memory_space<vmem>>, vector<1x16xf32>,
          %get3A_165 = vector.shape_cast %get3A_164 : vector<1x16xf32> to vector<16xf32>
          %get3A_166 = arith.index_cast %add3A_121 : i32 to index
          %get3A_167 = arith.constant 48 : index
          %get3A_168 = tpu.vector_load %arg9[%get3A_166, %get3A_167] {strides = array<i32>} : memref<256x128xf32, #tpu.memory_space<vmem>>, vector<1x16xf32>,
          %get3A_169 = vector.shape_cast %get3A_168 : vector<1x16xf32> to vector<16xf32>
          %add3A_170 = arith.addf %get3A_165, %get3A_169 : vector<16xf32>
          %swap3A_171 = arith.index_cast %add3A_121 : i32 to index
          %swap3A_172 = arith.constant 48 : index
          %swap3A_173 = tpu.vector_load %arg8[%swap3A_171, %swap3A_172] {strides = array<i32>} : memref<256x128xf32, #tpu.memory_space<vmem>>, vector<1x16xf32>,
          %swap3A_174 = vector.shape_cast %swap3A_173 : vector<1x16xf32> to vector<16xf32>
          %swap3A_175 = vector.shape_cast %add3A_170 : vector<16xf32> to vector<1x16xf32>
          tpu.vector_store %arg8[%swap3A_171, %swap3A_172], %swap3A_175 {strides = array<i32>} : memref<256x128xf32, #tpu.memory_space<vmem>>, vector<1x16xf32>,
          %get3A_176 = arith.index_cast %add3A_121 : i32 to index
          %get3A_177 = arith.constant 64 : index
          %get3A_178 = tpu.vector_load %arg8[%get3A_176, %get3A_177] {strides = array<i32>} : memref<256x128xf32, #tpu.memory_space<vmem>>, vector<1x16xf32>,
          %get3A_179 = vector.shape_cast %get3A_178 : vector<1x16xf32> to vector<16xf32>
          %get3A_180 = arith.index_cast %add3A_121 : i32 to index
          %get3A_181 = arith.constant 64 : index
          %get3A_182 = tpu.vector_load %arg9[%get3A_180, %get3A_181] {strides = array<i32>} : memref<256x128xf32, #tpu.memory_space<vmem>>, vector<1x16xf32>,
          %get3A_183 = vector.shape_cast %get3A_182 : vector<1x16xf32> to vector<16xf32>
          %add3A_184 = arith.addf %get3A_179, %get3A_183 : vector<16xf32>
          %swap3A_185 = arith.index_cast %add3A_121 : i32 to index
          %swap3A_186 = arith.constant 64 : index
          %swap3A_187 = tpu.vector_load %arg8[%swap3A_185, %swap3A_186] {strides = array<i32>} : memref<256x128xf32, #tpu.memory_space<vmem>>, vector<1x16xf32>,
          %swap3A_188 = vector.shape_cast %swap3A_187 : vector<1x16xf32> to vector<16xf32>
          %swap3A_189 = vector.shape_cast %add3A_184 : vector<16xf32> to vector<1x16xf32>
          tpu.vector_store %arg8[%swap3A_185, %swap3A_186], %swap3A_189 {strides = array<i32>} : memref<256x128xf32, #tpu.memory_space<vmem>>, vector<1x16xf32>,
          %get3A_190 = arith.index_cast %add3A_121 : i32 to index
          %get3A_191 = arith.constant 80 : index
          %get3A_192 = tpu.vector_load %arg8[%get3A_190, %get3A_191] {strides = array<i32>} : memref<256x128xf32, #tpu.memory_space<vmem>>, vector<1x16xf32>,
          %get3A_193 = vector.shape_cast %get3A_192 : vector<1x16xf32> to vector<16xf32>
          %get3A_194 = arith.index_cast %add3A_121 : i32 to index
          %get3A_195 = arith.constant 80 : index
          %get3A_196 = tpu.vector_load %arg9[%get3A_194, %get3A_195] {strides = array<i32>} : memref<256x128xf32, #tpu.memory_space<vmem>>, vector<1x16xf32>,
          %get3A_197 = vector.shape_cast %get3A_196 : vector<1x16xf32> to vector<16xf32>
          %add3A_198 = arith.addf %get3A_193, %get3A_197 : vector<16xf32>
          %swap3A_199 = arith.index_cast %add3A_121 : i32 to index
          %swap3A_200 = arith.constant 80 : index
          %swap3A_201 = tpu.vector_load %arg8[%swap3A_199, %swap3A_200] {strides = array<i32>} : memref<256x128xf32, #tpu.memory_space<vmem>>, vector<1x16xf32>,
          %swap3A_202 = vector.shape_cast %swap3A_201 : vector<1x16xf32> to vector<16xf32>
          %swap3A_203 = vector.shape_cast %add3A_198 : vector<16xf32> to vector<1x16xf32>
          tpu.vector_store %arg8[%swap3A_199, %swap3A_200], %swap3A_203 {strides = array<i32>} : memref<256x128xf32, #tpu.memory_space<vmem>>, vector<1x16xf32>,
          %get3A_204 = arith.index_cast %add3A_121 : i32 to index
          %get3A_205 = arith.constant 96 : index
          %get3A_206 = tpu.vector_load %arg8[%get3A_204, %get3A_205] {strides = array<i32>} : memref<256x128xf32, #tpu.memory_space<vmem>>, vector<1x16xf32>,
          %get3A_207 = vector.shape_cast %get3A_206 : vector<1x16xf32> to vector<16xf32>
          %get3A_208 = arith.index_cast %add3A_121 : i32 to index
          %get3A_209 = arith.constant 96 : index
          %get3A_210 = tpu.vector_load %arg9[%get3A_208, %get3A_209] {strides = array<i32>} : memref<256x128xf32, #tpu.memory_space<vmem>>, vector<1x16xf32>,
          %get3A_211 = vector.shape_cast %get3A_210 : vector<1x16xf32> to vector<16xf32>
          %add3A_212 = arith.addf %get3A_207, %get3A_211 : vector<16xf32>
          %swap3A_213 = arith.index_cast %add3A_121 : i32 to index
          %swap3A_214 = arith.constant 96 : index
          %swap3A_215 = tpu.vector_load %arg8[%swap3A_213, %swap3A_214] {strides = array<i32>} : memref<256x128xf32, #tpu.memory_space<vmem>>, vector<1x16xf32>,
          %swap3A_216 = vector.shape_cast %swap3A_215 : vector<1x16xf32> to vector<16xf32>
          %swap3A_217 = vector.shape_cast %add3A_212 : vector<16xf32> to vector<1x16xf32>
          tpu.vector_store %arg8[%swap3A_213, %swap3A_214], %swap3A_217 {strides = array<i32>} : memref<256x128xf32, #tpu.memory_space<vmem>>, vector<1x16xf32>,
          %get3A_218 = arith.index_cast %add3A_121 : i32 to index
          %get3A_219 = arith.constant 112 : index
          %get3A_220 = tpu.vector_load %arg8[%get3A_218, %get3A_219] {strides = array<i32>} : memref<256x128xf32, #tpu.memory_space<vmem>>, vector<1x16xf32>,
          %get3A_221 = vector.shape_cast %get3A_220 : vector<1x16xf32> to vector<16xf32>
          %get3A_222 = arith.index_cast %add3A_121 : i32 to index
          %get3A_223 = arith.constant 112 : index
          %get3A_224 = tpu.vector_load %arg9[%get3A_222, %get3A_223] {strides = array<i32>} : memref<256x128xf32, #tpu.memory_space<vmem>>, vector<1x16xf32>,
          %get3A_225 = vector.shape_cast %get3A_224 : vector<1x16xf32> to vector<16xf32>
          %add3A_226 = arith.addf %get3A_221, %get3A_225 : vector<16xf32>
          %swap3A_227 = arith.index_cast %add3A_121 : i32 to index
          %swap3A_228 = arith.constant 112 : index
          %swap3A_229 = tpu.vector_load %arg8[%swap3A_227, %swap3A_228] {strides = array<i32>} : memref<256x128xf32, #tpu.memory_space<vmem>>, vector<1x16xf32>,
          %swap3A_230 = vector.shape_cast %swap3A_229 : vector<1x16xf32> to vector<16xf32>
          %swap3A_231 = vector.shape_cast %add3A_226 : vector<16xf32> to vector<1x16xf32>
          tpu.vector_store %arg8[%swap3A_227, %swap3A_228], %swap3A_231 {strides = array<i32>} : memref<256x128xf32, #tpu.memory_space<vmem>>, vector<1x16xf32>,
        }
        %scan3A_103 = arith.constant 128 : i32
        %mul3A_104 = arith.constant 128 : i32
        %mul3A_105 = arith.muli %add3A_43, %mul3A_104 : i32
        %dma_start3A = arith.constant 128 : i32
        %dma_start3A_106 = arith.constant 0 : i32
        %dma_start3A_107 = tpu.memref_slice %arg8[%dma_start3A, %dma_start3A_106] : memref<256x128xf32, #tpu.memory_space<vmem>> -> memref<128x128xf32, #tpu.memory_space<vmem>>
        %dma_start3A_108 = arith.constant 0 : i32
        %dma_start3A_109 = tpu.memref_slice %arg5[%mul3A_105, %dma_start3A_108] : memref<320000x128xf32, #tpu.memory_space<hbm>> -> memref<128x128xf32, #tpu.memory_space<hbm>>
        %dma_start3A_110 = arith.constant 0 : i32
        %dma_start3A_111 = tpu.memref_slice %arg5[%mul3A_105, %dma_start3A_110] : memref<320000x128xf32, #tpu.memory_space<hbm>> -> memref<128x128xf32, #tpu.memory_space<hbm>>
        %dma_start3A_112 = arith.constant 128 : i32
        %dma_start3A_113 = arith.constant 0 : i32
        %dma_start3A_114 = tpu.memref_slice %arg8[%dma_start3A_112, %dma_start3A_113] : memref<256x128xf32, #tpu.memory_space<vmem>> -> memref<128x128xf32, #tpu.memory_space<vmem>>
        tpu.enqueue_dma source(%dma_start3A_114 : memref<128x128xf32, #tpu.memory_space<vmem>>) target(%dma_start3A_111 : memref<128x128xf32, #tpu.memory_space<hbm>>) target_semaphore(%arg13 : memref<!tpu.dma_semaphore, #tpu.memory_space<semaphore_mem>>)
      } else {
      }
      %add3A_54 = arith.constant 1 : i32
      %add3A_55 = arith.addi %add3A_32, %add3A_54 : i32
      %mul3A_56 = arith.constant 32 : i32
      %mul3A_57 = arith.muli %add3A_55, %mul3A_56 : i32
      %add3A_58 = arith.addi %mul3A_57, %add3A : i32
      %lt3A_59 = arith.constant 79 : i32
      %lt3A_60 = arith.cmpi slt, %add3A_55, %lt3A_59 : i32
      %lt3A_61 = arith.constant 2500 : i32
      %lt3A_62 = arith.cmpi slt, %add3A_58, %lt3A_61 : i32
      %and3A_63 = arith.andi %lt3A_60, %lt3A_62 : i1
      %convert_element_type3A_64 = arith.extui %and3A_63 : i1 to i32
      %cond3A_65 = arith.constant 0 : i32
      %cond3A_66 = arith.cmpi ne, %convert_element_type3A_64, %cond3A_65 : i32
      scf.if %cond3A_66 {
        %ge3A_81 = arith.constant 2 : i32
        %ge3A_82 = arith.cmpi sge, %add3A_55, %ge3A_81 : i32
        %convert_element_type3A_83 = arith.extui %ge3A_82 : i1 to i32
        %cond3A_84 = arith.constant 0 : i32
        %cond3A_85 = arith.cmpi ne, %convert_element_type3A_83, %cond3A_84 : i32
        scf.if %cond3A_85 {
          %dma_wait3A_103 = arith.constant 128 : i32
          %dma_wait3A_104 = arith.constant 0 : i32
          %dma_wait3A_105 = tpu.memref_slice %arg8[%dma_wait3A_103, %dma_wait3A_104] : memref<256x128xf32, #tpu.memory_space<vmem>> -> memref<128x128xf32, #tpu.memory_space<vmem>>
          %dma_wait3A_106 = arith.constant 0 : i32
          %dma_wait3A_107 = arith.constant 0 : i32
          %dma_wait3A_108 = tpu.memref_slice %arg5[%dma_wait3A_106, %dma_wait3A_107] : memref<320000x128xf32, #tpu.memory_space<hbm>> -> memref<128x128xf32, #tpu.memory_space<hbm>>
          %dma_wait3A_109 = arith.constant 0 : i32
          %dma_wait3A_110 = arith.constant 0 : i32
          %dma_wait3A_111 = tpu.memref_slice %arg5[%dma_wait3A_109, %dma_wait3A_110] : memref<320000x128xf32, #tpu.memory_space<hbm>> -> memref<128x128xf32, #tpu.memory_space<hbm>>
          %dma_wait3A_112 = arith.constant 128 : i32
          %dma_wait3A_113 = arith.constant 0 : i32
          %dma_wait3A_114 = tpu.memref_slice %arg8[%dma_wait3A_112, %dma_wait3A_113] : memref<256x128xf32, #tpu.memory_space<vmem>> -> memref<128x128xf32, #tpu.memory_space<vmem>>
          tpu.wait_dma2 semaphore(%arg13 : memref<!tpu.dma_semaphore, #tpu.memory_space<semaphore_mem>>) src(%dma_wait3A_114 : memref<128x128xf32, #tpu.memory_space<vmem>>) dst(%dma_wait3A_111 : memref<128x128xf32, #tpu.memory_space<hbm>>)
        } else {
        }
        %dma_start3A = arith.constant 128 : i32
        %dma_start3A_86 = arith.constant 0 : i32
        %dma_start3A_87 = tpu.memref_slice %arg8[%dma_start3A, %dma_start3A_86] : memref<256x128xf32, #tpu.memory_space<vmem>> -> memref<128x128xf32, #tpu.memory_space<vmem>>
        %dma_start3A_88 = arith.constant 0 : i32
        %dma_start3A_89 = tpu.memref_slice %arg6[%add3A_55, %dma_start3A_88] : memref<79x128xi32, #tpu.memory_space<vmem>> -> memref<1x128xi32, #tpu.memory_space<vmem>>
        %dma_start3A_90 = tpu.memref_squeeze %dma_start3A_89 : memref<1x128xi32, #tpu.memory_space<vmem>> -> memref<128xi32, #tpu.memory_space<vmem>>
        %dma_start3A_91 = arith.constant 0 : i32
        %dma_start3A_92 = arith.constant 0 : i32
        %dma_start3A_93 = tpu.memref_slice %arg2[%dma_start3A_91, %dma_start3A_92] : memref<20000x128xf32, #tpu.memory_space<hbm>> -> memref<20000x128xf32, #tpu.memory_space<hbm>>
        tpu.enqueue_indirect_dma source(%dma_start3A_93 : memref<20000x128xf32, #tpu.memory_space<hbm>>) target(%dma_start3A_87 : memref<128x128xf32, #tpu.memory_space<vmem>>) offsets(%dma_start3A_90 : memref<128xi32, #tpu.memory_space<vmem>>) semaphore(%arg11 : memref<!tpu.dma_semaphore, #tpu.memory_space<semaphore_mem>>)
        %dma_start3A_94 = arith.constant 128 : i32
        %dma_start3A_95 = arith.constant 0 : i32
        %dma_start3A_96 = tpu.memref_slice %arg9[%dma_start3A_94, %dma_start3A_95] : memref<256x128xf32, #tpu.memory_space<vmem>> -> memref<128x128xf32, #tpu.memory_space<vmem>>
        %dma_start3A_97 = arith.constant 0 : i32
        %dma_start3A_98 = tpu.memref_slice %arg7[%add3A_55, %dma_start3A_97] : memref<79x128xi32, #tpu.memory_space<vmem>> -> memref<1x128xi32, #tpu.memory_space<vmem>>
        %dma_start3A_99 = tpu.memref_squeeze %dma_start3A_98 : memref<1x128xi32, #tpu.memory_space<vmem>> -> memref<128xi32, #tpu.memory_space<vmem>>
        %dma_start3A_100 = arith.constant 0 : i32
        %dma_start3A_101 = arith.constant 0 : i32
        %dma_start3A_102 = tpu.memref_slice %arg2[%dma_start3A_100, %dma_start3A_101] : memref<20000x128xf32, #tpu.memory_space<hbm>> -> memref<20000x128xf32, #tpu.memory_space<hbm>>
        tpu.enqueue_indirect_dma source(%dma_start3A_102 : memref<20000x128xf32, #tpu.memory_space<hbm>>) target(%dma_start3A_96 : memref<128x128xf32, #tpu.memory_space<vmem>>) offsets(%dma_start3A_99 : memref<128xi32, #tpu.memory_space<vmem>>) semaphore(%arg11 : memref<!tpu.dma_semaphore, #tpu.memory_space<semaphore_mem>>)
      } else {
      }
      %mul3A_67 = arith.constant 32 : i32
      %mul3A_68 = arith.muli %add3A_32, %mul3A_67 : i32
      %add3A_69 = arith.addi %mul3A_68, %add3A : i32
      %ge3A_70 = arith.constant 0 : i32
      %ge3A_71 = arith.cmpi sge, %add3A_32, %ge3A_70 : i32
      %lt3A_72 = arith.constant 79 : i32
      %lt3A_73 = arith.cmpi slt, %add3A_32, %lt3A_72 : i32
      %and3A_74 = arith.andi %ge3A_71, %lt3A_73 : i1
      %lt3A_75 = arith.constant 2500 : i32
      %lt3A_76 = arith.cmpi slt, %add3A_69, %lt3A_75 : i32
      %and3A_77 = arith.andi %and3A_74, %lt3A_76 : i1
      %convert_element_type3A_78 = arith.extui %and3A_77 : i1 to i32
      %cond3A_79 = arith.constant 0 : i32
      %cond3A_80 = arith.cmpi ne, %convert_element_type3A_78, %cond3A_79 : i32
      scf.if %cond3A_80 {
        %dma_wait3A_81 = arith.constant 0 : i32
        %dma_wait3A_82 = arith.constant 0 : i32
        %dma_wait3A_83 = tpu.memref_slice %arg8[%dma_wait3A_81, %dma_wait3A_82] : memref<256x128xf32, #tpu.memory_space<vmem>> -> memref<128x128xf32, #tpu.memory_space<vmem>>
        %dma_wait3A_84 = arith.constant 0 : i32
        %dma_wait3A_85 = tpu.memref_slice %arg6[%add3A_32, %dma_wait3A_84] : memref<79x128xi32, #tpu.memory_space<vmem>> -> memref<1x128xi32, #tpu.memory_space<vmem>>
        %dma_wait3A_86 = tpu.memref_squeeze %dma_wait3A_85 : memref<1x128xi32, #tpu.memory_space<vmem>> -> memref<128xi32, #tpu.memory_space<vmem>>
        %dma_wait3A_87 = arith.constant 0 : i32
        %dma_wait3A_88 = arith.constant 0 : i32
        %dma_wait3A_89 = tpu.memref_slice %arg2[%dma_wait3A_87, %dma_wait3A_88] : memref<20000x128xf32, #tpu.memory_space<hbm>> -> memref<20000x128xf32, #tpu.memory_space<hbm>>
        tpu.wait_indirect_dma semaphore(%arg10 : memref<!tpu.dma_semaphore, #tpu.memory_space<semaphore_mem>>) src(%dma_wait3A_89 : memref<20000x128xf32, #tpu.memory_space<hbm>>) dst(%dma_wait3A_83 : memref<128x128xf32, #tpu.memory_space<vmem>>)
        %dma_wait3A_90 = arith.constant 0 : i32
        %dma_wait3A_91 = arith.constant 0 : i32
        %dma_wait3A_92 = tpu.memref_slice %arg9[%dma_wait3A_90, %dma_wait3A_91] : memref<256x128xf32, #tpu.memory_space<vmem>> -> memref<128x128xf32, #tpu.memory_space<vmem>>
        %dma_wait3A_93 = arith.constant 0 : i32
        %dma_wait3A_94 = tpu.memref_slice %arg7[%add3A_32, %dma_wait3A_93] : memref<79x128xi32, #tpu.memory_space<vmem>> -> memref<1x128xi32, #tpu.memory_space<vmem>>
        %dma_wait3A_95 = tpu.memref_squeeze %dma_wait3A_94 : memref<1x128xi32, #tpu.memory_space<vmem>> -> memref<128xi32, #tpu.memory_space<vmem>>
        %dma_wait3A_96 = arith.constant 0 : i32
        %dma_wait3A_97 = arith.constant 0 : i32
        %dma_wait3A_98 = tpu.memref_slice %arg2[%dma_wait3A_96, %dma_wait3A_97] : memref<20000x128xf32, #tpu.memory_space<hbm>> -> memref<20000x128xf32, #tpu.memory_space<hbm>>
        tpu.wait_indirect_dma semaphore(%arg10 : memref<!tpu.dma_semaphore, #tpu.memory_space<semaphore_mem>>) src(%dma_wait3A_98 : memref<20000x128xf32, #tpu.memory_space<hbm>>) dst(%dma_wait3A_92 : memref<128x128xf32, #tpu.memory_space<vmem>>)
        %scan3A_99 = arith.constant 0 : i32
        %scan3A_100 = arith.constant 128 : i32
        %scan3A_101 = arith.addi %scan3A_99, %scan3A_100 : i32
        %scan3A_102 = arith.constant 1 : i32
        scf.for %scan3A_115 = %scan3A_99 to %scan3A_101 step %scan3A_102  : i32 {
          %mul3A_116 = arith.constant 1 : i32
          %mul3A_117 = arith.muli %scan3A_115, %mul3A_116 : i32
          %add3A_118 = arith.constant 0 : i32
          %add3A_119 = arith.addi %add3A_118, %mul3A_117 : i32
          %add3A_120 = arith.constant 0 : i32
          %add3A_121 = arith.addi %add3A_120, %add3A_119 : i32
          %get3A = arith.index_cast %add3A_121 : i32 to index
          %get3A_122 = arith.constant 0 : index
          %get3A_123 = tpu.vector_load %arg8[%get3A, %get3A_122] {strides = array<i32>} : memref<256x128xf32, #tpu.memory_space<vmem>>, vector<1x16xf32>,
          %get3A_124 = vector.shape_cast %get3A_123 : vector<1x16xf32> to vector<16xf32>
          %get3A_125 = arith.index_cast %add3A_121 : i32 to index
          %get3A_126 = arith.constant 0 : index
          %get3A_127 = tpu.vector_load %arg9[%get3A_125, %get3A_126] {strides = array<i32>} : memref<256x128xf32, #tpu.memory_space<vmem>>, vector<1x16xf32>,
          %get3A_128 = vector.shape_cast %get3A_127 : vector<1x16xf32> to vector<16xf32>
          %add3A_129 = arith.addf %get3A_124, %get3A_128 : vector<16xf32>
          %swap3A = arith.index_cast %add3A_121 : i32 to index
          %swap3A_130 = arith.constant 0 : index
          %swap3A_131 = tpu.vector_load %arg8[%swap3A, %swap3A_130] {strides = array<i32>} : memref<256x128xf32, #tpu.memory_space<vmem>>, vector<1x16xf32>,
          %swap3A_132 = vector.shape_cast %swap3A_131 : vector<1x16xf32> to vector<16xf32>
          %swap3A_133 = vector.shape_cast %add3A_129 : vector<16xf32> to vector<1x16xf32>
          tpu.vector_store %arg8[%swap3A, %swap3A_130], %swap3A_133 {strides = array<i32>} : memref<256x128xf32, #tpu.memory_space<vmem>>, vector<1x16xf32>,
          %get3A_134 = arith.index_cast %add3A_121 : i32 to index
          %get3A_135 = arith.constant 16 : index
          %get3A_136 = tpu.vector_load %arg8[%get3A_134, %get3A_135] {strides = array<i32>} : memref<256x128xf32, #tpu.memory_space<vmem>>, vector<1x16xf32>,
          %get3A_137 = vector.shape_cast %get3A_136 : vector<1x16xf32> to vector<16xf32>
          %get3A_138 = arith.index_cast %add3A_121 : i32 to index
          %get3A_139 = arith.constant 16 : index
          %get3A_140 = tpu.vector_load %arg9[%get3A_138, %get3A_139] {strides = array<i32>} : memref<256x128xf32, #tpu.memory_space<vmem>>, vector<1x16xf32>,
          %get3A_141 = vector.shape_cast %get3A_140 : vector<1x16xf32> to vector<16xf32>
          %add3A_142 = arith.addf %get3A_137, %get3A_141 : vector<16xf32>
          %swap3A_143 = arith.index_cast %add3A_121 : i32 to index
          %swap3A_144 = arith.constant 16 : index
          %swap3A_145 = tpu.vector_load %arg8[%swap3A_143, %swap3A_144] {strides = array<i32>} : memref<256x128xf32, #tpu.memory_space<vmem>>, vector<1x16xf32>,
          %swap3A_146 = vector.shape_cast %swap3A_145 : vector<1x16xf32> to vector<16xf32>
          %swap3A_147 = vector.shape_cast %add3A_142 : vector<16xf32> to vector<1x16xf32>
          tpu.vector_store %arg8[%swap3A_143, %swap3A_144], %swap3A_147 {strides = array<i32>} : memref<256x128xf32, #tpu.memory_space<vmem>>, vector<1x16xf32>,
          %get3A_148 = arith.index_cast %add3A_121 : i32 to index
          %get3A_149 = arith.constant 32 : index
          %get3A_150 = tpu.vector_load %arg8[%get3A_148, %get3A_149] {strides = array<i32>} : memref<256x128xf32, #tpu.memory_space<vmem>>, vector<1x16xf32>,
          %get3A_151 = vector.shape_cast %get3A_150 : vector<1x16xf32> to vector<16xf32>
          %get3A_152 = arith.index_cast %add3A_121 : i32 to index
          %get3A_153 = arith.constant 32 : index
          %get3A_154 = tpu.vector_load %arg9[%get3A_152, %get3A_153] {strides = array<i32>} : memref<256x128xf32, #tpu.memory_space<vmem>>, vector<1x16xf32>,
          %get3A_155 = vector.shape_cast %get3A_154 : vector<1x16xf32> to vector<16xf32>
          %add3A_156 = arith.addf %get3A_151, %get3A_155 : vector<16xf32>
          %swap3A_157 = arith.index_cast %add3A_121 : i32 to index
          %swap3A_158 = arith.constant 32 : index
          %swap3A_159 = tpu.vector_load %arg8[%swap3A_157, %swap3A_158] {strides = array<i32>} : memref<256x128xf32, #tpu.memory_space<vmem>>, vector<1x16xf32>,
          %swap3A_160 = vector.shape_cast %swap3A_159 : vector<1x16xf32> to vector<16xf32>
          %swap3A_161 = vector.shape_cast %add3A_156 : vector<16xf32> to vector<1x16xf32>
          tpu.vector_store %arg8[%swap3A_157, %swap3A_158], %swap3A_161 {strides = array<i32>} : memref<256x128xf32, #tpu.memory_space<vmem>>, vector<1x16xf32>,
          %get3A_162 = arith.index_cast %add3A_121 : i32 to index
          %get3A_163 = arith.constant 48 : index
          %get3A_164 = tpu.vector_load %arg8[%get3A_162, %get3A_163] {strides = array<i32>} : memref<256x128xf32, #tpu.memory_space<vmem>>, vector<1x16xf32>,
          %get3A_165 = vector.shape_cast %get3A_164 : vector<1x16xf32> to vector<16xf32>
          %get3A_166 = arith.index_cast %add3A_121 : i32 to index
          %get3A_167 = arith.constant 48 : index
          %get3A_168 = tpu.vector_load %arg9[%get3A_166, %get3A_167] {strides = array<i32>} : memref<256x128xf32, #tpu.memory_space<vmem>>, vector<1x16xf32>,
          %get3A_169 = vector.shape_cast %get3A_168 : vector<1x16xf32> to vector<16xf32>
          %add3A_170 = arith.addf %get3A_165, %get3A_169 : vector<16xf32>
          %swap3A_171 = arith.index_cast %add3A_121 : i32 to index
          %swap3A_172 = arith.constant 48 : index
          %swap3A_173 = tpu.vector_load %arg8[%swap3A_171, %swap3A_172] {strides = array<i32>} : memref<256x128xf32, #tpu.memory_space<vmem>>, vector<1x16xf32>,
          %swap3A_174 = vector.shape_cast %swap3A_173 : vector<1x16xf32> to vector<16xf32>
          %swap3A_175 = vector.shape_cast %add3A_170 : vector<16xf32> to vector<1x16xf32>
          tpu.vector_store %arg8[%swap3A_171, %swap3A_172], %swap3A_175 {strides = array<i32>} : memref<256x128xf32, #tpu.memory_space<vmem>>, vector<1x16xf32>,
          %get3A_176 = arith.index_cast %add3A_121 : i32 to index
          %get3A_177 = arith.constant 64 : index
          %get3A_178 = tpu.vector_load %arg8[%get3A_176, %get3A_177] {strides = array<i32>} : memref<256x128xf32, #tpu.memory_space<vmem>>, vector<1x16xf32>,
          %get3A_179 = vector.shape_cast %get3A_178 : vector<1x16xf32> to vector<16xf32>
          %get3A_180 = arith.index_cast %add3A_121 : i32 to index
          %get3A_181 = arith.constant 64 : index
          %get3A_182 = tpu.vector_load %arg9[%get3A_180, %get3A_181] {strides = array<i32>} : memref<256x128xf32, #tpu.memory_space<vmem>>, vector<1x16xf32>,
          %get3A_183 = vector.shape_cast %get3A_182 : vector<1x16xf32> to vector<16xf32>
          %add3A_184 = arith.addf %get3A_179, %get3A_183 : vector<16xf32>
          %swap3A_185 = arith.index_cast %add3A_121 : i32 to index
          %swap3A_186 = arith.constant 64 : index
          %swap3A_187 = tpu.vector_load %arg8[%swap3A_185, %swap3A_186] {strides = array<i32>} : memref<256x128xf32, #tpu.memory_space<vmem>>, vector<1x16xf32>,
          %swap3A_188 = vector.shape_cast %swap3A_187 : vector<1x16xf32> to vector<16xf32>
          %swap3A_189 = vector.shape_cast %add3A_184 : vector<16xf32> to vector<1x16xf32>
          tpu.vector_store %arg8[%swap3A_185, %swap3A_186], %swap3A_189 {strides = array<i32>} : memref<256x128xf32, #tpu.memory_space<vmem>>, vector<1x16xf32>,
          %get3A_190 = arith.index_cast %add3A_121 : i32 to index
          %get3A_191 = arith.constant 80 : index
          %get3A_192 = tpu.vector_load %arg8[%get3A_190, %get3A_191] {strides = array<i32>} : memref<256x128xf32, #tpu.memory_space<vmem>>, vector<1x16xf32>,
          %get3A_193 = vector.shape_cast %get3A_192 : vector<1x16xf32> to vector<16xf32>
          %get3A_194 = arith.index_cast %add3A_121 : i32 to index
          %get3A_195 = arith.constant 80 : index
          %get3A_196 = tpu.vector_load %arg9[%get3A_194, %get3A_195] {strides = array<i32>} : memref<256x128xf32, #tpu.memory_space<vmem>>, vector<1x16xf32>,
          %get3A_197 = vector.shape_cast %get3A_196 : vector<1x16xf32> to vector<16xf32>
          %add3A_198 = arith.addf %get3A_193, %get3A_197 : vector<16xf32>
          %swap3A_199 = arith.index_cast %add3A_121 : i32 to index
          %swap3A_200 = arith.constant 80 : index
          %swap3A_201 = tpu.vector_load %arg8[%swap3A_199, %swap3A_200] {strides = array<i32>} : memref<256x128xf32, #tpu.memory_space<vmem>>, vector<1x16xf32>,
          %swap3A_202 = vector.shape_cast %swap3A_201 : vector<1x16xf32> to vector<16xf32>
          %swap3A_203 = vector.shape_cast %add3A_198 : vector<16xf32> to vector<1x16xf32>
          tpu.vector_store %arg8[%swap3A_199, %swap3A_200], %swap3A_203 {strides = array<i32>} : memref<256x128xf32, #tpu.memory_space<vmem>>, vector<1x16xf32>,
          %get3A_204 = arith.index_cast %add3A_121 : i32 to index
          %get3A_205 = arith.constant 96 : index
          %get3A_206 = tpu.vector_load %arg8[%get3A_204, %get3A_205] {strides = array<i32>} : memref<256x128xf32, #tpu.memory_space<vmem>>, vector<1x16xf32>,
          %get3A_207 = vector.shape_cast %get3A_206 : vector<1x16xf32> to vector<16xf32>
          %get3A_208 = arith.index_cast %add3A_121 : i32 to index
          %get3A_209 = arith.constant 96 : index
          %get3A_210 = tpu.vector_load %arg9[%get3A_208, %get3A_209] {strides = array<i32>} : memref<256x128xf32, #tpu.memory_space<vmem>>, vector<1x16xf32>,
          %get3A_211 = vector.shape_cast %get3A_210 : vector<1x16xf32> to vector<16xf32>
          %add3A_212 = arith.addf %get3A_207, %get3A_211 : vector<16xf32>
          %swap3A_213 = arith.index_cast %add3A_121 : i32 to index
          %swap3A_214 = arith.constant 96 : index
          %swap3A_215 = tpu.vector_load %arg8[%swap3A_213, %swap3A_214] {strides = array<i32>} : memref<256x128xf32, #tpu.memory_space<vmem>>, vector<1x16xf32>,
          %swap3A_216 = vector.shape_cast %swap3A_215 : vector<1x16xf32> to vector<16xf32>
          %swap3A_217 = vector.shape_cast %add3A_212 : vector<16xf32> to vector<1x16xf32>
          tpu.vector_store %arg8[%swap3A_213, %swap3A_214], %swap3A_217 {strides = array<i32>} : memref<256x128xf32, #tpu.memory_space<vmem>>, vector<1x16xf32>,
          %get3A_218 = arith.index_cast %add3A_121 : i32 to index
          %get3A_219 = arith.constant 112 : index
          %get3A_220 = tpu.vector_load %arg8[%get3A_218, %get3A_219] {strides = array<i32>} : memref<256x128xf32, #tpu.memory_space<vmem>>, vector<1x16xf32>,
          %get3A_221 = vector.shape_cast %get3A_220 : vector<1x16xf32> to vector<16xf32>
          %get3A_222 = arith.index_cast %add3A_121 : i32 to index
          %get3A_223 = arith.constant 112 : index
          %get3A_224 = tpu.vector_load %arg9[%get3A_222, %get3A_223] {strides = array<i32>} : memref<256x128xf32, #tpu.memory_space<vmem>>, vector<1x16xf32>,
          %get3A_225 = vector.shape_cast %get3A_224 : vector<1x16xf32> to vector<16xf32>
          %add3A_226 = arith.addf %get3A_221, %get3A_225 : vector<16xf32>
          %swap3A_227 = arith.index_cast %add3A_121 : i32 to index
          %swap3A_228 = arith.constant 112 : index
          %swap3A_229 = tpu.vector_load %arg8[%swap3A_227, %swap3A_228] {strides = array<i32>} : memref<256x128xf32, #tpu.memory_space<vmem>>, vector<1x16xf32>,
          %swap3A_230 = vector.shape_cast %swap3A_229 : vector<1x16xf32> to vector<16xf32>
          %swap3A_231 = vector.shape_cast %add3A_226 : vector<16xf32> to vector<1x16xf32>
          tpu.vector_store %arg8[%swap3A_227, %swap3A_228], %swap3A_231 {strides = array<i32>} : memref<256x128xf32, #tpu.memory_space<vmem>>, vector<1x16xf32>,
        }
        %scan3A_103 = arith.constant 128 : i32
        %mul3A_104 = arith.constant 128 : i32
        %mul3A_105 = arith.muli %add3A_69, %mul3A_104 : i32
        %dma_start3A = arith.constant 0 : i32
        %dma_start3A_106 = arith.constant 0 : i32
        %dma_start3A_107 = tpu.memref_slice %arg8[%dma_start3A, %dma_start3A_106] : memref<256x128xf32, #tpu.memory_space<vmem>> -> memref<128x128xf32, #tpu.memory_space<vmem>>
        %dma_start3A_108 = arith.constant 0 : i32
        %dma_start3A_109 = tpu.memref_slice %arg5[%mul3A_105, %dma_start3A_108] : memref<320000x128xf32, #tpu.memory_space<hbm>> -> memref<128x128xf32, #tpu.memory_space<hbm>>
        %dma_start3A_110 = arith.constant 0 : i32
        %dma_start3A_111 = tpu.memref_slice %arg5[%mul3A_105, %dma_start3A_110] : memref<320000x128xf32, #tpu.memory_space<hbm>> -> memref<128x128xf32, #tpu.memory_space<hbm>>
        %dma_start3A_112 = arith.constant 0 : i32
        %dma_start3A_113 = arith.constant 0 : i32
        %dma_start3A_114 = tpu.memref_slice %arg8[%dma_start3A_112, %dma_start3A_113] : memref<256x128xf32, #tpu.memory_space<vmem>> -> memref<128x128xf32, #tpu.memory_space<vmem>>
        tpu.enqueue_dma source(%dma_start3A_114 : memref<128x128xf32, #tpu.memory_space<vmem>>) target(%dma_start3A_111 : memref<128x128xf32, #tpu.memory_space<hbm>>) target_semaphore(%arg12 : memref<!tpu.dma_semaphore, #tpu.memory_space<semaphore_mem>>)
      } else {
      }
    }
    %scan3A_4 = arith.constant 40 : i32
    %dma_wait3A = arith.constant 0 : i32
    %dma_wait3A_5 = arith.constant 0 : i32
    %dma_wait3A_6 = tpu.memref_slice %arg8[%dma_wait3A, %dma_wait3A_5] : memref<256x128xf32, #tpu.memory_space<vmem>> -> memref<128x128xf32, #tpu.memory_space<vmem>>
    %dma_wait3A_7 = arith.constant 0 : i32
    %dma_wait3A_8 = arith.constant 0 : i32
    %dma_wait3A_9 = tpu.memref_slice %arg5[%dma_wait3A_7, %dma_wait3A_8] : memref<320000x128xf32, #tpu.memory_space<hbm>> -> memref<128x128xf32, #tpu.memory_space<hbm>>
    %dma_wait3A_10 = arith.constant 0 : i32
    %dma_wait3A_11 = arith.constant 0 : i32
    %dma_wait3A_12 = tpu.memref_slice %arg5[%dma_wait3A_10, %dma_wait3A_11] : memref<320000x128xf32, #tpu.memory_space<hbm>> -> memref<128x128xf32, #tpu.memory_space<hbm>>
    %dma_wait3A_13 = arith.constant 0 : i32
    %dma_wait3A_14 = arith.constant 0 : i32
    %dma_wait3A_15 = tpu.memref_slice %arg8[%dma_wait3A_13, %dma_wait3A_14] : memref<256x128xf32, #tpu.memory_space<vmem>> -> memref<128x128xf32, #tpu.memory_space<vmem>>
    tpu.wait_dma2 semaphore(%arg12 : memref<!tpu.dma_semaphore, #tpu.memory_space<semaphore_mem>>) src(%dma_wait3A_15 : memref<128x128xf32, #tpu.memory_space<vmem>>) dst(%dma_wait3A_12 : memref<128x128xf32, #tpu.memory_space<hbm>>)
    %dma_wait3A_16 = arith.constant 128 : i32
    %dma_wait3A_17 = arith.constant 0 : i32
    %dma_wait3A_18 = tpu.memref_slice %arg8[%dma_wait3A_16, %dma_wait3A_17] : memref<256x128xf32, #tpu.memory_space<vmem>> -> memref<128x128xf32, #tpu.memory_space<vmem>>
    %dma_wait3A_19 = arith.constant 0 : i32
    %dma_wait3A_20 = arith.constant 0 : i32
    %dma_wait3A_21 = tpu.memref_slice %arg5[%dma_wait3A_19, %dma_wait3A_20] : memref<320000x128xf32, #tpu.memory_space<hbm>> -> memref<128x128xf32, #tpu.memory_space<hbm>>
    %dma_wait3A_22 = arith.constant 0 : i32
    %dma_wait3A_23 = arith.constant 0 : i32
    %dma_wait3A_24 = tpu.memref_slice %arg5[%dma_wait3A_22, %dma_wait3A_23] : memref<320000x128xf32, #tpu.memory_space<hbm>> -> memref<128x128xf32, #tpu.memory_space<hbm>>
    %dma_wait3A_25 = arith.constant 128 : i32
    %dma_wait3A_26 = arith.constant 0 : i32
    %dma_wait3A_27 = tpu.memref_slice %arg8[%dma_wait3A_25, %dma_wait3A_26] : memref<256x128xf32, #tpu.memory_space<vmem>> -> memref<128x128xf32, #tpu.memory_space<vmem>>
    tpu.wait_dma2 semaphore(%arg13 : memref<!tpu.dma_semaphore, #tpu.memory_space<semaphore_mem>>) src(%dma_wait3A_27 : memref<128x128xf32, #tpu.memory_space<vmem>>) dst(%dma_wait3A_24 : memref<128x128xf32, #tpu.memory_space<hbm>>)
    return
  }
}

#map = affine_map<(d0, d1) -> (0, 0)>
#map1 = affine_map<(d0, d1) -> (0, 0, 0)>
module attributes {stable_mosaic.version = 14 : i64} {
  func.func @_sc_scatter_t(%arg0: i32, %arg1: i32, %arg2: memref<320000x16xf32, #tpu.memory_space<hbm>>, %arg3: memref<32x79x128xi32, #tpu.memory_space<hbm>>, %arg4: memref<2x10000x16xf32, #tpu.memory_space<hbm>>, %arg5: memref<79x128xi32, #tpu.memory_space<vmem>>, %arg6: memref<256x16xf32, #tpu.memory_space<vmem>>, %arg7: memref<10000x16xf32, #tpu.memory_space<vmem_shared>>, %arg8: memref<!tpu.dma_semaphore, #tpu.memory_space<semaphore_mem>>, %arg9: memref<!tpu.dma_semaphore, #tpu.memory_space<semaphore_mem>>) attributes {dimension_semantics = [#tpu.dimension_semantics<core_parallel>, #tpu.dimension_semantics<subcore_parallel>], iteration_bounds = array<i64: 2, 16>, scalar_prefetch = 0 : i64, scratch_operands = 5 : i64, tpu.core_type = #tpu.core_type<sc_vector_subcore>, window_params = [{transform_indices = #map}, {transform_indices = #map1}, {transform_indices = #map1}]} {
    %mul3A = arith.constant 2 : i32
    %mul3A_0 = arith.muli %arg1, %mul3A : i32
    %add3A = arith.addi %mul3A_0, %arg0 : i32
    %broadcast_in_dim3A = arith.constant 0.000000e+00 : f32
    %broadcast_in_dim3A_1 = vector.broadcast %broadcast_in_dim3A : f32 to vector<80x16xf32>
    %swap3A = arith.constant 0 : index
    %swap3A_2 = arith.constant 0 : index
    %swap3A_3 = tpu.vector_load %arg6[%swap3A, %swap3A_2] {strides = array<i32>} : memref<256x16xf32, #tpu.memory_space<vmem>>, vector<80x16xf32>,
    %swap3A_4 = vector.shape_cast %swap3A_3 : vector<80x16xf32> to vector<80x16xf32>
    %swap3A_5 = vector.shape_cast %broadcast_in_dim3A_1 : vector<80x16xf32> to vector<80x16xf32>
    tpu.vector_store %arg6[%swap3A, %swap3A_2], %swap3A_5 {strides = array<i32>} : memref<256x16xf32, #tpu.memory_space<vmem>>, vector<80x16xf32>,
    %add3A_6 = arith.constant 0 : i32
    %add3A_7 = arith.addi %add3A_6, %arg1 : i32
    %lt3A = arith.constant 125 : i32
    %lt3A_8 = arith.cmpi slt, %add3A_7, %lt3A : i32
    %convert_element_type3A = arith.extui %lt3A_8 : i1 to i32
    %cond3A = arith.constant 0 : i32
    %cond3A_9 = arith.cmpi ne, %convert_element_type3A, %cond3A : i32
    scf.if %cond3A_9 {
      %mul3A_120 = arith.constant 80 : i32
      %mul3A_121 = arith.muli %add3A_7, %mul3A_120 : i32
      "tpu.region"() ({
        %run_scoped3A = tpu.sem_alloc : memref<!tpu.dma_semaphore, #tpu.memory_space<semaphore_mem>>
        %dma_start3A = arith.constant 0 : i32
        %dma_start3A_122 = arith.constant 0 : i32
        %dma_start3A_123 = tpu.memref_slice %arg6[%dma_start3A, %dma_start3A_122] : memref<256x16xf32, #tpu.memory_space<vmem>> -> memref<80x16xf32, #tpu.memory_space<vmem>>
        %dma_start3A_124 = arith.constant 0 : i32
        %dma_start3A_125 = tpu.memref_slice %arg7[%mul3A_121, %dma_start3A_124] : memref<10000x16xf32, #tpu.memory_space<vmem_shared>> -> memref<80x16xf32, #tpu.memory_space<vmem_shared>>
        %dma_start3A_126 = arith.constant 0 : i32
        %dma_start3A_127 = tpu.memref_slice %arg7[%mul3A_121, %dma_start3A_126] : memref<10000x16xf32, #tpu.memory_space<vmem_shared>> -> memref<80x16xf32, #tpu.memory_space<vmem_shared>>
        %dma_start3A_128 = arith.constant 0 : i32
        %dma_start3A_129 = arith.constant 0 : i32
        %dma_start3A_130 = tpu.memref_slice %arg6[%dma_start3A_128, %dma_start3A_129] : memref<256x16xf32, #tpu.memory_space<vmem>> -> memref<80x16xf32, #tpu.memory_space<vmem>>
        tpu.enqueue_dma source(%dma_start3A_130 : memref<80x16xf32, #tpu.memory_space<vmem>>) target(%dma_start3A_127 : memref<80x16xf32, #tpu.memory_space<vmem_shared>>) target_semaphore(%run_scoped3A : memref<!tpu.dma_semaphore, #tpu.memory_space<semaphore_mem>>)
        %dma_wait3A = arith.constant 0 : i32
        %dma_wait3A_131 = arith.constant 0 : i32
        %dma_wait3A_132 = tpu.memref_slice %arg6[%dma_wait3A, %dma_wait3A_131] : memref<256x16xf32, #tpu.memory_space<vmem>> -> memref<80x16xf32, #tpu.memory_space<vmem>>
        %dma_wait3A_133 = arith.constant 0 : i32
        %dma_wait3A_134 = tpu.memref_slice %arg7[%mul3A_121, %dma_wait3A_133] : memref<10000x16xf32, #tpu.memory_space<vmem_shared>> -> memref<80x16xf32, #tpu.memory_space<vmem_shared>>
        %dma_wait3A_135 = arith.constant 0 : i32
        %dma_wait3A_136 = tpu.memref_slice %arg7[%mul3A_121, %dma_wait3A_135] : memref<10000x16xf32, #tpu.memory_space<vmem_shared>> -> memref<80x16xf32, #tpu.memory_space<vmem_shared>>
        %dma_wait3A_137 = arith.constant 0 : i32
        %dma_wait3A_138 = arith.constant 0 : i32
        %dma_wait3A_139 = tpu.memref_slice %arg6[%dma_wait3A_137, %dma_wait3A_138] : memref<256x16xf32, #tpu.memory_space<vmem>> -> memref<80x16xf32, #tpu.memory_space<vmem>>
        tpu.wait_dma2 semaphore(%run_scoped3A : memref<!tpu.dma_semaphore, #tpu.memory_space<semaphore_mem>>) src(%dma_wait3A_139 : memref<80x16xf32, #tpu.memory_space<vmem>>) dst(%dma_wait3A_136 : memref<80x16xf32, #tpu.memory_space<vmem_shared>>)
        tpu.yield
      }) : () -> ()
    } else {
    }
    %add3A_10 = arith.constant 16 : i32
    %add3A_11 = arith.addi %add3A_10, %arg1 : i32
    %lt3A_12 = arith.constant 125 : i32
    %lt3A_13 = arith.cmpi slt, %add3A_11, %lt3A_12 : i32
    %convert_element_type3A_14 = arith.extui %lt3A_13 : i1 to i32
    %cond3A_15 = arith.constant 0 : i32
    %cond3A_16 = arith.cmpi ne, %convert_element_type3A_14, %cond3A_15 : i32
    scf.if %cond3A_16 {
      %mul3A_120 = arith.constant 80 : i32
      %mul3A_121 = arith.muli %add3A_11, %mul3A_120 : i32
      "tpu.region"() ({
        %run_scoped3A = tpu.sem_alloc : memref<!tpu.dma_semaphore, #tpu.memory_space<semaphore_mem>>
        %dma_start3A = arith.constant 0 : i32
        %dma_start3A_122 = arith.constant 0 : i32
        %dma_start3A_123 = tpu.memref_slice %arg6[%dma_start3A, %dma_start3A_122] : memref<256x16xf32, #tpu.memory_space<vmem>> -> memref<80x16xf32, #tpu.memory_space<vmem>>
        %dma_start3A_124 = arith.constant 0 : i32
        %dma_start3A_125 = tpu.memref_slice %arg7[%mul3A_121, %dma_start3A_124] : memref<10000x16xf32, #tpu.memory_space<vmem_shared>> -> memref<80x16xf32, #tpu.memory_space<vmem_shared>>
        %dma_start3A_126 = arith.constant 0 : i32
        %dma_start3A_127 = tpu.memref_slice %arg7[%mul3A_121, %dma_start3A_126] : memref<10000x16xf32, #tpu.memory_space<vmem_shared>> -> memref<80x16xf32, #tpu.memory_space<vmem_shared>>
        %dma_start3A_128 = arith.constant 0 : i32
        %dma_start3A_129 = arith.constant 0 : i32
        %dma_start3A_130 = tpu.memref_slice %arg6[%dma_start3A_128, %dma_start3A_129] : memref<256x16xf32, #tpu.memory_space<vmem>> -> memref<80x16xf32, #tpu.memory_space<vmem>>
        tpu.enqueue_dma source(%dma_start3A_130 : memref<80x16xf32, #tpu.memory_space<vmem>>) target(%dma_start3A_127 : memref<80x16xf32, #tpu.memory_space<vmem_shared>>) target_semaphore(%run_scoped3A : memref<!tpu.dma_semaphore, #tpu.memory_space<semaphore_mem>>)
        %dma_wait3A = arith.constant 0 : i32
        %dma_wait3A_131 = arith.constant 0 : i32
        %dma_wait3A_132 = tpu.memref_slice %arg6[%dma_wait3A, %dma_wait3A_131] : memref<256x16xf32, #tpu.memory_space<vmem>> -> memref<80x16xf32, #tpu.memory_space<vmem>>
        %dma_wait3A_133 = arith.constant 0 : i32
        %dma_wait3A_134 = tpu.memref_slice %arg7[%mul3A_121, %dma_wait3A_133] : memref<10000x16xf32, #tpu.memory_space<vmem_shared>> -> memref<80x16xf32, #tpu.memory_space<vmem_shared>>
        %dma_wait3A_135 = arith.constant 0 : i32
        %dma_wait3A_136 = tpu.memref_slice %arg7[%mul3A_121, %dma_wait3A_135] : memref<10000x16xf32, #tpu.memory_space<vmem_shared>> -> memref<80x16xf32, #tpu.memory_space<vmem_shared>>
        %dma_wait3A_137 = arith.constant 0 : i32
        %dma_wait3A_138 = arith.constant 0 : i32
        %dma_wait3A_139 = tpu.memref_slice %arg6[%dma_wait3A_137, %dma_wait3A_138] : memref<256x16xf32, #tpu.memory_space<vmem>> -> memref<80x16xf32, #tpu.memory_space<vmem>>
        tpu.wait_dma2 semaphore(%run_scoped3A : memref<!tpu.dma_semaphore, #tpu.memory_space<semaphore_mem>>) src(%dma_wait3A_139 : memref<80x16xf32, #tpu.memory_space<vmem>>) dst(%dma_wait3A_136 : memref<80x16xf32, #tpu.memory_space<vmem_shared>>)
        tpu.yield
      }) : () -> ()
    } else {
    }
    %add3A_17 = arith.constant 32 : i32
    %add3A_18 = arith.addi %add3A_17, %arg1 : i32
    %lt3A_19 = arith.constant 125 : i32
    %lt3A_20 = arith.cmpi slt, %add3A_18, %lt3A_19 : i32
    %convert_element_type3A_21 = arith.extui %lt3A_20 : i1 to i32
    %cond3A_22 = arith.constant 0 : i32
    %cond3A_23 = arith.cmpi ne, %convert_element_type3A_21, %cond3A_22 : i32
    scf.if %cond3A_23 {
      %mul3A_120 = arith.constant 80 : i32
      %mul3A_121 = arith.muli %add3A_18, %mul3A_120 : i32
      "tpu.region"() ({
        %run_scoped3A = tpu.sem_alloc : memref<!tpu.dma_semaphore, #tpu.memory_space<semaphore_mem>>
        %dma_start3A = arith.constant 0 : i32
        %dma_start3A_122 = arith.constant 0 : i32
        %dma_start3A_123 = tpu.memref_slice %arg6[%dma_start3A, %dma_start3A_122] : memref<256x16xf32, #tpu.memory_space<vmem>> -> memref<80x16xf32, #tpu.memory_space<vmem>>
        %dma_start3A_124 = arith.constant 0 : i32
        %dma_start3A_125 = tpu.memref_slice %arg7[%mul3A_121, %dma_start3A_124] : memref<10000x16xf32, #tpu.memory_space<vmem_shared>> -> memref<80x16xf32, #tpu.memory_space<vmem_shared>>
        %dma_start3A_126 = arith.constant 0 : i32
        %dma_start3A_127 = tpu.memref_slice %arg7[%mul3A_121, %dma_start3A_126] : memref<10000x16xf32, #tpu.memory_space<vmem_shared>> -> memref<80x16xf32, #tpu.memory_space<vmem_shared>>
        %dma_start3A_128 = arith.constant 0 : i32
        %dma_start3A_129 = arith.constant 0 : i32
        %dma_start3A_130 = tpu.memref_slice %arg6[%dma_start3A_128, %dma_start3A_129] : memref<256x16xf32, #tpu.memory_space<vmem>> -> memref<80x16xf32, #tpu.memory_space<vmem>>
        tpu.enqueue_dma source(%dma_start3A_130 : memref<80x16xf32, #tpu.memory_space<vmem>>) target(%dma_start3A_127 : memref<80x16xf32, #tpu.memory_space<vmem_shared>>) target_semaphore(%run_scoped3A : memref<!tpu.dma_semaphore, #tpu.memory_space<semaphore_mem>>)
        %dma_wait3A = arith.constant 0 : i32
        %dma_wait3A_131 = arith.constant 0 : i32
        %dma_wait3A_132 = tpu.memref_slice %arg6[%dma_wait3A, %dma_wait3A_131] : memref<256x16xf32, #tpu.memory_space<vmem>> -> memref<80x16xf32, #tpu.memory_space<vmem>>
        %dma_wait3A_133 = arith.constant 0 : i32
        %dma_wait3A_134 = tpu.memref_slice %arg7[%mul3A_121, %dma_wait3A_133] : memref<10000x16xf32, #tpu.memory_space<vmem_shared>> -> memref<80x16xf32, #tpu.memory_space<vmem_shared>>
        %dma_wait3A_135 = arith.constant 0 : i32
        %dma_wait3A_136 = tpu.memref_slice %arg7[%mul3A_121, %dma_wait3A_135] : memref<10000x16xf32, #tpu.memory_space<vmem_shared>> -> memref<80x16xf32, #tpu.memory_space<vmem_shared>>
        %dma_wait3A_137 = arith.constant 0 : i32
        %dma_wait3A_138 = arith.constant 0 : i32
        %dma_wait3A_139 = tpu.memref_slice %arg6[%dma_wait3A_137, %dma_wait3A_138] : memref<256x16xf32, #tpu.memory_space<vmem>> -> memref<80x16xf32, #tpu.memory_space<vmem>>
        tpu.wait_dma2 semaphore(%run_scoped3A : memref<!tpu.dma_semaphore, #tpu.memory_space<semaphore_mem>>) src(%dma_wait3A_139 : memref<80x16xf32, #tpu.memory_space<vmem>>) dst(%dma_wait3A_136 : memref<80x16xf32, #tpu.memory_space<vmem_shared>>)
        tpu.yield
      }) : () -> ()
    } else {
    }
    %add3A_24 = arith.constant 48 : i32
    %add3A_25 = arith.addi %add3A_24, %arg1 : i32
    %lt3A_26 = arith.constant 125 : i32
    %lt3A_27 = arith.cmpi slt, %add3A_25, %lt3A_26 : i32
    %convert_element_type3A_28 = arith.extui %lt3A_27 : i1 to i32
    %cond3A_29 = arith.constant 0 : i32
    %cond3A_30 = arith.cmpi ne, %convert_element_type3A_28, %cond3A_29 : i32
    scf.if %cond3A_30 {
      %mul3A_120 = arith.constant 80 : i32
      %mul3A_121 = arith.muli %add3A_25, %mul3A_120 : i32
      "tpu.region"() ({
        %run_scoped3A = tpu.sem_alloc : memref<!tpu.dma_semaphore, #tpu.memory_space<semaphore_mem>>
        %dma_start3A = arith.constant 0 : i32
        %dma_start3A_122 = arith.constant 0 : i32
        %dma_start3A_123 = tpu.memref_slice %arg6[%dma_start3A, %dma_start3A_122] : memref<256x16xf32, #tpu.memory_space<vmem>> -> memref<80x16xf32, #tpu.memory_space<vmem>>
        %dma_start3A_124 = arith.constant 0 : i32
        %dma_start3A_125 = tpu.memref_slice %arg7[%mul3A_121, %dma_start3A_124] : memref<10000x16xf32, #tpu.memory_space<vmem_shared>> -> memref<80x16xf32, #tpu.memory_space<vmem_shared>>
        %dma_start3A_126 = arith.constant 0 : i32
        %dma_start3A_127 = tpu.memref_slice %arg7[%mul3A_121, %dma_start3A_126] : memref<10000x16xf32, #tpu.memory_space<vmem_shared>> -> memref<80x16xf32, #tpu.memory_space<vmem_shared>>
        %dma_start3A_128 = arith.constant 0 : i32
        %dma_start3A_129 = arith.constant 0 : i32
        %dma_start3A_130 = tpu.memref_slice %arg6[%dma_start3A_128, %dma_start3A_129] : memref<256x16xf32, #tpu.memory_space<vmem>> -> memref<80x16xf32, #tpu.memory_space<vmem>>
        tpu.enqueue_dma source(%dma_start3A_130 : memref<80x16xf32, #tpu.memory_space<vmem>>) target(%dma_start3A_127 : memref<80x16xf32, #tpu.memory_space<vmem_shared>>) target_semaphore(%run_scoped3A : memref<!tpu.dma_semaphore, #tpu.memory_space<semaphore_mem>>)
        %dma_wait3A = arith.constant 0 : i32
        %dma_wait3A_131 = arith.constant 0 : i32
        %dma_wait3A_132 = tpu.memref_slice %arg6[%dma_wait3A, %dma_wait3A_131] : memref<256x16xf32, #tpu.memory_space<vmem>> -> memref<80x16xf32, #tpu.memory_space<vmem>>
        %dma_wait3A_133 = arith.constant 0 : i32
        %dma_wait3A_134 = tpu.memref_slice %arg7[%mul3A_121, %dma_wait3A_133] : memref<10000x16xf32, #tpu.memory_space<vmem_shared>> -> memref<80x16xf32, #tpu.memory_space<vmem_shared>>
        %dma_wait3A_135 = arith.constant 0 : i32
        %dma_wait3A_136 = tpu.memref_slice %arg7[%mul3A_121, %dma_wait3A_135] : memref<10000x16xf32, #tpu.memory_space<vmem_shared>> -> memref<80x16xf32, #tpu.memory_space<vmem_shared>>
        %dma_wait3A_137 = arith.constant 0 : i32
        %dma_wait3A_138 = arith.constant 0 : i32
        %dma_wait3A_139 = tpu.memref_slice %arg6[%dma_wait3A_137, %dma_wait3A_138] : memref<256x16xf32, #tpu.memory_space<vmem>> -> memref<80x16xf32, #tpu.memory_space<vmem>>
        tpu.wait_dma2 semaphore(%run_scoped3A : memref<!tpu.dma_semaphore, #tpu.memory_space<semaphore_mem>>) src(%dma_wait3A_139 : memref<80x16xf32, #tpu.memory_space<vmem>>) dst(%dma_wait3A_136 : memref<80x16xf32, #tpu.memory_space<vmem_shared>>)
        tpu.yield
      }) : () -> ()
    } else {
    }
    %add3A_31 = arith.constant 64 : i32
    %add3A_32 = arith.addi %add3A_31, %arg1 : i32
    %lt3A_33 = arith.constant 125 : i32
    %lt3A_34 = arith.cmpi slt, %add3A_32, %lt3A_33 : i32
    %convert_element_type3A_35 = arith.extui %lt3A_34 : i1 to i32
    %cond3A_36 = arith.constant 0 : i32
    %cond3A_37 = arith.cmpi ne, %convert_element_type3A_35, %cond3A_36 : i32
    scf.if %cond3A_37 {
      %mul3A_120 = arith.constant 80 : i32
      %mul3A_121 = arith.muli %add3A_32, %mul3A_120 : i32
      "tpu.region"() ({
        %run_scoped3A = tpu.sem_alloc : memref<!tpu.dma_semaphore, #tpu.memory_space<semaphore_mem>>
        %dma_start3A = arith.constant 0 : i32
        %dma_start3A_122 = arith.constant 0 : i32
        %dma_start3A_123 = tpu.memref_slice %arg6[%dma_start3A, %dma_start3A_122] : memref<256x16xf32, #tpu.memory_space<vmem>> -> memref<80x16xf32, #tpu.memory_space<vmem>>
        %dma_start3A_124 = arith.constant 0 : i32
        %dma_start3A_125 = tpu.memref_slice %arg7[%mul3A_121, %dma_start3A_124] : memref<10000x16xf32, #tpu.memory_space<vmem_shared>> -> memref<80x16xf32, #tpu.memory_space<vmem_shared>>
        %dma_start3A_126 = arith.constant 0 : i32
        %dma_start3A_127 = tpu.memref_slice %arg7[%mul3A_121, %dma_start3A_126] : memref<10000x16xf32, #tpu.memory_space<vmem_shared>> -> memref<80x16xf32, #tpu.memory_space<vmem_shared>>
        %dma_start3A_128 = arith.constant 0 : i32
        %dma_start3A_129 = arith.constant 0 : i32
        %dma_start3A_130 = tpu.memref_slice %arg6[%dma_start3A_128, %dma_start3A_129] : memref<256x16xf32, #tpu.memory_space<vmem>> -> memref<80x16xf32, #tpu.memory_space<vmem>>
        tpu.enqueue_dma source(%dma_start3A_130 : memref<80x16xf32, #tpu.memory_space<vmem>>) target(%dma_start3A_127 : memref<80x16xf32, #tpu.memory_space<vmem_shared>>) target_semaphore(%run_scoped3A : memref<!tpu.dma_semaphore, #tpu.memory_space<semaphore_mem>>)
        %dma_wait3A = arith.constant 0 : i32
        %dma_wait3A_131 = arith.constant 0 : i32
        %dma_wait3A_132 = tpu.memref_slice %arg6[%dma_wait3A, %dma_wait3A_131] : memref<256x16xf32, #tpu.memory_space<vmem>> -> memref<80x16xf32, #tpu.memory_space<vmem>>
        %dma_wait3A_133 = arith.constant 0 : i32
        %dma_wait3A_134 = tpu.memref_slice %arg7[%mul3A_121, %dma_wait3A_133] : memref<10000x16xf32, #tpu.memory_space<vmem_shared>> -> memref<80x16xf32, #tpu.memory_space<vmem_shared>>
        %dma_wait3A_135 = arith.constant 0 : i32
        %dma_wait3A_136 = tpu.memref_slice %arg7[%mul3A_121, %dma_wait3A_135] : memref<10000x16xf32, #tpu.memory_space<vmem_shared>> -> memref<80x16xf32, #tpu.memory_space<vmem_shared>>
        %dma_wait3A_137 = arith.constant 0 : i32
        %dma_wait3A_138 = arith.constant 0 : i32
        %dma_wait3A_139 = tpu.memref_slice %arg6[%dma_wait3A_137, %dma_wait3A_138] : memref<256x16xf32, #tpu.memory_space<vmem>> -> memref<80x16xf32, #tpu.memory_space<vmem>>
        tpu.wait_dma2 semaphore(%run_scoped3A : memref<!tpu.dma_semaphore, #tpu.memory_space<semaphore_mem>>) src(%dma_wait3A_139 : memref<80x16xf32, #tpu.memory_space<vmem>>) dst(%dma_wait3A_136 : memref<80x16xf32, #tpu.memory_space<vmem_shared>>)
        tpu.yield
      }) : () -> ()
    } else {
    }
    %add3A_38 = arith.constant 80 : i32
    %add3A_39 = arith.addi %add3A_38, %arg1 : i32
    %lt3A_40 = arith.constant 125 : i32
    %lt3A_41 = arith.cmpi slt, %add3A_39, %lt3A_40 : i32
    %convert_element_type3A_42 = arith.extui %lt3A_41 : i1 to i32
    %cond3A_43 = arith.constant 0 : i32
    %cond3A_44 = arith.cmpi ne, %convert_element_type3A_42, %cond3A_43 : i32
    scf.if %cond3A_44 {
      %mul3A_120 = arith.constant 80 : i32
      %mul3A_121 = arith.muli %add3A_39, %mul3A_120 : i32
      "tpu.region"() ({
        %run_scoped3A = tpu.sem_alloc : memref<!tpu.dma_semaphore, #tpu.memory_space<semaphore_mem>>
        %dma_start3A = arith.constant 0 : i32
        %dma_start3A_122 = arith.constant 0 : i32
        %dma_start3A_123 = tpu.memref_slice %arg6[%dma_start3A, %dma_start3A_122] : memref<256x16xf32, #tpu.memory_space<vmem>> -> memref<80x16xf32, #tpu.memory_space<vmem>>
        %dma_start3A_124 = arith.constant 0 : i32
        %dma_start3A_125 = tpu.memref_slice %arg7[%mul3A_121, %dma_start3A_124] : memref<10000x16xf32, #tpu.memory_space<vmem_shared>> -> memref<80x16xf32, #tpu.memory_space<vmem_shared>>
        %dma_start3A_126 = arith.constant 0 : i32
        %dma_start3A_127 = tpu.memref_slice %arg7[%mul3A_121, %dma_start3A_126] : memref<10000x16xf32, #tpu.memory_space<vmem_shared>> -> memref<80x16xf32, #tpu.memory_space<vmem_shared>>
        %dma_start3A_128 = arith.constant 0 : i32
        %dma_start3A_129 = arith.constant 0 : i32
        %dma_start3A_130 = tpu.memref_slice %arg6[%dma_start3A_128, %dma_start3A_129] : memref<256x16xf32, #tpu.memory_space<vmem>> -> memref<80x16xf32, #tpu.memory_space<vmem>>
        tpu.enqueue_dma source(%dma_start3A_130 : memref<80x16xf32, #tpu.memory_space<vmem>>) target(%dma_start3A_127 : memref<80x16xf32, #tpu.memory_space<vmem_shared>>) target_semaphore(%run_scoped3A : memref<!tpu.dma_semaphore, #tpu.memory_space<semaphore_mem>>)
        %dma_wait3A = arith.constant 0 : i32
        %dma_wait3A_131 = arith.constant 0 : i32
        %dma_wait3A_132 = tpu.memref_slice %arg6[%dma_wait3A, %dma_wait3A_131] : memref<256x16xf32, #tpu.memory_space<vmem>> -> memref<80x16xf32, #tpu.memory_space<vmem>>
        %dma_wait3A_133 = arith.constant 0 : i32
        %dma_wait3A_134 = tpu.memref_slice %arg7[%mul3A_121, %dma_wait3A_133] : memref<10000x16xf32, #tpu.memory_space<vmem_shared>> -> memref<80x16xf32, #tpu.memory_space<vmem_shared>>
        %dma_wait3A_135 = arith.constant 0 : i32
        %dma_wait3A_136 = tpu.memref_slice %arg7[%mul3A_121, %dma_wait3A_135] : memref<10000x16xf32, #tpu.memory_space<vmem_shared>> -> memref<80x16xf32, #tpu.memory_space<vmem_shared>>
        %dma_wait3A_137 = arith.constant 0 : i32
        %dma_wait3A_138 = arith.constant 0 : i32
        %dma_wait3A_139 = tpu.memref_slice %arg6[%dma_wait3A_137, %dma_wait3A_138] : memref<256x16xf32, #tpu.memory_space<vmem>> -> memref<80x16xf32, #tpu.memory_space<vmem>>
        tpu.wait_dma2 semaphore(%run_scoped3A : memref<!tpu.dma_semaphore, #tpu.memory_space<semaphore_mem>>) src(%dma_wait3A_139 : memref<80x16xf32, #tpu.memory_space<vmem>>) dst(%dma_wait3A_136 : memref<80x16xf32, #tpu.memory_space<vmem_shared>>)
        tpu.yield
      }) : () -> ()
    } else {
    }
    %add3A_45 = arith.constant 96 : i32
    %add3A_46 = arith.addi %add3A_45, %arg1 : i32
    %lt3A_47 = arith.constant 125 : i32
    %lt3A_48 = arith.cmpi slt, %add3A_46, %lt3A_47 : i32
    %convert_element_type3A_49 = arith.extui %lt3A_48 : i1 to i32
    %cond3A_50 = arith.constant 0 : i32
    %cond3A_51 = arith.cmpi ne, %convert_element_type3A_49, %cond3A_50 : i32
    scf.if %cond3A_51 {
      %mul3A_120 = arith.constant 80 : i32
      %mul3A_121 = arith.muli %add3A_46, %mul3A_120 : i32
      "tpu.region"() ({
        %run_scoped3A = tpu.sem_alloc : memref<!tpu.dma_semaphore, #tpu.memory_space<semaphore_mem>>
        %dma_start3A = arith.constant 0 : i32
        %dma_start3A_122 = arith.constant 0 : i32
        %dma_start3A_123 = tpu.memref_slice %arg6[%dma_start3A, %dma_start3A_122] : memref<256x16xf32, #tpu.memory_space<vmem>> -> memref<80x16xf32, #tpu.memory_space<vmem>>
        %dma_start3A_124 = arith.constant 0 : i32
        %dma_start3A_125 = tpu.memref_slice %arg7[%mul3A_121, %dma_start3A_124] : memref<10000x16xf32, #tpu.memory_space<vmem_shared>> -> memref<80x16xf32, #tpu.memory_space<vmem_shared>>
        %dma_start3A_126 = arith.constant 0 : i32
        %dma_start3A_127 = tpu.memref_slice %arg7[%mul3A_121, %dma_start3A_126] : memref<10000x16xf32, #tpu.memory_space<vmem_shared>> -> memref<80x16xf32, #tpu.memory_space<vmem_shared>>
        %dma_start3A_128 = arith.constant 0 : i32
        %dma_start3A_129 = arith.constant 0 : i32
        %dma_start3A_130 = tpu.memref_slice %arg6[%dma_start3A_128, %dma_start3A_129] : memref<256x16xf32, #tpu.memory_space<vmem>> -> memref<80x16xf32, #tpu.memory_space<vmem>>
        tpu.enqueue_dma source(%dma_start3A_130 : memref<80x16xf32, #tpu.memory_space<vmem>>) target(%dma_start3A_127 : memref<80x16xf32, #tpu.memory_space<vmem_shared>>) target_semaphore(%run_scoped3A : memref<!tpu.dma_semaphore, #tpu.memory_space<semaphore_mem>>)
        %dma_wait3A = arith.constant 0 : i32
        %dma_wait3A_131 = arith.constant 0 : i32
        %dma_wait3A_132 = tpu.memref_slice %arg6[%dma_wait3A, %dma_wait3A_131] : memref<256x16xf32, #tpu.memory_space<vmem>> -> memref<80x16xf32, #tpu.memory_space<vmem>>
        %dma_wait3A_133 = arith.constant 0 : i32
        %dma_wait3A_134 = tpu.memref_slice %arg7[%mul3A_121, %dma_wait3A_133] : memref<10000x16xf32, #tpu.memory_space<vmem_shared>> -> memref<80x16xf32, #tpu.memory_space<vmem_shared>>
        %dma_wait3A_135 = arith.constant 0 : i32
        %dma_wait3A_136 = tpu.memref_slice %arg7[%mul3A_121, %dma_wait3A_135] : memref<10000x16xf32, #tpu.memory_space<vmem_shared>> -> memref<80x16xf32, #tpu.memory_space<vmem_shared>>
        %dma_wait3A_137 = arith.constant 0 : i32
        %dma_wait3A_138 = arith.constant 0 : i32
        %dma_wait3A_139 = tpu.memref_slice %arg6[%dma_wait3A_137, %dma_wait3A_138] : memref<256x16xf32, #tpu.memory_space<vmem>> -> memref<80x16xf32, #tpu.memory_space<vmem>>
        tpu.wait_dma2 semaphore(%run_scoped3A : memref<!tpu.dma_semaphore, #tpu.memory_space<semaphore_mem>>) src(%dma_wait3A_139 : memref<80x16xf32, #tpu.memory_space<vmem>>) dst(%dma_wait3A_136 : memref<80x16xf32, #tpu.memory_space<vmem_shared>>)
        tpu.yield
      }) : () -> ()
    } else {
    }
    %add3A_52 = arith.constant 112 : i32
    %add3A_53 = arith.addi %add3A_52, %arg1 : i32
    %lt3A_54 = arith.constant 125 : i32
    %lt3A_55 = arith.cmpi slt, %add3A_53, %lt3A_54 : i32
    %convert_element_type3A_56 = arith.extui %lt3A_55 : i1 to i32
    %cond3A_57 = arith.constant 0 : i32
    %cond3A_58 = arith.cmpi ne, %convert_element_type3A_56, %cond3A_57 : i32
    scf.if %cond3A_58 {
      %mul3A_120 = arith.constant 80 : i32
      %mul3A_121 = arith.muli %add3A_53, %mul3A_120 : i32
      "tpu.region"() ({
        %run_scoped3A = tpu.sem_alloc : memref<!tpu.dma_semaphore, #tpu.memory_space<semaphore_mem>>
        %dma_start3A = arith.constant 0 : i32
        %dma_start3A_122 = arith.constant 0 : i32
        %dma_start3A_123 = tpu.memref_slice %arg6[%dma_start3A, %dma_start3A_122] : memref<256x16xf32, #tpu.memory_space<vmem>> -> memref<80x16xf32, #tpu.memory_space<vmem>>
        %dma_start3A_124 = arith.constant 0 : i32
        %dma_start3A_125 = tpu.memref_slice %arg7[%mul3A_121, %dma_start3A_124] : memref<10000x16xf32, #tpu.memory_space<vmem_shared>> -> memref<80x16xf32, #tpu.memory_space<vmem_shared>>
        %dma_start3A_126 = arith.constant 0 : i32
        %dma_start3A_127 = tpu.memref_slice %arg7[%mul3A_121, %dma_start3A_126] : memref<10000x16xf32, #tpu.memory_space<vmem_shared>> -> memref<80x16xf32, #tpu.memory_space<vmem_shared>>
        %dma_start3A_128 = arith.constant 0 : i32
        %dma_start3A_129 = arith.constant 0 : i32
        %dma_start3A_130 = tpu.memref_slice %arg6[%dma_start3A_128, %dma_start3A_129] : memref<256x16xf32, #tpu.memory_space<vmem>> -> memref<80x16xf32, #tpu.memory_space<vmem>>
        tpu.enqueue_dma source(%dma_start3A_130 : memref<80x16xf32, #tpu.memory_space<vmem>>) target(%dma_start3A_127 : memref<80x16xf32, #tpu.memory_space<vmem_shared>>) target_semaphore(%run_scoped3A : memref<!tpu.dma_semaphore, #tpu.memory_space<semaphore_mem>>)
        %dma_wait3A = arith.constant 0 : i32
        %dma_wait3A_131 = arith.constant 0 : i32
        %dma_wait3A_132 = tpu.memref_slice %arg6[%dma_wait3A, %dma_wait3A_131] : memref<256x16xf32, #tpu.memory_space<vmem>> -> memref<80x16xf32, #tpu.memory_space<vmem>>
        %dma_wait3A_133 = arith.constant 0 : i32
        %dma_wait3A_134 = tpu.memref_slice %arg7[%mul3A_121, %dma_wait3A_133] : memref<10000x16xf32, #tpu.memory_space<vmem_shared>> -> memref<80x16xf32, #tpu.memory_space<vmem_shared>>
        %dma_wait3A_135 = arith.constant 0 : i32
        %dma_wait3A_136 = tpu.memref_slice %arg7[%mul3A_121, %dma_wait3A_135] : memref<10000x16xf32, #tpu.memory_space<vmem_shared>> -> memref<80x16xf32, #tpu.memory_space<vmem_shared>>
        %dma_wait3A_137 = arith.constant 0 : i32
        %dma_wait3A_138 = arith.constant 0 : i32
        %dma_wait3A_139 = tpu.memref_slice %arg6[%dma_wait3A_137, %dma_wait3A_138] : memref<256x16xf32, #tpu.memory_space<vmem>> -> memref<80x16xf32, #tpu.memory_space<vmem>>
        tpu.wait_dma2 semaphore(%run_scoped3A : memref<!tpu.dma_semaphore, #tpu.memory_space<semaphore_mem>>) src(%dma_wait3A_139 : memref<80x16xf32, #tpu.memory_space<vmem>>) dst(%dma_wait3A_136 : memref<80x16xf32, #tpu.memory_space<vmem_shared>>)
        tpu.yield
      }) : () -> ()
    } else {
    }
    "tpu.region"() ({
      %run_scoped3A = tpu.sem_alloc : memref<!tpu.dma_semaphore, #tpu.memory_space<semaphore_mem>>
      %dma_start3A = arith.constant 0 : i32
      %dma_start3A_120 = arith.constant 0 : i32
      %dma_start3A_121 = tpu.memref_slice %arg3[%add3A, %dma_start3A, %dma_start3A_120] : memref<32x79x128xi32, #tpu.memory_space<hbm>> -> memref<1x79x128xi32, #tpu.memory_space<hbm>>
      %dma_start3A_122 = tpu.memref_squeeze %dma_start3A_121 : memref<1x79x128xi32, #tpu.memory_space<hbm>> -> memref<79x128xi32, #tpu.memory_space<hbm>>
      %dma_start3A_123 = arith.constant 0 : i32
      %dma_start3A_124 = arith.constant 0 : i32
      %dma_start3A_125 = tpu.memref_slice %arg3[%add3A, %dma_start3A_123, %dma_start3A_124] : memref<32x79x128xi32, #tpu.memory_space<hbm>> -> memref<1x79x128xi32, #tpu.memory_space<hbm>>
      %dma_start3A_126 = tpu.memref_squeeze %dma_start3A_125 : memref<1x79x128xi32, #tpu.memory_space<hbm>> -> memref<79x128xi32, #tpu.memory_space<hbm>>
      tpu.enqueue_dma source(%dma_start3A_126 : memref<79x128xi32, #tpu.memory_space<hbm>>) target(%arg5 : memref<79x128xi32, #tpu.memory_space<vmem>>) target_semaphore(%run_scoped3A : memref<!tpu.dma_semaphore, #tpu.memory_space<semaphore_mem>>)
      %dma_wait3A = arith.constant 0 : i32
      %dma_wait3A_127 = arith.constant 0 : i32
      %dma_wait3A_128 = tpu.memref_slice %arg3[%add3A, %dma_wait3A, %dma_wait3A_127] : memref<32x79x128xi32, #tpu.memory_space<hbm>> -> memref<1x79x128xi32, #tpu.memory_space<hbm>>
      %dma_wait3A_129 = tpu.memref_squeeze %dma_wait3A_128 : memref<1x79x128xi32, #tpu.memory_space<hbm>> -> memref<79x128xi32, #tpu.memory_space<hbm>>
      %dma_wait3A_130 = arith.constant 0 : i32
      %dma_wait3A_131 = arith.constant 0 : i32
      %dma_wait3A_132 = tpu.memref_slice %arg3[%add3A, %dma_wait3A_130, %dma_wait3A_131] : memref<32x79x128xi32, #tpu.memory_space<hbm>> -> memref<1x79x128xi32, #tpu.memory_space<hbm>>
      %dma_wait3A_133 = tpu.memref_squeeze %dma_wait3A_132 : memref<1x79x128xi32, #tpu.memory_space<hbm>> -> memref<79x128xi32, #tpu.memory_space<hbm>>
      tpu.wait_dma2 semaphore(%run_scoped3A : memref<!tpu.dma_semaphore, #tpu.memory_space<semaphore_mem>>) src(%dma_wait3A_133 : memref<79x128xi32, #tpu.memory_space<hbm>>) dst(%arg5 : memref<79x128xi32, #tpu.memory_space<vmem>>)
      tpu.yield
    }) : () -> ()
    %barrier3A = arith.constant 0 : index
    tpu.barrier barrier_id(%barrier3A)
    %scan3A = arith.constant 0 : i32
    %scan3A_59 = arith.constant 40 : i32
    %scan3A_60 = arith.addi %scan3A, %scan3A_59 : i32
    %scan3A_61 = arith.constant 1 : i32
    scf.for %scan3A_120 = %scan3A to %scan3A_60 step %scan3A_61  : i32 {
      %mul3A_121 = arith.constant 2 : i32
      %mul3A_122 = arith.muli %scan3A_120, %mul3A_121 : i32
      %add3A_123 = arith.constant 0 : i32
      %add3A_124 = arith.addi %add3A_123, %mul3A_122 : i32
      %mul3A_125 = arith.constant 32 : i32
      %mul3A_126 = arith.muli %add3A_124, %mul3A_125 : i32
      %add3A_127 = arith.addi %mul3A_126, %add3A : i32
      %lt3A_128 = arith.constant 79 : i32
      %lt3A_129 = arith.cmpi slt, %add3A_124, %lt3A_128 : i32
      %lt3A_130 = arith.constant 2500 : i32
      %lt3A_131 = arith.cmpi slt, %add3A_127, %lt3A_130 : i32
      %and3A = arith.andi %lt3A_129, %lt3A_131 : i1
      %convert_element_type3A_132 = arith.extui %and3A : i1 to i32
      %cond3A_133 = arith.constant 0 : i32
      %cond3A_134 = arith.cmpi ne, %convert_element_type3A_132, %cond3A_133 : i32
      scf.if %cond3A_134 {
        %mul3A_176 = arith.constant 128 : i32
        %mul3A_177 = arith.muli %add3A_127, %mul3A_176 : i32
        %dma_start3A = arith.constant 0 : i32
        %dma_start3A_178 = arith.constant 0 : i32
        %dma_start3A_179 = tpu.memref_slice %arg6[%dma_start3A, %dma_start3A_178] : memref<256x16xf32, #tpu.memory_space<vmem>> -> memref<128x16xf32, #tpu.memory_space<vmem>>
        %dma_start3A_180 = arith.constant 0 : i32
        %dma_start3A_181 = tpu.memref_slice %arg2[%mul3A_177, %dma_start3A_180] : memref<320000x16xf32, #tpu.memory_space<hbm>> -> memref<128x16xf32, #tpu.memory_space<hbm>>
        %dma_start3A_182 = arith.constant 0 : i32
        %dma_start3A_183 = arith.constant 0 : i32
        %dma_start3A_184 = tpu.memref_slice %arg6[%dma_start3A_182, %dma_start3A_183] : memref<256x16xf32, #tpu.memory_space<vmem>> -> memref<128x16xf32, #tpu.memory_space<vmem>>
        %dma_start3A_185 = arith.constant 0 : i32
        %dma_start3A_186 = tpu.memref_slice %arg2[%mul3A_177, %dma_start3A_185] : memref<320000x16xf32, #tpu.memory_space<hbm>> -> memref<128x16xf32, #tpu.memory_space<hbm>>
        tpu.enqueue_dma source(%dma_start3A_186 : memref<128x16xf32, #tpu.memory_space<hbm>>) target(%dma_start3A_184 : memref<128x16xf32, #tpu.memory_space<vmem>>) target_semaphore(%arg8 : memref<!tpu.dma_semaphore, #tpu.memory_space<semaphore_mem>>)
      } else {
      }
      %sub3A = arith.constant 1 : i32
      %sub3A_135 = arith.subi %add3A_124, %sub3A : i32
      %mul3A_136 = arith.constant 32 : i32
      %mul3A_137 = arith.muli %sub3A_135, %mul3A_136 : i32
      %add3A_138 = arith.addi %mul3A_137, %add3A : i32
      %ge3A = arith.constant 0 : i32
      %ge3A_139 = arith.cmpi sge, %sub3A_135, %ge3A : i32
      %lt3A_140 = arith.constant 79 : i32
      %lt3A_141 = arith.cmpi slt, %sub3A_135, %lt3A_140 : i32
      %and3A_142 = arith.andi %ge3A_139, %lt3A_141 : i1
      %lt3A_143 = arith.constant 2500 : i32
      %lt3A_144 = arith.cmpi slt, %add3A_138, %lt3A_143 : i32
      %and3A_145 = arith.andi %and3A_142, %lt3A_144 : i1
      %convert_element_type3A_146 = arith.extui %and3A_145 : i1 to i32
      %cond3A_147 = arith.constant 0 : i32
      %cond3A_148 = arith.cmpi ne, %convert_element_type3A_146, %cond3A_147 : i32
      scf.if %cond3A_148 {
        %mul3A_176 = arith.constant 128 : i32
        %mul3A_177 = arith.muli %add3A_138, %mul3A_176 : i32
        %dma_wait3A = arith.constant 128 : i32
        %dma_wait3A_178 = arith.constant 0 : i32
        %dma_wait3A_179 = tpu.memref_slice %arg6[%dma_wait3A, %dma_wait3A_178] : memref<256x16xf32, #tpu.memory_space<vmem>> -> memref<128x16xf32, #tpu.memory_space<vmem>>
        %dma_wait3A_180 = arith.constant 0 : i32
        %dma_wait3A_181 = tpu.memref_slice %arg2[%mul3A_177, %dma_wait3A_180] : memref<320000x16xf32, #tpu.memory_space<hbm>> -> memref<128x16xf32, #tpu.memory_space<hbm>>
        %dma_wait3A_182 = arith.constant 128 : i32
        %dma_wait3A_183 = arith.constant 0 : i32
        %dma_wait3A_184 = tpu.memref_slice %arg6[%dma_wait3A_182, %dma_wait3A_183] : memref<256x16xf32, #tpu.memory_space<vmem>> -> memref<128x16xf32, #tpu.memory_space<vmem>>
        %dma_wait3A_185 = arith.constant 0 : i32
        %dma_wait3A_186 = tpu.memref_slice %arg2[%mul3A_177, %dma_wait3A_185] : memref<320000x16xf32, #tpu.memory_space<hbm>> -> memref<128x16xf32, #tpu.memory_space<hbm>>
        tpu.wait_dma2 semaphore(%arg9 : memref<!tpu.dma_semaphore, #tpu.memory_space<semaphore_mem>>) src(%dma_wait3A_186 : memref<128x16xf32, #tpu.memory_space<hbm>>) dst(%dma_wait3A_184 : memref<128x16xf32, #tpu.memory_space<vmem>>)
        "tpu.region"() ({
          %run_scoped3A = tpu.sem_alloc : memref<!tpu.dma_semaphore, #tpu.memory_space<semaphore_mem>>
          %dma_start3A = arith.constant 128 : i32
          %dma_start3A_187 = arith.constant 0 : i32
          %dma_start3A_188 = tpu.memref_slice %arg6[%dma_start3A, %dma_start3A_187] : memref<256x16xf32, #tpu.memory_space<vmem>> -> memref<128x16xf32, #tpu.memory_space<vmem>>
          %dma_start3A_189 = arith.constant 0 : i32
          %dma_start3A_190 = tpu.memref_slice %arg5[%sub3A_135, %dma_start3A_189] : memref<79x128xi32, #tpu.memory_space<vmem>> -> memref<1x128xi32, #tpu.memory_space<vmem>>
          %dma_start3A_191 = tpu.memref_squeeze %dma_start3A_190 : memref<1x128xi32, #tpu.memory_space<vmem>> -> memref<128xi32, #tpu.memory_space<vmem>>
          %dma_start3A_192 = arith.constant 0 : i32
          %dma_start3A_193 = arith.constant 0 : i32
          %dma_start3A_194 = tpu.memref_slice %arg7[%dma_start3A_192, %dma_start3A_193] : memref<10000x16xf32, #tpu.memory_space<vmem_shared>> -> memref<10000x16xf32, #tpu.memory_space<vmem_shared>>
          tpu.enqueue_indirect_dma source(%dma_start3A_188 : memref<128x16xf32, #tpu.memory_space<vmem>>) target(%dma_start3A_194 : memref<10000x16xf32, #tpu.memory_space<vmem_shared>>) offsets(%dma_start3A_191 : memref<128xi32, #tpu.memory_space<vmem>>) semaphore(%run_scoped3A : memref<!tpu.dma_semaphore, #tpu.memory_space<semaphore_mem>>) {add = true}
          %dma_wait3A_195 = arith.constant 128 : i32
          %dma_wait3A_196 = arith.constant 0 : i32
          %dma_wait3A_197 = tpu.memref_slice %arg6[%dma_wait3A_195, %dma_wait3A_196] : memref<256x16xf32, #tpu.memory_space<vmem>> -> memref<128x16xf32, #tpu.memory_space<vmem>>
          %dma_wait3A_198 = arith.constant 0 : i32
          %dma_wait3A_199 = tpu.memref_slice %arg5[%sub3A_135, %dma_wait3A_198] : memref<79x128xi32, #tpu.memory_space<vmem>> -> memref<1x128xi32, #tpu.memory_space<vmem>>
          %dma_wait3A_200 = tpu.memref_squeeze %dma_wait3A_199 : memref<1x128xi32, #tpu.memory_space<vmem>> -> memref<128xi32, #tpu.memory_space<vmem>>
          %dma_wait3A_201 = arith.constant 0 : i32
          %dma_wait3A_202 = arith.constant 0 : i32
          %dma_wait3A_203 = tpu.memref_slice %arg7[%dma_wait3A_201, %dma_wait3A_202] : memref<10000x16xf32, #tpu.memory_space<vmem_shared>> -> memref<10000x16xf32, #tpu.memory_space<vmem_shared>>
          tpu.wait_indirect_dma semaphore(%run_scoped3A : memref<!tpu.dma_semaphore, #tpu.memory_space<semaphore_mem>>) src(%dma_wait3A_197 : memref<128x16xf32, #tpu.memory_space<vmem>>) dst(%dma_wait3A_203 : memref<10000x16xf32, #tpu.memory_space<vmem_shared>>)
          tpu.yield
        }) : () -> ()
      } else {
      }
      %add3A_149 = arith.constant 1 : i32
      %add3A_150 = arith.addi %add3A_124, %add3A_149 : i32
      %mul3A_151 = arith.constant 32 : i32
      %mul3A_152 = arith.muli %add3A_150, %mul3A_151 : i32
      %add3A_153 = arith.addi %mul3A_152, %add3A : i32
      %lt3A_154 = arith.constant 79 : i32
      %lt3A_155 = arith.cmpi slt, %add3A_150, %lt3A_154 : i32
      %lt3A_156 = arith.constant 2500 : i32
      %lt3A_157 = arith.cmpi slt, %add3A_153, %lt3A_156 : i32
      %and3A_158 = arith.andi %lt3A_155, %lt3A_157 : i1
      %convert_element_type3A_159 = arith.extui %and3A_158 : i1 to i32
      %cond3A_160 = arith.constant 0 : i32
      %cond3A_161 = arith.cmpi ne, %convert_element_type3A_159, %cond3A_160 : i32
      scf.if %cond3A_161 {
        %mul3A_176 = arith.constant 128 : i32
        %mul3A_177 = arith.muli %add3A_153, %mul3A_176 : i32
        %dma_start3A = arith.constant 128 : i32
        %dma_start3A_178 = arith.constant 0 : i32
        %dma_start3A_179 = tpu.memref_slice %arg6[%dma_start3A, %dma_start3A_178] : memref<256x16xf32, #tpu.memory_space<vmem>> -> memref<128x16xf32, #tpu.memory_space<vmem>>
        %dma_start3A_180 = arith.constant 0 : i32
        %dma_start3A_181 = tpu.memref_slice %arg2[%mul3A_177, %dma_start3A_180] : memref<320000x16xf32, #tpu.memory_space<hbm>> -> memref<128x16xf32, #tpu.memory_space<hbm>>
        %dma_start3A_182 = arith.constant 128 : i32
        %dma_start3A_183 = arith.constant 0 : i32
        %dma_start3A_184 = tpu.memref_slice %arg6[%dma_start3A_182, %dma_start3A_183] : memref<256x16xf32, #tpu.memory_space<vmem>> -> memref<128x16xf32, #tpu.memory_space<vmem>>
        %dma_start3A_185 = arith.constant 0 : i32
        %dma_start3A_186 = tpu.memref_slice %arg2[%mul3A_177, %dma_start3A_185] : memref<320000x16xf32, #tpu.memory_space<hbm>> -> memref<128x16xf32, #tpu.memory_space<hbm>>
        tpu.enqueue_dma source(%dma_start3A_186 : memref<128x16xf32, #tpu.memory_space<hbm>>) target(%dma_start3A_184 : memref<128x16xf32, #tpu.memory_space<vmem>>) target_semaphore(%arg9 : memref<!tpu.dma_semaphore, #tpu.memory_space<semaphore_mem>>)
      } else {
      }
      %mul3A_162 = arith.constant 32 : i32
      %mul3A_163 = arith.muli %add3A_124, %mul3A_162 : i32
      %add3A_164 = arith.addi %mul3A_163, %add3A : i32
      %ge3A_165 = arith.constant 0 : i32
      %ge3A_166 = arith.cmpi sge, %add3A_124, %ge3A_165 : i32
      %lt3A_167 = arith.constant 79 : i32
      %lt3A_168 = arith.cmpi slt, %add3A_124, %lt3A_167 : i32
      %and3A_169 = arith.andi %ge3A_166, %lt3A_168 : i1
      %lt3A_170 = arith.constant 2500 : i32
      %lt3A_171 = arith.cmpi slt, %add3A_164, %lt3A_170 : i32
      %and3A_172 = arith.andi %and3A_169, %lt3A_171 : i1
      %convert_element_type3A_173 = arith.extui %and3A_172 : i1 to i32
      %cond3A_174 = arith.constant 0 : i32
      %cond3A_175 = arith.cmpi ne, %convert_element_type3A_173, %cond3A_174 : i32
      scf.if %cond3A_175 {
        %mul3A_176 = arith.constant 128 : i32
        %mul3A_177 = arith.muli %add3A_164, %mul3A_176 : i32
        %dma_wait3A = arith.constant 0 : i32
        %dma_wait3A_178 = arith.constant 0 : i32
        %dma_wait3A_179 = tpu.memref_slice %arg6[%dma_wait3A, %dma_wait3A_178] : memref<256x16xf32, #tpu.memory_space<vmem>> -> memref<128x16xf32, #tpu.memory_space<vmem>>
        %dma_wait3A_180 = arith.constant 0 : i32
        %dma_wait3A_181 = tpu.memref_slice %arg2[%mul3A_177, %dma_wait3A_180] : memref<320000x16xf32, #tpu.memory_space<hbm>> -> memref<128x16xf32, #tpu.memory_space<hbm>>
        %dma_wait3A_182 = arith.constant 0 : i32
        %dma_wait3A_183 = arith.constant 0 : i32
        %dma_wait3A_184 = tpu.memref_slice %arg6[%dma_wait3A_182, %dma_wait3A_183] : memref<256x16xf32, #tpu.memory_space<vmem>> -> memref<128x16xf32, #tpu.memory_space<vmem>>
        %dma_wait3A_185 = arith.constant 0 : i32
        %dma_wait3A_186 = tpu.memref_slice %arg2[%mul3A_177, %dma_wait3A_185] : memref<320000x16xf32, #tpu.memory_space<hbm>> -> memref<128x16xf32, #tpu.memory_space<hbm>>
        tpu.wait_dma2 semaphore(%arg8 : memref<!tpu.dma_semaphore, #tpu.memory_space<semaphore_mem>>) src(%dma_wait3A_186 : memref<128x16xf32, #tpu.memory_space<hbm>>) dst(%dma_wait3A_184 : memref<128x16xf32, #tpu.memory_space<vmem>>)
        "tpu.region"() ({
          %run_scoped3A = tpu.sem_alloc : memref<!tpu.dma_semaphore, #tpu.memory_space<semaphore_mem>>
          %dma_start3A = arith.constant 0 : i32
          %dma_start3A_187 = arith.constant 0 : i32
          %dma_start3A_188 = tpu.memref_slice %arg6[%dma_start3A, %dma_start3A_187] : memref<256x16xf32, #tpu.memory_space<vmem>> -> memref<128x16xf32, #tpu.memory_space<vmem>>
          %dma_start3A_189 = arith.constant 0 : i32
          %dma_start3A_190 = tpu.memref_slice %arg5[%add3A_124, %dma_start3A_189] : memref<79x128xi32, #tpu.memory_space<vmem>> -> memref<1x128xi32, #tpu.memory_space<vmem>>
          %dma_start3A_191 = tpu.memref_squeeze %dma_start3A_190 : memref<1x128xi32, #tpu.memory_space<vmem>> -> memref<128xi32, #tpu.memory_space<vmem>>
          %dma_start3A_192 = arith.constant 0 : i32
          %dma_start3A_193 = arith.constant 0 : i32
          %dma_start3A_194 = tpu.memref_slice %arg7[%dma_start3A_192, %dma_start3A_193] : memref<10000x16xf32, #tpu.memory_space<vmem_shared>> -> memref<10000x16xf32, #tpu.memory_space<vmem_shared>>
          tpu.enqueue_indirect_dma source(%dma_start3A_188 : memref<128x16xf32, #tpu.memory_space<vmem>>) target(%dma_start3A_194 : memref<10000x16xf32, #tpu.memory_space<vmem_shared>>) offsets(%dma_start3A_191 : memref<128xi32, #tpu.memory_space<vmem>>) semaphore(%run_scoped3A : memref<!tpu.dma_semaphore, #tpu.memory_space<semaphore_mem>>) {add = true}
          %dma_wait3A_195 = arith.constant 0 : i32
          %dma_wait3A_196 = arith.constant 0 : i32
          %dma_wait3A_197 = tpu.memref_slice %arg6[%dma_wait3A_195, %dma_wait3A_196] : memref<256x16xf32, #tpu.memory_space<vmem>> -> memref<128x16xf32, #tpu.memory_space<vmem>>
          %dma_wait3A_198 = arith.constant 0 : i32
          %dma_wait3A_199 = tpu.memref_slice %arg5[%add3A_124, %dma_wait3A_198] : memref<79x128xi32, #tpu.memory_space<vmem>> -> memref<1x128xi32, #tpu.memory_space<vmem>>
          %dma_wait3A_200 = tpu.memref_squeeze %dma_wait3A_199 : memref<1x128xi32, #tpu.memory_space<vmem>> -> memref<128xi32, #tpu.memory_space<vmem>>
          %dma_wait3A_201 = arith.constant 0 : i32
          %dma_wait3A_202 = arith.constant 0 : i32
          %dma_wait3A_203 = tpu.memref_slice %arg7[%dma_wait3A_201, %dma_wait3A_202] : memref<10000x16xf32, #tpu.memory_space<vmem_shared>> -> memref<10000x16xf32, #tpu.memory_space<vmem_shared>>
          tpu.wait_indirect_dma semaphore(%run_scoped3A : memref<!tpu.dma_semaphore, #tpu.memory_space<semaphore_mem>>) src(%dma_wait3A_197 : memref<128x16xf32, #tpu.memory_space<vmem>>) dst(%dma_wait3A_203 : memref<10000x16xf32, #tpu.memory_space<vmem_shared>>)
          tpu.yield
        }) : () -> ()
      } else {
      }
    }
    %scan3A_62 = arith.constant 40 : i32
    %barrier3A_63 = arith.constant 0 : index
    tpu.barrier barrier_id(%barrier3A_63)
    %add3A_64 = arith.constant 0 : i32
    %add3A_65 = arith.addi %add3A_64, %arg1 : i32
    %lt3A_66 = arith.constant 125 : i32
    %lt3A_67 = arith.cmpi slt, %add3A_65, %lt3A_66 : i32
    %convert_element_type3A_68 = arith.extui %lt3A_67 : i1 to i32
    %cond3A_69 = arith.constant 0 : i32
    %cond3A_70 = arith.cmpi ne, %convert_element_type3A_68, %cond3A_69 : i32
    scf.if %cond3A_70 {
      %mul3A_120 = arith.constant 80 : i32
      %mul3A_121 = arith.muli %add3A_65, %mul3A_120 : i32
      "tpu.region"() ({
        %run_scoped3A = tpu.sem_alloc : memref<!tpu.dma_semaphore, #tpu.memory_space<semaphore_mem>>
        %dma_start3A = arith.constant 0 : i32
        %dma_start3A_122 = tpu.memref_slice %arg4[%arg0, %mul3A_121, %dma_start3A] : memref<2x10000x16xf32, #tpu.memory_space<hbm>> -> memref<1x80x16xf32, #tpu.memory_space<hbm>>
        %dma_start3A_123 = tpu.memref_squeeze %dma_start3A_122 : memref<1x80x16xf32, #tpu.memory_space<hbm>> -> memref<80x16xf32, #tpu.memory_space<hbm>>
        %dma_start3A_124 = arith.constant 0 : i32
        %dma_start3A_125 = tpu.memref_slice %arg7[%mul3A_121, %dma_start3A_124] : memref<10000x16xf32, #tpu.memory_space<vmem_shared>> -> memref<80x16xf32, #tpu.memory_space<vmem_shared>>
        tpu.enqueue_dma source(%dma_start3A_125 : memref<80x16xf32, #tpu.memory_space<vmem_shared>>) target(%dma_start3A_123 : memref<80x16xf32, #tpu.memory_space<hbm>>) target_semaphore(%run_scoped3A : memref<!tpu.dma_semaphore, #tpu.memory_space<semaphore_mem>>)
        %dma_wait3A = arith.constant 0 : i32
        %dma_wait3A_126 = tpu.memref_slice %arg4[%arg0, %mul3A_121, %dma_wait3A] : memref<2x10000x16xf32, #tpu.memory_space<hbm>> -> memref<1x80x16xf32, #tpu.memory_space<hbm>>
        %dma_wait3A_127 = tpu.memref_squeeze %dma_wait3A_126 : memref<1x80x16xf32, #tpu.memory_space<hbm>> -> memref<80x16xf32, #tpu.memory_space<hbm>>
        %dma_wait3A_128 = arith.constant 0 : i32
        %dma_wait3A_129 = tpu.memref_slice %arg7[%mul3A_121, %dma_wait3A_128] : memref<10000x16xf32, #tpu.memory_space<vmem_shared>> -> memref<80x16xf32, #tpu.memory_space<vmem_shared>>
        tpu.wait_dma2 semaphore(%run_scoped3A : memref<!tpu.dma_semaphore, #tpu.memory_space<semaphore_mem>>) src(%dma_wait3A_129 : memref<80x16xf32, #tpu.memory_space<vmem_shared>>) dst(%dma_wait3A_127 : memref<80x16xf32, #tpu.memory_space<hbm>>)
        tpu.yield
      }) : () -> ()
    } else {
    }
    %add3A_71 = arith.constant 16 : i32
    %add3A_72 = arith.addi %add3A_71, %arg1 : i32
    %lt3A_73 = arith.constant 125 : i32
    %lt3A_74 = arith.cmpi slt, %add3A_72, %lt3A_73 : i32
    %convert_element_type3A_75 = arith.extui %lt3A_74 : i1 to i32
    %cond3A_76 = arith.constant 0 : i32
    %cond3A_77 = arith.cmpi ne, %convert_element_type3A_75, %cond3A_76 : i32
    scf.if %cond3A_77 {
      %mul3A_120 = arith.constant 80 : i32
      %mul3A_121 = arith.muli %add3A_72, %mul3A_120 : i32
      "tpu.region"() ({
        %run_scoped3A = tpu.sem_alloc : memref<!tpu.dma_semaphore, #tpu.memory_space<semaphore_mem>>
        %dma_start3A = arith.constant 0 : i32
        %dma_start3A_122 = tpu.memref_slice %arg4[%arg0, %mul3A_121, %dma_start3A] : memref<2x10000x16xf32, #tpu.memory_space<hbm>> -> memref<1x80x16xf32, #tpu.memory_space<hbm>>
        %dma_start3A_123 = tpu.memref_squeeze %dma_start3A_122 : memref<1x80x16xf32, #tpu.memory_space<hbm>> -> memref<80x16xf32, #tpu.memory_space<hbm>>
        %dma_start3A_124 = arith.constant 0 : i32
        %dma_start3A_125 = tpu.memref_slice %arg7[%mul3A_121, %dma_start3A_124] : memref<10000x16xf32, #tpu.memory_space<vmem_shared>> -> memref<80x16xf32, #tpu.memory_space<vmem_shared>>
        tpu.enqueue_dma source(%dma_start3A_125 : memref<80x16xf32, #tpu.memory_space<vmem_shared>>) target(%dma_start3A_123 : memref<80x16xf32, #tpu.memory_space<hbm>>) target_semaphore(%run_scoped3A : memref<!tpu.dma_semaphore, #tpu.memory_space<semaphore_mem>>)
        %dma_wait3A = arith.constant 0 : i32
        %dma_wait3A_126 = tpu.memref_slice %arg4[%arg0, %mul3A_121, %dma_wait3A] : memref<2x10000x16xf32, #tpu.memory_space<hbm>> -> memref<1x80x16xf32, #tpu.memory_space<hbm>>
        %dma_wait3A_127 = tpu.memref_squeeze %dma_wait3A_126 : memref<1x80x16xf32, #tpu.memory_space<hbm>> -> memref<80x16xf32, #tpu.memory_space<hbm>>
        %dma_wait3A_128 = arith.constant 0 : i32
        %dma_wait3A_129 = tpu.memref_slice %arg7[%mul3A_121, %dma_wait3A_128] : memref<10000x16xf32, #tpu.memory_space<vmem_shared>> -> memref<80x16xf32, #tpu.memory_space<vmem_shared>>
        tpu.wait_dma2 semaphore(%run_scoped3A : memref<!tpu.dma_semaphore, #tpu.memory_space<semaphore_mem>>) src(%dma_wait3A_129 : memref<80x16xf32, #tpu.memory_space<vmem_shared>>) dst(%dma_wait3A_127 : memref<80x16xf32, #tpu.memory_space<hbm>>)
        tpu.yield
      }) : () -> ()
    } else {
    }
    %add3A_78 = arith.constant 32 : i32
    %add3A_79 = arith.addi %add3A_78, %arg1 : i32
    %lt3A_80 = arith.constant 125 : i32
    %lt3A_81 = arith.cmpi slt, %add3A_79, %lt3A_80 : i32
    %convert_element_type3A_82 = arith.extui %lt3A_81 : i1 to i32
    %cond3A_83 = arith.constant 0 : i32
    %cond3A_84 = arith.cmpi ne, %convert_element_type3A_82, %cond3A_83 : i32
    scf.if %cond3A_84 {
      %mul3A_120 = arith.constant 80 : i32
      %mul3A_121 = arith.muli %add3A_79, %mul3A_120 : i32
      "tpu.region"() ({
        %run_scoped3A = tpu.sem_alloc : memref<!tpu.dma_semaphore, #tpu.memory_space<semaphore_mem>>
        %dma_start3A = arith.constant 0 : i32
        %dma_start3A_122 = tpu.memref_slice %arg4[%arg0, %mul3A_121, %dma_start3A] : memref<2x10000x16xf32, #tpu.memory_space<hbm>> -> memref<1x80x16xf32, #tpu.memory_space<hbm>>
        %dma_start3A_123 = tpu.memref_squeeze %dma_start3A_122 : memref<1x80x16xf32, #tpu.memory_space<hbm>> -> memref<80x16xf32, #tpu.memory_space<hbm>>
        %dma_start3A_124 = arith.constant 0 : i32
        %dma_start3A_125 = tpu.memref_slice %arg7[%mul3A_121, %dma_start3A_124] : memref<10000x16xf32, #tpu.memory_space<vmem_shared>> -> memref<80x16xf32, #tpu.memory_space<vmem_shared>>
        tpu.enqueue_dma source(%dma_start3A_125 : memref<80x16xf32, #tpu.memory_space<vmem_shared>>) target(%dma_start3A_123 : memref<80x16xf32, #tpu.memory_space<hbm>>) target_semaphore(%run_scoped3A : memref<!tpu.dma_semaphore, #tpu.memory_space<semaphore_mem>>)
        %dma_wait3A = arith.constant 0 : i32
        %dma_wait3A_126 = tpu.memref_slice %arg4[%arg0, %mul3A_121, %dma_wait3A] : memref<2x10000x16xf32, #tpu.memory_space<hbm>> -> memref<1x80x16xf32, #tpu.memory_space<hbm>>
        %dma_wait3A_127 = tpu.memref_squeeze %dma_wait3A_126 : memref<1x80x16xf32, #tpu.memory_space<hbm>> -> memref<80x16xf32, #tpu.memory_space<hbm>>
        %dma_wait3A_128 = arith.constant 0 : i32
        %dma_wait3A_129 = tpu.memref_slice %arg7[%mul3A_121, %dma_wait3A_128] : memref<10000x16xf32, #tpu.memory_space<vmem_shared>> -> memref<80x16xf32, #tpu.memory_space<vmem_shared>>
        tpu.wait_dma2 semaphore(%run_scoped3A : memref<!tpu.dma_semaphore, #tpu.memory_space<semaphore_mem>>) src(%dma_wait3A_129 : memref<80x16xf32, #tpu.memory_space<vmem_shared>>) dst(%dma_wait3A_127 : memref<80x16xf32, #tpu.memory_space<hbm>>)
        tpu.yield
      }) : () -> ()
    } else {
    }
    %add3A_85 = arith.constant 48 : i32
    %add3A_86 = arith.addi %add3A_85, %arg1 : i32
    %lt3A_87 = arith.constant 125 : i32
    %lt3A_88 = arith.cmpi slt, %add3A_86, %lt3A_87 : i32
    %convert_element_type3A_89 = arith.extui %lt3A_88 : i1 to i32
    %cond3A_90 = arith.constant 0 : i32
    %cond3A_91 = arith.cmpi ne, %convert_element_type3A_89, %cond3A_90 : i32
    scf.if %cond3A_91 {
      %mul3A_120 = arith.constant 80 : i32
      %mul3A_121 = arith.muli %add3A_86, %mul3A_120 : i32
      "tpu.region"() ({
        %run_scoped3A = tpu.sem_alloc : memref<!tpu.dma_semaphore, #tpu.memory_space<semaphore_mem>>
        %dma_start3A = arith.constant 0 : i32
        %dma_start3A_122 = tpu.memref_slice %arg4[%arg0, %mul3A_121, %dma_start3A] : memref<2x10000x16xf32, #tpu.memory_space<hbm>> -> memref<1x80x16xf32, #tpu.memory_space<hbm>>
        %dma_start3A_123 = tpu.memref_squeeze %dma_start3A_122 : memref<1x80x16xf32, #tpu.memory_space<hbm>> -> memref<80x16xf32, #tpu.memory_space<hbm>>
        %dma_start3A_124 = arith.constant 0 : i32
        %dma_start3A_125 = tpu.memref_slice %arg7[%mul3A_121, %dma_start3A_124] : memref<10000x16xf32, #tpu.memory_space<vmem_shared>> -> memref<80x16xf32, #tpu.memory_space<vmem_shared>>
        tpu.enqueue_dma source(%dma_start3A_125 : memref<80x16xf32, #tpu.memory_space<vmem_shared>>) target(%dma_start3A_123 : memref<80x16xf32, #tpu.memory_space<hbm>>) target_semaphore(%run_scoped3A : memref<!tpu.dma_semaphore, #tpu.memory_space<semaphore_mem>>)
        %dma_wait3A = arith.constant 0 : i32
        %dma_wait3A_126 = tpu.memref_slice %arg4[%arg0, %mul3A_121, %dma_wait3A] : memref<2x10000x16xf32, #tpu.memory_space<hbm>> -> memref<1x80x16xf32, #tpu.memory_space<hbm>>
        %dma_wait3A_127 = tpu.memref_squeeze %dma_wait3A_126 : memref<1x80x16xf32, #tpu.memory_space<hbm>> -> memref<80x16xf32, #tpu.memory_space<hbm>>
        %dma_wait3A_128 = arith.constant 0 : i32
        %dma_wait3A_129 = tpu.memref_slice %arg7[%mul3A_121, %dma_wait3A_128] : memref<10000x16xf32, #tpu.memory_space<vmem_shared>> -> memref<80x16xf32, #tpu.memory_space<vmem_shared>>
        tpu.wait_dma2 semaphore(%run_scoped3A : memref<!tpu.dma_semaphore, #tpu.memory_space<semaphore_mem>>) src(%dma_wait3A_129 : memref<80x16xf32, #tpu.memory_space<vmem_shared>>) dst(%dma_wait3A_127 : memref<80x16xf32, #tpu.memory_space<hbm>>)
        tpu.yield
      }) : () -> ()
    } else {
    }
    %add3A_92 = arith.constant 64 : i32
    %add3A_93 = arith.addi %add3A_92, %arg1 : i32
    %lt3A_94 = arith.constant 125 : i32
    %lt3A_95 = arith.cmpi slt, %add3A_93, %lt3A_94 : i32
    %convert_element_type3A_96 = arith.extui %lt3A_95 : i1 to i32
    %cond3A_97 = arith.constant 0 : i32
    %cond3A_98 = arith.cmpi ne, %convert_element_type3A_96, %cond3A_97 : i32
    scf.if %cond3A_98 {
      %mul3A_120 = arith.constant 80 : i32
      %mul3A_121 = arith.muli %add3A_93, %mul3A_120 : i32
      "tpu.region"() ({
        %run_scoped3A = tpu.sem_alloc : memref<!tpu.dma_semaphore, #tpu.memory_space<semaphore_mem>>
        %dma_start3A = arith.constant 0 : i32
        %dma_start3A_122 = tpu.memref_slice %arg4[%arg0, %mul3A_121, %dma_start3A] : memref<2x10000x16xf32, #tpu.memory_space<hbm>> -> memref<1x80x16xf32, #tpu.memory_space<hbm>>
        %dma_start3A_123 = tpu.memref_squeeze %dma_start3A_122 : memref<1x80x16xf32, #tpu.memory_space<hbm>> -> memref<80x16xf32, #tpu.memory_space<hbm>>
        %dma_start3A_124 = arith.constant 0 : i32
        %dma_start3A_125 = tpu.memref_slice %arg7[%mul3A_121, %dma_start3A_124] : memref<10000x16xf32, #tpu.memory_space<vmem_shared>> -> memref<80x16xf32, #tpu.memory_space<vmem_shared>>
        tpu.enqueue_dma source(%dma_start3A_125 : memref<80x16xf32, #tpu.memory_space<vmem_shared>>) target(%dma_start3A_123 : memref<80x16xf32, #tpu.memory_space<hbm>>) target_semaphore(%run_scoped3A : memref<!tpu.dma_semaphore, #tpu.memory_space<semaphore_mem>>)
        %dma_wait3A = arith.constant 0 : i32
        %dma_wait3A_126 = tpu.memref_slice %arg4[%arg0, %mul3A_121, %dma_wait3A] : memref<2x10000x16xf32, #tpu.memory_space<hbm>> -> memref<1x80x16xf32, #tpu.memory_space<hbm>>
        %dma_wait3A_127 = tpu.memref_squeeze %dma_wait3A_126 : memref<1x80x16xf32, #tpu.memory_space<hbm>> -> memref<80x16xf32, #tpu.memory_space<hbm>>
        %dma_wait3A_128 = arith.constant 0 : i32
        %dma_wait3A_129 = tpu.memref_slice %arg7[%mul3A_121, %dma_wait3A_128] : memref<10000x16xf32, #tpu.memory_space<vmem_shared>> -> memref<80x16xf32, #tpu.memory_space<vmem_shared>>
        tpu.wait_dma2 semaphore(%run_scoped3A : memref<!tpu.dma_semaphore, #tpu.memory_space<semaphore_mem>>) src(%dma_wait3A_129 : memref<80x16xf32, #tpu.memory_space<vmem_shared>>) dst(%dma_wait3A_127 : memref<80x16xf32, #tpu.memory_space<hbm>>)
        tpu.yield
      }) : () -> ()
    } else {
    }
    %add3A_99 = arith.constant 80 : i32
    %add3A_100 = arith.addi %add3A_99, %arg1 : i32
    %lt3A_101 = arith.constant 125 : i32
    %lt3A_102 = arith.cmpi slt, %add3A_100, %lt3A_101 : i32
    %convert_element_type3A_103 = arith.extui %lt3A_102 : i1 to i32
    %cond3A_104 = arith.constant 0 : i32
    %cond3A_105 = arith.cmpi ne, %convert_element_type3A_103, %cond3A_104 : i32
    scf.if %cond3A_105 {
      %mul3A_120 = arith.constant 80 : i32
      %mul3A_121 = arith.muli %add3A_100, %mul3A_120 : i32
      "tpu.region"() ({
        %run_scoped3A = tpu.sem_alloc : memref<!tpu.dma_semaphore, #tpu.memory_space<semaphore_mem>>
        %dma_start3A = arith.constant 0 : i32
        %dma_start3A_122 = tpu.memref_slice %arg4[%arg0, %mul3A_121, %dma_start3A] : memref<2x10000x16xf32, #tpu.memory_space<hbm>> -> memref<1x80x16xf32, #tpu.memory_space<hbm>>
        %dma_start3A_123 = tpu.memref_squeeze %dma_start3A_122 : memref<1x80x16xf32, #tpu.memory_space<hbm>> -> memref<80x16xf32, #tpu.memory_space<hbm>>
        %dma_start3A_124 = arith.constant 0 : i32
        %dma_start3A_125 = tpu.memref_slice %arg7[%mul3A_121, %dma_start3A_124] : memref<10000x16xf32, #tpu.memory_space<vmem_shared>> -> memref<80x16xf32, #tpu.memory_space<vmem_shared>>
        tpu.enqueue_dma source(%dma_start3A_125 : memref<80x16xf32, #tpu.memory_space<vmem_shared>>) target(%dma_start3A_123 : memref<80x16xf32, #tpu.memory_space<hbm>>) target_semaphore(%run_scoped3A : memref<!tpu.dma_semaphore, #tpu.memory_space<semaphore_mem>>)
        %dma_wait3A = arith.constant 0 : i32
        %dma_wait3A_126 = tpu.memref_slice %arg4[%arg0, %mul3A_121, %dma_wait3A] : memref<2x10000x16xf32, #tpu.memory_space<hbm>> -> memref<1x80x16xf32, #tpu.memory_space<hbm>>
        %dma_wait3A_127 = tpu.memref_squeeze %dma_wait3A_126 : memref<1x80x16xf32, #tpu.memory_space<hbm>> -> memref<80x16xf32, #tpu.memory_space<hbm>>
        %dma_wait3A_128 = arith.constant 0 : i32
        %dma_wait3A_129 = tpu.memref_slice %arg7[%mul3A_121, %dma_wait3A_128] : memref<10000x16xf32, #tpu.memory_space<vmem_shared>> -> memref<80x16xf32, #tpu.memory_space<vmem_shared>>
        tpu.wait_dma2 semaphore(%run_scoped3A : memref<!tpu.dma_semaphore, #tpu.memory_space<semaphore_mem>>) src(%dma_wait3A_129 : memref<80x16xf32, #tpu.memory_space<vmem_shared>>) dst(%dma_wait3A_127 : memref<80x16xf32, #tpu.memory_space<hbm>>)
        tpu.yield
      }) : () -> ()
    } else {
    }
    %add3A_106 = arith.constant 96 : i32
    %add3A_107 = arith.addi %add3A_106, %arg1 : i32
    %lt3A_108 = arith.constant 125 : i32
    %lt3A_109 = arith.cmpi slt, %add3A_107, %lt3A_108 : i32
    %convert_element_type3A_110 = arith.extui %lt3A_109 : i1 to i32
    %cond3A_111 = arith.constant 0 : i32
    %cond3A_112 = arith.cmpi ne, %convert_element_type3A_110, %cond3A_111 : i32
    scf.if %cond3A_112 {
      %mul3A_120 = arith.constant 80 : i32
      %mul3A_121 = arith.muli %add3A_107, %mul3A_120 : i32
      "tpu.region"() ({
        %run_scoped3A = tpu.sem_alloc : memref<!tpu.dma_semaphore, #tpu.memory_space<semaphore_mem>>
        %dma_start3A = arith.constant 0 : i32
        %dma_start3A_122 = tpu.memref_slice %arg4[%arg0, %mul3A_121, %dma_start3A] : memref<2x10000x16xf32, #tpu.memory_space<hbm>> -> memref<1x80x16xf32, #tpu.memory_space<hbm>>
        %dma_start3A_123 = tpu.memref_squeeze %dma_start3A_122 : memref<1x80x16xf32, #tpu.memory_space<hbm>> -> memref<80x16xf32, #tpu.memory_space<hbm>>
        %dma_start3A_124 = arith.constant 0 : i32
        %dma_start3A_125 = tpu.memref_slice %arg7[%mul3A_121, %dma_start3A_124] : memref<10000x16xf32, #tpu.memory_space<vmem_shared>> -> memref<80x16xf32, #tpu.memory_space<vmem_shared>>
        tpu.enqueue_dma source(%dma_start3A_125 : memref<80x16xf32, #tpu.memory_space<vmem_shared>>) target(%dma_start3A_123 : memref<80x16xf32, #tpu.memory_space<hbm>>) target_semaphore(%run_scoped3A : memref<!tpu.dma_semaphore, #tpu.memory_space<semaphore_mem>>)
        %dma_wait3A = arith.constant 0 : i32
        %dma_wait3A_126 = tpu.memref_slice %arg4[%arg0, %mul3A_121, %dma_wait3A] : memref<2x10000x16xf32, #tpu.memory_space<hbm>> -> memref<1x80x16xf32, #tpu.memory_space<hbm>>
        %dma_wait3A_127 = tpu.memref_squeeze %dma_wait3A_126 : memref<1x80x16xf32, #tpu.memory_space<hbm>> -> memref<80x16xf32, #tpu.memory_space<hbm>>
        %dma_wait3A_128 = arith.constant 0 : i32
        %dma_wait3A_129 = tpu.memref_slice %arg7[%mul3A_121, %dma_wait3A_128] : memref<10000x16xf32, #tpu.memory_space<vmem_shared>> -> memref<80x16xf32, #tpu.memory_space<vmem_shared>>
        tpu.wait_dma2 semaphore(%run_scoped3A : memref<!tpu.dma_semaphore, #tpu.memory_space<semaphore_mem>>) src(%dma_wait3A_129 : memref<80x16xf32, #tpu.memory_space<vmem_shared>>) dst(%dma_wait3A_127 : memref<80x16xf32, #tpu.memory_space<hbm>>)
        tpu.yield
      }) : () -> ()
    } else {
    }
    %add3A_113 = arith.constant 112 : i32
    %add3A_114 = arith.addi %add3A_113, %arg1 : i32
    %lt3A_115 = arith.constant 125 : i32
    %lt3A_116 = arith.cmpi slt, %add3A_114, %lt3A_115 : i32
    %convert_element_type3A_117 = arith.extui %lt3A_116 : i1 to i32
    %cond3A_118 = arith.constant 0 : i32
    %cond3A_119 = arith.cmpi ne, %convert_element_type3A_117, %cond3A_118 : i32
    scf.if %cond3A_119 {
      %mul3A_120 = arith.constant 80 : i32
      %mul3A_121 = arith.muli %add3A_114, %mul3A_120 : i32
      "tpu.region"() ({
        %run_scoped3A = tpu.sem_alloc : memref<!tpu.dma_semaphore, #tpu.memory_space<semaphore_mem>>
        %dma_start3A = arith.constant 0 : i32
        %dma_start3A_122 = tpu.memref_slice %arg4[%arg0, %mul3A_121, %dma_start3A] : memref<2x10000x16xf32, #tpu.memory_space<hbm>> -> memref<1x80x16xf32, #tpu.memory_space<hbm>>
        %dma_start3A_123 = tpu.memref_squeeze %dma_start3A_122 : memref<1x80x16xf32, #tpu.memory_space<hbm>> -> memref<80x16xf32, #tpu.memory_space<hbm>>
        %dma_start3A_124 = arith.constant 0 : i32
        %dma_start3A_125 = tpu.memref_slice %arg7[%mul3A_121, %dma_start3A_124] : memref<10000x16xf32, #tpu.memory_space<vmem_shared>> -> memref<80x16xf32, #tpu.memory_space<vmem_shared>>
        tpu.enqueue_dma source(%dma_start3A_125 : memref<80x16xf32, #tpu.memory_space<vmem_shared>>) target(%dma_start3A_123 : memref<80x16xf32, #tpu.memory_space<hbm>>) target_semaphore(%run_scoped3A : memref<!tpu.dma_semaphore, #tpu.memory_space<semaphore_mem>>)
        %dma_wait3A = arith.constant 0 : i32
        %dma_wait3A_126 = tpu.memref_slice %arg4[%arg0, %mul3A_121, %dma_wait3A] : memref<2x10000x16xf32, #tpu.memory_space<hbm>> -> memref<1x80x16xf32, #tpu.memory_space<hbm>>
        %dma_wait3A_127 = tpu.memref_squeeze %dma_wait3A_126 : memref<1x80x16xf32, #tpu.memory_space<hbm>> -> memref<80x16xf32, #tpu.memory_space<hbm>>
        %dma_wait3A_128 = arith.constant 0 : i32
        %dma_wait3A_129 = tpu.memref_slice %arg7[%mul3A_121, %dma_wait3A_128] : memref<10000x16xf32, #tpu.memory_space<vmem_shared>> -> memref<80x16xf32, #tpu.memory_space<vmem_shared>>
        tpu.wait_dma2 semaphore(%run_scoped3A : memref<!tpu.dma_semaphore, #tpu.memory_space<semaphore_mem>>) src(%dma_wait3A_129 : memref<80x16xf32, #tpu.memory_space<vmem_shared>>) dst(%dma_wait3A_127 : memref<80x16xf32, #tpu.memory_space<hbm>>)
        tpu.yield
      }) : () -> ()
    } else {
    }
    return
  }
}

module attributes {stable_mosaic.version = 14 : i64} {
  func.func @_pq_body(%arg0: i32, %arg1: i32, %arg2: memref<2000x128xf32, #tpu.memory_space<vmem>>, %arg3: memref<1x128x128xf32, #tpu.memory_space<vmem>>, %arg4: memref<1x2000x128xf32, #tpu.memory_space<vmem>>) attributes {dimension_semantics = [#tpu.dimension_semantics<arbitrary>, #tpu.dimension_semantics<arbitrary>], iteration_bounds = array<i64: 2, 5>, scalar_prefetch = 0 : i64, scratch_operands = 0 : i64, tpu.core_type = #tpu.core_type<tc>, window_params = [{transform_indices = @transform_0, window_bounds = array<i64: 2000, 128>}, {transform_indices = @transform_1, window_bounds = array<i64: 1, 128, 128>}, {transform_indices = @transform_2, window_bounds = array<i64: 1, 2000, 128>}]} {
    %get3A = arith.constant 0 : index
    %get3A_0 = arith.constant 0 : index
    %get3A_1 = vector.load %arg2[%get3A, %get3A_0] : memref<2000x128xf32, #tpu.memory_space<vmem>>, vector<2000x128xf32>
    %get3A_2 = arith.constant 0 : index
    %get3A_3 = arith.constant 0 : index
    %get3A_4 = arith.constant 0 : index
    %get3A_5 = vector.load %arg3[%get3A_2, %get3A_3, %get3A_4] : memref<1x128x128xf32, #tpu.memory_space<vmem>>, vector<1x128x128xf32>
    %get3A_6 = vector.shape_cast %get3A_5 : vector<1x128x128xf32> to vector<128x128xf32>
    %dot_general3A = arith.constant dense<0.000000e+00> : vector<2000x128xf32>
    %dot_general3A_7 = tpu.matmul %get3A_1, %get3A_6, %dot_general3A {dimension_numbers = #tpu.dot_dimension_numbers<[1], [0], [0], [1], [0, 0, 1, 1], [], []>, transpose_lhs_hint = false} : vector<2000x128xf32>, vector<128x128xf32>, vector<2000x128xf32> -> vector<2000x128xf32>
    %swap3A = arith.constant 0 : index
    %swap3A_8 = arith.constant 0 : index
    %swap3A_9 = arith.constant 0 : index
    %swap3A_10 = vector.load %arg4[%swap3A, %swap3A_8, %swap3A_9] : memref<1x2000x128xf32, #tpu.memory_space<vmem>>, vector<1x2000x128xf32>
    %swap3A_11 = vector.shape_cast %swap3A_10 : vector<1x2000x128xf32> to vector<2000x128xf32>
    %swap3A_12 = vector.shape_cast %dot_general3A_7 : vector<2000x128xf32> to vector<1x2000x128xf32>
    tpu.vector_store %arg4[%swap3A, %swap3A_8, %swap3A_9], %swap3A_12 {strides = array<i32>} : memref<1x2000x128xf32, #tpu.memory_space<vmem>>, vector<1x2000x128xf32>,
    return
  }
  func.func @transform_0(%arg0: i32, %arg1: i32) -> (i32, i32) {
    %c0_i32 = arith.constant 0 : i32
    %c0_i32_0 = arith.constant 0 : i32
    return %arg1, %c0_i32 : i32, i32
  }
  func.func @transform_1(%arg0: i32, %arg1: i32) -> (i32, i32, i32) {
    %c0_i32 = arith.constant 0 : i32
    %c0_i32_0 = arith.constant 0 : i32
    %c0_i32_1 = arith.constant 0 : i32
    return %arg0, %c0_i32, %c0_i32_0 : i32, i32, i32
  }
  func.func @transform_2(%arg0: i32, %arg1: i32) -> (i32, i32, i32) {
    %c0_i32 = arith.constant 0 : i32
    %c0_i32_0 = arith.constant 0 : i32
    return %arg0, %arg1, %c0_i32 : i32, i32, i32
  }
}

module attributes {stable_mosaic.version = 14 : i64} {
  func.func @_edge_body(%arg0: i32, %arg1: memref<2000x128xf32, #tpu.memory_space<vmem>>, %arg2: memref<2000x16xf32, #tpu.memory_space<vmem>>, %arg3: memref<2000x16xf32, #tpu.memory_space<vmem>>, %arg4: memref<16x128xf32, #tpu.memory_space<vmem>>, %arg5: memref<1x128xf32, #tpu.memory_space<vmem>>, %arg6: memref<1x128xf32, #tpu.memory_space<vmem>>, %arg7: memref<128x128xf32, #tpu.memory_space<vmem>>, %arg8: memref<1x128xf32, #tpu.memory_space<vmem>>, %arg9: memref<128x128xf32, #tpu.memory_space<vmem>>, %arg10: memref<1x128xf32, #tpu.memory_space<vmem>>, %arg11: memref<128x1xf32, #tpu.memory_space<vmem>>, %arg12: memref<1x1xf32, #tpu.memory_space<vmem>>, %arg13: memref<2000x128xf32, #tpu.memory_space<vmem>>, %arg14: memref<2000x16xf32, #tpu.memory_space<vmem>>) attributes {dimension_semantics = [#tpu.dimension_semantics<arbitrary>], iteration_bounds = array<i64: 160>, scalar_prefetch = 0 : i64, scratch_operands = 0 : i64, tpu.core_type = #tpu.core_type<tc>, window_params = [{transform_indices = @transform_0, window_bounds = array<i64: 2000, 128>}, {transform_indices = @transform_1, window_bounds = array<i64: 2000, 16>}, {transform_indices = @transform_2, window_bounds = array<i64: 2000, 16>}, {pipeline_mode = #tpu.pipeline_mode<synchronous>, transform_indices = @transform_3, window_bounds = array<i64: 16, 128>}, {pipeline_mode = #tpu.pipeline_mode<synchronous>, transform_indices = @transform_4, window_bounds = array<i64: 1, 128>}, {pipeline_mode = #tpu.pipeline_mode<synchronous>, transform_indices = @transform_5, window_bounds = array<i64: 1, 128>}, {pipeline_mode = #tpu.pipeline_mode<synchronous>, transform_indices = @transform_6, window_bounds = array<i64: 128, 128>}, {pipeline_mode = #tpu.pipeline_mode<synchronous>, transform_indices = @transform_7, window_bounds = array<i64: 1, 128>}, {pipeline_mode = #tpu.pipeline_mode<synchronous>, transform_indices = @transform_8, window_bounds = array<i64: 128, 128>}, {pipeline_mode = #tpu.pipeline_mode<synchronous>, transform_indices = @transform_9, window_bounds = array<i64: 1, 128>}, {pipeline_mode = #tpu.pipeline_mode<synchronous>, transform_indices = @transform_10, window_bounds = array<i64: 128, 1>}, {pipeline_mode = #tpu.pipeline_mode<synchronous>, transform_indices = @transform_11, window_bounds = array<i64: 1, 1>}, {transform_indices = @transform_12, window_bounds = array<i64: 2000, 128>}, {transform_indices = @transform_13, window_bounds = array<i64: 2000, 16>}]} {
    %get3A = arith.constant 0 : index
    %get3A_0 = arith.constant 0 : index
    %get3A_1 = vector.load %arg2[%get3A, %get3A_0] : memref<2000x16xf32, #tpu.memory_space<vmem>>, vector<2000x16xf32>
    %mul3A = arith.mulf %get3A_1, %get3A_1 : vector<2000x16xf32>
    %reduce_sum3A = arith.constant dense<0.000000e+00> : vector<2000xf32>
    %reduce_sum3A_2 = vector.multi_reduction <add>, %mul3A, %reduce_sum3A [1] : vector<2000x16xf32> to vector<2000xf32>
    %broadcast_in_dim3A = vector.shape_cast %reduce_sum3A_2 : vector<2000xf32> to vector<2000x1xf32>
    %get3A_3 = arith.constant 0 : index
    %get3A_4 = arith.constant 0 : index
    %get3A_5 = vector.load %arg1[%get3A_3, %get3A_4] : memref<2000x128xf32, #tpu.memory_space<vmem>>, vector<2000x128xf32>
    %get3A_6 = arith.constant 0 : index
    %get3A_7 = arith.constant 0 : index
    %get3A_8 = vector.load %arg5[%get3A_6, %get3A_7] : memref<1x128xf32, #tpu.memory_space<vmem>>, vector<1x128xf32>
    %mul3A_9 = vector.broadcast %broadcast_in_dim3A : vector<2000x1xf32> to vector<2000x128xf32>
    %mul3A_10 = vector.broadcast %get3A_8 : vector<1x128xf32> to vector<2000x128xf32>
    %mul3A_11 = arith.mulf %mul3A_9, %mul3A_10 : vector<2000x128xf32>
    %add3A = arith.addf %get3A_5, %mul3A_11 : vector<2000x128xf32>
    %get3A_12 = arith.constant 0 : index
    %get3A_13 = arith.constant 0 : index
    %get3A_14 = vector.load %arg6[%get3A_12, %get3A_13] : memref<1x128xf32, #tpu.memory_space<vmem>>, vector<1x128xf32>
    %add3A_15 = vector.broadcast %get3A_14 : vector<1x128xf32> to vector<2000x128xf32>
    %add3A_16 = arith.addf %add3A, %add3A_15 : vector<2000x128xf32>
    %get3A_17 = arith.constant 0 : index
    %get3A_18 = arith.constant 0 : index
    %get3A_19 = vector.load %arg3[%get3A_17, %get3A_18] : memref<2000x16xf32, #tpu.memory_space<vmem>>, vector<2000x16xf32>
    %get3A_20 = arith.constant 0 : index
    %get3A_21 = arith.constant 0 : index
    %get3A_22 = vector.load %arg4[%get3A_20, %get3A_21] : memref<16x128xf32, #tpu.memory_space<vmem>>, vector<16x128xf32>
    %dot_general3A = arith.constant dense<0.000000e+00> : vector<2000x128xf32>
    %dot_general3A_23 = tpu.matmul %get3A_19, %get3A_22, %dot_general3A {dimension_numbers = #tpu.dot_dimension_numbers<[1], [0], [0], [1], [0, 0, 1, 1], [], []>, transpose_lhs_hint = false} : vector<2000x16xf32>, vector<16x128xf32>, vector<2000x128xf32> -> vector<2000x128xf32>
    %add3A_24 = arith.addf %add3A_16, %dot_general3A_23 : vector<2000x128xf32>
    %neg3A = arith.constant 0.000000e+00 : f32
    %neg3A_25 = vector.broadcast %neg3A : f32 to vector<2000x128xf32>
    %neg3A_26 = arith.subf %neg3A_25, %add3A_24 : vector<2000x128xf32>
    %exp3A = math.exp %neg3A_26 : vector<2000x128xf32>
    %add3A_27 = arith.constant 1.000000e+00 : f32
    %add3A_28 = vector.broadcast %add3A_27 : f32 to vector<2000x128xf32>
    %add3A_29 = arith.addf %add3A_28, %exp3A : vector<2000x128xf32>
    %div3A = arith.constant 1.000000e+00 : f32
    %div3A_30 = vector.broadcast %div3A : f32 to vector<2000x128xf32>
    %div3A_31 = arith.divf %div3A_30, %add3A_29 : vector<2000x128xf32>
    %mul3A_32 = arith.mulf %add3A_24, %div3A_31 : vector<2000x128xf32>
    %get3A_33 = arith.constant 0 : index
    %get3A_34 = arith.constant 0 : index
    %get3A_35 = vector.load %arg7[%get3A_33, %get3A_34] : memref<128x128xf32, #tpu.memory_space<vmem>>, vector<128x128xf32>
    %dot_general3A_36 = arith.constant dense<0.000000e+00> : vector<2000x128xf32>
    %dot_general3A_37 = tpu.matmul %mul3A_32, %get3A_35, %dot_general3A_36 {dimension_numbers = #tpu.dot_dimension_numbers<[1], [0], [0], [1], [0, 0, 1, 1], [], []>, transpose_lhs_hint = false} : vector<2000x128xf32>, vector<128x128xf32>, vector<2000x128xf32> -> vector<2000x128xf32>
    %get3A_38 = arith.constant 0 : index
    %get3A_39 = arith.constant 0 : index
    %get3A_40 = vector.load %arg8[%get3A_38, %get3A_39] : memref<1x128xf32, #tpu.memory_space<vmem>>, vector<1x128xf32>
    %add3A_41 = vector.broadcast %get3A_40 : vector<1x128xf32> to vector<2000x128xf32>
    %add3A_42 = arith.addf %dot_general3A_37, %add3A_41 : vector<2000x128xf32>
    %neg3A_43 = arith.constant 0.000000e+00 : f32
    %neg3A_44 = vector.broadcast %neg3A_43 : f32 to vector<2000x128xf32>
    %neg3A_45 = arith.subf %neg3A_44, %add3A_42 : vector<2000x128xf32>
    %exp3A_46 = math.exp %neg3A_45 : vector<2000x128xf32>
    %add3A_47 = arith.constant 1.000000e+00 : f32
    %add3A_48 = vector.broadcast %add3A_47 : f32 to vector<2000x128xf32>
    %add3A_49 = arith.addf %add3A_48, %exp3A_46 : vector<2000x128xf32>
    %div3A_50 = arith.constant 1.000000e+00 : f32
    %div3A_51 = vector.broadcast %div3A_50 : f32 to vector<2000x128xf32>
    %div3A_52 = arith.divf %div3A_51, %add3A_49 : vector<2000x128xf32>
    %mul3A_53 = arith.mulf %add3A_42, %div3A_52 : vector<2000x128xf32>
    %swap3A = arith.constant 0 : index
    %swap3A_54 = arith.constant 0 : index
    %swap3A_55 = vector.load %arg13[%swap3A, %swap3A_54] : memref<2000x128xf32, #tpu.memory_space<vmem>>, vector<2000x128xf32>
    tpu.vector_store %arg13[%swap3A, %swap3A_54], %mul3A_53 {strides = array<i32>} : memref<2000x128xf32, #tpu.memory_space<vmem>>, vector<2000x128xf32>,
    %get3A_56 = arith.constant 0 : index
    %get3A_57 = arith.constant 0 : index
    %get3A_58 = vector.load %arg9[%get3A_56, %get3A_57] : memref<128x128xf32, #tpu.memory_space<vmem>>, vector<128x128xf32>
    %dot_general3A_59 = arith.constant dense<0.000000e+00> : vector<2000x128xf32>
    %dot_general3A_60 = tpu.matmul %mul3A_53, %get3A_58, %dot_general3A_59 {dimension_numbers = #tpu.dot_dimension_numbers<[1], [0], [0], [1], [0, 0, 1, 1], [], []>, transpose_lhs_hint = false} : vector<2000x128xf32>, vector<128x128xf32>, vector<2000x128xf32> -> vector<2000x128xf32>
    %get3A_61 = arith.constant 0 : index
    %get3A_62 = arith.constant 0 : index
    %get3A_63 = vector.load %arg10[%get3A_61, %get3A_62] : memref<1x128xf32, #tpu.memory_space<vmem>>, vector<1x128xf32>
    %add3A_64 = vector.broadcast %get3A_63 : vector<1x128xf32> to vector<2000x128xf32>
    %add3A_65 = arith.addf %dot_general3A_60, %add3A_64 : vector<2000x128xf32>
    %neg3A_66 = arith.constant 0.000000e+00 : f32
    %neg3A_67 = vector.broadcast %neg3A_66 : f32 to vector<2000x128xf32>
    %neg3A_68 = arith.subf %neg3A_67, %add3A_65 : vector<2000x128xf32>
    %exp3A_69 = math.exp %neg3A_68 : vector<2000x128xf32>
    %add3A_70 = arith.constant 1.000000e+00 : f32
    %add3A_71 = vector.broadcast %add3A_70 : f32 to vector<2000x128xf32>
    %add3A_72 = arith.addf %add3A_71, %exp3A_69 : vector<2000x128xf32>
    %div3A_73 = arith.constant 1.000000e+00 : f32
    %div3A_74 = vector.broadcast %div3A_73 : f32 to vector<2000x128xf32>
    %div3A_75 = arith.divf %div3A_74, %add3A_72 : vector<2000x128xf32>
    %mul3A_76 = arith.mulf %add3A_65, %div3A_75 : vector<2000x128xf32>
    %get3A_77 = arith.constant 0 : index
    %get3A_78 = arith.constant 0 : index
    %get3A_79 = vector.load %arg11[%get3A_77, %get3A_78] : memref<128x1xf32, #tpu.memory_space<vmem>>, vector<128x1xf32>
    %dot_general3A_80 = arith.constant dense<0.000000e+00> : vector<2000x1xf32>
    %dot_general3A_81 = tpu.matmul %mul3A_76, %get3A_79, %dot_general3A_80 {dimension_numbers = #tpu.dot_dimension_numbers<[1], [0], [0], [1], [0, 0, 1, 1], [], []>, transpose_lhs_hint = false} : vector<2000x128xf32>, vector<128x1xf32>, vector<2000x1xf32> -> vector<2000x1xf32>
    %get3A_82 = arith.constant 0 : index
    %get3A_83 = arith.constant 0 : index
    %get3A_84 = vector.load %arg12[%get3A_82, %get3A_83] : memref<1x1xf32, #tpu.memory_space<vmem>>, vector<1x1xf32>
    %add3A_85 = vector.broadcast %get3A_84 : vector<1x1xf32> to vector<2000x1xf32>
    %add3A_86 = arith.addf %dot_general3A_81, %add3A_85 : vector<2000x1xf32>
    %mul3A_87 = vector.broadcast %add3A_86 : vector<2000x1xf32> to vector<2000x16xf32>
    %mul3A_88 = arith.mulf %get3A_1, %mul3A_87 : vector<2000x16xf32>
    %jit3A = arith.constant -1.000000e+02 : f32
    %jit3A_89 = arith.constant 1.000000e+02 : f32
    %max3A = vector.broadcast %jit3A : f32 to vector<2000x16xf32>
    %max3A_90 = arith.maximumf %max3A, %mul3A_88 : vector<2000x16xf32>
    %min3A = vector.broadcast %jit3A_89 : f32 to vector<2000x16xf32>
    %min3A_91 = arith.minimumf %min3A, %max3A_90 : vector<2000x16xf32>
    %iota3A = tpu.iota {dimensions = array<i32: 1>} : vector<2000x16xi32>
    %eq3A = arith.constant 3 : i32
    %eq3A_92 = vector.broadcast %eq3A : i32 to vector<2000x16xi32>
    %eq3A_93 = arith.cmpi eq, %iota3A, %eq3A_92 : vector<2000x16xi32>
    %jit3A_94 = arith.constant 1.000000e+00 : f32
    %broadcast_in_dim3A_95 = vector.broadcast %jit3A_94 : f32 to vector<2000x16xf32>
    %select_n3A = arith.select %eq3A_93, %broadcast_in_dim3A_95, %min3A_91 : vector<2000x16xi1>, vector<2000x16xf32>
    %swap3A_96 = arith.constant 0 : index
    %swap3A_97 = arith.constant 0 : index
    %swap3A_98 = vector.load %arg14[%swap3A_96, %swap3A_97] : memref<2000x16xf32, #tpu.memory_space<vmem>>, vector<2000x16xf32>
    tpu.vector_store %arg14[%swap3A_96, %swap3A_97], %select_n3A {strides = array<i32>} : memref<2000x16xf32, #tpu.memory_space<vmem>>, vector<2000x16xf32>,
    return
  }
  func.func @transform_0(%arg0: i32) -> (i32, i32) {
    %c0_i32 = arith.constant 0 : i32
    %c0_i32_0 = arith.constant 0 : i32
    return %arg0, %c0_i32 : i32, i32
  }
  func.func @transform_1(%arg0: i32) -> (i32, i32) {
    %c0_i32 = arith.constant 0 : i32
    %c0_i32_0 = arith.constant 0 : i32
    return %arg0, %c0_i32 : i32, i32
  }
  func.func @transform_2(%arg0: i32) -> (i32, i32) {
    %c0_i32 = arith.constant 0 : i32
    %c0_i32_0 = arith.constant 0 : i32
    return %arg0, %c0_i32 : i32, i32
  }
  func.func @transform_3(%arg0: i32) -> (i32, i32) {
    %c0_i32 = arith.constant 0 : i32
    %c0_i32_0 = arith.constant 0 : i32
    %c0_i32_1 = arith.constant 0 : i32
    return %c0_i32, %c0_i32_0 : i32, i32
  }
  func.func @transform_4(%arg0: i32) -> (i32, i32) {
    %c0_i32 = arith.constant 0 : i32
    %c0_i32_0 = arith.constant 0 : i32
    %c0_i32_1 = arith.constant 0 : i32
    return %c0_i32, %c0_i32_0 : i32, i32
  }
  func.func @transform_5(%arg0: i32) -> (i32, i32) {
    %c0_i32 = arith.constant 0 : i32
    %c0_i32_0 = arith.constant 0 : i32
    %c0_i32_1 = arith.constant 0 : i32
    return %c0_i32, %c0_i32_0 : i32, i32
  }
  func.func @transform_6(%arg0: i32) -> (i32, i32) {
    %c0_i32 = arith.constant 0 : i32
    %c0_i32_0 = arith.constant 0 : i32
    %c0_i32_1 = arith.constant 0 : i32
    return %c0_i32, %c0_i32_0 : i32, i32
  }
  func.func @transform_7(%arg0: i32) -> (i32, i32) {
    %c0_i32 = arith.constant 0 : i32
    %c0_i32_0 = arith.constant 0 : i32
    %c0_i32_1 = arith.constant 0 : i32
    return %c0_i32, %c0_i32_0 : i32, i32
  }
  func.func @transform_8(%arg0: i32) -> (i32, i32) {
    %c0_i32 = arith.constant 0 : i32
    %c0_i32_0 = arith.constant 0 : i32
    %c0_i32_1 = arith.constant 0 : i32
    return %c0_i32, %c0_i32_0 : i32, i32
  }
  func.func @transform_9(%arg0: i32) -> (i32, i32) {
    %c0_i32 = arith.constant 0 : i32
    %c0_i32_0 = arith.constant 0 : i32
    %c0_i32_1 = arith.constant 0 : i32
    return %c0_i32, %c0_i32_0 : i32, i32
  }
  func.func @transform_10(%arg0: i32) -> (i32, i32) {
    %c0_i32 = arith.constant 0 : i32
    %c0_i32_0 = arith.constant 0 : i32
    %c0_i32_1 = arith.constant 0 : i32
    return %c0_i32, %c0_i32_0 : i32, i32
  }
  func.func @transform_11(%arg0: i32) -> (i32, i32) {
    %c0_i32 = arith.constant 0 : i32
    %c0_i32_0 = arith.constant 0 : i32
    %c0_i32_1 = arith.constant 0 : i32
    return %c0_i32, %c0_i32_0 : i32, i32
  }
  func.func @transform_12(%arg0: i32) -> (i32, i32) {
    %c0_i32 = arith.constant 0 : i32
    %c0_i32_0 = arith.constant 0 : i32
    return %arg0, %c0_i32 : i32, i32
  }
  func.func @transform_13(%arg0: i32) -> (i32, i32) {
    %c0_i32 = arith.constant 0 : i32
    %c0_i32_0 = arith.constant 0 : i32
    return %arg0, %c0_i32 : i32, i32
  }
}

module attributes {stable_mosaic.version = 14 : i64} {
  func.func @_node_c_body(%arg0: i32, %arg1: memref<2x2000x16xf32, #tpu.memory_space<vmem>>, %arg2: memref<2000x3xf32, #tpu.memory_space<vmem>>, %arg3: memref<2000x3xf32, #tpu.memory_space<vmem>>) attributes {dimension_semantics = [#tpu.dimension_semantics<arbitrary>], iteration_bounds = array<i64: 5>, scalar_prefetch = 0 : i64, scratch_operands = 0 : i64, tpu.core_type = #tpu.core_type<tc>, window_params = [{transform_indices = @transform_0, window_bounds = array<i64: 2, 2000, 16>}, {transform_indices = @transform_1, window_bounds = array<i64: 2000, 3>}, {transform_indices = @transform_2, window_bounds = array<i64: 2000, 3>}]} {
    %get3A = arith.constant 0 : index
    %get3A_0 = arith.constant 0 : index
    %get3A_1 = arith.constant 0 : index
    %get3A_2 = vector.load %arg1[%get3A, %get3A_0, %get3A_1] : memref<2x2000x16xf32, #tpu.memory_space<vmem>>, vector<1x2000x16xf32>
    %get3A_3 = vector.shape_cast %get3A_2 : vector<1x2000x16xf32> to vector<2000x16xf32>
    %get3A_4 = arith.constant 1 : index
    %get3A_5 = arith.constant 0 : index
    %get3A_6 = arith.constant 0 : index
    %get3A_7 = vector.load %arg1[%get3A_4, %get3A_5, %get3A_6] : memref<2x2000x16xf32, #tpu.memory_space<vmem>>, vector<1x2000x16xf32>
    %get3A_8 = vector.shape_cast %get3A_7 : vector<1x2000x16xf32> to vector<2000x16xf32>
    %add3A = arith.addf %get3A_3, %get3A_8 : vector<2000x16xf32>
    %slice3A = vector.extract_strided_slice %add3A {offsets = [0, 3], sizes = [2000, 1], strides = [1, 1]} : vector<2000x16xf32> to vector<2000x1xf32>
    %max3A = arith.constant 1.000000e+00 : f32
    %max3A_9 = vector.broadcast %max3A : f32 to vector<2000x1xf32>
    %max3A_10 = arith.maximumf %slice3A, %max3A_9 : vector<2000x1xf32>
    %get3A_11 = arith.constant 0 : index
    %get3A_12 = arith.constant 0 : index
    %get3A_13 = vector.load %arg2[%get3A_11, %get3A_12] : memref<2000x3xf32, #tpu.memory_space<vmem>>, vector<2000x3xf32>
    %slice3A_14 = vector.extract_strided_slice %add3A {offsets = [0, 0], sizes = [2000, 3], strides = [1, 1]} : vector<2000x16xf32> to vector<2000x3xf32>
    %div3A = vector.broadcast %max3A_10 : vector<2000x1xf32> to vector<2000x3xf32>
    %div3A_15 = arith.divf %slice3A_14, %div3A : vector<2000x3xf32>
    %add3A_16 = arith.addf %get3A_13, %div3A_15 : vector<2000x3xf32>
    %swap3A = arith.constant 0 : index
    %swap3A_17 = arith.constant 0 : index
    %swap3A_18 = vector.load %arg3[%swap3A, %swap3A_17] : memref<2000x3xf32, #tpu.memory_space<vmem>>, vector<2000x3xf32>
    tpu.vector_store %arg3[%swap3A, %swap3A_17], %add3A_16 {strides = array<i32>} : memref<2000x3xf32, #tpu.memory_space<vmem>>, vector<2000x3xf32>,
    return
  }
  func.func @transform_0(%arg0: i32) -> (i32, i32, i32) {
    %c0_i32 = arith.constant 0 : i32
    %c0_i32_0 = arith.constant 0 : i32
    %c0_i32_1 = arith.constant 0 : i32
    return %c0_i32, %arg0, %c0_i32_0 : i32, i32, i32
  }
  func.func @transform_1(%arg0: i32) -> (i32, i32) {
    %c0_i32 = arith.constant 0 : i32
    %c0_i32_0 = arith.constant 0 : i32
    return %arg0, %c0_i32 : i32, i32
  }
  func.func @transform_2(%arg0: i32) -> (i32, i32) {
    %c0_i32 = arith.constant 0 : i32
    %c0_i32_0 = arith.constant 0 : i32
    return %arg0, %c0_i32 : i32, i32
  }
}

module attributes {stable_mosaic.version = 14 : i64} {
  func.func @_node_h_body(%arg0: i32, %arg1: memref<2000x128xf32, #tpu.memory_space<vmem>>, %arg2: memref<2x2000x128xf32, #tpu.memory_space<vmem>>, %arg3: memref<128x128xf32, #tpu.memory_space<vmem>>, %arg4: memref<128x128xf32, #tpu.memory_space<vmem>>, %arg5: memref<1x128xf32, #tpu.memory_space<vmem>>, %arg6: memref<128x128xf32, #tpu.memory_space<vmem>>, %arg7: memref<1x128xf32, #tpu.memory_space<vmem>>, %arg8: memref<2000x128xf32, #tpu.memory_space<vmem>>) attributes {dimension_semantics = [#tpu.dimension_semantics<arbitrary>], iteration_bounds = array<i64: 5>, scalar_prefetch = 0 : i64, scratch_operands = 0 : i64, tpu.core_type = #tpu.core_type<tc>, window_params = [{transform_indices = @transform_0, window_bounds = array<i64: 2000, 128>}, {transform_indices = @transform_1, window_bounds = array<i64: 2, 2000, 128>}, {pipeline_mode = #tpu.pipeline_mode<synchronous>, transform_indices = @transform_2, window_bounds = array<i64: 128, 128>}, {pipeline_mode = #tpu.pipeline_mode<synchronous>, transform_indices = @transform_3, window_bounds = array<i64: 128, 128>}, {pipeline_mode = #tpu.pipeline_mode<synchronous>, transform_indices = @transform_4, window_bounds = array<i64: 1, 128>}, {pipeline_mode = #tpu.pipeline_mode<synchronous>, transform_indices = @transform_5, window_bounds = array<i64: 128, 128>}, {pipeline_mode = #tpu.pipeline_mode<synchronous>, transform_indices = @transform_6, window_bounds = array<i64: 1, 128>}, {transform_indices = @transform_7, window_bounds = array<i64: 2000, 128>}]} {
    %get3A = arith.constant 0 : index
    %get3A_0 = arith.constant 0 : index
    %get3A_1 = arith.constant 0 : index
    %get3A_2 = vector.load %arg2[%get3A, %get3A_0, %get3A_1] : memref<2x2000x128xf32, #tpu.memory_space<vmem>>, vector<1x2000x128xf32>
    %get3A_3 = vector.shape_cast %get3A_2 : vector<1x2000x128xf32> to vector<2000x128xf32>
    %get3A_4 = arith.constant 1 : index
    %get3A_5 = arith.constant 0 : index
    %get3A_6 = arith.constant 0 : index
    %get3A_7 = vector.load %arg2[%get3A_4, %get3A_5, %get3A_6] : memref<2x2000x128xf32, #tpu.memory_space<vmem>>, vector<1x2000x128xf32>
    %get3A_8 = vector.shape_cast %get3A_7 : vector<1x2000x128xf32> to vector<2000x128xf32>
    %add3A = arith.addf %get3A_3, %get3A_8 : vector<2000x128xf32>
    %get3A_9 = arith.constant 0 : index
    %get3A_10 = arith.constant 0 : index
    %get3A_11 = vector.load %arg1[%get3A_9, %get3A_10] : memref<2000x128xf32, #tpu.memory_space<vmem>>, vector<2000x128xf32>
    %get3A_12 = arith.constant 0 : index
    %get3A_13 = arith.constant 0 : index
    %get3A_14 = vector.load %arg3[%get3A_12, %get3A_13] : memref<128x128xf32, #tpu.memory_space<vmem>>, vector<128x128xf32>
    %dot_general3A = arith.constant dense<0.000000e+00> : vector<2000x128xf32>
    %dot_general3A_15 = tpu.matmul %get3A_11, %get3A_14, %dot_general3A {dimension_numbers = #tpu.dot_dimension_numbers<[1], [0], [0], [1], [0, 0, 1, 1], [], []>, transpose_lhs_hint = false} : vector<2000x128xf32>, vector<128x128xf32>, vector<2000x128xf32> -> vector<2000x128xf32>
    %get3A_16 = arith.constant 0 : index
    %get3A_17 = arith.constant 0 : index
    %get3A_18 = vector.load %arg4[%get3A_16, %get3A_17] : memref<128x128xf32, #tpu.memory_space<vmem>>, vector<128x128xf32>
    %dot_general3A_19 = arith.constant dense<0.000000e+00> : vector<2000x128xf32>
    %dot_general3A_20 = tpu.matmul %add3A, %get3A_18, %dot_general3A_19 {dimension_numbers = #tpu.dot_dimension_numbers<[1], [0], [0], [1], [0, 0, 1, 1], [], []>, transpose_lhs_hint = false} : vector<2000x128xf32>, vector<128x128xf32>, vector<2000x128xf32> -> vector<2000x128xf32>
    %add3A_21 = arith.addf %dot_general3A_15, %dot_general3A_20 : vector<2000x128xf32>
    %get3A_22 = arith.constant 0 : index
    %get3A_23 = arith.constant 0 : index
    %get3A_24 = vector.load %arg5[%get3A_22, %get3A_23] : memref<1x128xf32, #tpu.memory_space<vmem>>, vector<1x128xf32>
    %add3A_25 = vector.broadcast %get3A_24 : vector<1x128xf32> to vector<2000x128xf32>
    %add3A_26 = arith.addf %add3A_21, %add3A_25 : vector<2000x128xf32>
    %neg3A = arith.constant 0.000000e+00 : f32
    %neg3A_27 = vector.broadcast %neg3A : f32 to vector<2000x128xf32>
    %neg3A_28 = arith.subf %neg3A_27, %add3A_26 : vector<2000x128xf32>
    %exp3A = math.exp %neg3A_28 : vector<2000x128xf32>
    %add3A_29 = arith.constant 1.000000e+00 : f32
    %add3A_30 = vector.broadcast %add3A_29 : f32 to vector<2000x128xf32>
    %add3A_31 = arith.addf %add3A_30, %exp3A : vector<2000x128xf32>
    %div3A = arith.constant 1.000000e+00 : f32
    %div3A_32 = vector.broadcast %div3A : f32 to vector<2000x128xf32>
    %div3A_33 = arith.divf %div3A_32, %add3A_31 : vector<2000x128xf32>
    %mul3A = arith.mulf %add3A_26, %div3A_33 : vector<2000x128xf32>
    %get3A_34 = arith.constant 0 : index
    %get3A_35 = arith.constant 0 : index
    %get3A_36 = vector.load %arg6[%get3A_34, %get3A_35] : memref<128x128xf32, #tpu.memory_space<vmem>>, vector<128x128xf32>
    %dot_general3A_37 = arith.constant dense<0.000000e+00> : vector<2000x128xf32>
    %dot_general3A_38 = tpu.matmul %mul3A, %get3A_36, %dot_general3A_37 {dimension_numbers = #tpu.dot_dimension_numbers<[1], [0], [0], [1], [0, 0, 1, 1], [], []>, transpose_lhs_hint = false} : vector<2000x128xf32>, vector<128x128xf32>, vector<2000x128xf32> -> vector<2000x128xf32>
    %get3A_39 = arith.constant 0 : index
    %get3A_40 = arith.constant 0 : index
    %get3A_41 = vector.load %arg7[%get3A_39, %get3A_40] : memref<1x128xf32, #tpu.memory_space<vmem>>, vector<1x128xf32>
    %add3A_42 = vector.broadcast %get3A_41 : vector<1x128xf32> to vector<2000x128xf32>
    %add3A_43 = arith.addf %dot_general3A_38, %add3A_42 : vector<2000x128xf32>
    %swap3A = arith.constant 0 : index
    %swap3A_44 = arith.constant 0 : index
    %swap3A_45 = vector.load %arg8[%swap3A, %swap3A_44] : memref<2000x128xf32, #tpu.memory_space<vmem>>, vector<2000x128xf32>
    tpu.vector_store %arg8[%swap3A, %swap3A_44], %add3A_43 {strides = array<i32>} : memref<2000x128xf32, #tpu.memory_space<vmem>>, vector<2000x128xf32>,
    return
  }
  func.func @transform_0(%arg0: i32) -> (i32, i32) {
    %c0_i32 = arith.constant 0 : i32
    %c0_i32_0 = arith.constant 0 : i32
    return %arg0, %c0_i32 : i32, i32
  }
  func.func @transform_1(%arg0: i32) -> (i32, i32, i32) {
    %c0_i32 = arith.constant 0 : i32
    %c0_i32_0 = arith.constant 0 : i32
    %c0_i32_1 = arith.constant 0 : i32
    return %c0_i32, %arg0, %c0_i32_0 : i32, i32, i32
  }
  func.func @transform_2(%arg0: i32) -> (i32, i32) {
    %c0_i32 = arith.constant 0 : i32
    %c0_i32_0 = arith.constant 0 : i32
    %c0_i32_1 = arith.constant 0 : i32
    return %c0_i32, %c0_i32_0 : i32, i32
  }
  func.func @transform_3(%arg0: i32) -> (i32, i32) {
    %c0_i32 = arith.constant 0 : i32
    %c0_i32_0 = arith.constant 0 : i32
    %c0_i32_1 = arith.constant 0 : i32
    return %c0_i32, %c0_i32_0 : i32, i32
  }
  func.func @transform_4(%arg0: i32) -> (i32, i32) {
    %c0_i32 = arith.constant 0 : i32
    %c0_i32_0 = arith.constant 0 : i32
    %c0_i32_1 = arith.constant 0 : i32
    return %c0_i32, %c0_i32_0 : i32, i32
  }
  func.func @transform_5(%arg0: i32) -> (i32, i32) {
    %c0_i32 = arith.constant 0 : i32
    %c0_i32_0 = arith.constant 0 : i32
    %c0_i32_1 = arith.constant 0 : i32
    return %c0_i32, %c0_i32_0 : i32, i32
  }
  func.func @transform_6(%arg0: i32) -> (i32, i32) {
    %c0_i32 = arith.constant 0 : i32
    %c0_i32_0 = arith.constant 0 : i32
    %c0_i32_1 = arith.constant 0 : i32
    return %c0_i32, %c0_i32_0 : i32, i32
  }
  func.func @transform_7(%arg0: i32) -> (i32, i32) {
    %c0_i32 = arith.constant 0 : i32
    %c0_i32_0 = arith.constant 0 : i32
    return %arg0, %c0_i32 : i32, i32
  }
}

</mosaic_0001>

<sc_bundles>
// kernel: kernel.10.cloned.1.call-start
scs
__scs_entry_jumppad:
0x0: {  	(pc) =	sbr.rel $0x88, $3  }
0x1: {  	(tag) =	ssettag $0x0;
	lr =	simm.s32 $0x1  }
0x2: {  	[smem:$0x3F91] =	sst lr;
	_ =	strace $0xD0000000  }
0x3: {  	_ = 	snop  }
0x4: {  	_ = 	snop  }
0x5: {  	_ = 	snop  }
0x6: {  	_ = 	snop  }
0x7: {  	_ = 	snop  }
__scs_overlays_trampoline_lowered:
0x8: {  	[smem:$0x3FA0] =	sst s0  }
0x9: {  	[smem:$0x3FA1] =	sst s1  }
0xa: {  	[smem:$0x3FA2] =	sst s2  }
0xb: {  	[smem:$0x3FA3] =	sst s3  }
0xc: {  	[smem:$0x3FA4] =	sst s4  }
0xd: {  	[smem:$0x3FA5] =	sst s5  }
0xe: {  	[smem:$0x3FA6] =	sst s6  }
0xf: {  	[smem:$0x3FA7] =	sst s7  }
0x10: {  	[smem:$0x3FA8] =	sst s8  }
0x11: {  	[smem:$0x3FA9] =	sst s9;
	s0 =	simm.s32 @!p0 $0x0  }
0x12: {  	s1 =	sld [smem:$0x3F8F];
	s0 =	simm.s32 @p0 $0x1  }
0x13: {  	[smem:$0x3FAA] =	sst s0;
	s0 =	simm.s32 @!p1 $0x0  }
0x14: {  	s2 =	sld [smem:$0x3F8E];
	s0 =	simm.s32 @p1 $0x1  }
0x15: {  	[smem:$0x3FAB] =	sst s0;
	s0 =	simm.s32 @!p2 $0x0  }
0x16: {  	s3 =	sld [smem:$0x3FDB];
	s0 =	simm.s32 @p2 $0x1  }
0x17: {  	s4 =	simm.s32 $0x1BF5;
	[smem:$0x3FAD] =	sst s0  }
0x18: {  	s0 =	sld [smem:$0x3F90];
	_ =	swait.ge [sflag:s4], $0x0  }
0x19: {  	s7 =	sld [smem:$0x3F91]  }
0x1a: {  	s8 =	sadd.s32 $0xFFFFE003, lr  }
0x1b: {  	s9 =	sadd.s32 $0xFFFFFEF7, lr;
	s5 =	simm.s32 $0xFFFFFFFF;
	p2 =	slt.u32 s8, $0xFFFFF086  }
0x1c: {  	p1 =	slt.u32 s9, $0xF7A;
	s5 =	simm.s32 @!p2 $0x0  }
0x1d: {  	s5 =	simm.s32 @p1 $0x1;
	p0 =	seq.s32 s7, s2  }
0x1e: {  	s7 =	smul.u32 @!p0 $0xF7A, s2;
	p2 =	seq.s32 @!p0 s5, $0x0  }
0x1f: {  	s9 =	smul.u32 $0xF7A, s1;
	s8 =	simm.s32 @!p0 $0x1BF5;
	p2 =	por !p2, p0  }
0x20: {  	[sflag:s8] =	ssyncset.s32 @!p0 $0xFFFFF086;
	s6 =	sadd.s32 @!p0 s3, s7;
	s7 =	simm.s32 @!p0 $0x108  }
0x21: {  	s3 =	sadd.s32 s3, s9;
	s6 =	sadd.s32 @!p0 $0x88, s6;
	s7 =	simm.s32 @p2 $0x1082  }
0x22: {  	[simem:s7], [sflag:s8] =	dma.local @!p0 [hbm:s6], $0xF7A  }
0x23: {  	s9 =	sor.u32 $0xD0000000, s2;
	s6 =	simm.s32 $0x108;
	_ =	swait.ge @!p0 [sflag:s8], $0x0  }
0x24: {  	s3 =	sadd.s32 $0x88, s3;
	s6 =	simm.s32 @!p1 $0x1082;
	[sflag:s4] =	ssyncset.s32 $0xFFFFF086  }
0x25: {  	[simem:s6], [sflag:s4] =	dma.local [hbm:s3], $0xF7A  }
0x26: {  	[smem:$0x3F91] =	sst s1;
	(tag) =	ssettag s2;
	_ =	strace s9  }
0x27: {  	s1 =	sld [smem:$0x3FA1]  }
0x28: {  	s2 =	sld [smem:$0x3FA2]  }
0x29: {  	s4 =	sld [smem:$0x3FA4]  }
0x2a: {  	p0 =	seq.s32 s5, $0x0;
	s5 =	sld [smem:$0x3FA5]  }
0x2b: {  	s6 =	sld [smem:$0x3FA6]  }
0x2c: {  	s7 =	sld [smem:$0x3FA7]  }
0x2d: {  	s3 =	simm.s32 $0x108;
	s8 =	sld [smem:$0x3FA8]  }
0x2e: {  	s3 =	simm.s32 @!p0 $0x1082;
	s9 =	sld [smem:$0x3FA9]  }
0x2f: {  	lr =	sadd.s32 s0, s3;
	s0 =	sld [smem:$0x3FA0]  }
0x30: {  	s3 =	sld [smem:$0x3FA3]  }
0x31: {  	[smem:$0x3FAC] =	sst s10  }
0x32: {  	s10 =	sld [smem:$0x3FAA];
	_ =	sdelay $0x3  }
0x33: {  	p0 =	seq.s32 s10, $0x1;
	s10 =	sld [smem:$0x3FAC];
	_ =	sdelay $0x3  }
0x34: {  	[smem:$0x3FAC] =	sst s10  }
0x35: {  	s10 =	sld [smem:$0x3FAB];
	_ =	sdelay $0x3  }
0x36: {  	p1 =	seq.s32 s10, $0x1;
	s10 =	sld [smem:$0x3FAC];
	_ =	sdelay $0x3  }
0x37: {  	[smem:$0x3FAC] =	sst s10  }
0x38: {  	s10 =	sld [smem:$0x3FAD]  }
0x39: {  	_ = 	snop;
	(pc) =	sbr.ind lr, $3  }
0x3a: {  	_ = 	snop  }
0x3b: {  	_ = 	snop  }
0x3c: {  	p2 =	seq.s32 s10, $0x1;
	s10 =	sld [smem:$0x3FAC]  }
0x3d: {  	_ =	shalt  }
0x3e: {  	_ =	shalt  }
0x3f: {  	_ =	shalt  }
0x40: {  	_ =	shalt  }
0x41: {  	_ =	shalt  }
0x42: {  	_ =	shalt  }
0x43: {  	_ =	shalt  }
0x44: {  	_ =	shalt  }
0x45: {  	_ =	shalt  }
0x46: {  	_ =	shalt  }
0x47: {  	_ =	shalt  }
0x48: {  	_ =	shalt  }
0x49: {  	_ =	shalt  }
0x4a: {  	_ =	shalt  }
0x4b: {  	_ =	shalt  }
0x4c: {  	_ =	shalt  }
0x4d: {  	_ =	shalt  }
0x4e: {  	_ =	shalt  }
0x4f: {  	_ =	shalt  }
0x50: {  	_ =	shalt  }
0x51: {  	_ =	shalt  }
0x52: {  	_ =	shalt  }
0x53: {  	_ =	shalt  }
0x54: {  	_ =	shalt  }
0x55: {  	_ =	shalt  }
0x56: {  	_ =	shalt  }
0x57: {  	_ =	shalt  }
0x58: {  	_ =	shalt  }
0x59: {  	_ =	shalt  }
0x5a: {  	_ =	shalt  }
0x5b: {  	_ =	shalt  }
0x5c: {  	_ =	shalt  }
0x5d: {  	_ =	shalt  }
0x5e: {  	_ =	shalt  }
0x5f: {  	_ =	shalt  }
0x60: {  	_ =	shalt  }
0x61: {  	_ =	shalt  }
0x62: {  	_ =	shalt  }
0x63: {  	_ =	shalt  }
0x64: {  	_ =	shalt  }
0x65: {  	_ =	shalt  }
0x66: {  	_ =	shalt  }
0x67: {  	_ =	shalt  }
0x68: {  	_ =	shalt  }
0x69: {  	_ =	shalt  }
0x6a: {  	_ =	shalt  }
0x6b: {  	_ =	shalt  }
0x6c: {  	_ =	shalt  }
0x6d: {  	_ =	shalt  }
0x6e: {  	_ =	shalt  }
0x6f: {  	_ =	shalt  }
0x70: {  	_ =	shalt  }
0x71: {  	_ =	shalt  }
0x72: {  	_ =	shalt  }
0x73: {  	_ =	shalt  }
0x74: {  	_ =	shalt  }
0x75: {  	_ =	shalt  }
0x76: {  	_ =	shalt  }
0x77: {  	_ =	shalt  }
0x78: {  	_ =	shalt  }
0x79: {  	_ =	shalt  }
0x7a: {  	_ =	shalt  }
0x7b: {  	_ =	shalt  }
0x7c: {  	_ =	shalt  }
0x7d: {  	_ =	shalt  }
0x7e: {  	_ =	shalt  }
0x7f: {  	_ =	shalt  }
0x80: {  	_ =	shalt  }
0x81: {  	_ =	shalt  }
0x82: {  	_ =	shalt  }
0x83: {  	_ =	shalt  }
0x84: {  	_ =	shalt  }
0x85: {  	_ =	shalt  }
0x86: {  	_ =	shalt  }
0x87: {  	_ =	shalt  }
.Lfunc_end0:
.L_simem_size_0:
called_computation_lowered:
.L_overlay_start_0:
0x88: {  	s2 =	sld [smem:$0x3FD9]  }
0x89: {  	s3 =	sld [smem:$0x3FFE];
	_ =	sdelay $0x1  }
0x8a: {  	s1 =	srdreg.scid  }
0x8b: {  	s0 =	sand.u32 $0x1, s1  }
0x8c: {  	s14 =	sshll.u32 s0, $0xA;
	s2 =	sadd.s32 s3, s2  }
0x8d: {  	s2 =	sadd.s32 s2, s14  }
0x8e: {  	[smem:$0x3FB8] =	sst s2  }
0x8f: {  	_ = 	snop  }
0x90: {  	s2 =	sld [smem:$0x3FD0];
	_ =	sdelay $0x2  }
0x91: {  	s15 =	simm.s32 $0xB;
	s4 =	simm.s32 $0x10  }
0x92: {  	[smem:s4], [sflag:s15] =	dma.local [hbm:s2], $0x1  }
0x93: {  	_ =	swait.eq [sflag:s15], $0x1  }
0x94: {  	[sflag:s15] =	ssyncset.done $0x0  }
0x95: {  	[sflag:s15] =	ssyncadd.s32 $0xFFFFFFFF  }
0x96: {  	s16 =	sld [smem:$0x12];
	(tm) =	ssettm $0x1  }
0x97: {  	s17 =	sld [smem:$0x3FFB];
	_ =	sdelay $0x3  }
0x98: {  	_ =	strace s17  }
0x99: {  	s3 =	sld [smem:$0x3FFC];
	_ =	sdelay $0x3  }
0x9a: {  	_ =	strace s3  }
0x9b: {  	s3 =	sld [smem:$0x3FFD];
	_ =	sdelay $0x3  }
0x9c: {  	_ =	strace s3  }
0x9d: {  	_ =	strace $0x8FFFFFFF  }
0x9e: {  	s18 =	sld [smem:$0x3FDB];
	_ =	sdelay $0x1  }
0x9f: {  	s19 =	simm.s32 $_scs_section_size  }
0xa0: {  	s5 =	simm.s32 $_size__tile_overlayer_lowered;
	s6 =	simm.s32 $_tile_overlayer_lowered  }
0xa1: {  	s22 =	simm.s32 $0x1BFF;
	s21 =	sshll.u32 s6, $0x1;
	s3 =	sadd.s32 s19, s18  }
0xa2: {  	s7 =	simm.s32 $0x0;
	s20 =	sshll.u32 s5, $0x1;
	s5 =	sadd.s32 s21, s3  }
0xa3: {  	[timem:s7], [sflag:s22] =	dma.local [hbm:s5], s20  }
0xa4: {  	_ =	swait.ge [sflag:s22], s20  }
0xa5: {  	s4 =	ssub.s32 $0x0, s20;
	[sflag:s22] =	ssyncset.done $0x0  }
0xa6: {  	[sflag:s22] =	ssyncadd.s32 s4;
	_ =	sdelay $0x1  }
0xa7: {  	s23 =	simm.s32 $0x1B8B  }
0xa8: {  	_ =	swait.ge [sflag:s23], $0x1  }
0xa9: {  	[sflag:s23] =	ssyncset.done $0x0  }
0xaa: {  	s25 =	simm.s32 $0x1B8E;
	s24 =	sld [smem:$0x3FFE];
	[sflag:s23] =	ssyncadd.s32 $0xFFFFFFFF  }
0xab: {  	s26 =	simm.s32 $execute0_lowered;
	[smem:$0x3FD2] =	sst s25  }
0xac: {  	s5 =	sshll.u32 s26, $0x1;
	_ =	strace $0x80000046;
	[dreg:$0x1] =	wrdreg $0xFFFFFFFF  }
0xad: {  	s28 =	simm.s32 $_size_execute0_lowered;
	s3 =	sadd.s32 s3, s5;
	[dreg:$0x0] =	wrdreg $0x0  }
0xae: {  	s5 =	sshll.u32 s28, $0x1;
	[dreg:$0x2] =	wrdreg s3  }
0xaf: {  	[dreg:$0x3] =	wrdreg s5  }
0xb0: {  	[dreg:$0x4] =	wrdreg $0xC0  }
0xb1: {  	_ =	task [dreg:s7], $0x5FFFF  }
0xb2: {  	[dreg:$0x1] =	wrdreg $0xFFFFFFFF  }
0xb3: {  	[dreg:$0x0] =	wrdreg $0x60  }
0xb4: {  	[dreg:$0x2] =	wrdreg s24  }
0xb5: {  	[dreg:$0x3] =	wrdreg s16  }
0xb6: {  	[dreg:$0x4] =	wrdreg $0x9  }
0xb7: {  	_ =	task.clear_ibuf [dreg:s7], $0x5FFFF;
	_ =	strace $0x90000046  }
0xb8: {  	s29 =	simm.s32 $0x9;
	_ =	strace $0x80000048  }
0xb9: {  	_ =	swait.ge [sflag:s29], $0x1  }
0xba: {  	[sflag:s29] =	ssyncadd.s32 $0xFFFFFFFF  }
0xbb: {  	_ =	strace $0x90000048  }
0xbc: {  	_ =	sfence  }
0xbd: {  	s30 =	sld [smem:$0x0];
	_ =	sdelay $0x2  }
0xbe: {  	s31 =	sshll.u32 s1, $0xD;
	s1 =	sshrl.u32 s1, $0x2  }
0xbf: {  	s3 =	sand.u32 $0x4000, s31;
	s1 =	sadd.s32 s1, s30  }
0xc0: {  	s0 =	sor.u32 s3, s0;
	s1 =	sshll.u32 s1, $0x11  }
0xc1: {  	s0 =	sor.u32 s1, s0  }
0xc2: {  	s0 =	sadd.s32 $0x8F2B, s0  }
0xc3: {  	[sflag:s0] =	ssyncadd.remote.s32 $0x1  }
0xc4: {  	_ =	sfence.sel $0xFFFF  }
0xc5: {  	[dreg:$0x0] =	wrdreg $0xFFFFFFFF;
	(pc) =	sbr.abs _section_cstart, $3  }
0xc6: {  	[dreg:$0x1] =	wrdreg $0xFFFFFFFF  }
0xc7: {  	_ =	task.clear_ibuf [dreg:s7], $0x2FFFF;
	_ =	strace $0x9FFFFFFF  }
0xc8: {  	(tm) =	ssettm $0x7FFFFFFF  }
0xc9: {  	_ =	shalt  }
tec
execute0_lowered:
.L_overlay_start_1:
0x0: {  	(tag) =	ssettag $0x1  }
0x1: {  	s6 =	rddreg [dreg:$0x0];
	s1 =	srdreg.scid  }
0x2: {  	s0 =	stileid.u32;
	s2 =	rddreg [dreg:$0x1];
	s3 =	simm.s32 $0x0  }
0x3: {  	s11 =	simm.s32 $0x5;
	s12 =	simm.s32 $0x2780;
	s13 =	simm.s32 $0x2  }
0x4: {  	s14 =	simm.s32 $0x5700;
	s15 =	simm.s32 $0x1;
	s16 =	simm.s32 $0x4F00  }
0x5: {  	s17 =	simm.s32 $0x3;
	s18 =	simm.s32 $0x4;
	s19 =	simm.s32 $0x0  }
0x6: {  	s5 =	sand.u32 $0x1, s1;
	s8 =	sshll.u32 s0, $0x1;
	s1 =	rddreg [dreg:$0x2]  }
.Ltmp0:
0x7: {  	[smem:$0x7FF] =	sst s3;
	s4 =	sor.u32 s5, s8;
	(pc) =	sbr.rel .LBB2_1-.Ltmp0, $4  }
0x8: {  	_ =	strace $0x80000047;
	s9 =	ssub.s32 $0x2, s5;
	s7 =	smul.u32 $0x4F0, s4  }
0x9: {  	s5 =	sadd.s32 $0x2C400, s6;
	s8 =	ssub.s32 $0x9C4, s8;
	s31 =	sshrl.u32 s9, $0x1  }
0xa: {  	s10 =	sshll.u32 s4, $0x8;
	s9 =	ssub.s32 s9, s31;
	s7 =	sadd.s32 s7, s6  }
0xb: {  	s9 =	smax.u32 s9, $0x1;
	s6 =	sadd.s32 $0xE800, s7;
	s7 =	sadd.s32 $0x22600, s7  }
.LBB2_11:
0xc: {  	s19 =	sadd.s32 $0x1, s19  }
0xd: {  	_ =	swait.ge [sflag:s17], $0x800;
	p0 =	sne.s32 s19, s9  }
.Ltmp1:
0xe: {  	[sflag:s17] =	ssyncset.done $0x0;
	(pc) =	sbr.rel @!p0 .LBB2_12-.Ltmp1, $4  }
0xf: {  	[sflag:s17] =	ssyncadd.s32 $0xFFFFF800  }
0x10: {  	_ =	swait.ge [sflag:s18], $0x800  }
0x11: {  	[sflag:s18] =	ssyncset.done $0x0  }
0x12: {  	[sflag:s18] =	ssyncadd.s32 $0xFFFFF800  }
.LBB2_1:
0x13: {  	[tilespmem:s3], [sflag:$0x5] =	stream.linear.gather [hbm4b:s6+s3], $0x2780, $0x38;
	[tilespmem:$0x6F00] =	vst v63  }
0x14: {  	_ =	swait.ge [sflag:s11], $0x2780  }
0x15: {  	[sflag:s11] =	ssyncset.done $0x0  }
.Ltmp2:
0x16: {  	[sflag:s11] =	ssyncadd.s32 $0xFFFFD880;
	(pc) =	sbr.rel .LBB2_2-.Ltmp2, $4  }
0x17: {  	[tilespmem:s12], [sflag:$0x5] =	stream.linear.gather [hbm4b:s7+s3], $0x2780, $0x38;
	[tilespmem:$0x6F00] =	vst v63  }
0x18: {  	_ =	swait.ge [sflag:s11], $0x2780  }
0x19: {  	[sflag:s11] =	ssyncset.done $0x0  }
0x1a: {  	s20 =	simm.s32 $0x0;
	[sflag:s11] =	ssyncadd.s32 $0xFFFFD880  }
.LBB2_10:
0x1b: {  	s20 =	sadd.s32 $0x1, s20  }
0x1c: {  	p0 =	sne.s32 s20, $0x28  }
.Ltmp3:
0x1d: {  	_ = 	snop;
	(pc) =	sbr.rel @!p0 .LBB2_11-.Ltmp3, $1  }
0x1e: {  	_ =	sdelay $0x3  }
.LBB2_2:
0x1f: {  	s21 =	sshll.u32 s20, $0x6  }
0x20: {  	s21 =	sor.u32 s4, s21  }
0x21: {  	p0 =	sgt.u32 s21, $0x9C3  }
0x22: {  	p1 =	seq.s32 @!p0 s20, $0x0  }
0x23: {  	p1 =	por p1, p0  }
0x24: {  	s22 =	simm.s32 @!p1 $0x3  }
0x25: {  	_ =	swait.ge @!p1 [sflag:s22], $0x800  }
0x26: {  	s23 =	sshll.u32 @!p0 s20, $0x8;
	[sflag:s22] =	ssyncset.done @!p1 $0x0  }
0x27: {  	s24 =	simm.s32 @!p0 $0x80;
	[sflag:s22] =	ssyncadd.s32 @!p1 $0xFFFFF800;
	s22 =	simm.s32 @!p0 $0x4F00  }
0x28: {  	[tilespmem:s22], [sflag:$0x1] =	stream.indirect.gather @!p0 [hbm4b:s5+s24], $0x10, s23, s24, $0xb8;
	[tilespmem:$0x6F00] =	vst v63  }
0x29: {  	s25 =	simm.s32 @!p0 $0x5F00;
	s22 =	sshll.u32 s20, $0x1;
	s23 =	sadd.s32 @!p0 $0x2780, s23  }
0x2a: {  	[tilespmem:s25], [sflag:$0x1] =	stream.indirect.gather @!p0 [hbm4b:s5+s24], $0x10, s23, s24, $0xb8;
	[tilespmem:$0x6F00] =	vst v63  }
0x2b: {  	s23 =	sadd.s32 $0xFFFFFFFF, s22  }
0x2c: {  	p1 =	sgt.u32 s23, $0x4E  }
.Ltmp4:
0x2d: {  	_ = 	snop;
	(pc) =	sbr.rel @p1 .LBB2_6-.Ltmp4, $1  }
0x2e: {  	_ =	sdelay $0x3  }
0x2f: {  	_ =	swait.ge [sflag:s13], $0x800  }
0x30: {  	[sflag:s13] =	ssyncset.done $0x0  }
0x31: {  	[sflag:s13] =	ssyncadd.s32 $0xFFFFF800  }
0x32: {  	_ =	swait.ge [sflag:s13], $0x800  }
0x33: {  	[sflag:s13] =	ssyncset.done $0x0  }
0x34: {  	s24 =	simm.s32 $0x0;
	[sflag:s13] =	ssyncadd.s32 $0xFFFFF800  }
0x35: {  	s25 =	simm.s32 $0x40;
	v0 =	vld [tilespmem:s24+$0x6700]  }
.LBB2_4:
0x36: {  	p1 =	sne.s32 s25, $0x1FC0;
	v1 =	vld [tilespmem:s24+$0x5700];
	_ =	sdelay $0x2  }
.Ltmp5:
0x37: {  	(pc) =	sbr.rel @p1 .LBB2_4-.Ltmp5, $4  }
0x38: {  	_ = 	snop  }
0x39: {  	v1 =	vsub.f32 v1, v0  }
0x3a: {  	s26 =	sshra.s32 s25, $0x2  }
0x3b: {  	s25 =	sadd.s32 $0x40, s25;
	v0 =	vld [tilespmem:s26+$0x6700];
	[tilespmem:s24+$0x5700] =	vst v1;
	s24 =	smov.u32 s26  }
0x3c: {  	v1 =	vld [tilespmem:s24+$0x5700];
	_ =	sdelay $0x4  }
0x3d: {  	s23 =	sshll.u32 s23, $0xD;
	v0 =	vsub.f32 v1, v0  }
0x3e: {  	s23 =	sor.u32 s10, s23  }
0x3f: {  	s23 =	sadd.s32 s2, s23;
	[tilespmem:s24+$0x5700] =	vst v0  }
0x40: {  	[hbm4b:s23+s3] =	stream.linear.scatter [tilespmem:s14], [sflag:$0x4], $0x800, $0x38;
	[tilespmem:$0x6F00] =	vst v63  }
.LBB2_6:
0x41: {  	s22 =	sor.u32 $0x1, s22  }
0x42: {  	s23 =	sshll.u32 s22, $0x5  }
0x43: {  	p1 =	sge.u32 s23, s8  }
0x44: {  	p2 =	seq.s32 @!p1 s20, $0x0  }
0x45: {  	p2 =	por p2, p1  }
0x46: {  	s23 =	simm.s32 @!p2 $0x4  }
0x47: {  	_ =	swait.ge @!p2 [sflag:s23], $0x800  }
.Ltmp6:
0x48: {  	s22 =	sshll.u32 @!p1 s22, $0x7;
	[sflag:s23] =	ssyncset.done @!p2 $0x0;
	(pc) =	sbr.rel @p0 .LBB2_10-.Ltmp6, $4  }
0x49: {  	s24 =	simm.s32 @!p1 $0x5700;
	[sflag:s23] =	ssyncadd.s32 @!p2 $0xFFFFF800;
	s23 =	simm.s32 @!p1 $0x80  }
0x4a: {  	[tilespmem:s24], [sflag:$0x2] =	stream.indirect.gather @!p1 [hbm4b:s5+s23], $0x10, s22, s23, $0xb8;
	[tilespmem:$0x6F00] =	vst v63  }
0x4b: {  	s22 =	sadd.s32 @!p1 $0x2780, s22;
	s24 =	simm.s32 @!p1 $0x6700  }
0x4c: {  	[tilespmem:s24], [sflag:$0x2] =	stream.indirect.gather @!p1 [hbm4b:s5+s23], $0x10, s22, s23, $0xb8;
	[tilespmem:$0x6F00] =	vst v63  }
0x4d: {  	_ =	swait.ge [sflag:s15], $0x800  }
0x4e: {  	[sflag:s15] =	ssyncset.done $0x0  }
0x4f: {  	[sflag:s15] =	ssyncadd.s32 $0xFFFFF800  }
0x50: {  	_ =	swait.ge [sflag:s15], $0x800  }
0x51: {  	[sflag:s15] =	ssyncset.done $0x0  }
0x52: {  	s22 =	simm.s32 $0x0;
	[sflag:s15] =	ssyncadd.s32 $0xFFFFF800  }
0x53: {  	s23 =	simm.s32 $0x40;
	v0 =	vld [tilespmem:s22+$0x5F00]  }
.LBB2_8:
0x54: {  	p0 =	sne.s32 s23, $0x1FC0;
	v1 =	vld [tilespmem:s22+$0x4F00];
	_ =	sdelay $0x2  }
.Ltmp7:
0x55: {  	(pc) =	sbr.rel @p0 .LBB2_8-.Ltmp7, $4  }
0x56: {  	_ = 	snop  }
0x57: {  	v1 =	vsub.f32 v1, v0  }
0x58: {  	s24 =	sshra.s32 s23, $0x2  }
0x59: {  	s23 =	sadd.s32 $0x40, s23;
	v0 =	vld [tilespmem:s24+$0x5F00];
	[tilespmem:s22+$0x4F00] =	vst v1;
	s22 =	smov.u32 s24  }
0x5a: {  	v1 =	vld [tilespmem:s22+$0x4F00];
	_ =	sdelay $0x3  }
.Ltmp8:
0x5b: {  	_ = 	snop;
	(pc) =	sbr.rel .LBB2_10-.Ltmp8, $4  }
0x5c: {  	v0 =	vsub.f32 v1, v0  }
0x5d: {  	s21 =	sshll.u32 s21, $0x8  }
0x5e: {  	s21 =	sadd.s32 s2, s21;
	[tilespmem:s22+$0x4F00] =	vst v0  }
0x5f: {  	[hbm4b:s21+s3] =	stream.linear.scatter [tilespmem:s16], [sflag:$0x3], $0x800, $0x38;
	[tilespmem:$0x6F00] =	vst v63  }
.LBB2_12:
0x60: {  	_ =	sfence.sel $0x180000  }
0x61: {  	[bflag:$0x0] =	sbarrier.arrive $0xFFFF  }
0x62: {  	p0 =	sne.s32 s0, $0x0;
	_ =	strace $0x90000047  }
0x63: {  	s0 =	sadd.s32 @!p0 $0x100000, s1;
	[bflag:$0x2] =	sbarrier.arrive $0xFFFF  }
0x64: {  	[sflag:s0] =	ssyncadd.tile.s32 @!p0 $0x1;
	_ =	shalt  }
.Lfunc_end2:
_tile_overlayer_lowered:
.L_overlay_start_2:
0x65: {  	(tag) =	ssettag $0x2  }
0x66: {  	s0 =	rddreg [dreg:$0x0];
	s2 =	stileid.u32  }
0x67: {  	s1 =	rddreg [dreg:$0x1];
	p0 =	sne.s32 s2, $0x0  }
0x68: {  	s3 =	rddreg [dreg:$0x2];
	[bflag:$0x3] =	sbarrier.arrive $0xFFFF;
	s2 =	simm.s32 @!p0 $0x1C05  }
0x69: {  	[timem:s3], [sflag:s2] =	dma.local @!p0 [hbm:s0], s1  }
0x6a: {  	s0 =	simm.s32 @!p0 $0x5  }
0x6b: {  	_ =	swait.ge @!p0 [sflag:s0], s1  }
0x6c: {  	s1 =	ssub.s32 @!p0 $0x0, s1;
	[sflag:s0] =	ssyncset.done @!p0 $0x0  }
0x6d: {  	[sflag:s0] =	ssyncadd.s32 @!p0 s1  }
0x6e: {  	[bflag:$0x3] =	sbarrier.arrive $0xFFFF  }
0x6f: {  	_ =	shalt  }

// kernel: kernel.13.cloned.1.call-start
scs
__scs_entry_jumppad:
0x0: {  	(pc) =	sbr.rel $0x88, $3  }
0x1: {  	(tag) =	ssettag $0x0;
	lr =	simm.s32 $0x1  }
0x2: {  	[smem:$0x3F91] =	sst lr;
	_ =	strace $0xD0000000  }
0x3: {  	_ = 	snop  }
0x4: {  	_ = 	snop  }
0x5: {  	_ = 	snop  }
0x6: {  	_ = 	snop  }
0x7: {  	_ = 	snop  }
__scs_overlays_trampoline_lowered:
0x8: {  	[smem:$0x3FA0] =	sst s0  }
0x9: {  	[smem:$0x3FA1] =	sst s1  }
0xa: {  	[smem:$0x3FA2] =	sst s2  }
0xb: {  	[smem:$0x3FA3] =	sst s3  }
0xc: {  	[smem:$0x3FA4] =	sst s4  }
0xd: {  	[smem:$0x3FA5] =	sst s5  }
0xe: {  	[smem:$0x3FA6] =	sst s6  }
0xf: {  	[smem:$0x3FA7] =	sst s7  }
0x10: {  	[smem:$0x3FA8] =	sst s8  }
0x11: {  	[smem:$0x3FA9] =	sst s9;
	s0 =	simm.s32 @!p0 $0x0  }
0x12: {  	s1 =	sld [smem:$0x3F8F];
	s0 =	simm.s32 @p0 $0x1  }
0x13: {  	[smem:$0x3FAA] =	sst s0;
	s0 =	simm.s32 @!p1 $0x0  }
0x14: {  	s2 =	sld [smem:$0x3F8E];
	s0 =	simm.s32 @p1 $0x1  }
0x15: {  	[smem:$0x3FAB] =	sst s0;
	s0 =	simm.s32 @!p2 $0x0  }
0x16: {  	s3 =	sld [smem:$0x3FDB];
	s0 =	simm.s32 @p2 $0x1  }
0x17: {  	s4 =	simm.s32 $0x1BF5;
	[smem:$0x3FAD] =	sst s0  }
0x18: {  	s0 =	sld [smem:$0x3F90];
	_ =	swait.ge [sflag:s4], $0x0  }
0x19: {  	s7 =	sld [smem:$0x3F91]  }
0x1a: {  	s8 =	sadd.s32 $0xFFFFE003, lr  }
0x1b: {  	s9 =	sadd.s32 $0xFFFFFEF7, lr;
	s5 =	simm.s32 $0xFFFFFFFF;
	p2 =	slt.u32 s8, $0xFFFFF086  }
0x1c: {  	p1 =	slt.u32 s9, $0xF7A;
	s5 =	simm.s32 @!p2 $0x0  }
0x1d: {  	s5 =	simm.s32 @p1 $0x1;
	p0 =	seq.s32 s7, s2  }
0x1e: {  	s7 =	smul.u32 @!p0 $0xF7A, s2;
	p2 =	seq.s32 @!p0 s5, $0x0  }
0x1f: {  	s9 =	smul.u32 $0xF7A, s1;
	s8 =	simm.s32 @!p0 $0x1BF5;
	p2 =	por !p2, p0  }
0x20: {  	[sflag:s8] =	ssyncset.s32 @!p0 $0xFFFFF086;
	s6 =	sadd.s32 @!p0 s3, s7;
	s7 =	simm.s32 @!p0 $0x108  }
0x21: {  	s3 =	sadd.s32 s3, s9;
	s6 =	sadd.s32 @!p0 $0x88, s6;
	s7 =	simm.s32 @p2 $0x1082  }
0x22: {  	[simem:s7], [sflag:s8] =	dma.local @!p0 [hbm:s6], $0xF7A  }
0x23: {  	s9 =	sor.u32 $0xD0000000, s2;
	s6 =	simm.s32 $0x108;
	_ =	swait.ge @!p0 [sflag:s8], $0x0  }
0x24: {  	s3 =	sadd.s32 $0x88, s3;
	s6 =	simm.s32 @!p1 $0x1082;
	[sflag:s4] =	ssyncset.s32 $0xFFFFF086  }
0x25: {  	[simem:s6], [sflag:s4] =	dma.local [hbm:s3], $0xF7A  }
0x26: {  	[smem:$0x3F91] =	sst s1;
	(tag) =	ssettag s2;
	_ =	strace s9  }
0x27: {  	s1 =	sld [smem:$0x3FA1]  }
0x28: {  	s2 =	sld [smem:$0x3FA2]  }
0x29: {  	s4 =	sld [smem:$0x3FA4]  }
0x2a: {  	p0 =	seq.s32 s5, $0x0;
	s5 =	sld [smem:$0x3FA5]  }
0x2b: {  	s6 =	sld [smem:$0x3FA6]  }
0x2c: {  	s7 =	sld [smem:$0x3FA7]  }
0x2d: {  	s3 =	simm.s32 $0x108;
	s8 =	sld [smem:$0x3FA8]  }
0x2e: {  	s3 =	simm.s32 @!p0 $0x1082;
	s9 =	sld [smem:$0x3FA9]  }
0x2f: {  	lr =	sadd.s32 s0, s3;
	s0 =	sld [smem:$0x3FA0]  }
0x30: {  	s3 =	sld [smem:$0x3FA3]  }
0x31: {  	[smem:$0x3FAC] =	sst s10  }
0x32: {  	s10 =	sld [smem:$0x3FAA];
	_ =	sdelay $0x3  }
0x33: {  	p0 =	seq.s32 s10, $0x1;
	s10 =	sld [smem:$0x3FAC];
	_ =	sdelay $0x3  }
0x34: {  	[smem:$0x3FAC] =	sst s10  }
0x35: {  	s10 =	sld [smem:$0x3FAB];
	_ =	sdelay $0x3  }
0x36: {  	p1 =	seq.s32 s10, $0x1;
	s10 =	sld [smem:$0x3FAC];
	_ =	sdelay $0x3  }
0x37: {  	[smem:$0x3FAC] =	sst s10  }
0x38: {  	s10 =	sld [smem:$0x3FAD]  }
0x39: {  	_ = 	snop;
	(pc) =	sbr.ind lr, $3  }
0x3a: {  	_ = 	snop  }
0x3b: {  	_ = 	snop  }
0x3c: {  	p2 =	seq.s32 s10, $0x1;
	s10 =	sld [smem:$0x3FAC]  }
0x3d: {  	_ =	shalt  }
0x3e: {  	_ =	shalt  }
0x3f: {  	_ =	shalt  }
0x40: {  	_ =	shalt  }
0x41: {  	_ =	shalt  }
0x42: {  	_ =	shalt  }
0x43: {  	_ =	shalt  }
0x44: {  	_ =	shalt  }
0x45: {  	_ =	shalt  }
0x46: {  	_ =	shalt  }
0x47: {  	_ =	shalt  }
0x48: {  	_ =	shalt  }
0x49: {  	_ =	shalt  }
0x4a: {  	_ =	shalt  }
0x4b: {  	_ =	shalt  }
0x4c: {  	_ =	shalt  }
0x4d: {  	_ =	shalt  }
0x4e: {  	_ =	shalt  }
0x4f: {  	_ =	shalt  }
0x50: {  	_ =	shalt  }
0x51: {  	_ =	shalt  }
0x52: {  	_ =	shalt  }
0x53: {  	_ =	shalt  }
0x54: {  	_ =	shalt  }
0x55: {  	_ =	shalt  }
0x56: {  	_ =	shalt  }
0x57: {  	_ =	shalt  }
0x58: {  	_ =	shalt  }
0x59: {  	_ =	shalt  }
0x5a: {  	_ =	shalt  }
0x5b: {  	_ =	shalt  }
0x5c: {  	_ =	shalt  }
0x5d: {  	_ =	shalt  }
0x5e: {  	_ =	shalt  }
0x5f: {  	_ =	shalt  }
0x60: {  	_ =	shalt  }
0x61: {  	_ =	shalt  }
0x62: {  	_ =	shalt  }
0x63: {  	_ =	shalt  }
0x64: {  	_ =	shalt  }
0x65: {  	_ =	shalt  }
0x66: {  	_ =	shalt  }
0x67: {  	_ =	shalt  }
0x68: {  	_ =	shalt  }
0x69: {  	_ =	shalt  }
0x6a: {  	_ =	shalt  }
0x6b: {  	_ =	shalt  }
0x6c: {  	_ =	shalt  }
0x6d: {  	_ =	shalt  }
0x6e: {  	_ =	shalt  }
0x6f: {  	_ =	shalt  }
0x70: {  	_ =	shalt  }
0x71: {  	_ =	shalt  }
0x72: {  	_ =	shalt  }
0x73: {  	_ =	shalt  }
0x74: {  	_ =	shalt  }
0x75: {  	_ =	shalt  }
0x76: {  	_ =	shalt  }
0x77: {  	_ =	shalt  }
0x78: {  	_ =	shalt  }
0x79: {  	_ =	shalt  }
0x7a: {  	_ =	shalt  }
0x7b: {  	_ =	shalt  }
0x7c: {  	_ =	shalt  }
0x7d: {  	_ =	shalt  }
0x7e: {  	_ =	shalt  }
0x7f: {  	_ =	shalt  }
0x80: {  	_ =	shalt  }
0x81: {  	_ =	shalt  }
0x82: {  	_ =	shalt  }
0x83: {  	_ =	shalt  }
0x84: {  	_ =	shalt  }
0x85: {  	_ =	shalt  }
0x86: {  	_ =	shalt  }
0x87: {  	_ =	shalt  }
.Lfunc_end0:
.L_simem_size_0:
called_computation.1_lowered:
.L_overlay_start_0:
0x88: {  	s2 =	sld [smem:$0x3FD9]  }
0x89: {  	s3 =	sld [smem:$0x3FFE];
	_ =	sdelay $0x1  }
0x8a: {  	s1 =	srdreg.scid  }
0x8b: {  	s0 =	sand.u32 $0x1, s1  }
0x8c: {  	s17 =	sshll.u32 s0, $0xA;
	s2 =	sadd.s32 s3, s2  }
0x8d: {  	s2 =	sadd.s32 s2, s17  }
0x8e: {  	[smem:$0x3FB8] =	sst s2  }
0x8f: {  	_ = 	snop  }
0x90: {  	(tm) =	ssettm $0x1  }
0x91: {  	s18 =	sld [smem:$0x3FFB];
	_ =	sdelay $0x3  }
0x92: {  	_ =	strace s18  }
0x93: {  	s2 =	sld [smem:$0x3FFC];
	_ =	sdelay $0x3  }
0x94: {  	_ =	strace s2  }
0x95: {  	s2 =	sld [smem:$0x3FFD];
	_ =	sdelay $0x3  }
0x96: {  	_ =	strace s2  }
0x97: {  	_ =	strace $0x8FFFFFFF  }
0x98: {  	s19 =	sld [smem:$0x3FDB];
	_ =	sdelay $0x1  }
0x99: {  	s20 =	simm.s32 $_scs_section_size  }
0x9a: {  	s4 =	simm.s32 $_size__tile_overlayer_lowered;
	s5 =	simm.s32 $_tile_overlayer_lowered  }
0x9b: {  	s6 =	simm.s32 $0x1BFF;
	s21 =	sshll.u32 s5, $0x1;
	s3 =	sadd.s32 s20, s19  }
0x9c: {  	s22 =	simm.s32 $0x0;
	s4 =	sshll.u32 s4, $0x1;
	s5 =	sadd.s32 s21, s3  }
0x9d: {  	[timem:s22], [sflag:s6] =	dma.local [hbm:s5], s4  }
0x9e: {  	_ =	swait.ge [sflag:s6], s4  }
0x9f: {  	s4 =	ssub.s32 $0x0, s4;
	[sflag:s6] =	ssyncset.done $0x0  }
0xa0: {  	[sflag:s6] =	ssyncadd.s32 s4;
	_ =	sdelay $0x1  }
0xa1: {  	s23 =	simm.s32 $0x1B8B  }
0xa2: {  	_ =	swait.ge [sflag:s23], $0x1  }
0xa3: {  	[sflag:s23] =	ssyncset.done $0x0  }
0xa4: {  	[sflag:s23] =	ssyncadd.s32 $0xFFFFFFFF  }
0xa5: {  	s4 =	sld [smem:$0x0]  }
0xa6: {  	s5 =	sand.u32 $0xFFFFFFFE, s1  }
0xa7: {  	p0 =	sne.s32 s1, s5  }
0xa8: {  	s5 =	sshll.u32 @p0 s5, $0xE  }
0xa9: {  	s5 =	sadd.s32 @p0 $0x11B8D, s5;
	s6 =	sshll.u32 @p0 s4, $0x11  }
0xaa: {  	s5 =	sor.u32 @p0 s6, s5  }
0xab: {  	[sflag:s5] =	ssyncadd.remote.s32 @p0 $0x1;
	_ =	sdelay $0x1  }
0xac: {  	s5 =	simm.s32 @p0 $0x1B8D  }
0xad: {  	_ =	swait.eq @p0 [sflag:s5], $0x1  }
0xae: {  	[sflag:s5] =	ssyncadd.s32 @p0 $0xFFFFFFFF  }
0xaf: {  	s6 =	sshll.u32 @!p0 s1, $0xE  }
0xb0: {  	s6 =	sor.u32 @!p0 $0x4000, s6;
	s5 =	simm.s32 @!p0 $0x1B8D  }
0xb1: {  	s4 =	sshll.u32 @!p0 s4, $0x11;
	s6 =	sadd.s32 @!p0 $0x11B8D, s6;
	_ =	swait.eq @!p0 [sflag:s5], $0x1  }
0xb2: {  	s4 =	sor.u32 @!p0 s4, s6;
	[sflag:s5] =	ssyncadd.s32 @!p0 $0xFFFFFFFF  }
0xb3: {  	s25 =	simm.s32 $0x1B8E;
	s24 =	sld [smem:$0x3FFE];
	[sflag:s4] =	ssyncadd.remote.s32 @!p0 $0x1  }
0xb4: {  	s26 =	simm.s32 $execute0_lowered;
	[smem:$0x3FD2] =	sst s25  }
0xb5: {  	s5 =	sshll.u32 s26, $0x1;
	_ =	strace $0x80000049;
	[dreg:$0x1] =	wrdreg $0xFFFFFFFF  }
0xb6: {  	s28 =	simm.s32 $_size_execute0_lowered;
	s3 =	sadd.s32 s3, s5;
	[dreg:$0x0] =	wrdreg $0x0  }
0xb7: {  	s5 =	sshll.u32 s28, $0x1;
	[dreg:$0x2] =	wrdreg s3  }
0xb8: {  	[dreg:$0x3] =	wrdreg s5  }
0xb9: {  	[dreg:$0x4] =	wrdreg $0xC0  }
0xba: {  	_ =	task [dreg:s22], $0x5FFFF  }
0xbb: {  	[dreg:$0x1] =	wrdreg $0xFFFFFFFF  }
0xbc: {  	[dreg:$0x0] =	wrdreg $0x60  }
0xbd: {  	[dreg:$0x2] =	wrdreg s24  }
0xbe: {  	[dreg:$0x3] =	wrdreg $0xA  }
0xbf: {  	_ =	task.clear_ibuf [dreg:s22], $0x4FFFF;
	_ =	strace $0x90000049  }
0xc0: {  	s29 =	simm.s32 $0xA;
	_ =	strace $0x8000004B  }
0xc1: {  	_ =	swait.ge [sflag:s29], $0x1  }
0xc2: {  	[sflag:s29] =	ssyncadd.s32 $0xFFFFFFFF  }
0xc3: {  	_ =	strace $0x9000004B  }
0xc4: {  	_ =	sfence  }
0xc5: {  	s30 =	sld [smem:$0x0];
	_ =	sdelay $0x2  }
0xc6: {  	s31 =	sshll.u32 s1, $0xD;
	s1 =	sshrl.u32 s1, $0x2  }
0xc7: {  	s4 =	sand.u32 $0x4000, s31;
	s1 =	sadd.s32 s1, s30  }
0xc8: {  	s0 =	sor.u32 s4, s0;
	s1 =	sshll.u32 s1, $0x11  }
0xc9: {  	s0 =	sor.u32 s1, s0  }
0xca: {  	s0 =	sadd.s32 $0x8F2B, s0  }
0xcb: {  	[sflag:s0] =	ssyncadd.remote.s32 $0x1  }
0xcc: {  	_ =	sfence.sel $0xFFFF  }
0xcd: {  	[dreg:$0x0] =	wrdreg $0xFFFFFFFF;
	(pc) =	sbr.abs _section_cstart, $3  }
0xce: {  	[dreg:$0x1] =	wrdreg $0xFFFFFFFF  }
0xcf: {  	_ =	task.clear_ibuf [dreg:s22], $0x2FFFF;
	_ =	strace $0x9FFFFFFF  }
0xd0: {  	(tm) =	ssettm $0x7FFFFFFF  }
0xd1: {  	_ =	shalt  }
tec
execute0_lowered:
.L_overlay_start_1:
0x0: {  	(tag) =	ssettag $0x1  }
0x1: {  	s1 =	srdreg.scid;
	s0 =	stileid.u32  }
0x2: {  	s5 =	rddreg [dreg:$0x0];
	s2 =	simm.s32 $0x0;
	s11 =	simm.s32 $0x5  }
0x3: {  	s12 =	simm.s32 $0x2800;
	s13 =	simm.s32 $0x2;
	s14 =	simm.s32 $0x9000  }
0x4: {  	s15 =	simm.s32 $0x1;
	s16 =	simm.s32 $0x5000;
	s17 =	simm.s32 $0x3  }
0x5: {  	s18 =	simm.s32 $0x4;
	s6 =	sand.u32 $0x1, s1;
	s1 =	rddreg [dreg:$0x1]  }
0x6: {  	s19 =	simm.s32 $0x0;
	s8 =	sshll.u32 s0, $0x1;
	[smem:$0x7FF] =	sst s2  }
.Ltmp0:
0x7: {  	s4 =	sadd.s32 $0x31400, s5;
	s3 =	sor.u32 s6, s8;
	(pc) =	sbr.rel .LBB2_1-.Ltmp0, $4  }
0x8: {  	_ =	strace $0x8000004A;
	s6 =	ssub.s32 $0x2, s6;
	s7 =	smul.u32 $0x500, s3  }
0x9: {  	s8 =	ssub.s32 $0x9C4, s8;
	s9 =	sshrl.u32 s6, $0x1;
	s10 =	sshll.u32 s3, $0xB  }
0xa: {  	s9 =	ssub.s32 s6, s9;
	s7 =	sadd.s32 s7, s5;
	s5 =	sadd.s32 $0x7F600, s5  }
0xb: {  	s9 =	smax.u32 s9, $0x1;
	s6 =	sadd.s32 $0x4800, s7;
	s7 =	sadd.s32 $0x18600, s7  }
.LBB2_11:
0xc: {  	s19 =	sadd.s32 $0x1, s19  }
0xd: {  	_ =	swait.ge [sflag:s17], $0x4000;
	p0 =	sne.s32 s19, s9  }
.Ltmp1:
0xe: {  	[sflag:s17] =	ssyncset.done $0x0;
	(pc) =	sbr.rel @!p0 .LBB2_12-.Ltmp1, $4  }
0xf: {  	[sflag:s17] =	ssyncadd.s32 $0xFFFFC000  }
0x10: {  	_ =	swait.ge [sflag:s18], $0x4000  }
0x11: {  	[sflag:s18] =	ssyncset.done $0x0  }
0x12: {  	[sflag:s18] =	ssyncadd.s32 $0xFFFFC000  }
.LBB2_1:
0x13: {  	[tilespmem:s2], [sflag:$0x5] =	stream.linear.gather [hbm4b:s6+s2], $0x2780, $0x38;
	[tilespmem:$0x15000] =	vst v63  }
0x14: {  	_ =	swait.ge [sflag:s11], $0x2780  }
0x15: {  	[sflag:s11] =	ssyncset.done $0x0  }
.Ltmp2:
0x16: {  	[sflag:s11] =	ssyncadd.s32 $0xFFFFD880;
	(pc) =	sbr.rel .LBB2_2-.Ltmp2, $4  }
0x17: {  	[tilespmem:s12], [sflag:$0x5] =	stream.linear.gather [hbm4b:s7+s2], $0x2780, $0x38;
	[tilespmem:$0x15000] =	vst v63  }
0x18: {  	_ =	swait.ge [sflag:s11], $0x2780  }
0x19: {  	[sflag:s11] =	ssyncset.done $0x0  }
0x1a: {  	s20 =	simm.s32 $0x0;
	[sflag:s11] =	ssyncadd.s32 $0xFFFFD880  }
.LBB2_10:
0x1b: {  	s20 =	sadd.s32 $0x1, s20  }
0x1c: {  	p0 =	sne.s32 s20, $0x28  }
.Ltmp3:
0x1d: {  	_ = 	snop;
	(pc) =	sbr.rel @!p0 .LBB2_11-.Ltmp3, $1  }
0x1e: {  	_ =	sdelay $0x3  }
.LBB2_2:
0x1f: {  	s21 =	sshll.u32 s20, $0x6  }
0x20: {  	s21 =	sor.u32 s3, s21  }
0x21: {  	p0 =	sgt.u32 s21, $0x9C3  }
0x22: {  	p1 =	seq.s32 @!p0 s20, $0x0  }
0x23: {  	p1 =	por p1, p0  }
0x24: {  	s22 =	simm.s32 @!p1 $0x3  }
0x25: {  	_ =	swait.ge @!p1 [sflag:s22], $0x4000  }
0x26: {  	s23 =	sshll.u32 @!p0 s20, $0x8;
	[sflag:s22] =	ssyncset.done @!p1 $0x0  }
0x27: {  	s24 =	simm.s32 @!p0 $0x80;
	[sflag:s22] =	ssyncadd.s32 @!p1 $0xFFFFC000;
	s22 =	simm.s32 @!p0 $0x5000  }
0x28: {  	[tilespmem:s22], [sflag:$0x1] =	stream.indirect.gather @!p0 [hbm4b:s4+s24], $0x80, s23, s24, $0xb8;
	[tilespmem:$0x15000] =	vst v63  }
0x29: {  	s25 =	simm.s32 @!p0 $0xD000;
	s22 =	sshll.u32 s20, $0x1;
	s23 =	sadd.s32 @!p0 $0x2800, s23  }
0x2a: {  	[tilespmem:s25], [sflag:$0x1] =	stream.indirect.gather @!p0 [hbm4b:s4+s24], $0x80, s23, s24, $0xb8;
	[tilespmem:$0x15000] =	vst v63  }
0x2b: {  	s23 =	sadd.s32 $0xFFFFFFFF, s22  }
0x2c: {  	p1 =	sgt.u32 s23, $0x4E  }
.Ltmp4:
0x2d: {  	_ = 	snop;
	(pc) =	sbr.rel @p1 .LBB2_6-.Ltmp4, $1  }
0x2e: {  	_ =	sdelay $0x3  }
0x2f: {  	_ =	swait.ge [sflag:s13], $0x4000  }
0x30: {  	[sflag:s13] =	ssyncset.done $0x0  }
0x31: {  	[sflag:s13] =	ssyncadd.s32 $0xFFFFC000  }
0x32: {  	_ =	swait.ge [sflag:s13], $0x4000  }
0x33: {  	[sflag:s13] =	ssyncset.done $0x0  }
0x34: {  	s24 =	simm.s32 $0x0;
	[sflag:s13] =	ssyncadd.s32 $0xFFFFC000  }
0x35: {  	v7 =	vld [tilespmem:s24+$0x11000]  }
0x36: {  	v11 =	vld [tilespmem:s24+$0x11010]  }
0x37: {  	v5 =	vld [tilespmem:s24+$0x11020]  }
0x38: {  	v4 =	vld [tilespmem:s24+$0x11030]  }
0x39: {  	v3 =	vld [tilespmem:s24+$0x11040]  }
0x3a: {  	v2 =	vld [tilespmem:s24+$0x11050]  }
0x3b: {  	v1 =	vld [tilespmem:s24+$0x11060]  }
0x3c: {  	v0 =	vld [tilespmem:s24+$0x11070]  }
0x3d: {  	v12 =	vld [tilespmem:s24+$0x9000]  }
0x3e: {  	v13 =	vld [tilespmem:s24+$0x9010]  }
0x3f: {  	v10 =	vld [tilespmem:s24+$0x9020]  }
0x40: {  	v9 =	vld [tilespmem:s24+$0x9030]  }
0x41: {  	v8 =	vld [tilespmem:s24+$0x9040]  }
0x42: {  	v6 =	vld [tilespmem:s24+$0x9050];
	v12 =	vadd.f32 v7, v12  }
0x43: {  	s25 =	simm.s32 $0x200;
	v11 =	vadd.f32 v11, v13;
	v7 =	vld [tilespmem:s24+$0x9060]  }
.LBB2_4:
0x44: {  	s26 =	sshra.s32 s25, $0x2;
	p1 =	sne.s32 s25, $0xFE00;
	[tilespmem:s24+$0x9000] =	vst v12;
	v5 =	vadd.f32 v5, v10;
	v10 =	vld [tilespmem:s24+$0x9070]  }
0x45: {  	v12 =	vld [tilespmem:s26+$0x11000];
	[tilespmem:s24+$0x9010] =	vst v11;
	v4 =	vadd.f32 v4, v9  }
0x46: {  	v11 =	vld [tilespmem:s26+$0x11010];
	[tilespmem:s24+$0x9020] =	vst v5;
	v3 =	vadd.f32 v3, v8  }
0x47: {  	v5 =	vld [tilespmem:s26+$0x11020];
	[tilespmem:s24+$0x9030] =	vst v4;
	v2 =	vadd.f32 v2, v6  }
0x48: {  	v4 =	vld [tilespmem:s26+$0x11030];
	[tilespmem:s24+$0x9040] =	vst v3;
	v1 =	vadd.f32 v1, v7  }
0x49: {  	v3 =	vld [tilespmem:s26+$0x11040];
	[tilespmem:s24+$0x9050] =	vst v2;
	v0 =	vadd.f32 v0, v10  }
0x4a: {  	v2 =	vld [tilespmem:s26+$0x11050];
	[tilespmem:s24+$0x9060] =	vst v1  }
0x4b: {  	v1 =	vld [tilespmem:s26+$0x11060];
	[tilespmem:s24+$0x9070] =	vst v0;
	s24 =	smov.u32 s26  }
0x4c: {  	v0 =	vld [tilespmem:s24+$0x11070]  }
0x4d: {  	v6 =	vld [tilespmem:s24+$0x9000]  }
0x4e: {  	v7 =	vld [tilespmem:s24+$0x9010]  }
.Ltmp5:
0x4f: {  	v10 =	vld [tilespmem:s24+$0x9020];
	(pc) =	sbr.rel @p1 .LBB2_4-.Ltmp5, $4  }
0x50: {  	v9 =	vld [tilespmem:s24+$0x9030]  }
0x51: {  	v8 =	vld [tilespmem:s24+$0x9040]  }
0x52: {  	v12 =	vadd.f32 v12, v6;
	v6 =	vld [tilespmem:s24+$0x9050]  }
0x53: {  	s25 =	sadd.s32 $0x200, s25;
	v11 =	vadd.f32 v11, v7;
	v7 =	vld [tilespmem:s24+$0x9060]  }
0x54: {  	[tilespmem:s24+$0x9000] =	vst v12;
	v5 =	vadd.f32 v5, v10;
	v63 =	vld [tilespmem:s24+$0x9070]  }
0x55: {  	[tilespmem:s24+$0x9010] =	vst v11;
	v4 =	vadd.f32 v4, v9  }
0x56: {  	[tilespmem:s24+$0x9020] =	vst v5;
	v3 =	vadd.f32 v3, v8  }
0x57: {  	[tilespmem:s24+$0x9030] =	vst v4;
	v2 =	vadd.f32 v2, v6  }
0x58: {  	[tilespmem:s24+$0x9040] =	vst v3;
	v1 =	vadd.f32 v1, v7  }
0x59: {  	s23 =	sshll.u32 s23, $0x10;
	[tilespmem:s24+$0x9050] =	vst v2;
	v0 =	vadd.f32 v0, v63  }
0x5a: {  	s23 =	sor.u32 s10, s23;
	[tilespmem:s24+$0x9060] =	vst v1  }
0x5b: {  	s23 =	sadd.s32 s5, s23;
	[tilespmem:s24+$0x9070] =	vst v0  }
0x5c: {  	[hbm4b:s23+s2] =	stream.linear.scatter [tilespmem:s14], [sflag:$0x4], $0x4000, $0x38;
	[tilespmem:$0x15000] =	vst v63  }
.LBB2_6:
0x5d: {  	s22 =	sor.u32 $0x1, s22  }
0x5e: {  	s23 =	sshll.u32 s22, $0x5  }
0x5f: {  	p1 =	sge.u32 s23, s8  }
0x60: {  	p2 =	seq.s32 @!p1 s20, $0x0  }
0x61: {  	p2 =	por p2, p1  }
0x62: {  	s23 =	simm.s32 @!p2 $0x4  }
0x63: {  	_ =	swait.ge @!p2 [sflag:s23], $0x4000  }
.Ltmp6:
0x64: {  	s22 =	sshll.u32 @!p1 s22, $0x7;
	[sflag:s23] =	ssyncset.done @!p2 $0x0;
	(pc) =	sbr.rel @p0 .LBB2_10-.Ltmp6, $4  }
0x65: {  	s24 =	simm.s32 @!p1 $0x9000;
	[sflag:s23] =	ssyncadd.s32 @!p2 $0xFFFFC000;
	s23 =	simm.s32 @!p1 $0x80  }
0x66: {  	[tilespmem:s24], [sflag:$0x2] =	stream.indirect.gather @!p1 [hbm4b:s4+s23], $0x80, s22, s23, $0xb8;
	[tilespmem:$0x15000] =	vst v63  }
0x67: {  	s22 =	sadd.s32 @!p1 $0x2800, s22;
	s24 =	simm.s32 @!p1 $0x11000  }
0x68: {  	[tilespmem:s24], [sflag:$0x2] =	stream.indirect.gather @!p1 [hbm4b:s4+s23], $0x80, s22, s23, $0xb8;
	[tilespmem:$0x15000] =	vst v63  }
0x69: {  	_ =	swait.ge [sflag:s15], $0x4000  }
0x6a: {  	[sflag:s15] =	ssyncset.done $0x0  }
0x6b: {  	[sflag:s15] =	ssyncadd.s32 $0xFFFFC000  }
0x6c: {  	_ =	swait.ge [sflag:s15], $0x4000  }
0x6d: {  	[sflag:s15] =	ssyncset.done $0x0  }
0x6e: {  	s22 =	simm.s32 $0x0;
	[sflag:s15] =	ssyncadd.s32 $0xFFFFC000  }
0x6f: {  	v7 =	vld [tilespmem:s22+$0xD000]  }
0x70: {  	v11 =	vld [tilespmem:s22+$0xD010]  }
0x71: {  	v5 =	vld [tilespmem:s22+$0xD020]  }
0x72: {  	v4 =	vld [tilespmem:s22+$0xD030]  }
0x73: {  	v3 =	vld [tilespmem:s22+$0xD040]  }
0x74: {  	v2 =	vld [tilespmem:s22+$0xD050]  }
0x75: {  	v1 =	vld [tilespmem:s22+$0xD060]  }
0x76: {  	v0 =	vld [tilespmem:s22+$0xD070]  }
0x77: {  	v12 =	vld [tilespmem:s22+$0x5000]  }
0x78: {  	v13 =	vld [tilespmem:s22+$0x5010]  }
0x79: {  	v10 =	vld [tilespmem:s22+$0x5020]  }
0x7a: {  	v9 =	vld [tilespmem:s22+$0x5030]  }
0x7b: {  	v8 =	vld [tilespmem:s22+$0x5040]  }
0x7c: {  	v6 =	vld [tilespmem:s22+$0x5050];
	v12 =	vadd.f32 v7, v12  }
0x7d: {  	s23 =	simm.s32 $0x200;
	v11 =	vadd.f32 v11, v13;
	v7 =	vld [tilespmem:s22+$0x5060]  }
.LBB2_8:
0x7e: {  	s24 =	sshra.s32 s23, $0x2;
	p0 =	sne.s32 s23, $0xFE00;
	[tilespmem:s22+$0x5000] =	vst v12;
	v5 =	vadd.f32 v5, v10;
	v10 =	vld [tilespmem:s22+$0x5070]  }
0x7f: {  	v12 =	vld [tilespmem:s24+$0xD000];
	[tilespmem:s22+$0x5010] =	vst v11;
	v4 =	vadd.f32 v4, v9  }
0x80: {  	v11 =	vld [tilespmem:s24+$0xD010];
	[tilespmem:s22+$0x5020] =	vst v5;
	v3 =	vadd.f32 v3, v8  }
0x81: {  	v5 =	vld [tilespmem:s24+$0xD020];
	[tilespmem:s22+$0x5030] =	vst v4;
	v2 =	vadd.f32 v2, v6  }
0x82: {  	v4 =	vld [tilespmem:s24+$0xD030];
	[tilespmem:s22+$0x5040] =	vst v3;
	v1 =	vadd.f32 v1, v7  }
0x83: {  	v3 =	vld [tilespmem:s24+$0xD040];
	[tilespmem:s22+$0x5050] =	vst v2;
	v0 =	vadd.f32 v0, v10  }
0x84: {  	v2 =	vld [tilespmem:s24+$0xD050];
	[tilespmem:s22+$0x5060] =	vst v1  }
0x85: {  	v1 =	vld [tilespmem:s24+$0xD060];
	[tilespmem:s22+$0x5070] =	vst v0;
	s22 =	smov.u32 s24  }
0x86: {  	v0 =	vld [tilespmem:s22+$0xD070]  }
0x87: {  	v6 =	vld [tilespmem:s22+$0x5000]  }
0x88: {  	v7 =	vld [tilespmem:s22+$0x5010]  }
.Ltmp7:
0x89: {  	v10 =	vld [tilespmem:s22+$0x5020];
	(pc) =	sbr.rel @p0 .LBB2_8-.Ltmp7, $4  }
0x8a: {  	v9 =	vld [tilespmem:s22+$0x5030]  }
0x8b: {  	v8 =	vld [tilespmem:s22+$0x5040]  }
0x8c: {  	v12 =	vadd.f32 v12, v6;
	v6 =	vld [tilespmem:s22+$0x5050]  }
0x8d: {  	s23 =	sadd.s32 $0x200, s23;
	v11 =	vadd.f32 v11, v7;
	v7 =	vld [tilespmem:s22+$0x5060]  }
0x8e: {  	[tilespmem:s22+$0x5000] =	vst v12;
	v5 =	vadd.f32 v5, v10;
	v63 =	vld [tilespmem:s22+$0x5070]  }
0x8f: {  	[tilespmem:s22+$0x5010] =	vst v11;
	v4 =	vadd.f32 v4, v9  }
0x90: {  	[tilespmem:s22+$0x5020] =	vst v5;
	v3 =	vadd.f32 v3, v8  }
0x91: {  	[tilespmem:s22+$0x5030] =	vst v4;
	v2 =	vadd.f32 v2, v6  }
.Ltmp8:
0x92: {  	[tilespmem:s22+$0x5040] =	vst v3;
	v1 =	vadd.f32 v1, v7;
	(pc) =	sbr.rel .LBB2_10-.Ltmp8, $4  }
0x93: {  	[tilespmem:s22+$0x5050] =	vst v2;
	v0 =	vadd.f32 v0, v63  }
0x94: {  	s21 =	sshll.u32 s21, $0xB;
	[tilespmem:s22+$0x5060] =	vst v1  }
0x95: {  	s21 =	sadd.s32 s5, s21;
	[tilespmem:s22+$0x5070] =	vst v0  }
0x96: {  	[hbm4b:s21+s2] =	stream.linear.scatter [tilespmem:s16], [sflag:$0x3], $0x4000, $0x38;
	[tilespmem:$0x15000] =	vst v63  }
.LBB2_12:
0x97: {  	_ =	sfence.sel $0x180000  }
0x98: {  	[bflag:$0x0] =	sbarrier.arrive $0xFFFF  }
0x99: {  	p0 =	sne.s32 s0, $0x0;
	_ =	strace $0x9000004A  }
0x9a: {  	s0 =	sadd.s32 @!p0 $0x100000, s1;
	[bflag:$0x2] =	sbarrier.arrive $0xFFFF  }
0x9b: {  	[sflag:s0] =	ssyncadd.tile.s32 @!p0 $0x1;
	_ =	shalt  }
.Lfunc_end2:
_tile_overlayer_lowered:
.L_overlay_start_2:
0x9c: {  	(tag) =	ssettag $0x2  }
0x9d: {  	s0 =	rddreg [dreg:$0x0];
	s2 =	stileid.u32  }
0x9e: {  	s1 =	rddreg [dreg:$0x1];
	p0 =	sne.s32 s2, $0x0  }
0x9f: {  	s3 =	rddreg [dreg:$0x2];
	[bflag:$0x3] =	sbarrier.arrive $0xFFFF;
	s2 =	simm.s32 @!p0 $0x1C05  }
0xa0: {  	[timem:s3], [sflag:s2] =	dma.local @!p0 [hbm:s0], s1  }
0xa1: {  	s0 =	simm.s32 @!p0 $0x5  }
0xa2: {  	_ =	swait.ge @!p0 [sflag:s0], s1  }
0xa3: {  	s1 =	ssub.s32 @!p0 $0x0, s1;
	[sflag:s0] =	ssyncset.done @!p0 $0x0  }
0xa4: {  	[sflag:s0] =	ssyncadd.s32 @!p0 s1  }
0xa5: {  	[bflag:$0x3] =	sbarrier.arrive $0xFFFF  }
0xa6: {  	_ =	shalt  }

// kernel: kernel.16.cloned.1.call-start
scs
__scs_entry_jumppad:
0x0: {  	(pc) =	sbr.rel $0x88, $3  }
0x1: {  	(tag) =	ssettag $0x0;
	lr =	simm.s32 $0x1  }
0x2: {  	[smem:$0x3F91] =	sst lr;
	_ =	strace $0xD0000000  }
0x3: {  	_ = 	snop  }
0x4: {  	_ = 	snop  }
0x5: {  	_ = 	snop  }
0x6: {  	_ = 	snop  }
0x7: {  	_ = 	snop  }
__scs_overlays_trampoline_lowered:
0x8: {  	[smem:$0x3FA0] =	sst s0  }
0x9: {  	[smem:$0x3FA1] =	sst s1  }
0xa: {  	[smem:$0x3FA2] =	sst s2  }
0xb: {  	[smem:$0x3FA3] =	sst s3  }
0xc: {  	[smem:$0x3FA4] =	sst s4  }
0xd: {  	[smem:$0x3FA5] =	sst s5  }
0xe: {  	[smem:$0x3FA6] =	sst s6  }
0xf: {  	[smem:$0x3FA7] =	sst s7  }
0x10: {  	[smem:$0x3FA8] =	sst s8  }
0x11: {  	[smem:$0x3FA9] =	sst s9;
	s0 =	simm.s32 @!p0 $0x0  }
0x12: {  	s1 =	sld [smem:$0x3F8F];
	s0 =	simm.s32 @p0 $0x1  }
0x13: {  	[smem:$0x3FAA] =	sst s0;
	s0 =	simm.s32 @!p1 $0x0  }
0x14: {  	s2 =	sld [smem:$0x3F8E];
	s0 =	simm.s32 @p1 $0x1  }
0x15: {  	[smem:$0x3FAB] =	sst s0;
	s0 =	simm.s32 @!p2 $0x0  }
0x16: {  	s3 =	sld [smem:$0x3FDB];
	s0 =	simm.s32 @p2 $0x1  }
0x17: {  	s4 =	simm.s32 $0x1BF5;
	[smem:$0x3FAD] =	sst s0  }
0x18: {  	s0 =	sld [smem:$0x3F90];
	_ =	swait.ge [sflag:s4], $0x0  }
0x19: {  	s7 =	sld [smem:$0x3F91]  }
0x1a: {  	s8 =	sadd.s32 $0xFFFFE003, lr  }
0x1b: {  	s9 =	sadd.s32 $0xFFFFFEF7, lr;
	s5 =	simm.s32 $0xFFFFFFFF;
	p2 =	slt.u32 s8, $0xFFFFF086  }
0x1c: {  	p1 =	slt.u32 s9, $0xF7A;
	s5 =	simm.s32 @!p2 $0x0  }
0x1d: {  	s5 =	simm.s32 @p1 $0x1;
	p0 =	seq.s32 s7, s2  }
0x1e: {  	s7 =	smul.u32 @!p0 $0xF7A, s2;
	p2 =	seq.s32 @!p0 s5, $0x0  }
0x1f: {  	s9 =	smul.u32 $0xF7A, s1;
	s8 =	simm.s32 @!p0 $0x1BF5;
	p2 =	por !p2, p0  }
0x20: {  	[sflag:s8] =	ssyncset.s32 @!p0 $0xFFFFF086;
	s6 =	sadd.s32 @!p0 s3, s7;
	s7 =	simm.s32 @!p0 $0x108  }
0x21: {  	s3 =	sadd.s32 s3, s9;
	s6 =	sadd.s32 @!p0 $0x88, s6;
	s7 =	simm.s32 @p2 $0x1082  }
0x22: {  	[simem:s7], [sflag:s8] =	dma.local @!p0 [hbm:s6], $0xF7A  }
0x23: {  	s9 =	sor.u32 $0xD0000000, s2;
	s6 =	simm.s32 $0x108;
	_ =	swait.ge @!p0 [sflag:s8], $0x0  }
0x24: {  	s3 =	sadd.s32 $0x88, s3;
	s6 =	simm.s32 @!p1 $0x1082;
	[sflag:s4] =	ssyncset.s32 $0xFFFFF086  }
0x25: {  	[simem:s6], [sflag:s4] =	dma.local [hbm:s3], $0xF7A  }
0x26: {  	[smem:$0x3F91] =	sst s1;
	(tag) =	ssettag s2;
	_ =	strace s9  }
0x27: {  	s1 =	sld [smem:$0x3FA1]  }
0x28: {  	s2 =	sld [smem:$0x3FA2]  }
0x29: {  	s4 =	sld [smem:$0x3FA4]  }
0x2a: {  	p0 =	seq.s32 s5, $0x0;
	s5 =	sld [smem:$0x3FA5]  }
0x2b: {  	s6 =	sld [smem:$0x3FA6]  }
0x2c: {  	s7 =	sld [smem:$0x3FA7]  }
0x2d: {  	s3 =	simm.s32 $0x108;
	s8 =	sld [smem:$0x3FA8]  }
0x2e: {  	s3 =	simm.s32 @!p0 $0x1082;
	s9 =	sld [smem:$0x3FA9]  }
0x2f: {  	lr =	sadd.s32 s0, s3;
	s0 =	sld [smem:$0x3FA0]  }
0x30: {  	s3 =	sld [smem:$0x3FA3]  }
0x31: {  	[smem:$0x3FAC] =	sst s10  }
0x32: {  	s10 =	sld [smem:$0x3FAA];
	_ =	sdelay $0x3  }
0x33: {  	p0 =	seq.s32 s10, $0x1;
	s10 =	sld [smem:$0x3FAC];
	_ =	sdelay $0x3  }
0x34: {  	[smem:$0x3FAC] =	sst s10  }
0x35: {  	s10 =	sld [smem:$0x3FAB];
	_ =	sdelay $0x3  }
0x36: {  	p1 =	seq.s32 s10, $0x1;
	s10 =	sld [smem:$0x3FAC];
	_ =	sdelay $0x3  }
0x37: {  	[smem:$0x3FAC] =	sst s10  }
0x38: {  	s10 =	sld [smem:$0x3FAD]  }
0x39: {  	_ = 	snop;
	(pc) =	sbr.ind lr, $3  }
0x3a: {  	_ = 	snop  }
0x3b: {  	_ = 	snop  }
0x3c: {  	p2 =	seq.s32 s10, $0x1;
	s10 =	sld [smem:$0x3FAC]  }
0x3d: {  	_ =	shalt  }
0x3e: {  	_ =	shalt  }
0x3f: {  	_ =	shalt  }
0x40: {  	_ =	shalt  }
0x41: {  	_ =	shalt  }
0x42: {  	_ =	shalt  }
0x43: {  	_ =	shalt  }
0x44: {  	_ =	shalt  }
0x45: {  	_ =	shalt  }
0x46: {  	_ =	shalt  }
0x47: {  	_ =	shalt  }
0x48: {  	_ =	shalt  }
0x49: {  	_ =	shalt  }
0x4a: {  	_ =	shalt  }
0x4b: {  	_ =	shalt  }
0x4c: {  	_ =	shalt  }
0x4d: {  	_ =	shalt  }
0x4e: {  	_ =	shalt  }
0x4f: {  	_ =	shalt  }
0x50: {  	_ =	shalt  }
0x51: {  	_ =	shalt  }
0x52: {  	_ =	shalt  }
0x53: {  	_ =	shalt  }
0x54: {  	_ =	shalt  }
0x55: {  	_ =	shalt  }
0x56: {  	_ =	shalt  }
0x57: {  	_ =	shalt  }
0x58: {  	_ =	shalt  }
0x59: {  	_ =	shalt  }
0x5a: {  	_ =	shalt  }
0x5b: {  	_ =	shalt  }
0x5c: {  	_ =	shalt  }
0x5d: {  	_ =	shalt  }
0x5e: {  	_ =	shalt  }
0x5f: {  	_ =	shalt  }
0x60: {  	_ =	shalt  }
0x61: {  	_ =	shalt  }
0x62: {  	_ =	shalt  }
0x63: {  	_ =	shalt  }
0x64: {  	_ =	shalt  }
0x65: {  	_ =	shalt  }
0x66: {  	_ =	shalt  }
0x67: {  	_ =	shalt  }
0x68: {  	_ =	shalt  }
0x69: {  	_ =	shalt  }
0x6a: {  	_ =	shalt  }
0x6b: {  	_ =	shalt  }
0x6c: {  	_ =	shalt  }
0x6d: {  	_ =	shalt  }
0x6e: {  	_ =	shalt  }
0x6f: {  	_ =	shalt  }
0x70: {  	_ =	shalt  }
0x71: {  	_ =	shalt  }
0x72: {  	_ =	shalt  }
0x73: {  	_ =	shalt  }
0x74: {  	_ =	shalt  }
0x75: {  	_ =	shalt  }
0x76: {  	_ =	shalt  }
0x77: {  	_ =	shalt  }
0x78: {  	_ =	shalt  }
0x79: {  	_ =	shalt  }
0x7a: {  	_ =	shalt  }
0x7b: {  	_ =	shalt  }
0x7c: {  	_ =	shalt  }
0x7d: {  	_ =	shalt  }
0x7e: {  	_ =	shalt  }
0x7f: {  	_ =	shalt  }
0x80: {  	_ =	shalt  }
0x81: {  	_ =	shalt  }
0x82: {  	_ =	shalt  }
0x83: {  	_ =	shalt  }
0x84: {  	_ =	shalt  }
0x85: {  	_ =	shalt  }
0x86: {  	_ =	shalt  }
0x87: {  	_ =	shalt  }
.Lfunc_end0:
.L_simem_size_0:
called_computation.2_lowered:
.L_overlay_start_0:
0x88: {  	s2 =	sld [smem:$0x3FD9]  }
0x89: {  	s3 =	sld [smem:$0x3FFE];
	_ =	sdelay $0x1  }
0x8a: {  	s1 =	srdreg.scid  }
0x8b: {  	s0 =	sand.u32 $0x1, s1  }
0x8c: {  	s15 =	sshll.u32 s0, $0xA;
	s2 =	sadd.s32 s3, s2  }
0x8d: {  	s2 =	sadd.s32 s2, s15  }
0x8e: {  	[smem:$0x3FB8] =	sst s2  }
0x8f: {  	_ = 	snop  }
0x90: {  	s2 =	sld [smem:$0x3FD0];
	_ =	sdelay $0x2  }
0x91: {  	s16 =	simm.s32 $0xB;
	s4 =	simm.s32 $0x10  }
0x92: {  	[smem:s4], [sflag:s16] =	dma.local [hbm:s2], $0x1  }
0x93: {  	_ =	swait.eq [sflag:s16], $0x1  }
0x94: {  	[sflag:s16] =	ssyncset.done $0x0  }
0x95: {  	[sflag:s16] =	ssyncadd.s32 $0xFFFFFFFF  }
0x96: {  	s17 =	sld [smem:$0x12];
	(tm) =	ssettm $0x1  }
0x97: {  	s18 =	sld [smem:$0x3FFB];
	_ =	sdelay $0x3  }
0x98: {  	_ =	strace s18  }
0x99: {  	s2 =	sld [smem:$0x3FFC];
	_ =	sdelay $0x3  }
0x9a: {  	_ =	strace s2  }
0x9b: {  	s2 =	sld [smem:$0x3FFD];
	_ =	sdelay $0x3  }
0x9c: {  	_ =	strace s2  }
0x9d: {  	_ =	strace $0x8FFFFFFF  }
0x9e: {  	s19 =	sld [smem:$0x3FDB];
	_ =	sdelay $0x1  }
0x9f: {  	s20 =	simm.s32 $_scs_section_size  }
0xa0: {  	s5 =	simm.s32 $_size__tile_overlayer_lowered;
	s6 =	simm.s32 $_tile_overlayer_lowered  }
0xa1: {  	s7 =	simm.s32 $0x1BFF;
	s21 =	sshll.u32 s6, $0x1;
	s4 =	sadd.s32 s20, s19  }
0xa2: {  	s22 =	simm.s32 $0x0;
	s5 =	sshll.u32 s5, $0x1;
	s6 =	sadd.s32 s21, s4  }
0xa3: {  	[timem:s22], [sflag:s7] =	dma.local [hbm:s6], s5  }
0xa4: {  	_ =	swait.ge [sflag:s7], s5  }
0xa5: {  	s5 =	ssub.s32 $0x0, s5;
	[sflag:s7] =	ssyncset.done $0x0  }
0xa6: {  	[sflag:s7] =	ssyncadd.s32 s5;
	_ =	sdelay $0x1  }
0xa7: {  	s23 =	simm.s32 $0x1B8B  }
0xa8: {  	_ =	swait.ge [sflag:s23], $0x1  }
0xa9: {  	[sflag:s23] =	ssyncset.done $0x0  }
0xaa: {  	[sflag:s23] =	ssyncadd.s32 $0xFFFFFFFF  }
0xab: {  	s5 =	sld [smem:$0x0]  }
0xac: {  	s6 =	sand.u32 $0xFFFFFFFE, s1  }
0xad: {  	p0 =	sne.s32 s1, s6  }
0xae: {  	s6 =	sshll.u32 @p0 s6, $0xE  }
0xaf: {  	s6 =	sadd.s32 @p0 $0x11B8D, s6;
	s7 =	sshll.u32 @p0 s5, $0x11  }
0xb0: {  	s6 =	sor.u32 @p0 s7, s6  }
0xb1: {  	[sflag:s6] =	ssyncadd.remote.s32 @p0 $0x1;
	_ =	sdelay $0x1  }
0xb2: {  	s6 =	simm.s32 @p0 $0x1B8D  }
0xb3: {  	_ =	swait.eq @p0 [sflag:s6], $0x1  }
0xb4: {  	[sflag:s6] =	ssyncadd.s32 @p0 $0xFFFFFFFF  }
0xb5: {  	s7 =	sshll.u32 @!p0 s1, $0xE  }
0xb6: {  	s7 =	sor.u32 @!p0 $0x4000, s7;
	s6 =	simm.s32 @!p0 $0x1B8D  }
0xb7: {  	s5 =	sshll.u32 @!p0 s5, $0x11;
	s7 =	sadd.s32 @!p0 $0x11B8D, s7;
	_ =	swait.eq @!p0 [sflag:s6], $0x1  }
0xb8: {  	s5 =	sor.u32 @!p0 s5, s7;
	[sflag:s6] =	ssyncadd.s32 @!p0 $0xFFFFFFFF  }
0xb9: {  	s25 =	simm.s32 $0x1B8E;
	s24 =	sld [smem:$0x3FFE];
	[sflag:s5] =	ssyncadd.remote.s32 @!p0 $0x1  }
0xba: {  	s26 =	simm.s32 $execute0_lowered;
	[smem:$0x3FD2] =	sst s25  }
0xbb: {  	s6 =	sshll.u32 s26, $0x1;
	_ =	strace $0x8000004F;
	[dreg:$0x1] =	wrdreg $0xFFFFFFFF  }
0xbc: {  	s28 =	simm.s32 $_size_execute0_lowered;
	s4 =	sadd.s32 s4, s6;
	[dreg:$0x0] =	wrdreg $0x0  }
0xbd: {  	s6 =	sshll.u32 s28, $0x1;
	[dreg:$0x2] =	wrdreg s4  }
0xbe: {  	[dreg:$0x3] =	wrdreg s6  }
0xbf: {  	[dreg:$0x4] =	wrdreg $0xC0  }
0xc0: {  	_ =	task [dreg:s22], $0x5FFFF  }
0xc1: {  	[dreg:$0x1] =	wrdreg $0xFFFFFFFF  }
0xc2: {  	[dreg:$0x0] =	wrdreg $0x60  }
0xc3: {  	[dreg:$0x2] =	wrdreg s17  }
0xc4: {  	[dreg:$0x3] =	wrdreg s24  }
0xc5: {  	[dreg:$0x4] =	wrdreg $0xA8000  }
0xc6: {  	[dreg:$0x5] =	wrdreg $0x9  }
0xc7: {  	_ =	task.clear_ibuf [dreg:s22], $0x6FFFF;
	_ =	strace $0x9000004F  }
0xc8: {  	s29 =	simm.s32 $0x9;
	_ =	strace $0x80000051  }
0xc9: {  	_ =	swait.ge [sflag:s29], $0x1  }
0xca: {  	[sflag:s29] =	ssyncadd.s32 $0xFFFFFFFF  }
0xcb: {  	_ =	strace $0x90000051  }
0xcc: {  	_ =	sfence  }
0xcd: {  	s30 =	sld [smem:$0x0];
	_ =	sdelay $0x2  }
0xce: {  	s31 =	sshll.u32 s1, $0xD;
	s1 =	sshrl.u32 s1, $0x2  }
0xcf: {  	s4 =	sand.u32 $0x4000, s31;
	s1 =	sadd.s32 s1, s30  }
0xd0: {  	s0 =	sor.u32 s4, s0;
	s1 =	sshll.u32 s1, $0x11  }
0xd1: {  	s0 =	sor.u32 s1, s0  }
0xd2: {  	s0 =	sadd.s32 $0x8F2B, s0  }
0xd3: {  	[sflag:s0] =	ssyncadd.remote.s32 $0x1  }
0xd4: {  	_ =	sfence.sel $0xFFFF  }
0xd5: {  	[dreg:$0x0] =	wrdreg $0xFFFFFFFF;
	(pc) =	sbr.abs _section_cstart, $3  }
0xd6: {  	[dreg:$0x1] =	wrdreg $0xFFFFFFFF  }
0xd7: {  	_ =	task.clear_ibuf [dreg:s22], $0x2FFFF;
	_ =	strace $0x9FFFFFFF  }
0xd8: {  	(tm) =	ssettm $0x7FFFFFFF  }
0xd9: {  	_ =	shalt  }
tec
execute0_lowered:
.L_overlay_start_1:
0x0: {  	(tag) =	ssettag $0x1  }
0x1: {  	s29 =	stileid.u32  }
0x2: {  	s0 =	srdreg.scid;
	s9 =	smul.u32 $0x2800, s29  }
0x3: {  	s23 =	sand.u32 $0x1, s0;
	s24 =	smul.u32 $0xA000, s29  }
0x4: {  	s8 =	sor.u32 $0x10, s29;
	s7 =	smul.u32 $0x138800, s23  }
0x5: {  	s12 =	sor.u32 $0x20, s29;
	s10 =	smul.u32 $0x2800, s8  }
0x6: {  	s13 =	sor.u32 $0x30, s29;
	s11 =	smul.u32 $0x2800, s12  }
0x7: {  	s4 =	rddreg [dreg:$0x0];
	s14 =	sor.u32 $0x40, s29;
	s15 =	smul.u32 $0x2800, s13  }
0x8: {  	s2 =	rddreg [dreg:$0x2];
	s17 =	sor.u32 $0x50, s29;
	s18 =	smul.u32 $0x2800, s14  }
0x9: {  	s3 =	simm.s32 $0x0;
	s20 =	sor.u32 $0x70, s29;
	s19 =	smul.u32 $0x2800, s17  }
0xa: {  	s30 =	simm.s32 $0x0;
	s6 =	sshll.u32 s29, $0x1;
	s22 =	smul.u32 $0x2800, s20  }
0xb: {  	[smem:$0x7FF] =	sst s3;
	p0 =	sgt.u32 s29, $0xC;
	s28 =	smul.u32 $0xA000, s8  }
0xc: {  	s0 =	sor.u32 s23, s6;
	s1 =	ssub.s32 $0x2, s23;
	s20 =	smul.u32 $0xA000, s20  }
0xd: {  	s6 =	rddreg [dreg:$0x1];
	s5 =	smul.u32 $0x500, s0;
	s16 =	sshrl.u32 s1, $0x1  }
0xe: {  	s26 =	sadd.s32 $0xBE800, s6;
	s0 =	sor.u32 $0x9C0, s0;
	s1 =	ssub.s32 s1, s16  }
0xf: {  	s16 =	sor.u32 $0x60, s29;
	s9 =	sadd.s32 s9, s7;
	s10 =	sadd.s32 s7, s10  }
0x10: {  	s11 =	sadd.s32 s7, s11;
	s15 =	sadd.s32 s7, s15;
	s18 =	sadd.s32 s7, s18  }
0x11: {  	s19 =	sadd.s32 s7, s19;
	s22 =	sadd.s32 s7, s22;
	s20 =	sshrl.u32 s20, $0x2  }
0x12: {  	p1 =	sgt.u32 s0, $0x9C3;
	s21 =	smul.u32 $0x2800, s16;
	s25 =	sadd.s32 s5, s6  }
0x13: {  	s8 =	sshrl.u32 s10, $0x3;
	s15 =	sshrl.u32 s15, $0x3;
	s31 =	sshrl.u32 s18, $0x3  }
0x14: {  	s6 =	sshrl.u32 s19, $0x3;
	s18 =	sshrl.u32 s22, $0x3;
	s19 =	sshll.u32 s0, $0xB  }
0x15: {  	s22 =	sshll.u32 s29, $0xC;
	s20 =	sadd.s32 s20, s2;
	s29 =	simm.s32 $0x80  }
0x16: {  	s10 =	sadd.s32 s26, s8;
	s21 =	sadd.s32 s7, s21;
	s7 =	sshrl.u32 s9, $0x3  }
0x17: {  	s9 =	sshrl.u32 s11, $0x3;
	[dreg:$0x5] =	wrdreg s10;
	s10 =	sadd.s32 s26, s31  }
0x18: {  	s31 =	sshrl.u32 s24, $0x2;
	s5 =	sadd.s32 s26, s7;
	s11 =	sadd.s32 s26, s9  }
0x19: {  	s7 =	sadd.s32 s26, s15;
	[dreg:$0x8] =	wrdreg s10;
	s15 =	sshrl.u32 s21, $0x3  }
0x1a: {  	s21 =	smul.u32 $0xA000, s12;
	s12 =	sadd.s32 s4, s19;
	[dreg:$0x4] =	wrdreg s5  }
0x1b: {  	s4 =	sadd.s32 s22, s4;
	s9 =	smul.u32 $0xA000, s16;
	[dreg:$0x6] =	wrdreg s11  }
0x1c: {  	[dreg:$0x7] =	wrdreg s7;
	s11 =	sadd.s32 s26, s6;
	s5 =	smul.u32 $0xA000, s14  }
0x1d: {  	s10 =	sadd.s32 s26, s15;
	s6 =	sshrl.u32 s28, $0x2;
	s7 =	smul.u32 $0xA000, s17  }
0x1e: {  	s28 =	simm.s32 $0x1;
	[dreg:$0x9] =	wrdreg s11;
	s11 =	sadd.s32 s26, s18  }
0x1f: {  	s26 =	smul.u32 $0xA000, s13;
	s13 =	sadd.s32 s31, s2;
	s14 =	sadd.s32 s6, s2  }
0x20: {  	s8 =	sshrl.u32 s21, $0x2;
	s21 =	sadd.s32 $0x4800, s25;
	s31 =	sshll.u32 s23, $0xB  }
0x21: {  	s25 =	simm.s32 $0x3;
	_ =	strace $0x80000050;
	s19 =	sshrl.u32 s5, $0x2  }
0x22: {  	s15 =	sadd.s32 s8, s2;
	s24 =	sshrl.u32 s7, $0x2;
	s23 =	sadd.s32 s31, s4  }
0x23: {  	s22 =	sshrl.u32 s26, $0x2;
	s17 =	sadd.s32 s19, s2;
	s26 =	sshrl.u32 s9, $0x2  }
0x24: {  	s18 =	sadd.s32 s24, s2;
	s24 =	simm.s32 $0x2800;
	s16 =	sadd.s32 s22, s2  }
0x25: {  	v0 =	vimm.f32 $0.0e+00;
	s19 =	sadd.s32 s26, s2;
	s22 =	smax.u32 s1, $0x1;
	s26 =	simm.s32 $0x6800  }
.LBB2_1:
0x26: {  	[tilespmem:$0x2800] =	vst v0  }
0x27: {  	[tilespmem:$0x2810] =	vst v0  }
0x28: {  	[tilespmem:$0x2820] =	vst v0  }
0x29: {  	[tilespmem:$0x2830] =	vst v0  }
0x2a: {  	[tilespmem:$0x2840] =	vst v0  }
0x2b: {  	[tilespmem:$0x2850] =	vst v0  }
0x2c: {  	[tilespmem:$0x2860] =	vst v0  }
0x2d: {  	[tilespmem:$0x2870] =	vst v0  }
0x2e: {  	[tilespmem:$0x2880] =	vst v0  }
0x2f: {  	[tilespmem:$0x2890] =	vst v0  }
0x30: {  	[tilespmem:$0x28A0] =	vst v0  }
0x31: {  	[tilespmem:$0x28B0] =	vst v0  }
0x32: {  	[tilespmem:$0x28C0] =	vst v0  }
0x33: {  	[tilespmem:$0x28D0] =	vst v0  }
0x34: {  	[tilespmem:$0x28E0] =	vst v0  }
0x35: {  	[tilespmem:$0x28F0] =	vst v0  }
0x36: {  	[tilespmem:$0x2900] =	vst v0  }
0x37: {  	[tilespmem:$0x2910] =	vst v0  }
0x38: {  	[tilespmem:$0x2920] =	vst v0  }
0x39: {  	[tilespmem:$0x2930] =	vst v0  }
0x3a: {  	[tilespmem:$0x2940] =	vst v0  }
0x3b: {  	[tilespmem:$0x2950] =	vst v0  }
0x3c: {  	[tilespmem:$0x2960] =	vst v0  }
0x3d: {  	[tilespmem:$0x2970] =	vst v0  }
0x3e: {  	[tilespmem:$0x2980] =	vst v0  }
0x3f: {  	[tilespmem:$0x2990] =	vst v0  }
0x40: {  	[tilespmem:$0x29A0] =	vst v0  }
0x41: {  	[tilespmem:$0x29B0] =	vst v0  }
0x42: {  	[tilespmem:$0x29C0] =	vst v0  }
0x43: {  	[tilespmem:$0x29D0] =	vst v0  }
0x44: {  	[tilespmem:$0x29E0] =	vst v0  }
0x45: {  	[tilespmem:$0x29F0] =	vst v0  }
0x46: {  	[tilespmem:$0x2A00] =	vst v0  }
0x47: {  	[tilespmem:$0x2A10] =	vst v0  }
0x48: {  	[tilespmem:$0x2A20] =	vst v0  }
0x49: {  	[tilespmem:$0x2A30] =	vst v0  }
0x4a: {  	[tilespmem:$0x2A40] =	vst v0  }
0x4b: {  	[tilespmem:$0x2A50] =	vst v0  }
0x4c: {  	[tilespmem:$0x2A60] =	vst v0  }
0x4d: {  	[tilespmem:$0x2A70] =	vst v0  }
0x4e: {  	[tilespmem:$0x2A80] =	vst v0  }
0x4f: {  	[tilespmem:$0x2A90] =	vst v0  }
0x50: {  	[tilespmem:$0x2AA0] =	vst v0  }
0x51: {  	[tilespmem:$0x2AB0] =	vst v0  }
0x52: {  	[tilespmem:$0x2AC0] =	vst v0  }
0x53: {  	[tilespmem:$0x2AD0] =	vst v0  }
0x54: {  	[tilespmem:$0x2AE0] =	vst v0  }
0x55: {  	[tilespmem:$0x2AF0] =	vst v0  }
0x56: {  	[tilespmem:$0x2B00] =	vst v0  }
0x57: {  	[tilespmem:$0x2B10] =	vst v0  }
0x58: {  	[tilespmem:$0x2B20] =	vst v0  }
0x59: {  	[tilespmem:$0x2B30] =	vst v0  }
0x5a: {  	[tilespmem:$0x2B40] =	vst v0  }
0x5b: {  	[tilespmem:$0x2B50] =	vst v0  }
0x5c: {  	[tilespmem:$0x2B60] =	vst v0  }
0x5d: {  	[tilespmem:$0x2B70] =	vst v0  }
0x5e: {  	[tilespmem:$0x2B80] =	vst v0  }
0x5f: {  	[tilespmem:$0x2B90] =	vst v0  }
0x60: {  	[tilespmem:$0x2BA0] =	vst v0  }
0x61: {  	[tilespmem:$0x2BB0] =	vst v0  }
0x62: {  	[tilespmem:$0x2BC0] =	vst v0  }
0x63: {  	[tilespmem:$0x2BD0] =	vst v0  }
0x64: {  	[tilespmem:$0x2BE0] =	vst v0  }
0x65: {  	[tilespmem:$0x2BF0] =	vst v0  }
0x66: {  	[tilespmem:$0x2C00] =	vst v0  }
0x67: {  	[tilespmem:$0x2C10] =	vst v0  }
0x68: {  	[tilespmem:$0x2C20] =	vst v0  }
0x69: {  	[tilespmem:$0x2C30] =	vst v0  }
0x6a: {  	[tilespmem:$0x2C40] =	vst v0  }
0x6b: {  	[tilespmem:$0x2C50] =	vst v0  }
0x6c: {  	[tilespmem:$0x2C60] =	vst v0  }
0x6d: {  	[tilespmem:$0x2C70] =	vst v0  }
0x6e: {  	[tilespmem:$0x2C80] =	vst v0  }
0x6f: {  	[tilespmem:$0x2C90] =	vst v0  }
0x70: {  	[tilespmem:$0x2CA0] =	vst v0  }
0x71: {  	[tilespmem:$0x2CB0] =	vst v0  }
0x72: {  	[tilespmem:$0x2CC0] =	vst v0  }
0x73: {  	[tilespmem:$0x2CD0] =	vst v0  }
0x74: {  	[tilespmem:$0x2CE0] =	vst v0  }
0x75: {  	[tilespmem:$0x2CF0] =	vst v0  }
0x76: {  	[tilespmem:$0x2D00] =	vst v0  }
0x77: {  	[tilespmem:$0x2D10] =	vst v0  }
0x78: {  	[tilespmem:$0x2D20] =	vst v0  }
0x79: {  	[tilespmem:$0x2D30] =	vst v0  }
0x7a: {  	[tilespmem:$0x2D40] =	vst v0  }
0x7b: {  	[tilespmem:$0x2D50] =	vst v0  }
0x7c: {  	[tilespmem:$0x2D60] =	vst v0  }
0x7d: {  	[tilespmem:$0x2D70] =	vst v0  }
0x7e: {  	[tilespmem:$0x2D80] =	vst v0  }
0x7f: {  	[tilespmem:$0x2D90] =	vst v0  }
0x80: {  	[tilespmem:$0x2DA0] =	vst v0  }
0x81: {  	[tilespmem:$0x2DB0] =	vst v0  }
0x82: {  	[tilespmem:$0x2DC0] =	vst v0  }
0x83: {  	[tilespmem:$0x2DD0] =	vst v0  }
0x84: {  	[tilespmem:$0x2DE0] =	vst v0  }
0x85: {  	[tilespmem:$0x2DF0] =	vst v0  }
0x86: {  	[tilespmem:$0x2E00] =	vst v0  }
0x87: {  	[tilespmem:$0x2E10] =	vst v0  }
0x88: {  	[tilespmem:$0x2E20] =	vst v0  }
0x89: {  	[tilespmem:$0x2E30] =	vst v0  }
0x8a: {  	[tilespmem:$0x2E40] =	vst v0  }
0x8b: {  	[tilespmem:$0x2E50] =	vst v0  }
0x8c: {  	[tilespmem:$0x2E60] =	vst v0  }
0x8d: {  	[tilespmem:$0x2E70] =	vst v0  }
0x8e: {  	[tilespmem:$0x2E80] =	vst v0  }
0x8f: {  	[tilespmem:$0x2E90] =	vst v0  }
0x90: {  	[tilespmem:$0x2EA0] =	vst v0  }
0x91: {  	[tilespmem:$0x2EB0] =	vst v0  }
0x92: {  	[tilespmem:$0x2EC0] =	vst v0  }
0x93: {  	[tilespmem:$0x2ED0] =	vst v0  }
0x94: {  	[tilespmem:$0x2EE0] =	vst v0  }
0x95: {  	[tilespmem:$0x2EF0] =	vst v0  }
0x96: {  	[tilespmem:$0x2F00] =	vst v0  }
0x97: {  	[tilespmem:$0x2F10] =	vst v0  }
0x98: {  	[tilespmem:$0x2F20] =	vst v0  }
0x99: {  	[tilespmem:$0x2F30] =	vst v0  }
0x9a: {  	[tilespmem:$0x2F40] =	vst v0  }
0x9b: {  	[tilespmem:$0x2F50] =	vst v0  }
0x9c: {  	[tilespmem:$0x2F60] =	vst v0  }
0x9d: {  	[tilespmem:$0x2F70] =	vst v0  }
0x9e: {  	[tilespmem:$0x2F80] =	vst v0  }
0x9f: {  	[tilespmem:$0x2F90] =	vst v0  }
0xa0: {  	[tilespmem:$0x2FA0] =	vst v0  }
0xa1: {  	[tilespmem:$0x2FB0] =	vst v0  }
0xa2: {  	[tilespmem:$0x2FC0] =	vst v0  }
0xa3: {  	[tilespmem:$0x2FD0] =	vst v0  }
0xa4: {  	[tilespmem:$0x2FE0] =	vst v0  }
0xa5: {  	[tilespmem:$0x2FF0] =	vst v0  }
0xa6: {  	[tilespmem:$0x3000] =	vst v0  }
0xa7: {  	[tilespmem:$0x3010] =	vst v0  }
0xa8: {  	[tilespmem:$0x3020] =	vst v0  }
0xa9: {  	[tilespmem:$0x3030] =	vst v0  }
0xaa: {  	[tilespmem:$0x3040] =	vst v0  }
0xab: {  	[tilespmem:$0x3050] =	vst v0  }
0xac: {  	[tilespmem:$0x3060] =	vst v0  }
0xad: {  	[tilespmem:$0x3070] =	vst v0  }
0xae: {  	[tilespmem:$0x3080] =	vst v0  }
0xaf: {  	[tilespmem:$0x3090] =	vst v0  }
0xb0: {  	[tilespmem:$0x30A0] =	vst v0  }
0xb1: {  	[tilespmem:$0x30B0] =	vst v0  }
0xb2: {  	[tilespmem:$0x30C0] =	vst v0  }
0xb3: {  	[tilespmem:$0x30D0] =	vst v0  }
0xb4: {  	[tilespmem:$0x30E0] =	vst v0  }
0xb5: {  	[tilespmem:$0x30F0] =	vst v0  }
0xb6: {  	[tilespmem:$0x3100] =	vst v0  }
0xb7: {  	[tilespmem:$0x3110] =	vst v0  }
0xb8: {  	[tilespmem:$0x3120] =	vst v0  }
0xb9: {  	[tilespmem:$0x3130] =	vst v0  }
0xba: {  	[tilespmem:$0x3140] =	vst v0  }
0xbb: {  	[tilespmem:$0x3150] =	vst v0  }
0xbc: {  	[tilespmem:$0x3160] =	vst v0  }
0xbd: {  	[tilespmem:$0x3170] =	vst v0  }
0xbe: {  	[tilespmem:$0x3180] =	vst v0  }
0xbf: {  	[tilespmem:$0x3190] =	vst v0  }
0xc0: {  	[tilespmem:$0x31A0] =	vst v0  }
0xc1: {  	[tilespmem:$0x31B0] =	vst v0  }
0xc2: {  	[tilespmem:$0x31C0] =	vst v0  }
0xc3: {  	[tilespmem:$0x31D0] =	vst v0  }
0xc4: {  	[tilespmem:$0x31E0] =	vst v0  }
0xc5: {  	[tilespmem:$0x31F0] =	vst v0  }
0xc6: {  	[tilespmem:$0x3200] =	vst v0  }
0xc7: {  	[tilespmem:$0x3210] =	vst v0  }
0xc8: {  	[tilespmem:$0x3220] =	vst v0  }
0xc9: {  	[tilespmem:$0x3230] =	vst v0  }
0xca: {  	[tilespmem:$0x3240] =	vst v0  }
0xcb: {  	[tilespmem:$0x3250] =	vst v0  }
0xcc: {  	[tilespmem:$0x3260] =	vst v0  }
0xcd: {  	[tilespmem:$0x3270] =	vst v0  }
0xce: {  	[tilespmem:$0x3280] =	vst v0  }
0xcf: {  	[tilespmem:$0x3290] =	vst v0  }
0xd0: {  	[tilespmem:$0x32A0] =	vst v0  }
0xd1: {  	[tilespmem:$0x32B0] =	vst v0  }
0xd2: {  	[tilespmem:$0x32C0] =	vst v0  }
0xd3: {  	[tilespmem:$0x32D0] =	vst v0  }
0xd4: {  	[tilespmem:$0x32E0] =	vst v0  }
0xd5: {  	[tilespmem:$0x32F0] =	vst v0  }
0xd6: {  	[tilespmem:$0x3300] =	vst v0  }
0xd7: {  	[tilespmem:$0x3310] =	vst v0  }
0xd8: {  	[tilespmem:$0x3320] =	vst v0  }
0xd9: {  	[tilespmem:$0x3330] =	vst v0  }
0xda: {  	[tilespmem:$0x3340] =	vst v0  }
0xdb: {  	[tilespmem:$0x3350] =	vst v0  }
0xdc: {  	[tilespmem:$0x3360] =	vst v0  }
0xdd: {  	[tilespmem:$0x3370] =	vst v0  }
0xde: {  	[tilespmem:$0x3380] =	vst v0  }
0xdf: {  	[tilespmem:$0x3390] =	vst v0  }
0xe0: {  	[tilespmem:$0x33A0] =	vst v0  }
0xe1: {  	[tilespmem:$0x33B0] =	vst v0  }
0xe2: {  	[tilespmem:$0x33C0] =	vst v0  }
0xe3: {  	[tilespmem:$0x33D0] =	vst v0  }
0xe4: {  	[tilespmem:$0x33E0] =	vst v0  }
0xe5: {  	[tilespmem:$0x33F0] =	vst v0  }
0xe6: {  	[tilespmem:$0x3400] =	vst v0  }
0xe7: {  	[tilespmem:$0x3410] =	vst v0  }
0xe8: {  	[tilespmem:$0x3420] =	vst v0  }
0xe9: {  	[tilespmem:$0x3430] =	vst v0  }
0xea: {  	[tilespmem:$0x3440] =	vst v0  }
0xeb: {  	[tilespmem:$0x3450] =	vst v0  }
0xec: {  	[tilespmem:$0x3460] =	vst v0  }
0xed: {  	[tilespmem:$0x3470] =	vst v0  }
0xee: {  	[tilespmem:$0x3480] =	vst v0  }
0xef: {  	[tilespmem:$0x3490] =	vst v0  }
0xf0: {  	[tilespmem:$0x34A0] =	vst v0  }
0xf1: {  	[tilespmem:$0x34B0] =	vst v0  }
0xf2: {  	[tilespmem:$0x34C0] =	vst v0  }
0xf3: {  	[tilespmem:$0x34D0] =	vst v0  }
0xf4: {  	[tilespmem:$0x34E0] =	vst v0  }
0xf5: {  	[tilespmem:$0x34F0] =	vst v0  }
0xf6: {  	[tilespmem:$0x3500] =	vst v0  }
0xf7: {  	[tilespmem:$0x3510] =	vst v0  }
0xf8: {  	[tilespmem:$0x3520] =	vst v0  }
0xf9: {  	[tilespmem:$0x3530] =	vst v0  }
0xfa: {  	[tilespmem:$0x3540] =	vst v0  }
0xfb: {  	[tilespmem:$0x3550] =	vst v0  }
0xfc: {  	[tilespmem:$0x3560] =	vst v0  }
0xfd: {  	[tilespmem:$0x3570] =	vst v0  }
0xfe: {  	[tilespmem:$0x3580] =	vst v0  }
0xff: {  	[tilespmem:$0x3590] =	vst v0  }
0x100: {  	[tilespmem:$0x35A0] =	vst v0  }
0x101: {  	[tilespmem:$0x35B0] =	vst v0  }
0x102: {  	[tilespmem:$0x35C0] =	vst v0  }
0x103: {  	[tilespmem:$0x35D0] =	vst v0  }
0x104: {  	[tilespmem:$0x35E0] =	vst v0  }
0x105: {  	[tilespmem:$0x35F0] =	vst v0  }
0x106: {  	[tilespmem:$0x3600] =	vst v0  }
0x107: {  	[tilespmem:$0x3610] =	vst v0  }
0x108: {  	[tilespmem:$0x3620] =	vst v0  }
0x109: {  	[tilespmem:$0x3630] =	vst v0  }
0x10a: {  	[tilespmem:$0x3640] =	vst v0  }
0x10b: {  	[tilespmem:$0x3650] =	vst v0  }
0x10c: {  	[tilespmem:$0x3660] =	vst v0  }
0x10d: {  	[tilespmem:$0x3670] =	vst v0  }
0x10e: {  	[tilespmem:$0x3680] =	vst v0  }
0x10f: {  	[tilespmem:$0x3690] =	vst v0  }
0x110: {  	[tilespmem:$0x36A0] =	vst v0  }
0x111: {  	[tilespmem:$0x36B0] =	vst v0  }
0x112: {  	[tilespmem:$0x36C0] =	vst v0  }
0x113: {  	[tilespmem:$0x36D0] =	vst v0  }
0x114: {  	[tilespmem:$0x36E0] =	vst v0  }
0x115: {  	[tilespmem:$0x36F0] =	vst v0  }
0x116: {  	[tilespmem:$0x3700] =	vst v0  }
0x117: {  	[tilespmem:$0x3710] =	vst v0  }
0x118: {  	[tilespmem:$0x3720] =	vst v0  }
0x119: {  	[tilespmem:$0x3730] =	vst v0  }
0x11a: {  	[tilespmem:$0x3740] =	vst v0  }
0x11b: {  	[tilespmem:$0x3750] =	vst v0  }
0x11c: {  	[tilespmem:$0x3760] =	vst v0  }
0x11d: {  	[tilespmem:$0x3770] =	vst v0  }
0x11e: {  	[tilespmem:$0x3780] =	vst v0  }
0x11f: {  	[tilespmem:$0x3790] =	vst v0  }
0x120: {  	[tilespmem:$0x37A0] =	vst v0  }
0x121: {  	[tilespmem:$0x37B0] =	vst v0  }
0x122: {  	[tilespmem:$0x37C0] =	vst v0  }
0x123: {  	[tilespmem:$0x37D0] =	vst v0  }
0x124: {  	[tilespmem:$0x37E0] =	vst v0  }
0x125: {  	[tilespmem:$0x37F0] =	vst v0  }
0x126: {  	[tilespmem:$0x3800] =	vst v0  }
0x127: {  	[tilespmem:$0x3810] =	vst v0  }
0x128: {  	[tilespmem:$0x3820] =	vst v0  }
0x129: {  	[tilespmem:$0x3830] =	vst v0  }
0x12a: {  	[tilespmem:$0x3840] =	vst v0  }
0x12b: {  	[tilespmem:$0x3850] =	vst v0  }
0x12c: {  	[tilespmem:$0x3860] =	vst v0  }
0x12d: {  	[tilespmem:$0x3870] =	vst v0  }
0x12e: {  	[tilespmem:$0x3880] =	vst v0  }
0x12f: {  	[tilespmem:$0x3890] =	vst v0  }
0x130: {  	[tilespmem:$0x38A0] =	vst v0  }
0x131: {  	[tilespmem:$0x38B0] =	vst v0  }
0x132: {  	[tilespmem:$0x38C0] =	vst v0  }
0x133: {  	[tilespmem:$0x38D0] =	vst v0  }
0x134: {  	[tilespmem:$0x38E0] =	vst v0  }
0x135: {  	[tilespmem:$0x38F0] =	vst v0  }
0x136: {  	[tilespmem:$0x3900] =	vst v0  }
0x137: {  	[tilespmem:$0x3910] =	vst v0  }
0x138: {  	[tilespmem:$0x3920] =	vst v0  }
0x139: {  	[tilespmem:$0x3930] =	vst v0  }
0x13a: {  	[tilespmem:$0x3940] =	vst v0  }
0x13b: {  	[tilespmem:$0x3950] =	vst v0  }
0x13c: {  	[tilespmem:$0x3960] =	vst v0  }
0x13d: {  	[tilespmem:$0x3970] =	vst v0  }
0x13e: {  	[tilespmem:$0x3980] =	vst v0  }
0x13f: {  	[tilespmem:$0x3990] =	vst v0  }
0x140: {  	[tilespmem:$0x39A0] =	vst v0  }
0x141: {  	[tilespmem:$0x39B0] =	vst v0  }
0x142: {  	[tilespmem:$0x39C0] =	vst v0  }
0x143: {  	[tilespmem:$0x39D0] =	vst v0  }
0x144: {  	[tilespmem:$0x39E0] =	vst v0  }
0x145: {  	[tilespmem:$0x39F0] =	vst v0  }
0x146: {  	[tilespmem:$0x3A00] =	vst v0  }
0x147: {  	[tilespmem:$0x3A10] =	vst v0  }
0x148: {  	[tilespmem:$0x3A20] =	vst v0  }
0x149: {  	[tilespmem:$0x3A30] =	vst v0  }
0x14a: {  	[tilespmem:$0x3A40] =	vst v0  }
0x14b: {  	[tilespmem:$0x3A50] =	vst v0  }
0x14c: {  	[tilespmem:$0x3A60] =	vst v0  }
0x14d: {  	[tilespmem:$0x3A70] =	vst v0  }
0x14e: {  	[tilespmem:$0x3A80] =	vst v0  }
0x14f: {  	[tilespmem:$0x3A90] =	vst v0  }
0x150: {  	[tilespmem:$0x3AA0] =	vst v0  }
0x151: {  	[tilespmem:$0x3AB0] =	vst v0  }
0x152: {  	[tilespmem:$0x3AC0] =	vst v0  }
0x153: {  	[tilespmem:$0x3AD0] =	vst v0  }
0x154: {  	[tilespmem:$0x3AE0] =	vst v0  }
0x155: {  	[tilespmem:$0x3AF0] =	vst v0  }
0x156: {  	[tilespmem:$0x3B00] =	vst v0  }
0x157: {  	[tilespmem:$0x3B10] =	vst v0  }
0x158: {  	[tilespmem:$0x3B20] =	vst v0  }
0x159: {  	[tilespmem:$0x3B30] =	vst v0  }
0x15a: {  	[tilespmem:$0x3B40] =	vst v0  }
0x15b: {  	[tilespmem:$0x3B50] =	vst v0  }
0x15c: {  	[tilespmem:$0x3B60] =	vst v0  }
0x15d: {  	[tilespmem:$0x3B70] =	vst v0  }
0x15e: {  	[tilespmem:$0x3B80] =	vst v0  }
0x15f: {  	[tilespmem:$0x3B90] =	vst v0  }
0x160: {  	[tilespmem:$0x3BA0] =	vst v0  }
0x161: {  	[tilespmem:$0x3BB0] =	vst v0  }
0x162: {  	[tilespmem:$0x3BC0] =	vst v0  }
0x163: {  	[tilespmem:$0x3BD0] =	vst v0  }
0x164: {  	[tilespmem:$0x3BE0] =	vst v0  }
0x165: {  	[tilespmem:$0x3BF0] =	vst v0  }
0x166: {  	[tilespmem:$0x3C00] =	vst v0  }
0x167: {  	[tilespmem:$0x3C10] =	vst v0  }
0x168: {  	[tilespmem:$0x3C20] =	vst v0  }
0x169: {  	[tilespmem:$0x3C30] =	vst v0  }
0x16a: {  	[tilespmem:$0x3C40] =	vst v0  }
0x16b: {  	[tilespmem:$0x3C50] =	vst v0  }
0x16c: {  	[tilespmem:$0x3C60] =	vst v0  }
0x16d: {  	[tilespmem:$0x3C70] =	vst v0  }
0x16e: {  	[tilespmem:$0x3C80] =	vst v0  }
0x16f: {  	[tilespmem:$0x3C90] =	vst v0  }
0x170: {  	[tilespmem:$0x3CA0] =	vst v0  }
0x171: {  	[tilespmem:$0x3CB0] =	vst v0  }
0x172: {  	[tilespmem:$0x3CC0] =	vst v0  }
0x173: {  	[tilespmem:$0x3CD0] =	vst v0  }
0x174: {  	[tilespmem:$0x3CE0] =	vst v0  }
0x175: {  	[tilespmem:$0x3CF0] =	vst v0  }
0x176: {  	[tilespmem:$0x3D00] =	vst v0  }
0x177: {  	[tilespmem:$0x3D10] =	vst v0  }
0x178: {  	[tilespmem:$0x3D20] =	vst v0  }
0x179: {  	[tilespmem:$0x3D30] =	vst v0  }
0x17a: {  	[tilespmem:$0x3D40] =	vst v0  }
0x17b: {  	[tilespmem:$0x3D50] =	vst v0  }
0x17c: {  	[tilespmem:$0x3D60] =	vst v0  }
0x17d: {  	[tilespmem:$0x3D70] =	vst v0  }
0x17e: {  	[tilespmem:$0x3D80] =	vst v0  }
0x17f: {  	[tilespmem:$0x3D90] =	vst v0  }
0x180: {  	[tilespmem:$0x3DA0] =	vst v0  }
0x181: {  	[tilespmem:$0x3DB0] =	vst v0  }
0x182: {  	[tilespmem:$0x3DC0] =	vst v0  }
0x183: {  	[tilespmem:$0x3DD0] =	vst v0  }
0x184: {  	[tilespmem:$0x3DE0] =	vst v0  }
0x185: {  	[tilespmem:$0x3DF0] =	vst v0  }
0x186: {  	[tilespmem:$0x3E00] =	vst v0  }
0x187: {  	[tilespmem:$0x3E10] =	vst v0  }
0x188: {  	[tilespmem:$0x3E20] =	vst v0  }
0x189: {  	[tilespmem:$0x3E30] =	vst v0  }
0x18a: {  	[tilespmem:$0x3E40] =	vst v0  }
0x18b: {  	[tilespmem:$0x3E50] =	vst v0  }
0x18c: {  	[tilespmem:$0x3E60] =	vst v0  }
0x18d: {  	[tilespmem:$0x3E70] =	vst v0  }
0x18e: {  	[tilespmem:$0x3E80] =	vst v0  }
0x18f: {  	[tilespmem:$0x3E90] =	vst v0  }
0x190: {  	[tilespmem:$0x3EA0] =	vst v0  }
0x191: {  	[tilespmem:$0x3EB0] =	vst v0  }
0x192: {  	[tilespmem:$0x3EC0] =	vst v0  }
0x193: {  	[tilespmem:$0x3ED0] =	vst v0  }
0x194: {  	[tilespmem:$0x3EE0] =	vst v0  }
0x195: {  	[tilespmem:$0x3EF0] =	vst v0  }
0x196: {  	[tilespmem:$0x3F00] =	vst v0  }
0x197: {  	[tilespmem:$0x3F10] =	vst v0  }
0x198: {  	[tilespmem:$0x3F20] =	vst v0  }
0x199: {  	[tilespmem:$0x3F30] =	vst v0  }
0x19a: {  	[tilespmem:$0x3F40] =	vst v0  }
0x19b: {  	[tilespmem:$0x3F50] =	vst v0  }
0x19c: {  	[tilespmem:$0x3F60] =	vst v0  }
0x19d: {  	[tilespmem:$0x3F70] =	vst v0  }
0x19e: {  	[tilespmem:$0x3F80] =	vst v0  }
0x19f: {  	[tilespmem:$0x3F90] =	vst v0  }
0x1a0: {  	[tilespmem:$0x3FA0] =	vst v0  }
0x1a1: {  	[tilespmem:$0x3FB0] =	vst v0  }
0x1a2: {  	[tilespmem:$0x3FC0] =	vst v0  }
0x1a3: {  	[tilespmem:$0x3FD0] =	vst v0  }
0x1a4: {  	[tilespmem:$0x3FE0] =	vst v0  }
0x1a5: {  	[tilespmem:$0x3FF0] =	vst v0  }
0x1a6: {  	[tilespmem:$0x4000] =	vst v0  }
0x1a7: {  	[tilespmem:$0x4010] =	vst v0  }
0x1a8: {  	[tilespmem:$0x4020] =	vst v0  }
0x1a9: {  	[tilespmem:$0x4030] =	vst v0  }
0x1aa: {  	[tilespmem:$0x4040] =	vst v0  }
0x1ab: {  	[tilespmem:$0x4050] =	vst v0  }
0x1ac: {  	[tilespmem:$0x4060] =	vst v0  }
0x1ad: {  	[tilespmem:$0x4070] =	vst v0  }
0x1ae: {  	[tilespmem:$0x4080] =	vst v0  }
0x1af: {  	[tilespmem:$0x4090] =	vst v0  }
0x1b0: {  	[tilespmem:$0x40A0] =	vst v0  }
0x1b1: {  	[tilespmem:$0x40B0] =	vst v0  }
0x1b2: {  	[tilespmem:$0x40C0] =	vst v0  }
0x1b3: {  	[tilespmem:$0x40D0] =	vst v0  }
0x1b4: {  	[tilespmem:$0x40E0] =	vst v0  }
0x1b5: {  	[tilespmem:$0x40F0] =	vst v0  }
0x1b6: {  	[tilespmem:$0x4100] =	vst v0  }
0x1b7: {  	[tilespmem:$0x4110] =	vst v0  }
0x1b8: {  	[tilespmem:$0x4120] =	vst v0  }
0x1b9: {  	[tilespmem:$0x4130] =	vst v0  }
0x1ba: {  	[tilespmem:$0x4140] =	vst v0  }
0x1bb: {  	[tilespmem:$0x4150] =	vst v0  }
0x1bc: {  	[tilespmem:$0x4160] =	vst v0  }
0x1bd: {  	[tilespmem:$0x4170] =	vst v0  }
0x1be: {  	[tilespmem:$0x4180] =	vst v0  }
0x1bf: {  	[tilespmem:$0x4190] =	vst v0  }
0x1c0: {  	[tilespmem:$0x41A0] =	vst v0  }
0x1c1: {  	[tilespmem:$0x41B0] =	vst v0  }
0x1c2: {  	[tilespmem:$0x41C0] =	vst v0  }
0x1c3: {  	[tilespmem:$0x41D0] =	vst v0  }
0x1c4: {  	[tilespmem:$0x41E0] =	vst v0  }
0x1c5: {  	[tilespmem:$0x41F0] =	vst v0  }
0x1c6: {  	[tilespmem:$0x4200] =	vst v0  }
0x1c7: {  	[tilespmem:$0x4210] =	vst v0  }
0x1c8: {  	[tilespmem:$0x4220] =	vst v0  }
0x1c9: {  	[tilespmem:$0x4230] =	vst v0  }
0x1ca: {  	[tilespmem:$0x4240] =	vst v0  }
0x1cb: {  	[tilespmem:$0x4250] =	vst v0  }
0x1cc: {  	[tilespmem:$0x4260] =	vst v0  }
0x1cd: {  	[tilespmem:$0x4270] =	vst v0  }
0x1ce: {  	[tilespmem:$0x4280] =	vst v0  }
0x1cf: {  	[tilespmem:$0x4290] =	vst v0  }
0x1d0: {  	[tilespmem:$0x42A0] =	vst v0  }
0x1d1: {  	[tilespmem:$0x42B0] =	vst v0  }
0x1d2: {  	[tilespmem:$0x42C0] =	vst v0  }
0x1d3: {  	[tilespmem:$0x42D0] =	vst v0  }
0x1d4: {  	[tilespmem:$0x42E0] =	vst v0  }
0x1d5: {  	[tilespmem:$0x42F0] =	vst v0  }
0x1d6: {  	[tilespmem:$0x4300] =	vst v0  }
0x1d7: {  	[tilespmem:$0x4310] =	vst v0  }
0x1d8: {  	[tilespmem:$0x4320] =	vst v0  }
0x1d9: {  	[tilespmem:$0x4330] =	vst v0  }
0x1da: {  	[tilespmem:$0x4340] =	vst v0  }
0x1db: {  	[tilespmem:$0x4350] =	vst v0  }
0x1dc: {  	[tilespmem:$0x4360] =	vst v0  }
0x1dd: {  	[tilespmem:$0x4370] =	vst v0  }
0x1de: {  	[tilespmem:$0x4380] =	vst v0  }
0x1df: {  	[tilespmem:$0x4390] =	vst v0  }
0x1e0: {  	[tilespmem:$0x43A0] =	vst v0  }
0x1e1: {  	[tilespmem:$0x43B0] =	vst v0  }
0x1e2: {  	[tilespmem:$0x43C0] =	vst v0  }
0x1e3: {  	[tilespmem:$0x43D0] =	vst v0  }
0x1e4: {  	[tilespmem:$0x43E0] =	vst v0  }
0x1e5: {  	[tilespmem:$0x43F0] =	vst v0  }
0x1e6: {  	[tilespmem:$0x4400] =	vst v0  }
0x1e7: {  	[tilespmem:$0x4410] =	vst v0  }
0x1e8: {  	[tilespmem:$0x4420] =	vst v0  }
0x1e9: {  	[tilespmem:$0x4430] =	vst v0  }
0x1ea: {  	[tilespmem:$0x4440] =	vst v0  }
0x1eb: {  	[tilespmem:$0x4450] =	vst v0  }
0x1ec: {  	[tilespmem:$0x4460] =	vst v0  }
0x1ed: {  	[tilespmem:$0x4470] =	vst v0  }
0x1ee: {  	[tilespmem:$0x4480] =	vst v0  }
0x1ef: {  	[tilespmem:$0x4490] =	vst v0  }
0x1f0: {  	[tilespmem:$0x44A0] =	vst v0  }
0x1f1: {  	[tilespmem:$0x44B0] =	vst v0  }
0x1f2: {  	[tilespmem:$0x44C0] =	vst v0  }
0x1f3: {  	[tilespmem:$0x44D0] =	vst v0  }
0x1f4: {  	[tilespmem:$0x44E0] =	vst v0  }
0x1f5: {  	[tilespmem:$0x44F0] =	vst v0  }
0x1f6: {  	[tilespmem:$0x4500] =	vst v0  }
0x1f7: {  	[tilespmem:$0x4510] =	vst v0  }
0x1f8: {  	[tilespmem:$0x4520] =	vst v0  }
0x1f9: {  	[tilespmem:$0x4530] =	vst v0  }
0x1fa: {  	[tilespmem:$0x4540] =	vst v0  }
0x1fb: {  	[tilespmem:$0x4550] =	vst v0  }
0x1fc: {  	[tilespmem:$0x4560] =	vst v0  }
0x1fd: {  	[tilespmem:$0x4570] =	vst v0  }
0x1fe: {  	[tilespmem:$0x4580] =	vst v0  }
0x1ff: {  	[tilespmem:$0x4590] =	vst v0  }
0x200: {  	[tilespmem:$0x45A0] =	vst v0  }
0x201: {  	[tilespmem:$0x45B0] =	vst v0  }
0x202: {  	[tilespmem:$0x45C0] =	vst v0  }
0x203: {  	[tilespmem:$0x45D0] =	vst v0  }
0x204: {  	[tilespmem:$0x45E0] =	vst v0  }
0x205: {  	[tilespmem:$0x45F0] =	vst v0  }
0x206: {  	[tilespmem:$0x4600] =	vst v0  }
0x207: {  	[tilespmem:$0x4610] =	vst v0  }
0x208: {  	[tilespmem:$0x4620] =	vst v0  }
0x209: {  	[tilespmem:$0x4630] =	vst v0  }
0x20a: {  	[tilespmem:$0x4640] =	vst v0  }
0x20b: {  	[tilespmem:$0x4650] =	vst v0  }
0x20c: {  	[tilespmem:$0x4660] =	vst v0  }
0x20d: {  	[tilespmem:$0x4670] =	vst v0  }
0x20e: {  	[tilespmem:$0x4680] =	vst v0  }
0x20f: {  	[tilespmem:$0x4690] =	vst v0  }
0x210: {  	[tilespmem:$0x46A0] =	vst v0  }
0x211: {  	[tilespmem:$0x46B0] =	vst v0  }
0x212: {  	[tilespmem:$0x46C0] =	vst v0  }
0x213: {  	[tilespmem:$0x46D0] =	vst v0  }
0x214: {  	[tilespmem:$0x46E0] =	vst v0  }
0x215: {  	[tilespmem:$0x46F0] =	vst v0  }
0x216: {  	[tilespmem:$0x4700] =	vst v0  }
0x217: {  	[tilespmem:$0x4710] =	vst v0  }
0x218: {  	[tilespmem:$0x4720] =	vst v0  }
0x219: {  	[tilespmem:$0x4730] =	vst v0  }
0x21a: {  	[tilespmem:$0x4740] =	vst v0  }
0x21b: {  	[tilespmem:$0x4750] =	vst v0  }
0x21c: {  	[tilespmem:$0x4760] =	vst v0  }
0x21d: {  	[tilespmem:$0x4770] =	vst v0  }
0x21e: {  	[tilespmem:$0x4780] =	vst v0  }
0x21f: {  	[tilespmem:$0x4790] =	vst v0  }
0x220: {  	[tilespmem:$0x47A0] =	vst v0  }
0x221: {  	[tilespmem:$0x47B0] =	vst v0  }
0x222: {  	[tilespmem:$0x47C0] =	vst v0  }
0x223: {  	[tilespmem:$0x47D0] =	vst v0  }
0x224: {  	[tilespmem:$0x47E0] =	vst v0  }
0x225: {  	[tilespmem:$0x47F0] =	vst v0  }
0x226: {  	[tilespmem:$0x4800] =	vst v0  }
0x227: {  	[tilespmem:$0x4810] =	vst v0  }
0x228: {  	[tilespmem:$0x4820] =	vst v0  }
0x229: {  	[tilespmem:$0x4830] =	vst v0  }
0x22a: {  	[tilespmem:$0x4840] =	vst v0  }
0x22b: {  	[tilespmem:$0x4850] =	vst v0  }
0x22c: {  	[tilespmem:$0x4860] =	vst v0  }
0x22d: {  	[tilespmem:$0x4870] =	vst v0  }
0x22e: {  	[tilespmem:$0x4880] =	vst v0  }
0x22f: {  	[tilespmem:$0x4890] =	vst v0  }
0x230: {  	[tilespmem:$0x48A0] =	vst v0  }
0x231: {  	[tilespmem:$0x48B0] =	vst v0  }
0x232: {  	[tilespmem:$0x48C0] =	vst v0  }
0x233: {  	[tilespmem:$0x48D0] =	vst v0  }
0x234: {  	[tilespmem:$0x48E0] =	vst v0  }
0x235: {  	[tilespmem:$0x48F0] =	vst v0  }
0x236: {  	[tilespmem:$0x4900] =	vst v0  }
0x237: {  	[tilespmem:$0x4910] =	vst v0  }
0x238: {  	[tilespmem:$0x4920] =	vst v0  }
0x239: {  	[tilespmem:$0x4930] =	vst v0  }
0x23a: {  	[tilespmem:$0x4940] =	vst v0  }
0x23b: {  	[tilespmem:$0x4950] =	vst v0  }
0x23c: {  	[tilespmem:$0x4960] =	vst v0  }
0x23d: {  	[tilespmem:$0x4970] =	vst v0  }
0x23e: {  	[tilespmem:$0x4980] =	vst v0  }
0x23f: {  	[tilespmem:$0x4990] =	vst v0  }
0x240: {  	[tilespmem:$0x49A0] =	vst v0  }
0x241: {  	[tilespmem:$0x49B0] =	vst v0  }
0x242: {  	[tilespmem:$0x49C0] =	vst v0  }
0x243: {  	[tilespmem:$0x49D0] =	vst v0  }
0x244: {  	[tilespmem:$0x49E0] =	vst v0  }
0x245: {  	[tilespmem:$0x49F0] =	vst v0  }
0x246: {  	[tilespmem:$0x4A00] =	vst v0  }
0x247: {  	[tilespmem:$0x4A10] =	vst v0  }
0x248: {  	[tilespmem:$0x4A20] =	vst v0  }
0x249: {  	[tilespmem:$0x4A30] =	vst v0  }
0x24a: {  	[tilespmem:$0x4A40] =	vst v0  }
0x24b: {  	[tilespmem:$0x4A50] =	vst v0  }
0x24c: {  	[tilespmem:$0x4A60] =	vst v0  }
0x24d: {  	[tilespmem:$0x4A70] =	vst v0  }
0x24e: {  	[tilespmem:$0x4A80] =	vst v0  }
0x24f: {  	[tilespmem:$0x4A90] =	vst v0  }
0x250: {  	[tilespmem:$0x4AA0] =	vst v0  }
0x251: {  	[tilespmem:$0x4AB0] =	vst v0  }
0x252: {  	[tilespmem:$0x4AC0] =	vst v0  }
0x253: {  	[tilespmem:$0x4AD0] =	vst v0  }
0x254: {  	[tilespmem:$0x4AE0] =	vst v0  }
0x255: {  	[tilespmem:$0x4AF0] =	vst v0  }
0x256: {  	[tilespmem:$0x4B00] =	vst v0  }
0x257: {  	[tilespmem:$0x4B10] =	vst v0  }
0x258: {  	[tilespmem:$0x4B20] =	vst v0  }
0x259: {  	[tilespmem:$0x4B30] =	vst v0  }
0x25a: {  	[tilespmem:$0x4B40] =	vst v0  }
0x25b: {  	[tilespmem:$0x4B50] =	vst v0  }
0x25c: {  	[tilespmem:$0x4B60] =	vst v0  }
0x25d: {  	[tilespmem:$0x4B70] =	vst v0  }
0x25e: {  	[tilespmem:$0x4B80] =	vst v0  }
0x25f: {  	[tilespmem:$0x4B90] =	vst v0  }
0x260: {  	[tilespmem:$0x4BA0] =	vst v0  }
0x261: {  	[tilespmem:$0x4BB0] =	vst v0  }
0x262: {  	[tilespmem:$0x4BC0] =	vst v0  }
0x263: {  	[tilespmem:$0x4BD0] =	vst v0  }
0x264: {  	[tilespmem:$0x4BE0] =	vst v0  }
0x265: {  	[tilespmem:$0x4BF0] =	vst v0  }
0x266: {  	[tilespmem:$0x4C00] =	vst v0  }
0x267: {  	[tilespmem:$0x4C10] =	vst v0  }
0x268: {  	[tilespmem:$0x4C20] =	vst v0  }
0x269: {  	[tilespmem:$0x4C30] =	vst v0  }
0x26a: {  	[tilespmem:$0x4C40] =	vst v0  }
0x26b: {  	[tilespmem:$0x4C50] =	vst v0  }
0x26c: {  	[tilespmem:$0x4C60] =	vst v0  }
0x26d: {  	[tilespmem:$0x4C70] =	vst v0  }
0x26e: {  	[tilespmem:$0x4C80] =	vst v0  }
0x26f: {  	[tilespmem:$0x4C90] =	vst v0  }
0x270: {  	[tilespmem:$0x4CA0] =	vst v0  }
0x271: {  	[tilespmem:$0x4CB0] =	vst v0  }
0x272: {  	[tilespmem:$0x4CC0] =	vst v0  }
0x273: {  	[tilespmem:$0x4CD0] =	vst v0  }
0x274: {  	[tilespmem:$0x4CE0] =	vst v0  }
0x275: {  	[tilespmem:$0x4CF0] =	vst v0  }
0x276: {  	[tilespmem:$0x4D00] =	vst v0  }
0x277: {  	[tilespmem:$0x4D10] =	vst v0  }
0x278: {  	[tilespmem:$0x4D20] =	vst v0  }
0x279: {  	[tilespmem:$0x4D30] =	vst v0  }
0x27a: {  	[tilespmem:$0x4D40] =	vst v0  }
0x27b: {  	[tilespmem:$0x4D50] =	vst v0  }
0x27c: {  	[tilespmem:$0x4D60] =	vst v0  }
0x27d: {  	[tilespmem:$0x4D70] =	vst v0  }
0x27e: {  	[tilespmem:$0x4D80] =	vst v0  }
0x27f: {  	[tilespmem:$0x4D90] =	vst v0  }
0x280: {  	[tilespmem:$0x4DA0] =	vst v0  }
0x281: {  	[tilespmem:$0x4DB0] =	vst v0  }
0x282: {  	[tilespmem:$0x4DC0] =	vst v0  }
0x283: {  	[tilespmem:$0x4DD0] =	vst v0  }
0x284: {  	[tilespmem:$0x4DE0] =	vst v0  }
0x285: {  	[tilespmem:$0x4DF0] =	vst v0  }
0x286: {  	[tilespmem:$0x4E00] =	vst v0  }
0x287: {  	[tilespmem:$0x4E10] =	vst v0  }
0x288: {  	[tilespmem:$0x4E20] =	vst v0  }
0x289: {  	[tilespmem:$0x4E30] =	vst v0  }
0x28a: {  	[tilespmem:$0x4E40] =	vst v0  }
0x28b: {  	[tilespmem:$0x4E50] =	vst v0  }
0x28c: {  	[tilespmem:$0x4E60] =	vst v0  }
0x28d: {  	[tilespmem:$0x4E70] =	vst v0  }
0x28e: {  	[tilespmem:$0x4E80] =	vst v0  }
0x28f: {  	[tilespmem:$0x4E90] =	vst v0  }
0x290: {  	[tilespmem:$0x4EA0] =	vst v0  }
0x291: {  	[tilespmem:$0x4EB0] =	vst v0  }
0x292: {  	[tilespmem:$0x4EC0] =	vst v0  }
0x293: {  	[tilespmem:$0x4ED0] =	vst v0  }
0x294: {  	[tilespmem:$0x4EE0] =	vst v0  }
0x295: {  	[tilespmem:$0x4EF0] =	vst v0  }
0x296: {  	[tilespmem:$0x4F00] =	vst v0  }
0x297: {  	[tilespmem:$0x4F10] =	vst v0  }
0x298: {  	[tilespmem:$0x4F20] =	vst v0  }
0x299: {  	[tilespmem:$0x4F30] =	vst v0  }
0x29a: {  	[tilespmem:$0x4F40] =	vst v0  }
0x29b: {  	[tilespmem:$0x4F50] =	vst v0  }
0x29c: {  	[tilespmem:$0x4F60] =	vst v0  }
0x29d: {  	[tilespmem:$0x4F70] =	vst v0  }
0x29e: {  	[tilespmem:$0x4F80] =	vst v0  }
0x29f: {  	[tilespmem:$0x4F90] =	vst v0  }
0x2a0: {  	[tilespmem:$0x4FA0] =	vst v0  }
0x2a1: {  	[tilespmem:$0x4FB0] =	vst v0  }
0x2a2: {  	[tilespmem:$0x4FC0] =	vst v0  }
0x2a3: {  	[tilespmem:$0x4FD0] =	vst v0  }
0x2a4: {  	[tilespmem:$0x4FE0] =	vst v0  }
0x2a5: {  	[tilespmem:$0x4FF0] =	vst v0  }
0x2a6: {  	[spmem:s13] =	stream.linear.scatter [tilespmem:s24], [sflag:$0x3], $0x2800, $0x38;
	[tilespmem:$0x1E080] =	vst v63  }
0x2a7: {  	_ =	swait.ge [sflag:s25], $0x2800  }
0x2a8: {  	[sflag:s25] =	ssyncset.done $0x0  }
0x2a9: {  	[sflag:s25] =	ssyncadd.s32 $0xFFFFD800  }
0x2aa: {  	[spmem:s14] =	stream.linear.scatter [tilespmem:s24], [sflag:$0x3], $0x2800, $0x38;
	[tilespmem:$0x1E080] =	vst v63  }
0x2ab: {  	_ =	swait.ge [sflag:s25], $0x2800  }
0x2ac: {  	[sflag:s25] =	ssyncset.done $0x0  }
0x2ad: {  	[sflag:s25] =	ssyncadd.s32 $0xFFFFD800  }
0x2ae: {  	[spmem:s15] =	stream.linear.scatter [tilespmem:s24], [sflag:$0x3], $0x2800, $0x38;
	[tilespmem:$0x1E080] =	vst v63  }
0x2af: {  	_ =	swait.ge [sflag:s25], $0x2800  }
0x2b0: {  	[sflag:s25] =	ssyncset.done $0x0  }
0x2b1: {  	[sflag:s25] =	ssyncadd.s32 $0xFFFFD800  }
0x2b2: {  	[spmem:s16] =	stream.linear.scatter [tilespmem:s24], [sflag:$0x3], $0x2800, $0x38;
	[tilespmem:$0x1E080] =	vst v63  }
0x2b3: {  	_ =	swait.ge [sflag:s25], $0x2800  }
0x2b4: {  	[sflag:s25] =	ssyncset.done $0x0  }
0x2b5: {  	[sflag:s25] =	ssyncadd.s32 $0xFFFFD800  }
0x2b6: {  	[spmem:s17] =	stream.linear.scatter [tilespmem:s24], [sflag:$0x3], $0x2800, $0x38;
	[tilespmem:$0x1E080] =	vst v63  }
0x2b7: {  	_ =	swait.ge [sflag:s25], $0x2800  }
0x2b8: {  	[sflag:s25] =	ssyncset.done $0x0  }
0x2b9: {  	[sflag:s25] =	ssyncadd.s32 $0xFFFFD800  }
0x2ba: {  	[spmem:s18] =	stream.linear.scatter [tilespmem:s24], [sflag:$0x3], $0x2800, $0x38;
	[tilespmem:$0x1E080] =	vst v63  }
0x2bb: {  	_ =	swait.ge [sflag:s25], $0x2800  }
0x2bc: {  	[sflag:s25] =	ssyncset.done $0x0  }
0x2bd: {  	[sflag:s25] =	ssyncadd.s32 $0xFFFFD800  }
0x2be: {  	[spmem:s19] =	stream.linear.scatter [tilespmem:s24], [sflag:$0x3], $0x2800, $0x38;
	[tilespmem:$0x1E080] =	vst v63  }
0x2bf: {  	_ =	swait.ge [sflag:s25], $0x2800  }
0x2c0: {  	[sflag:s25] =	ssyncset.done $0x0  }
0x2c1: {  	s0 =	simm.s32 @!p0 $0x2800;
	[sflag:s25] =	ssyncadd.s32 $0xFFFFD800  }
0x2c2: {  	[spmem:s20] =	stream.linear.scatter @!p0 [tilespmem:s0], [sflag:$0x3], $0x2800, $0x38;
	[tilespmem:$0x1E080] =	vst v63  }
0x2c3: {  	s0 =	simm.s32 @!p0 $0x3  }
0x2c4: {  	_ =	swait.ge @!p0 [sflag:s0], $0x2800  }
0x2c5: {  	[sflag:s0] =	ssyncset.done @!p0 $0x0  }
0x2c6: {  	[sflag:s0] =	ssyncadd.s32 @!p0 $0xFFFFD800  }
0x2c7: {  	[tilespmem:s3], [sflag:$0x3] =	stream.linear.gather [hbm4b:s21+s3], $0x2780, $0x38;
	[tilespmem:$0x1E080] =	vst v63  }
0x2c8: {  	_ =	swait.ge [sflag:s25], $0x2780  }
0x2c9: {  	[sflag:s25] =	ssyncset.done $0x0  }
0x2ca: {  	p2 =	por $0x1, $0x1;
	[sflag:s25] =	ssyncadd.s32 $0xFFFFD880  }
0x2cb: {  	s9 =	sadd.s32 $0x0, s23;
	s1 =	simm.s32 @!p2 $0x2;
	[bflag:$0x0] =	sbarrier.arrive $0xFFFF  }
0x2cc: {  	[tilespmem:s24], [sflag:$0x1] =	stream.linear.gather [hbm4b:s9+s3], $0x4000, $0x38;
	[tilespmem:$0x1E080] =	vst v63  }
0x2cd: {  	_ =	swait.ge @!p2 [sflag:s1], $0x4000  }
0x2ce: {  	s4 =	simm.s32 @!p2 $0x6800;
	s31 =	simm.s32 @!p2 $0xFFFFFF80;
	[sflag:s1] =	ssyncset.done @!p2 $0x0  }
0x2cf: {  	s5 =	simm.s32 @!p2 $0x80;
	[sflag:s1] =	ssyncadd.s32 @!p2 $0xFFFFC000;
	s1 =	simm.s32 @!p2 $0x4  }
0x2d0: {  	[spmem:s2] =	stream.indirect.scatter.add.f32 @!p2 [tilespmem:s4], [sflag:$0x4], $0x80, s31, s5, $0xb8;
	[tilespmem:$0x1E080] =	vst v63  }
0x2d1: {  	_ =	swait.ge @!p2 [sflag:s1], $0x4000  }
0x2d2: {  	[sflag:s1] =	ssyncset.done @!p2 $0x0  }
0x2d3: {  	s0 =	sadd.s32 $0x10000, s9;
	[sflag:s1] =	ssyncadd.s32 @!p2 $0xFFFFC000  }
0x2d4: {  	[tilespmem:s26], [sflag:$0x2] =	stream.linear.gather [hbm4b:s0+s3], $0x4000, $0x38;
	[tilespmem:$0x1E080] =	vst v63  }
0x2d5: {  	_ =	swait.ge [sflag:s28], $0x4000  }
0x2d6: {  	[sflag:s28] =	ssyncset.done $0x0  }
0x2d7: {  	s31 =	simm.s32 $0x100;
	s4 =	simm.s32 $0x1;
	[sflag:s28] =	ssyncadd.s32 $0xFFFFC000  }
0x2d8: {  	[spmem:s2] =	stream.indirect.scatter.add.f32 [tilespmem:s24], [sflag:$0x3], $0x80, s3, s29, $0xb8;
	[tilespmem:$0x1E080] =	vst v63  }
0x2d9: {  	s1 =	sadd.s32 $0x20000, s23;
	s0 =	simm.s32 $0x40000;
	_ =	swait.ge [sflag:s25], $0x4000  }
.LBB2_2:
0x2da: {  	s5 =	sadd.s32 s0, s23;
	p3 =	sgt.u32 s4, $0x4E;
	[sflag:s25] =	ssyncset.done $0x0  }
0x2db: {  	s0 =	sadd.s32 $0x20000, s0;
	s6 =	simm.s32 @!p3 $0x2;
	[sflag:s25] =	ssyncadd.s32 $0xFFFFC000  }
0x2dc: {  	[tilespmem:s24], [sflag:$0x1] =	stream.linear.gather [hbm4b:s1+s3], $0x4000, $0x38;
	[tilespmem:$0x1E080] =	vst v63  }
0x2dd: {  	p2 =	sne.s32 s0, $0x4E0000;
	s7 =	simm.s32 @!p3 $0x6800;
	_ =	swait.ge @!p3 [sflag:s6], $0x4000  }
0x2de: {  	s8 =	sadd.s32 @!p3 $0xFFFFFF80, s31;
	s9 =	simm.s32 @!p3 $0x80;
	[sflag:s6] =	ssyncset.done @!p3 $0x0  }
0x2df: {  	[sflag:s6] =	ssyncadd.s32 @!p3 $0xFFFFC000;
	s6 =	simm.s32 @!p3 $0x4  }
0x2e0: {  	[spmem:s2] =	stream.indirect.scatter.add.f32 @!p3 [tilespmem:s7], [sflag:$0x4], $0x80, s8, s9, $0xb8;
	[tilespmem:$0x1E080] =	vst v63  }
0x2e1: {  	_ =	swait.ge @!p3 [sflag:s6], $0x4000  }
0x2e2: {  	s7 =	sadd.s32 $0x10000, s1;
	s1 =	smov.u32 s5;
	[sflag:s6] =	ssyncset.done @!p3 $0x0  }
0x2e3: {  	[sflag:s6] =	ssyncadd.s32 @!p3 $0xFFFFC000  }
0x2e4: {  	[tilespmem:s26], [sflag:$0x2] =	stream.linear.gather [hbm4b:s7+s3], $0x4000, $0x38;
	[tilespmem:$0x1E080] =	vst v63  }
.Ltmp0:
0x2e5: {  	_ =	swait.ge [sflag:s28], $0x4000;
	(pc) =	sbr.rel @p2 .LBB2_2-.Ltmp0, $4  }
0x2e6: {  	[sflag:s28] =	ssyncset.done $0x0  }
0x2e7: {  	[sflag:s28] =	ssyncadd.s32 $0xFFFFC000  }
0x2e8: {  	[spmem:s2] =	stream.indirect.scatter.add.f32 [tilespmem:s24], [sflag:$0x3], $0x80, s31, s29, $0xb8;
	[tilespmem:$0x1E080] =	vst v63  }
0x2e9: {  	s4 =	sadd.s32 $0x2, s4;
	s31 =	sadd.s32 $0x100, s31;
	_ =	swait.ge [sflag:s25], $0x4000  }
0x2ea: {  	p2 =	sgt.u32 s4, $0x4E;
	[sflag:s25] =	ssyncset.done $0x0  }
0x2eb: {  	s0 =	simm.s32 @!p2 $0x2;
	[sflag:s25] =	ssyncadd.s32 $0xFFFFC000  }
0x2ec: {  	[tilespmem:s24], [sflag:$0x1] =	stream.linear.gather [hbm4b:s1+s3], $0x4000, $0x38;
	[tilespmem:$0x1E080] =	vst v63  }
0x2ed: {  	_ =	swait.ge @!p2 [sflag:s0], $0x4000  }
0x2ee: {  	s4 =	simm.s32 @!p2 $0x6800;
	[sflag:s0] =	ssyncset.done @!p2 $0x0  }
0x2ef: {  	s5 =	sadd.s32 @!p2 $0xFFFFFF80, s31;
	[sflag:s0] =	ssyncadd.s32 @!p2 $0xFFFFC000;
	s0 =	simm.s32 @!p2 $0x80  }
0x2f0: {  	[spmem:s2] =	stream.indirect.scatter.add.f32 @!p2 [tilespmem:s4], [sflag:$0x4], $0x80, s5, s0, $0xb8;
	[tilespmem:$0x1E080] =	vst v63  }
0x2f1: {  	s0 =	simm.s32 @!p2 $0x4  }
0x2f2: {  	_ =	swait.ge @!p2 [sflag:s0], $0x4000  }
0x2f3: {  	[sflag:s0] =	ssyncset.done @!p2 $0x0  }
0x2f4: {  	s9 =	sadd.s32 $0x10000, s1;
	[sflag:s0] =	ssyncadd.s32 @!p2 $0xFFFFC000  }
0x2f5: {  	[tilespmem:s26], [sflag:$0x2] =	stream.linear.gather [hbm4b:s9+s3], $0x4000, $0x38;
	[tilespmem:$0x1E080] =	vst v63  }
0x2f6: {  	_ =	swait.ge [sflag:s28], $0x4000  }
0x2f7: {  	[sflag:s28] =	ssyncset.done $0x0  }
0x2f8: {  	[sflag:s28] =	ssyncadd.s32 $0xFFFFC000  }
0x2f9: {  	[spmem:s2] =	stream.indirect.scatter.add.f32 [tilespmem:s24], [sflag:$0x3], $0x80, s31, s29, $0xb8;
	[tilespmem:$0x1E080] =	vst v63  }
0x2fa: {  	_ =	swait.ge [sflag:s25], $0x4000  }
0x2fb: {  	[sflag:s25] =	ssyncset.done $0x0  }
0x2fc: {  	s0 =	simm.s32 @p1 $0x2;
	[sflag:s25] =	ssyncadd.s32 $0xFFFFC000  }
0x2fd: {  	_ =	swait.ge @p1 [sflag:s0], $0x4000  }
0x2fe: {  	s1 =	simm.s32 @p1 $0x2680;
	[sflag:s0] =	ssyncset.done @p1 $0x0  }
0x2ff: {  	s4 =	simm.s32 @p1 $0x6800;
	[sflag:s0] =	ssyncadd.s32 @p1 $0xFFFFC000;
	s0 =	simm.s32 @p1 $0x80  }
0x300: {  	[spmem:s2] =	stream.indirect.scatter.add.f32 @p1 [tilespmem:s4], [sflag:$0x4], $0x80, s1, s0, $0xb8;
	[tilespmem:$0x1E080] =	vst v63  }
0x301: {  	s0 =	simm.s32 @!p1 $0x0;
	s1 =	simm.s32 @!p1 $0x2800  }
0x302: {  	[tilespmem:s1], [sflag:$0x1] =	stream.linear.gather @!p1 [hbm4b:s12+s0], $0x4000, $0x38;
	[tilespmem:$0x1E080] =	vst v63  }
0x303: {  	s0 =	simm.s32 @!p1 $0x2  }
0x304: {  	_ =	swait.ge @!p1 [sflag:s0], $0x4000  }
0x305: {  	s5 =	simm.s32 @!p1 $0x6800;
	[sflag:s0] =	ssyncset.done @!p1 $0x0  }
0x306: {  	s4 =	simm.s32 @!p1 $0x2680;
	[sflag:s0] =	ssyncadd.s32 @!p1 $0xFFFFC000;
	s0 =	simm.s32 @!p1 $0x80  }
0x307: {  	[spmem:s2] =	stream.indirect.scatter.add.f32 @!p1 [tilespmem:s5], [sflag:$0x4], $0x80, s4, s0, $0xb8;
	[tilespmem:$0x1E080] =	vst v63  }
0x308: {  	s4 =	simm.s32 @!p1 $0x4  }
0x309: {  	_ =	swait.ge @!p1 [sflag:s4], $0x4000  }
0x30a: {  	[sflag:s4] =	ssyncset.done @!p1 $0x0  }
0x30b: {  	[sflag:s4] =	ssyncadd.s32 @!p1 $0xFFFFC000;
	s4 =	simm.s32 @!p1 $0x1  }
0x30c: {  	_ =	swait.ge @!p1 [sflag:s4], $0x4000  }
0x30d: {  	[sflag:s4] =	ssyncset.done @!p1 $0x0  }
0x30e: {  	[sflag:s4] =	ssyncadd.s32 @!p1 $0xFFFFC000;
	s4 =	simm.s32 @!p1 $0x2700  }
0x30f: {  	[spmem:s2] =	stream.indirect.scatter.add.f32 @!p1 [tilespmem:s1], [sflag:$0x3], $0x80, s4, s0, $0xb8;
	[tilespmem:$0x1E080] =	vst v63  }
0x310: {  	s0 =	simm.s32 @!p1 $0x3  }
0x311: {  	s0 =	simm.s32 @p1 $0x4  }
0x312: {  	_ =	swait.ge [sflag:s0], $0x4000  }
0x313: {  	[sflag:s0] =	ssyncset.done $0x0  }
0x314: {  	s4 =	stileid.u32;
	[sflag:s0] =	ssyncadd.s32 $0xFFFFC000  }
0x315: {  	s0 =	sshll.u32 s4, $0x6;
	[bflag:$0x0] =	sbarrier.arrive $0xFFFF  }
0x316: {  	s5 =	sshrl.u32 s13, $0x3;
	s0 =	sor.u32 $0x1C03, s0;
	s6 =	rddreg [dreg:$0x4]  }
0x317: {  	[hbm:s6], [sflag:s0] =	dma.local [spmem:s5], $0x500  }
0x318: {  	_ =	swait.ge [sflag:s25], $0x500  }
0x319: {  	[sflag:s25] =	ssyncset.done $0x0  }
0x31a: {  	s7 =	sshrl.u32 s14, $0x3;
	s8 =	rddreg [dreg:$0x5];
	[sflag:s25] =	ssyncadd.s32 $0xFFFFFB00  }
0x31b: {  	[hbm:s8], [sflag:s0] =	dma.local [spmem:s7], $0x500  }
0x31c: {  	_ =	swait.ge [sflag:s25], $0x500  }
0x31d: {  	[sflag:s25] =	ssyncset.done $0x0  }
0x31e: {  	s9 =	sshrl.u32 s15, $0x3;
	s31 =	rddreg [dreg:$0x6];
	[sflag:s25] =	ssyncadd.s32 $0xFFFFFB00  }
0x31f: {  	[hbm:s31], [sflag:s0] =	dma.local [spmem:s9], $0x500  }
0x320: {  	_ =	swait.ge [sflag:s25], $0x500  }
0x321: {  	[sflag:s25] =	ssyncset.done $0x0  }
0x322: {  	s4 =	sshrl.u32 s16, $0x3;
	s5 =	rddreg [dreg:$0x7];
	[sflag:s25] =	ssyncadd.s32 $0xFFFFFB00  }
0x323: {  	[hbm:s5], [sflag:s0] =	dma.local [spmem:s4], $0x500  }
0x324: {  	_ =	swait.ge [sflag:s25], $0x500  }
0x325: {  	[sflag:s25] =	ssyncset.done $0x0  }
0x326: {  	s6 =	sshrl.u32 s17, $0x3;
	s7 =	rddreg [dreg:$0x8];
	[sflag:s25] =	ssyncadd.s32 $0xFFFFFB00  }
0x327: {  	[hbm:s7], [sflag:s0] =	dma.local [spmem:s6], $0x500  }
0x328: {  	_ =	swait.ge [sflag:s25], $0x500  }
0x329: {  	[sflag:s25] =	ssyncset.done $0x0  }
0x32a: {  	s8 =	sshrl.u32 s18, $0x3;
	s9 =	rddreg [dreg:$0x9];
	[sflag:s25] =	ssyncadd.s32 $0xFFFFFB00  }
0x32b: {  	[hbm:s9], [sflag:s0] =	dma.local [spmem:s8], $0x500  }
0x32c: {  	_ =	swait.ge [sflag:s25], $0x500  }
0x32d: {  	[sflag:s25] =	ssyncset.done $0x0  }
0x32e: {  	s31 =	sshrl.u32 s19, $0x3;
	[sflag:s25] =	ssyncadd.s32 $0xFFFFFB00  }
0x32f: {  	[hbm:s10], [sflag:s0] =	dma.local [spmem:s31], $0x500  }
0x330: {  	_ =	swait.ge [sflag:s25], $0x500  }
0x331: {  	s30 =	sadd.s32 $0x1, s30;
	[sflag:s25] =	ssyncset.done $0x0  }
0x332: {  	p2 =	sne.s32 s30, s22;
	s1 =	sshrl.u32 @!p0 s20, $0x3;
	[sflag:s25] =	ssyncadd.s32 $0xFFFFFB00  }
0x333: {  	[hbm:s11], [sflag:s0] =	dma.local @!p0 [spmem:s1], $0x500  }
.Ltmp1:
0x334: {  	_ = 	snop;
	(pc) =	sbr.rel @p2 .LBB2_1-.Ltmp1, $4  }
0x335: {  	s0 =	simm.s32 @!p0 $0x3  }
0x336: {  	_ =	swait.ge @!p0 [sflag:s0], $0x500  }
0x337: {  	[sflag:s0] =	ssyncset.done @!p0 $0x0  }
0x338: {  	[sflag:s0] =	ssyncadd.s32 @!p0 $0xFFFFFB00  }
0x339: {  	_ =	sfence.sel $0x180000  }
0x33a: {  	[bflag:$0x0] =	sbarrier.arrive $0xFFFF  }
0x33b: {  	_ =	strace $0x90000050  }
0x33c: {  	s0 =	stileid.u32;
	[bflag:$0x2] =	sbarrier.arrive $0xFFFF  }
0x33d: {  	p0 =	sne.s32 s0, $0x0;
	s0 =	rddreg [dreg:$0x3]  }
0x33e: {  	s0 =	sadd.s32 @!p0 $0x100000, s0  }
0x33f: {  	[sflag:s0] =	ssyncadd.tile.s32 @!p0 $0x1;
	_ =	shalt  }
.Lfunc_end2:
_tile_overlayer_lowered:
.L_overlay_start_2:
0x340: {  	(tag) =	ssettag $0x2  }
0x341: {  	s0 =	rddreg [dreg:$0x0];
	s2 =	stileid.u32  }
0x342: {  	s1 =	rddreg [dreg:$0x1];
	p0 =	sne.s32 s2, $0x0  }
0x343: {  	s3 =	rddreg [dreg:$0x2];
	[bflag:$0x3] =	sbarrier.arrive $0xFFFF;
	s2 =	simm.s32 @!p0 $0x1C03  }
0x344: {  	[timem:s3], [sflag:s2] =	dma.local @!p0 [hbm:s0], s1  }
0x345: {  	s0 =	simm.s32 @!p0 $0x3  }
0x346: {  	_ =	swait.ge @!p0 [sflag:s0], s1  }
0x347: {  	s1 =	ssub.s32 @!p0 $0x0, s1;
	[sflag:s0] =	ssyncset.done @!p0 $0x0  }
0x348: {  	[sflag:s0] =	ssyncadd.s32 @!p0 s1  }
0x349: {  	[bflag:$0x3] =	sbarrier.arrive $0xFFFF  }
0x34a: {  	_ =	shalt  }

// kernel: kernel.19.cloned.1.call-start
scs
__scs_entry_jumppad:
0x0: {  	(pc) =	sbr.rel $0x88, $3  }
0x1: {  	(tag) =	ssettag $0x0;
	lr =	simm.s32 $0x1  }
0x2: {  	[smem:$0x3F91] =	sst lr;
	_ =	strace $0xD0000000  }
0x3: {  	_ = 	snop  }
0x4: {  	_ = 	snop  }
0x5: {  	_ = 	snop  }
0x6: {  	_ = 	snop  }
0x7: {  	_ = 	snop  }
__scs_overlays_trampoline_lowered:
0x8: {  	[smem:$0x3FA0] =	sst s0  }
0x9: {  	[smem:$0x3FA1] =	sst s1  }
0xa: {  	[smem:$0x3FA2] =	sst s2  }
0xb: {  	[smem:$0x3FA3] =	sst s3  }
0xc: {  	[smem:$0x3FA4] =	sst s4  }
0xd: {  	[smem:$0x3FA5] =	sst s5  }
0xe: {  	[smem:$0x3FA6] =	sst s6  }
0xf: {  	[smem:$0x3FA7] =	sst s7  }
0x10: {  	[smem:$0x3FA8] =	sst s8  }
0x11: {  	[smem:$0x3FA9] =	sst s9;
	s0 =	simm.s32 @!p0 $0x0  }
0x12: {  	s1 =	sld [smem:$0x3F8F];
	s0 =	simm.s32 @p0 $0x1  }
0x13: {  	[smem:$0x3FAA] =	sst s0;
	s0 =	simm.s32 @!p1 $0x0  }
0x14: {  	s2 =	sld [smem:$0x3F8E];
	s0 =	simm.s32 @p1 $0x1  }
0x15: {  	[smem:$0x3FAB] =	sst s0;
	s0 =	simm.s32 @!p2 $0x0  }
0x16: {  	s3 =	sld [smem:$0x3FDB];
	s0 =	simm.s32 @p2 $0x1  }
0x17: {  	s4 =	simm.s32 $0x1BF5;
	[smem:$0x3FAD] =	sst s0  }
0x18: {  	s0 =	sld [smem:$0x3F90];
	_ =	swait.ge [sflag:s4], $0x0  }
0x19: {  	s7 =	sld [smem:$0x3F91]  }
0x1a: {  	s8 =	sadd.s32 $0xFFFFE003, lr  }
0x1b: {  	s9 =	sadd.s32 $0xFFFFFEF7, lr;
	s5 =	simm.s32 $0xFFFFFFFF;
	p2 =	slt.u32 s8, $0xFFFFF086  }
0x1c: {  	p1 =	slt.u32 s9, $0xF7A;
	s5 =	simm.s32 @!p2 $0x0  }
0x1d: {  	s5 =	simm.s32 @p1 $0x1;
	p0 =	seq.s32 s7, s2  }
0x1e: {  	s7 =	smul.u32 @!p0 $0xF7A, s2;
	p2 =	seq.s32 @!p0 s5, $0x0  }
0x1f: {  	s9 =	smul.u32 $0xF7A, s1;
	s8 =	simm.s32 @!p0 $0x1BF5;
	p2 =	por !p2, p0  }
0x20: {  	[sflag:s8] =	ssyncset.s32 @!p0 $0xFFFFF086;
	s6 =	sadd.s32 @!p0 s3, s7;
	s7 =	simm.s32 @!p0 $0x108  }
0x21: {  	s3 =	sadd.s32 s3, s9;
	s6 =	sadd.s32 @!p0 $0x88, s6;
	s7 =	simm.s32 @p2 $0x1082  }
0x22: {  	[simem:s7], [sflag:s8] =	dma.local @!p0 [hbm:s6], $0xF7A  }
0x23: {  	s9 =	sor.u32 $0xD0000000, s2;
	s6 =	simm.s32 $0x108;
	_ =	swait.ge @!p0 [sflag:s8], $0x0  }
0x24: {  	s3 =	sadd.s32 $0x88, s3;
	s6 =	simm.s32 @!p1 $0x1082;
	[sflag:s4] =	ssyncset.s32 $0xFFFFF086  }
0x25: {  	[simem:s6], [sflag:s4] =	dma.local [hbm:s3], $0xF7A  }
0x26: {  	[smem:$0x3F91] =	sst s1;
	(tag) =	ssettag s2;
	_ =	strace s9  }
0x27: {  	s1 =	sld [smem:$0x3FA1]  }
0x28: {  	s2 =	sld [smem:$0x3FA2]  }
0x29: {  	s4 =	sld [smem:$0x3FA4]  }
0x2a: {  	p0 =	seq.s32 s5, $0x0;
	s5 =	sld [smem:$0x3FA5]  }
0x2b: {  	s6 =	sld [smem:$0x3FA6]  }
0x2c: {  	s7 =	sld [smem:$0x3FA7]  }
0x2d: {  	s3 =	simm.s32 $0x108;
	s8 =	sld [smem:$0x3FA8]  }
0x2e: {  	s3 =	simm.s32 @!p0 $0x1082;
	s9 =	sld [smem:$0x3FA9]  }
0x2f: {  	lr =	sadd.s32 s0, s3;
	s0 =	sld [smem:$0x3FA0]  }
0x30: {  	s3 =	sld [smem:$0x3FA3]  }
0x31: {  	[smem:$0x3FAC] =	sst s10  }
0x32: {  	s10 =	sld [smem:$0x3FAA];
	_ =	sdelay $0x3  }
0x33: {  	p0 =	seq.s32 s10, $0x1;
	s10 =	sld [smem:$0x3FAC];
	_ =	sdelay $0x3  }
0x34: {  	[smem:$0x3FAC] =	sst s10  }
0x35: {  	s10 =	sld [smem:$0x3FAB];
	_ =	sdelay $0x3  }
0x36: {  	p1 =	seq.s32 s10, $0x1;
	s10 =	sld [smem:$0x3FAC];
	_ =	sdelay $0x3  }
0x37: {  	[smem:$0x3FAC] =	sst s10  }
0x38: {  	s10 =	sld [smem:$0x3FAD]  }
0x39: {  	_ = 	snop;
	(pc) =	sbr.ind lr, $3  }
0x3a: {  	_ = 	snop  }
0x3b: {  	_ = 	snop  }
0x3c: {  	p2 =	seq.s32 s10, $0x1;
	s10 =	sld [smem:$0x3FAC]  }
0x3d: {  	_ =	shalt  }
0x3e: {  	_ =	shalt  }
0x3f: {  	_ =	shalt  }
0x40: {  	_ =	shalt  }
0x41: {  	_ =	shalt  }
0x42: {  	_ =	shalt  }
0x43: {  	_ =	shalt  }
0x44: {  	_ =	shalt  }
0x45: {  	_ =	shalt  }
0x46: {  	_ =	shalt  }
0x47: {  	_ =	shalt  }
0x48: {  	_ =	shalt  }
0x49: {  	_ =	shalt  }
0x4a: {  	_ =	shalt  }
0x4b: {  	_ =	shalt  }
0x4c: {  	_ =	shalt  }
0x4d: {  	_ =	shalt  }
0x4e: {  	_ =	shalt  }
0x4f: {  	_ =	shalt  }
0x50: {  	_ =	shalt  }
0x51: {  	_ =	shalt  }
0x52: {  	_ =	shalt  }
0x53: {  	_ =	shalt  }
0x54: {  	_ =	shalt  }
0x55: {  	_ =	shalt  }
0x56: {  	_ =	shalt  }
0x57: {  	_ =	shalt  }
0x58: {  	_ =	shalt  }
0x59: {  	_ =	shalt  }
0x5a: {  	_ =	shalt  }
0x5b: {  	_ =	shalt  }
0x5c: {  	_ =	shalt  }
0x5d: {  	_ =	shalt  }
0x5e: {  	_ =	shalt  }
0x5f: {  	_ =	shalt  }
0x60: {  	_ =	shalt  }
0x61: {  	_ =	shalt  }
0x62: {  	_ =	shalt  }
0x63: {  	_ =	shalt  }
0x64: {  	_ =	shalt  }
0x65: {  	_ =	shalt  }
0x66: {  	_ =	shalt  }
0x67: {  	_ =	shalt  }
0x68: {  	_ =	shalt  }
0x69: {  	_ =	shalt  }
0x6a: {  	_ =	shalt  }
0x6b: {  	_ =	shalt  }
0x6c: {  	_ =	shalt  }
0x6d: {  	_ =	shalt  }
0x6e: {  	_ =	shalt  }
0x6f: {  	_ =	shalt  }
0x70: {  	_ =	shalt  }
0x71: {  	_ =	shalt  }
0x72: {  	_ =	shalt  }
0x73: {  	_ =	shalt  }
0x74: {  	_ =	shalt  }
0x75: {  	_ =	shalt  }
0x76: {  	_ =	shalt  }
0x77: {  	_ =	shalt  }
0x78: {  	_ =	shalt  }
0x79: {  	_ =	shalt  }
0x7a: {  	_ =	shalt  }
0x7b: {  	_ =	shalt  }
0x7c: {  	_ =	shalt  }
0x7d: {  	_ =	shalt  }
0x7e: {  	_ =	shalt  }
0x7f: {  	_ =	shalt  }
0x80: {  	_ =	shalt  }
0x81: {  	_ =	shalt  }
0x82: {  	_ =	shalt  }
0x83: {  	_ =	shalt  }
0x84: {  	_ =	shalt  }
0x85: {  	_ =	shalt  }
0x86: {  	_ =	shalt  }
0x87: {  	_ =	shalt  }
.Lfunc_end0:
.L_simem_size_0:
called_computation.3_lowered:
.L_overlay_start_0:
0x88: {  	s2 =	sld [smem:$0x3FD9]  }
0x89: {  	s3 =	sld [smem:$0x3FFE];
	_ =	sdelay $0x1  }
0x8a: {  	s1 =	srdreg.scid  }
0x8b: {  	s0 =	sand.u32 $0x1, s1  }
0x8c: {  	s16 =	sshll.u32 s0, $0xA;
	s2 =	sadd.s32 s3, s2  }
0x8d: {  	s2 =	sadd.s32 s2, s16  }
0x8e: {  	[smem:$0x3FB8] =	sst s2  }
0x8f: {  	_ = 	snop  }
0x90: {  	(tm) =	ssettm $0x1  }
0x91: {  	s17 =	sld [smem:$0x3FFB];
	_ =	sdelay $0x3  }
0x92: {  	_ =	strace s17  }
0x93: {  	s2 =	sld [smem:$0x3FFC];
	_ =	sdelay $0x3  }
0x94: {  	_ =	strace s2  }
0x95: {  	s2 =	sld [smem:$0x3FFD];
	_ =	sdelay $0x3  }
0x96: {  	_ =	strace s2  }
0x97: {  	_ =	strace $0x8FFFFFFF  }
0x98: {  	s18 =	sld [smem:$0x3FDB];
	_ =	sdelay $0x1  }
0x99: {  	s19 =	simm.s32 $_scs_section_size  }
0x9a: {  	s4 =	simm.s32 $_size__tile_overlayer_lowered;
	s5 =	simm.s32 $_tile_overlayer_lowered  }
0x9b: {  	s22 =	simm.s32 $0x1BFF;
	s21 =	sshll.u32 s5, $0x1;
	s2 =	sadd.s32 s19, s18  }
0x9c: {  	s6 =	simm.s32 $0x0;
	s20 =	sshll.u32 s4, $0x1;
	s4 =	sadd.s32 s21, s2  }
0x9d: {  	[timem:s6], [sflag:s22] =	dma.local [hbm:s4], s20  }
0x9e: {  	_ =	swait.ge [sflag:s22], s20  }
0x9f: {  	s3 =	ssub.s32 $0x0, s20;
	[sflag:s22] =	ssyncset.done $0x0  }
0xa0: {  	[sflag:s22] =	ssyncadd.s32 s3;
	_ =	sdelay $0x1  }
0xa1: {  	s23 =	simm.s32 $0x1B8B  }
0xa2: {  	_ =	swait.ge [sflag:s23], $0x1  }
0xa3: {  	[sflag:s23] =	ssyncset.done $0x0  }
0xa4: {  	s25 =	simm.s32 $0x1B8E;
	s24 =	sld [smem:$0x3FFE];
	[sflag:s23] =	ssyncadd.s32 $0xFFFFFFFF  }
0xa5: {  	s26 =	simm.s32 $execute0_lowered;
	[smem:$0x3FD2] =	sst s25  }
0xa6: {  	s4 =	sshll.u32 s26, $0x1;
	_ =	strace $0x8000004C;
	[dreg:$0x1] =	wrdreg $0xFFFFFFFF  }
0xa7: {  	s28 =	simm.s32 $_size_execute0_lowered;
	s2 =	sadd.s32 s2, s4;
	[dreg:$0x0] =	wrdreg $0x0  }
0xa8: {  	s4 =	sshll.u32 s28, $0x1;
	[dreg:$0x2] =	wrdreg s2  }
0xa9: {  	[dreg:$0x3] =	wrdreg s4  }
0xaa: {  	[dreg:$0x4] =	wrdreg $0xC0  }
0xab: {  	_ =	task [dreg:s6], $0x5FFFF  }
0xac: {  	[dreg:$0x1] =	wrdreg $0xFFFFFFFF  }
0xad: {  	[dreg:$0x0] =	wrdreg $0x60  }
0xae: {  	[dreg:$0x2] =	wrdreg s24  }
0xaf: {  	[dreg:$0x3] =	wrdreg $0x37800  }
0xb0: {  	[dreg:$0x4] =	wrdreg $0xA  }
0xb1: {  	_ =	task.clear_ibuf [dreg:s6], $0x5FFFF;
	_ =	strace $0x9000004C  }
0xb2: {  	s29 =	simm.s32 $0xA;
	_ =	strace $0x8000004E  }
0xb3: {  	_ =	swait.ge [sflag:s29], $0x1  }
0xb4: {  	[sflag:s29] =	ssyncadd.s32 $0xFFFFFFFF  }
0xb5: {  	_ =	strace $0x9000004E  }
0xb6: {  	_ =	sfence  }
0xb7: {  	s30 =	sld [smem:$0x0];
	_ =	sdelay $0x2  }
0xb8: {  	s31 =	sshll.u32 s1, $0xD;
	s1 =	sshrl.u32 s1, $0x2  }
0xb9: {  	s3 =	sand.u32 $0x4000, s31;
	s1 =	sadd.s32 s1, s30  }
0xba: {  	s0 =	sor.u32 s3, s0;
	s1 =	sshll.u32 s1, $0x11  }
0xbb: {  	s0 =	sor.u32 s1, s0  }
0xbc: {  	s0 =	sadd.s32 $0x8F2B, s0  }
0xbd: {  	[sflag:s0] =	ssyncadd.remote.s32 $0x1  }
0xbe: {  	_ =	sfence.sel $0xFFFF  }
0xbf: {  	[dreg:$0x0] =	wrdreg $0xFFFFFFFF;
	(pc) =	sbr.abs _section_cstart, $3  }
0xc0: {  	[dreg:$0x1] =	wrdreg $0xFFFFFFFF  }
0xc1: {  	_ =	task.clear_ibuf [dreg:s6], $0x2FFFF;
	_ =	strace $0x9FFFFFFF  }
0xc2: {  	(tm) =	ssettm $0x7FFFFFFF  }
0xc3: {  	_ =	shalt  }
tec
execute0_lowered:
.L_overlay_start_1:
0x0: {  	(tag) =	ssettag $0x1  }
0x1: {  	s0 =	srdreg.scid;
	s28 =	stileid.u32  }
0x2: {  	s2 =	rddreg [dreg:$0x0];
	s6 =	sand.u32 $0x1, s0;
	s22 =	sshll.u32 s28, $0x1  }
0x3: {  	s8 =	sadd.s32 $0x18600, s2;
	s9 =	sadd.s32 $0xB4A00, s2;
	s11 =	sor.u32 $0x10, s28  }
0x4: {  	s12 =	sor.u32 $0x20, s28;
	s14 =	sor.u32 $0x30, s28;
	s10 =	smul.u32 $0x27100, s6  }
0x5: {  	s15 =	sor.u32 $0x40, s28;
	s16 =	sor.u32 $0x50, s28;
	s3 =	smul.u32 $0x500, s11  }
0x6: {  	s17 =	sor.u32 $0x60, s28;
	s7 =	sor.u32 s6, s22;
	s4 =	smul.u32 $0x500, s12  }
0x7: {  	p1 =	sgt.u32 s28, $0xC;
	s23 =	ssub.s32 $0x2, s6;
	s0 =	smul.u32 $0x4F0, s7  }
0x8: {  	s6 =	sshll.u32 s6, $0x8;
	s12 =	smul.u32 $0x1400, s12;
	s24 =	sshrl.u32 s23, $0x1  }
0x9: {  	s7 =	sor.u32 $0x9C0, s7;
	s1 =	sadd.s32 s0, s2;
	s2 =	smul.u32 $0x500, s28  }
0xa: {  	s13 =	sadd.s32 s10, s3;
	s0 =	ssub.s32 s23, s24;
	s23 =	smul.u32 $0x500, s15  }
0xb: {  	s25 =	sadd.s32 s10, s4;
	s13 =	sshrl.u32 s13, $0x3;
	s24 =	smul.u32 $0x500, s16  }
0xc: {  	s15 =	smul.u32 $0x1400, s15;
	s13 =	sadd.s32 s9, s13;
	s5 =	sadd.s32 s2, s10  }
0xd: {  	[dreg:$0x4] =	wrdreg s13;
	s13 =	sshrl.u32 s25, $0x3;
	s25 =	smul.u32 $0x500, s17  }
0xe: {  	p0 =	sgt.u32 s7, $0x9C3;
	s18 =	sshrl.u32 s5, $0x3;
	s5 =	smul.u32 $0x500, s14  }
0xf: {  	s20 =	sadd.s32 s10, s23;
	s13 =	sadd.s32 s9, s13;
	s14 =	smul.u32 $0x1400, s14  }
0x10: {  	s18 =	sadd.s32 s9, s18;
	[dreg:$0x5] =	wrdreg s13;
	s26 =	sadd.s32 s10, s5  }
0x11: {  	[dreg:$0x3] =	wrdreg s18;
	s18 =	sor.u32 $0x70, s28;
	s19 =	sshrl.u32 s26, $0x3  }
0x12: {  	s26 =	smul.u32 $0x500, s18;
	s13 =	sadd.s32 s9, s19;
	s19 =	sadd.s32 s10, s24  }
0x13: {  	[dreg:$0x6] =	wrdreg s13;
	s13 =	sshrl.u32 s20, $0x3;
	s19 =	sshrl.u32 s19, $0x3  }
0x14: {  	s20 =	sadd.s32 s10, s25;
	s10 =	sadd.s32 s10, s26;
	s13 =	sadd.s32 s9, s13  }
0x15: {  	s21 =	sadd.s32 s9, s19;
	s22 =	sshrl.u32 s20, $0x3;
	s10 =	sshrl.u32 s10, $0x3  }
0x16: {  	s19 =	sshll.u32 s7, $0x8;
	s20 =	sshll.u32 s28, $0x9;
	[dreg:$0x7] =	wrdreg s13  }
0x17: {  	[dreg:$0x8] =	wrdreg s21;
	s13 =	sadd.s32 s9, s22;
	s9 =	sadd.s32 s9, s10  }
0x18: {  	s21 =	sadd.s32 s8, s19;
	s22 =	smul.u32 $0x1400, s11;
	[dreg:$0x9] =	wrdreg s13  }
0x19: {  	s8 =	sadd.s32 s20, s8;
	s19 =	smul.u32 $0x1400, s16;
	[dreg:$0xa] =	wrdreg s9  }
0x1a: {  	s10 =	simm.s32 $0x0;
	s20 =	smul.u32 $0x1400, s17;
	[dreg:$0xb] =	wrdreg s21  }
0x1b: {  	s11 =	sadd.s32 s6, s8;
	[smem:$0x7FF] =	sst s10;
	s8 =	smul.u32 $0x1400, s28  }
0x1c: {  	s7 =	sshrl.u32 s12, $0x2;
	s13 =	rddreg [dreg:$0x1];
	s21 =	smul.u32 $0x1400, s18  }
0x1d: {  	_ =	strace $0x8000004D;
	s9 =	sshrl.u32 s22, $0x2;
	s7 =	sadd.s32 s7, s13  }
0x1e: {  	s22 =	sshrl.u32 s19, $0x2;
	s12 =	sadd.s32 s3, s13;
	s16 =	sadd.s32 s23, s13  }
0x1f: {  	s17 =	sadd.s32 s24, s13;
	s18 =	sadd.s32 s25, s13;
	s23 =	smax.u32 s0, $0x1  }
0x20: {  	s0 =	simm.s32 $0x2780;
	s3 =	simm.s32 $0x1;
	s6 =	sshrl.u32 s8, $0x2  }
0x21: {  	s9 =	sadd.s32 s9, s13;
	[dreg:$0xe] =	wrdreg s7;
	s8 =	sshrl.u32 s14, $0x2  }
0x22: {  	s19 =	sadd.s32 s22, s13;
	s7 =	sshrl.u32 s20, $0x2;
	s22 =	sadd.s32 $0xE800, s1  }
0x23: {  	s14 =	sadd.s32 s4, s13;
	s25 =	sshrl.u32 s12, $0x3;
	s29 =	sshrl.u32 s16, $0x3  }
0x24: {  	s30 =	sshrl.u32 s17, $0x3;
	s31 =	sshrl.u32 s18, $0x3;
	s1 =	simm.s32 $0x3  }
0x25: {  	s4 =	simm.s32 $0x80;
	s6 =	sadd.s32 s6, s13;
	[dreg:$0xd] =	wrdreg s9  }
0x26: {  	s8 =	sadd.s32 s8, s13;
	s20 =	sadd.s32 s7, s13;
	s9 =	sadd.s32 s2, s13  }
0x27: {  	s2 =	simm.s32 $0x2F80;
	[dreg:$0xc] =	wrdreg s6;
	s6 =	sshrl.u32 s15, $0x2  }
0x28: {  	[dreg:$0xf] =	wrdreg s8;
	s8 =	sshrl.u32 s21, $0x2;
	s15 =	sadd.s32 s5, s13  }
0x29: {  	s24 =	sshrl.u32 s9, $0x3;
	s5 =	simm.s32 $0x0;
	s6 =	sadd.s32 s6, s13  }
0x2a: {  	s21 =	sadd.s32 s8, s13;
	s8 =	sadd.s32 s26, s13;
	s26 =	sshrl.u32 s14, $0x3  }
0x2b: {  	v0 =	vimm.f32 $0.0e+00;
	s28 =	sshrl.u32 s15, $0x3;
	[dreg:$0x10] =	wrdreg s6;
	s12 =	sshrl.u32 @!p1 s8, $0x3  }
.LBB2_1:
0x2c: {  	[tilespmem:$0x2780] =	vst v0  }
0x2d: {  	[tilespmem:$0x2790] =	vst v0  }
0x2e: {  	[tilespmem:$0x27A0] =	vst v0  }
0x2f: {  	[tilespmem:$0x27B0] =	vst v0  }
0x30: {  	[tilespmem:$0x27C0] =	vst v0  }
0x31: {  	[tilespmem:$0x27D0] =	vst v0  }
0x32: {  	[tilespmem:$0x27E0] =	vst v0  }
0x33: {  	[tilespmem:$0x27F0] =	vst v0  }
0x34: {  	[tilespmem:$0x2800] =	vst v0  }
0x35: {  	[tilespmem:$0x2810] =	vst v0  }
0x36: {  	[tilespmem:$0x2820] =	vst v0  }
0x37: {  	[tilespmem:$0x2830] =	vst v0  }
0x38: {  	[tilespmem:$0x2840] =	vst v0  }
0x39: {  	[tilespmem:$0x2850] =	vst v0  }
0x3a: {  	[tilespmem:$0x2860] =	vst v0  }
0x3b: {  	[tilespmem:$0x2870] =	vst v0  }
0x3c: {  	[tilespmem:$0x2880] =	vst v0  }
0x3d: {  	[tilespmem:$0x2890] =	vst v0  }
0x3e: {  	[tilespmem:$0x28A0] =	vst v0  }
0x3f: {  	[tilespmem:$0x28B0] =	vst v0  }
0x40: {  	[tilespmem:$0x28C0] =	vst v0  }
0x41: {  	[tilespmem:$0x28D0] =	vst v0  }
0x42: {  	[tilespmem:$0x28E0] =	vst v0  }
0x43: {  	[tilespmem:$0x28F0] =	vst v0  }
0x44: {  	[tilespmem:$0x2900] =	vst v0  }
0x45: {  	[tilespmem:$0x2910] =	vst v0  }
0x46: {  	[tilespmem:$0x2920] =	vst v0  }
0x47: {  	[tilespmem:$0x2930] =	vst v0  }
0x48: {  	[tilespmem:$0x2940] =	vst v0  }
0x49: {  	[tilespmem:$0x2950] =	vst v0  }
0x4a: {  	[tilespmem:$0x2960] =	vst v0  }
0x4b: {  	[tilespmem:$0x2970] =	vst v0  }
0x4c: {  	[tilespmem:$0x2980] =	vst v0  }
0x4d: {  	[tilespmem:$0x2990] =	vst v0  }
0x4e: {  	[tilespmem:$0x29A0] =	vst v0  }
0x4f: {  	[tilespmem:$0x29B0] =	vst v0  }
0x50: {  	[tilespmem:$0x29C0] =	vst v0  }
0x51: {  	[tilespmem:$0x29D0] =	vst v0  }
0x52: {  	[tilespmem:$0x29E0] =	vst v0  }
0x53: {  	[tilespmem:$0x29F0] =	vst v0  }
0x54: {  	[tilespmem:$0x2A00] =	vst v0  }
0x55: {  	[tilespmem:$0x2A10] =	vst v0  }
0x56: {  	[tilespmem:$0x2A20] =	vst v0  }
0x57: {  	[tilespmem:$0x2A30] =	vst v0  }
0x58: {  	[tilespmem:$0x2A40] =	vst v0  }
0x59: {  	[tilespmem:$0x2A50] =	vst v0  }
0x5a: {  	[tilespmem:$0x2A60] =	vst v0  }
0x5b: {  	[tilespmem:$0x2A70] =	vst v0  }
0x5c: {  	[tilespmem:$0x2A80] =	vst v0  }
0x5d: {  	[tilespmem:$0x2A90] =	vst v0  }
0x5e: {  	[tilespmem:$0x2AA0] =	vst v0  }
0x5f: {  	[tilespmem:$0x2AB0] =	vst v0  }
0x60: {  	[tilespmem:$0x2AC0] =	vst v0  }
0x61: {  	[tilespmem:$0x2AD0] =	vst v0  }
0x62: {  	[tilespmem:$0x2AE0] =	vst v0  }
0x63: {  	[tilespmem:$0x2AF0] =	vst v0  }
0x64: {  	[tilespmem:$0x2B00] =	vst v0  }
0x65: {  	[tilespmem:$0x2B10] =	vst v0  }
0x66: {  	[tilespmem:$0x2B20] =	vst v0  }
0x67: {  	[tilespmem:$0x2B30] =	vst v0  }
0x68: {  	[tilespmem:$0x2B40] =	vst v0  }
0x69: {  	[tilespmem:$0x2B50] =	vst v0  }
0x6a: {  	[tilespmem:$0x2B60] =	vst v0  }
0x6b: {  	[tilespmem:$0x2B70] =	vst v0  }
0x6c: {  	[tilespmem:$0x2B80] =	vst v0  }
0x6d: {  	[tilespmem:$0x2B90] =	vst v0  }
0x6e: {  	[tilespmem:$0x2BA0] =	vst v0  }
0x6f: {  	[tilespmem:$0x2BB0] =	vst v0  }
0x70: {  	[tilespmem:$0x2BC0] =	vst v0  }
0x71: {  	[tilespmem:$0x2BD0] =	vst v0  }
0x72: {  	[tilespmem:$0x2BE0] =	vst v0  }
0x73: {  	[tilespmem:$0x2BF0] =	vst v0  }
0x74: {  	[tilespmem:$0x2C00] =	vst v0  }
0x75: {  	[tilespmem:$0x2C10] =	vst v0  }
0x76: {  	[tilespmem:$0x2C20] =	vst v0  }
0x77: {  	[tilespmem:$0x2C30] =	vst v0  }
0x78: {  	[tilespmem:$0x2C40] =	vst v0  }
0x79: {  	[tilespmem:$0x2C50] =	vst v0  }
0x7a: {  	[tilespmem:$0x2C60] =	vst v0  }
0x7b: {  	[tilespmem:$0x2C70] =	vst v0;
	s6 =	rddreg [dreg:$0xc]  }
0x7c: {  	[spmem:s6] =	stream.linear.scatter [tilespmem:s0], [sflag:$0x3], $0x500, $0x38;
	[tilespmem:$0x5E90] =	vst v63  }
0x7d: {  	_ =	swait.ge [sflag:s1], $0x500  }
0x7e: {  	[sflag:s1] =	ssyncset.done $0x0  }
0x7f: {  	s14 =	rddreg [dreg:$0xd];
	[sflag:s1] =	ssyncadd.s32 $0xFFFFFB00  }
0x80: {  	[spmem:s14] =	stream.linear.scatter [tilespmem:s0], [sflag:$0x3], $0x500, $0x38;
	[tilespmem:$0x5E90] =	vst v63  }
0x81: {  	_ =	swait.ge [sflag:s1], $0x500  }
0x82: {  	[sflag:s1] =	ssyncset.done $0x0  }
0x83: {  	s15 =	rddreg [dreg:$0xe];
	[sflag:s1] =	ssyncadd.s32 $0xFFFFFB00  }
0x84: {  	[spmem:s15] =	stream.linear.scatter [tilespmem:s0], [sflag:$0x3], $0x500, $0x38;
	[tilespmem:$0x5E90] =	vst v63  }
0x85: {  	_ =	swait.ge [sflag:s1], $0x500  }
0x86: {  	[sflag:s1] =	ssyncset.done $0x0  }
0x87: {  	s16 =	rddreg [dreg:$0xf];
	[sflag:s1] =	ssyncadd.s32 $0xFFFFFB00  }
0x88: {  	[spmem:s16] =	stream.linear.scatter [tilespmem:s0], [sflag:$0x3], $0x500, $0x38;
	[tilespmem:$0x5E90] =	vst v63  }
0x89: {  	_ =	swait.ge [sflag:s1], $0x500  }
0x8a: {  	[sflag:s1] =	ssyncset.done $0x0  }
0x8b: {  	s17 =	rddreg [dreg:$0x10];
	[sflag:s1] =	ssyncadd.s32 $0xFFFFFB00  }
0x8c: {  	[spmem:s17] =	stream.linear.scatter [tilespmem:s0], [sflag:$0x3], $0x500, $0x38;
	[tilespmem:$0x5E90] =	vst v63  }
0x8d: {  	_ =	swait.ge [sflag:s1], $0x500  }
0x8e: {  	[sflag:s1] =	ssyncset.done $0x0  }
0x8f: {  	[sflag:s1] =	ssyncadd.s32 $0xFFFFFB00  }
0x90: {  	[spmem:s19] =	stream.linear.scatter [tilespmem:s0], [sflag:$0x3], $0x500, $0x38;
	[tilespmem:$0x5E90] =	vst v63  }
0x91: {  	_ =	swait.ge [sflag:s1], $0x500  }
0x92: {  	[sflag:s1] =	ssyncset.done $0x0  }
0x93: {  	[sflag:s1] =	ssyncadd.s32 $0xFFFFFB00  }
0x94: {  	[spmem:s20] =	stream.linear.scatter [tilespmem:s0], [sflag:$0x3], $0x500, $0x38;
	[tilespmem:$0x5E90] =	vst v63  }
0x95: {  	_ =	swait.ge [sflag:s1], $0x500  }
0x96: {  	[sflag:s1] =	ssyncset.done $0x0  }
0x97: {  	s6 =	simm.s32 @!p1 $0x2780;
	[sflag:s1] =	ssyncadd.s32 $0xFFFFFB00  }
0x98: {  	[spmem:s21] =	stream.linear.scatter @!p1 [tilespmem:s6], [sflag:$0x3], $0x500, $0x38;
	[tilespmem:$0x5E90] =	vst v63  }
0x99: {  	s6 =	simm.s32 @!p1 $0x3  }
0x9a: {  	_ =	swait.ge @!p1 [sflag:s6], $0x500  }
0x9b: {  	[sflag:s6] =	ssyncset.done @!p1 $0x0  }
0x9c: {  	[sflag:s6] =	ssyncadd.s32 @!p1 $0xFFFFFB00  }
0x9d: {  	[tilespmem:s10], [sflag:$0x3] =	stream.linear.gather [hbm4b:s22+s10], $0x2780, $0x38;
	[tilespmem:$0x5E90] =	vst v63  }
0x9e: {  	_ =	swait.ge [sflag:s1], $0x2780  }
0x9f: {  	[sflag:s1] =	ssyncset.done $0x0  }
0xa0: {  	p2 =	por $0x1, $0x1;
	[sflag:s1] =	ssyncadd.s32 $0xFFFFD880  }
0xa1: {  	s18 =	sadd.s32 $0x0, s11;
	s7 =	simm.s32 @!p2 $0x2;
	[bflag:$0x0] =	sbarrier.arrive $0xFFFF  }
0xa2: {  	[tilespmem:s0], [sflag:$0x1] =	stream.linear.gather [hbm4b:s18+s10], $0x800, $0x38;
	[tilespmem:$0x5E90] =	vst v63  }
0xa3: {  	_ =	swait.ge @!p2 [sflag:s7], $0x800  }
0xa4: {  	s8 =	simm.s32 @!p2 $0x2F80;
	s9 =	simm.s32 @!p2 $0xFFFFFF80;
	[sflag:s7] =	ssyncset.done @!p2 $0x0  }
0xa5: {  	s14 =	simm.s32 @!p2 $0x80;
	[sflag:s7] =	ssyncadd.s32 @!p2 $0xFFFFF800;
	s7 =	simm.s32 @!p2 $0x4  }
0xa6: {  	[spmem:s13] =	stream.indirect.scatter.add.f32 @!p2 [tilespmem:s8], [sflag:$0x4], $0x10, s9, s14, $0xb8;
	[tilespmem:$0x5E90] =	vst v63  }
0xa7: {  	_ =	swait.ge @!p2 [sflag:s7], $0x800  }
0xa8: {  	[sflag:s7] =	ssyncset.done @!p2 $0x0  }
0xa9: {  	s6 =	sadd.s32 $0x2000, s18;
	[sflag:s7] =	ssyncadd.s32 @!p2 $0xFFFFF800  }
0xaa: {  	[tilespmem:s2], [sflag:$0x2] =	stream.linear.gather [hbm4b:s6+s10], $0x800, $0x38;
	[tilespmem:$0x5E90] =	vst v63  }
0xab: {  	_ =	swait.ge [sflag:s3], $0x800  }
0xac: {  	[sflag:s3] =	ssyncset.done $0x0  }
0xad: {  	s8 =	simm.s32 $0x8000;
	s9 =	simm.s32 $0x1;
	[sflag:s3] =	ssyncadd.s32 $0xFFFFF800  }
0xae: {  	[spmem:s13] =	stream.indirect.scatter.add.f32 [tilespmem:s0], [sflag:$0x3], $0x10, s10, s4, $0xb8;
	[tilespmem:$0x5E90] =	vst v63  }
0xaf: {  	s7 =	sadd.s32 $0x4000, s11;
	s6 =	simm.s32 $0x100;
	_ =	swait.ge [sflag:s1], $0x800  }
.LBB2_2:
0xb0: {  	s14 =	sadd.s32 s8, s11;
	p3 =	sgt.u32 s9, $0x4E;
	[sflag:s1] =	ssyncset.done $0x0  }
0xb1: {  	s8 =	sadd.s32 $0x4000, s8;
	s15 =	simm.s32 @!p3 $0x2;
	[sflag:s1] =	ssyncadd.s32 $0xFFFFF800  }
0xb2: {  	[tilespmem:s0], [sflag:$0x1] =	stream.linear.gather [hbm4b:s7+s10], $0x800, $0x38;
	[tilespmem:$0x5E90] =	vst v63  }
0xb3: {  	p2 =	sne.s32 s8, $0x9C000;
	s16 =	simm.s32 @!p3 $0x2F80;
	_ =	swait.ge @!p3 [sflag:s15], $0x800  }
0xb4: {  	s17 =	sadd.s32 @!p3 $0xFFFFFF80, s6;
	s18 =	simm.s32 @!p3 $0x80;
	[sflag:s15] =	ssyncset.done @!p3 $0x0  }
0xb5: {  	[sflag:s15] =	ssyncadd.s32 @!p3 $0xFFFFF800;
	s15 =	simm.s32 @!p3 $0x4  }
0xb6: {  	[spmem:s13] =	stream.indirect.scatter.add.f32 @!p3 [tilespmem:s16], [sflag:$0x4], $0x10, s17, s18, $0xb8;
	[tilespmem:$0x5E90] =	vst v63  }
0xb7: {  	_ =	swait.ge @!p3 [sflag:s15], $0x800  }
0xb8: {  	s16 =	sadd.s32 $0x2000, s7;
	s7 =	smov.u32 s14;
	[sflag:s15] =	ssyncset.done @!p3 $0x0  }
0xb9: {  	[sflag:s15] =	ssyncadd.s32 @!p3 $0xFFFFF800  }
0xba: {  	[tilespmem:s2], [sflag:$0x2] =	stream.linear.gather [hbm4b:s16+s10], $0x800, $0x38;
	[tilespmem:$0x5E90] =	vst v63  }
.Ltmp0:
0xbb: {  	_ =	swait.ge [sflag:s3], $0x800;
	(pc) =	sbr.rel @p2 .LBB2_2-.Ltmp0, $4  }
0xbc: {  	[sflag:s3] =	ssyncset.done $0x0  }
0xbd: {  	[sflag:s3] =	ssyncadd.s32 $0xFFFFF800  }
0xbe: {  	[spmem:s13] =	stream.indirect.scatter.add.f32 [tilespmem:s0], [sflag:$0x3], $0x10, s6, s4, $0xb8;
	[tilespmem:$0x5E90] =	vst v63  }
0xbf: {  	s9 =	sadd.s32 $0x2, s9;
	s6 =	sadd.s32 $0x100, s6;
	_ =	swait.ge [sflag:s1], $0x800  }
0xc0: {  	p2 =	sgt.u32 s9, $0x4E;
	[sflag:s1] =	ssyncset.done $0x0  }
0xc1: {  	s8 =	simm.s32 @!p2 $0x2;
	[sflag:s1] =	ssyncadd.s32 $0xFFFFF800  }
0xc2: {  	[tilespmem:s0], [sflag:$0x1] =	stream.linear.gather [hbm4b:s7+s10], $0x800, $0x38;
	[tilespmem:$0x5E90] =	vst v63  }
0xc3: {  	_ =	swait.ge @!p2 [sflag:s8], $0x800  }
0xc4: {  	s9 =	simm.s32 @!p2 $0x2F80;
	[sflag:s8] =	ssyncset.done @!p2 $0x0  }
0xc5: {  	s14 =	sadd.s32 @!p2 $0xFFFFFF80, s6;
	[sflag:s8] =	ssyncadd.s32 @!p2 $0xFFFFF800;
	s8 =	simm.s32 @!p2 $0x80  }
0xc6: {  	[spmem:s13] =	stream.indirect.scatter.add.f32 @!p2 [tilespmem:s9], [sflag:$0x4], $0x10, s14, s8, $0xb8;
	[tilespmem:$0x5E90] =	vst v63  }
0xc7: {  	s8 =	simm.s32 @!p2 $0x4  }
0xc8: {  	_ =	swait.ge @!p2 [sflag:s8], $0x800  }
0xc9: {  	[sflag:s8] =	ssyncset.done @!p2 $0x0  }
0xca: {  	s18 =	sadd.s32 $0x2000, s7;
	[sflag:s8] =	ssyncadd.s32 @!p2 $0xFFFFF800  }
0xcb: {  	[tilespmem:s2], [sflag:$0x2] =	stream.linear.gather [hbm4b:s18+s10], $0x800, $0x38;
	[tilespmem:$0x5E90] =	vst v63  }
0xcc: {  	_ =	swait.ge [sflag:s3], $0x800  }
0xcd: {  	[sflag:s3] =	ssyncset.done $0x0  }
0xce: {  	[sflag:s3] =	ssyncadd.s32 $0xFFFFF800  }
0xcf: {  	[spmem:s13] =	stream.indirect.scatter.add.f32 [tilespmem:s0], [sflag:$0x3], $0x10, s6, s4, $0xb8;
	[tilespmem:$0x5E90] =	vst v63  }
0xd0: {  	_ =	swait.ge [sflag:s1], $0x800  }
0xd1: {  	[sflag:s1] =	ssyncset.done $0x0  }
0xd2: {  	s6 =	simm.s32 @p0 $0x2;
	[sflag:s1] =	ssyncadd.s32 $0xFFFFF800  }
0xd3: {  	_ =	swait.ge @p0 [sflag:s6], $0x800  }
0xd4: {  	s7 =	simm.s32 @p0 $0x2680;
	[sflag:s6] =	ssyncset.done @p0 $0x0  }
0xd5: {  	s8 =	simm.s32 @p0 $0x2F80;
	[sflag:s6] =	ssyncadd.s32 @p0 $0xFFFFF800;
	s6 =	simm.s32 @p0 $0x80  }
0xd6: {  	[spmem:s13] =	stream.indirect.scatter.add.f32 @p0 [tilespmem:s8], [sflag:$0x4], $0x10, s7, s6, $0xb8;
	[tilespmem:$0x5E90] =	vst v63  }
0xd7: {  	s6 =	simm.s32 @!p0 $0x0;
	s7 =	simm.s32 @!p0 $0x2780;
	s8 =	rddreg [dreg:$0xb]  }
0xd8: {  	[tilespmem:s7], [sflag:$0x1] =	stream.linear.gather @!p0 [hbm4b:s8+s6], $0x800, $0x38;
	[tilespmem:$0x5E90] =	vst v63  }
0xd9: {  	s6 =	simm.s32 @!p0 $0x2  }
0xda: {  	_ =	swait.ge @!p0 [sflag:s6], $0x800  }
0xdb: {  	s9 =	simm.s32 @!p0 $0x2F80;
	[sflag:s6] =	ssyncset.done @!p0 $0x0  }
0xdc: {  	s8 =	simm.s32 @!p0 $0x2680;
	[sflag:s6] =	ssyncadd.s32 @!p0 $0xFFFFF800;
	s6 =	simm.s32 @!p0 $0x80  }
0xdd: {  	[spmem:s13] =	stream.indirect.scatter.add.f32 @!p0 [tilespmem:s9], [sflag:$0x4], $0x10, s8, s6, $0xb8;
	[tilespmem:$0x5E90] =	vst v63  }
0xde: {  	s8 =	simm.s32 @!p0 $0x4  }
0xdf: {  	_ =	swait.ge @!p0 [sflag:s8], $0x800  }
0xe0: {  	[sflag:s8] =	ssyncset.done @!p0 $0x0  }
0xe1: {  	[sflag:s8] =	ssyncadd.s32 @!p0 $0xFFFFF800;
	s8 =	simm.s32 @!p0 $0x1  }
0xe2: {  	_ =	swait.ge @!p0 [sflag:s8], $0x800  }
0xe3: {  	[sflag:s8] =	ssyncset.done @!p0 $0x0  }
0xe4: {  	[sflag:s8] =	ssyncadd.s32 @!p0 $0xFFFFF800;
	s8 =	simm.s32 @!p0 $0x2700  }
0xe5: {  	[spmem:s13] =	stream.indirect.scatter.add.f32 @!p0 [tilespmem:s7], [sflag:$0x3], $0x10, s8, s6, $0xb8;
	[tilespmem:$0x5E90] =	vst v63  }
0xe6: {  	s6 =	simm.s32 @!p0 $0x3  }
0xe7: {  	s6 =	simm.s32 @p0 $0x4  }
0xe8: {  	_ =	swait.ge [sflag:s6], $0x800  }
0xe9: {  	[sflag:s6] =	ssyncset.done $0x0  }
0xea: {  	s7 =	stileid.u32;
	[sflag:s6] =	ssyncadd.s32 $0xFFFFF800  }
0xeb: {  	s6 =	sshll.u32 s7, $0x6;
	[bflag:$0x0] =	sbarrier.arrive $0xFFFF  }
0xec: {  	s6 =	sor.u32 $0x1C03, s6;
	s8 =	rddreg [dreg:$0x3]  }
0xed: {  	[hbm:s8], [sflag:s6] =	dma.local [spmem:s24], $0xA0  }
0xee: {  	_ =	swait.ge [sflag:s1], $0xA0  }
0xef: {  	[sflag:s1] =	ssyncset.done $0x0  }
0xf0: {  	s9 =	rddreg [dreg:$0x4];
	[sflag:s1] =	ssyncadd.s32 $0xFFFFFF60  }
0xf1: {  	[hbm:s9], [sflag:s6] =	dma.local [spmem:s25], $0xA0  }
0xf2: {  	_ =	swait.ge [sflag:s1], $0xA0  }
0xf3: {  	[sflag:s1] =	ssyncset.done $0x0  }
0xf4: {  	s14 =	rddreg [dreg:$0x5];
	[sflag:s1] =	ssyncadd.s32 $0xFFFFFF60  }
0xf5: {  	[hbm:s14], [sflag:s6] =	dma.local [spmem:s26], $0xA0  }
0xf6: {  	_ =	swait.ge [sflag:s1], $0xA0  }
0xf7: {  	[sflag:s1] =	ssyncset.done $0x0  }
0xf8: {  	s15 =	rddreg [dreg:$0x6];
	[sflag:s1] =	ssyncadd.s32 $0xFFFFFF60  }
0xf9: {  	[hbm:s15], [sflag:s6] =	dma.local [spmem:s28], $0xA0  }
0xfa: {  	_ =	swait.ge [sflag:s1], $0xA0  }
0xfb: {  	[sflag:s1] =	ssyncset.done $0x0  }
0xfc: {  	s16 =	rddreg [dreg:$0x7];
	[sflag:s1] =	ssyncadd.s32 $0xFFFFFF60  }
0xfd: {  	[hbm:s16], [sflag:s6] =	dma.local [spmem:s29], $0xA0  }
0xfe: {  	_ =	swait.ge [sflag:s1], $0xA0  }
0xff: {  	[sflag:s1] =	ssyncset.done $0x0  }
0x100: {  	s17 =	rddreg [dreg:$0x8];
	[sflag:s1] =	ssyncadd.s32 $0xFFFFFF60  }
0x101: {  	[hbm:s17], [sflag:s6] =	dma.local [spmem:s30], $0xA0  }
0x102: {  	_ =	swait.ge [sflag:s1], $0xA0  }
0x103: {  	[sflag:s1] =	ssyncset.done $0x0  }
0x104: {  	s18 =	rddreg [dreg:$0x9];
	[sflag:s1] =	ssyncadd.s32 $0xFFFFFF60  }
0x105: {  	[hbm:s18], [sflag:s6] =	dma.local [spmem:s31], $0xA0  }
0x106: {  	_ =	swait.ge [sflag:s1], $0xA0  }
0x107: {  	s5 =	sadd.s32 $0x1, s5;
	[sflag:s1] =	ssyncset.done $0x0  }
0x108: {  	p2 =	sne.s32 s5, s23;
	s7 =	rddreg [dreg:$0xa];
	[sflag:s1] =	ssyncadd.s32 $0xFFFFFF60  }
0x109: {  	[hbm:s7], [sflag:s6] =	dma.local @!p1 [spmem:s12], $0xA0  }
.Ltmp1:
0x10a: {  	_ = 	snop;
	(pc) =	sbr.rel @p2 .LBB2_1-.Ltmp1, $4  }
0x10b: {  	s6 =	simm.s32 @!p1 $0x3  }
0x10c: {  	_ =	swait.ge @!p1 [sflag:s6], $0xA0  }
0x10d: {  	[sflag:s6] =	ssyncset.done @!p1 $0x0  }
0x10e: {  	[sflag:s6] =	ssyncadd.s32 @!p1 $0xFFFFFF60  }
0x10f: {  	_ =	sfence.sel $0x180000  }
0x110: {  	[bflag:$0x0] =	sbarrier.arrive $0xFFFF  }
0x111: {  	_ =	strace $0x9000004D  }
0x112: {  	s0 =	stileid.u32;
	[bflag:$0x2] =	sbarrier.arrive $0xFFFF  }
0x113: {  	p0 =	sne.s32 s0, $0x0;
	s0 =	rddreg [dreg:$0x2]  }
0x114: {  	s0 =	sadd.s32 @!p0 $0x100000, s0  }
0x115: {  	[sflag:s0] =	ssyncadd.tile.s32 @!p0 $0x1;
	_ =	shalt  }
.Lfunc_end2:
_tile_overlayer_lowered:
.L_overlay_start_2:
0x116: {  	(tag) =	ssettag $0x2  }
0x117: {  	s0 =	rddreg [dreg:$0x0];
	s2 =	stileid.u32  }
0x118: {  	s1 =	rddreg [dreg:$0x1];
	p0 =	sne.s32 s2, $0x0  }
0x119: {  	s3 =	rddreg [dreg:$0x2];
	[bflag:$0x3] =	sbarrier.arrive $0xFFFF;
	s2 =	simm.s32 @!p0 $0x1C03  }
0x11a: {  	[timem:s3], [sflag:s2] =	dma.local @!p0 [hbm:s0], s1  }
0x11b: {  	s0 =	simm.s32 @!p0 $0x3  }
0x11c: {  	_ =	swait.ge @!p0 [sflag:s0], s1  }
0x11d: {  	s1 =	ssub.s32 @!p0 $0x0, s1;
	[sflag:s0] =	ssyncset.done @!p0 $0x0  }
0x11e: {  	[sflag:s0] =	ssyncadd.s32 @!p0 s1  }
0x11f: {  	[bflag:$0x3] =	sbarrier.arrive $0xFFFF  }
0x120: {  	_ =	shalt  }

</sc_bundles>
